<compile_context>
chip_gen: v7x
topology: tpu7x:2x2x1
jax: 0.10.2.dev20260603
libtpu: 0.0.44.dev20260713+nightly
codegen_flags: <defaults>
</compile_context>

<pallas_src>
import functools

import jax
import jax.numpy as jnp
from jax import lax
from jax.experimental import pallas as pl
from jax.experimental.pallas import tpu as pltpu
from jax.experimental.pallas import tpu_sc as plsc

NUM_USER = 5000
R = 5
IN_C = 128
HID = 64
OUT = 32
N = 10000
E = 320000
HP = 128

_NB = 10
_BN = N // _NB


def _proj_body(x_ref, w_ref, y_ref):
    y_ref[0] = jnp.dot(x_ref[...], w_ref[0], preferred_element_type=jnp.float32)


def _proj(x, W):
    return pl.pallas_call(
        _proj_body,
        grid=(R, _NB),
        in_specs=[
            pl.BlockSpec((_BN, IN_C), lambda r, b: (b, 0)),
            pl.BlockSpec((1, IN_C, HP), lambda r, b: (r, 0, 0)),
        ],
        out_specs=pl.BlockSpec((1, _BN, HP), lambda r, b: (r, b, 0)),
        out_shape=jax.ShapeDtypeStruct((R, N, HP), jnp.float32),
    )(x, W)


_NW = 32
_EPW = E // _NW
_CH = 80
_NCH = _EPW // _CH
_STRIPE = 640
_STRIPE_T = N - 15 * _STRIPE


def _sc_body(y_hbm, src_hbm, dst_hbm, typ_hbm, norm_hbm, zero_hbm, out_hbm,
             src_v, dst_av, typ_v, norm_v, gidx_v, dst_v, rows_v, agg_sh, sem):
    c = lax.axis_index("c")
    s = lax.axis_index("s")
    wid = c * 16 + s
    base = wid * _EPW

    @pl.when(s < 15)
    def _zero_main():
        pltpu.sync_copy(zero_hbm, agg_sh.at[pl.ds(s * _STRIPE, _STRIPE)])

    @pl.when(s == 15)
    def _zero_tail():
        pltpu.sync_copy(zero_hbm.at[pl.ds(0, _STRIPE_T)],
                        agg_sh.at[pl.ds(15 * _STRIPE, _STRIPE_T)])

    pltpu.sync_copy(src_hbm.at[pl.ds(base, _EPW)], src_v)
    pltpu.sync_copy(dst_hbm.at[pl.ds(base, _EPW)], dst_av)
    pltpu.sync_copy(typ_hbm.at[pl.ds(base, _EPW)], typ_v)
    pltpu.sync_copy(norm_hbm.at[pl.ds(base, _EPW)], norm_v.at[pl.ds(0, _EPW)])

    plsc.subcore_barrier()

    def chunk(t, carry):
        b0 = t * _CH
        for l in range(_CH // 16):
            sl = pl.ds(b0 + l * 16, 16)
            dl = pl.ds(l * 16, 16)
            gidx_v[dl] = typ_v[sl] * N + src_v[sl]
            dst_v[dl] = dst_av[sl]
        pltpu.async_copy(y_hbm.at[gidx_v], rows_v, sem).wait()

        def scale(j, carry2):
            nv = norm_v[pl.ds(b0 + j, 16)][0]
            for k in range(HID // 16):
                kl = pl.ds(k * 16, 16)
                rows_v[j, kl] = rows_v[j, kl] * nv
            return carry2

        lax.fori_loop(0, _CH, scale, 0)
        pltpu.sync_copy(rows_v, agg_sh.at[dst_v], add=True)
        return carry

    lax.fori_loop(0, _NCH, chunk, 0)
    plsc.subcore_barrier()

    @pl.when(s < 15)
    def _wb_main():
        stripe = pl.ds(s * _STRIPE, _STRIPE)
        pltpu.sync_copy(agg_sh.at[stripe], out_hbm.at[c, stripe])

    @pl.when(s == 15)
    def _wb_tail():
        stripe = pl.ds(15 * _STRIPE, _STRIPE_T)
        pltpu.sync_copy(agg_sh.at[stripe], out_hbm.at[c, stripe])


def _sc_agg(y2, src, dst, etype, enorm, zeros):
    mesh = plsc.VectorSubcoreMesh(core_axis_name="c", subcore_axis_name="s")
    f = functools.partial(
        pl.kernel,
        out_type=jax.ShapeDtypeStruct((2, N, HP), jnp.float32),
        mesh=mesh,
        scratch_types=[
            pltpu.VMEM((_EPW,), jnp.int32),
            pltpu.VMEM((_EPW,), jnp.int32),
            pltpu.VMEM((_EPW,), jnp.int32),
            pltpu.VMEM((_EPW + 16,), jnp.float32),
            pltpu.VMEM((_CH,), jnp.int32),
            pltpu.VMEM((_CH,), jnp.int32),
            pltpu.VMEM((_CH, HP), jnp.float32),
            pltpu.VMEM_SHARED((N, HP), jnp.float32),
            pltpu.SemaphoreType.DMA,
        ],
    )(_sc_body)
    return f(y2, src, dst, etype, enorm, zeros)


def _mid_body(a_ref, wu_ref, wi_ref, o_ref):
    h = jnp.maximum(a_ref[0][:, :HID] + a_ref[1][:, :HID], 0.0)
    w = jnp.where(pl.program_id(0) < _NB // 2, wu_ref[...], wi_ref[...])
    o_ref[...] = jnp.maximum(
        jnp.dot(h, w, preferred_element_type=jnp.float32), 0.0)


def _mid(agg2, Wu, Wi):
    return pl.pallas_call(
        _mid_body,
        grid=(_NB,),
        in_specs=[
            pl.BlockSpec((2, _BN, HP), lambda b: (0, b, 0)),
            pl.BlockSpec((HID, OUT), lambda b: (0, 0)),
            pl.BlockSpec((HID, OUT), lambda b: (0, 0)),
        ],
        out_specs=pl.BlockSpec((_BN, OUT), lambda b: (b, 0)),
        out_shape=jax.ShapeDtypeStruct((N, OUT), jnp.float32),
    )(agg2, Wu, Wi)


_BU = 64
_NU_B = -(-NUM_USER // _BU)
_NI = NUM_USER
_BW = _BU * _NI


def _dec_body(u_ref, i_ref, q_ref, o_ref):
    for r in range(R):
        uq = jnp.dot(u_ref[...], q_ref[r],
                     preferred_element_type=jnp.float32)
        v = lax.dot_general(
            uq, i_ref[...], (((1,), (1,)), ((), ())),
            preferred_element_type=jnp.float32)
        for uu in range(_BU):
            o_ref[r, pl.ds(uu * _NI, _NI)] = v[uu]


def _dec(u, it, q):
    return pl.pallas_call(
        _dec_body,
        grid=(_NU_B,),
        in_specs=[
            pl.BlockSpec((_BU, OUT), lambda ub: (ub, 0)),
            pl.BlockSpec((_NI, OUT), lambda ub: (0, 0)),
            pl.BlockSpec((R, OUT, OUT), lambda ub: (0, 0, 0)),
        ],
        out_specs=pl.BlockSpec((R, _BW), lambda ub: (0, ub)),
        out_shape=jax.ShapeDtypeStruct((R, NUM_USER * _NI), jnp.float32),
    )(u, it, q)


def kernel(x, edge_index, edge_type, edge_norm, ord_basis, Wu, Wi,
           dec_basis, dec_coefs):
    W = jnp.cumsum(ord_basis, axis=0)
    Wpad = jnp.concatenate(
        [W, jnp.zeros((R, IN_C, HP - HID), jnp.float32)], axis=2)
    Y = _proj(x, Wpad)
    y2 = Y.reshape(R * N, HP)

    src = edge_index[0]
    dst = edge_index[1]
    zeros = jnp.zeros((_STRIPE, HP), jnp.float32)
    agg2 = _sc_agg(y2, src, dst, edge_type, edge_norm, zeros)

    ui = _mid(agg2, Wu, Wi)
    u = ui[:NUM_USER]
    it = ui[NUM_USER:]

    Q = jnp.einsum("rb,bk->rk", dec_coefs, dec_basis).reshape(R, OUT, OUT)

    out5 = _dec(u, it, Q)
    return jnp.transpose(out5)

# --- scband reference (transcript-rebuilt; emitter-appended) ---
"""Pipeline reference for scband-gae-47991964565537 (READ-ONLY COPY).

The authoritative reference and input builder live on the scoring server;
editing this copy changes nothing except your own understanding.
"""

import jax, jax.numpy as jnp
import numpy as np

NUM_USER = 5000
NUM_REL = 5
IN_C = 128
HID_C = 64
OUT_C = 32
NUM_BASIS = 2
N_NODES = 10000
N_EDGES = 320000


def setup_inputs(seed: int = 0):
    key = jax.random.key(seed)
    ks = jax.random.split(key, 9)
    x = jax.random.normal(ks[0], (N_NODES, IN_C), dtype=jnp.float32)
    edge_index = jax.random.randint(ks[1], (2, N_EDGES), 0, N_NODES, dtype=jnp.int32)
    edge_type = jax.random.randint(ks[2], (N_EDGES,), 0, NUM_REL, dtype=jnp.int32)
    edge_norm = jax.random.uniform(ks[3], (N_EDGES,), dtype=jnp.float32)
    # learned parameters (weight_init ~ normal with std=ster=0.1)
    ord_basis = 0.1 * jax.random.normal(ks[4], (NUM_REL, IN_C, HID_C), dtype=jnp.float32)
    Wu = 0.1 * jax.random.normal(ks[5], (HID_C, OUT_C), dtype=jnp.float32)
    Wi = 0.1 * jax.random.normal(ks[6], (HID_C, OUT_C), dtype=jnp.float32)
    dec_basis = 0.1 * jax.random.normal(ks[7], (NUM_BASIS, OUT_C * OUT_C), dtype=jnp.float32)
    dec_coefs = 0.1 * jax.random.normal(ks[8], (NUM_REL, NUM_BASIS), dtype=jnp.float32)
    return {"x": x, "edge_index": edge_index, "edge_type": edge_type,
            "edge_norm": edge_norm, "ord_basis": ord_basis, "Wu": Wu, "Wi": Wi,
            "dec_basis": dec_basis, "dec_coefs": dec_coefs}


def reference(x, edge_index, edge_type, edge_norm, ord_basis, Wu, Wi, dec_basis, dec_coefs):
    N = x.shape[0]
    src = edge_index[0]
    dst = edge_index[1]
    # ---- RGCLayer: relational graph convolution with ordinal weight sharing ----
    W = jnp.cumsum(ord_basis, axis=0)  # [R, in_c, hid_c], W_r = sum_{s<=r} basis_s
    xe = x[src]                        # edge-level gather [E, in_c]
    agg = jnp.zeros((N, HID_C), dtype=x.dtype)
    for r in range(NUM_REL):
        msg = xe @ W[r]                                    # [E, hid_c]
        mask = (edge_type == r).astype(x.dtype)
        msg = msg * (edge_norm * mask)[:, None]
        agg = agg + jax.ops.segment_sum(msg, dst, num_segments=N)  # scatter-add by dst
    h = jax.nn.relu(agg)
    # ---- separate user / item features ----
    u = h[:NUM_USER]
    i = h[NUM_USER:]
    # ---- DenseLayer: separate linear (bias-free) + relu for users and items ----
    u = jax.nn.relu(u @ Wu)  # [Nu, out_c]
    i = jax.nn.relu(i @ Wi)  # [Ni, out_c]
    # ---- BiDecoder: bilinear decoder with basis-shared relation matrices ----
    outs = []
    for r in range(NUM_REL):
        Q = jnp.sum(dec_coefs[r][:, None] * dec_basis, axis=0).reshape(OUT_C, OUT_C)
        outs.append(u @ Q @ i.T)  # [Nu, Ni]
    out = jnp.stack(outs, axis=2)  # [Nu, Ni, R]
    return out.reshape(u.shape[0] * i.shape[0], NUM_REL)

if __name__ == "__main__":
    import jax
    _d = setup_inputs()
    print(jax.jit(kernel)(*tuple(_d.values())))

</pallas_src>

<mosaic_0001>
#map = affine_map<(d0, d1) -> (0, 0)>
#map1 = affine_map<(d0, d1) -> (0)>
#map2 = affine_map<(d0, d1) -> (0, 0, 0)>
module attributes {stable_mosaic.version = 14 : i64} {
  func.func @_sc_body(%arg0: i32, %arg1: i32, %arg2: memref<50000x128xf32, #tpu.memory_space<hbm>>, %arg3: memref<320000xi32, #tpu.memory_space<hbm>>, %arg4: memref<320000xi32, #tpu.memory_space<hbm>>, %arg5: memref<320000xi32, #tpu.memory_space<hbm>>, %arg6: memref<320000xf32, #tpu.memory_space<hbm>>, %arg7: memref<640x128xf32, #tpu.memory_space<hbm>>, %arg8: memref<2x10000x128xf32, #tpu.memory_space<hbm>>, %arg9: memref<10000xi32, #tpu.memory_space<vmem>>, %arg10: memref<10000xi32, #tpu.memory_space<vmem>>, %arg11: memref<10000xi32, #tpu.memory_space<vmem>>, %arg12: memref<10016xf32, #tpu.memory_space<vmem>>, %arg13: memref<80xi32, #tpu.memory_space<vmem>>, %arg14: memref<80xi32, #tpu.memory_space<vmem>>, %arg15: memref<80x128xf32, #tpu.memory_space<vmem>>, %arg16: memref<10000x128xf32, #tpu.memory_space<vmem_shared>>, %arg17: memref<!tpu.dma_semaphore, #tpu.memory_space<semaphore_mem>>) attributes {dimension_semantics = [#tpu.dimension_semantics<core_parallel>, #tpu.dimension_semantics<subcore_parallel>], iteration_bounds = array<i64: 2, 16>, scalar_prefetch = 0 : i64, scratch_operands = 9 : i64, tpu.core_type = #tpu.core_type<sc_vector_subcore>, window_params = [{transform_indices = #map}, {transform_indices = #map1}, {transform_indices = #map1}, {transform_indices = #map1}, {transform_indices = #map1}, {transform_indices = #map}, {transform_indices = #map2}]} {
    %mul3A = arith.constant 16 : i32
    %mul3A_0 = arith.muli %arg0, %mul3A : i32
    %add3A = arith.addi %mul3A_0, %arg1 : i32
    %mul3A_1 = arith.constant 10000 : i32
    %mul3A_2 = arith.muli %add3A, %mul3A_1 : i32
    %lt3A = arith.constant 15 : i32
    %lt3A_3 = arith.cmpi slt, %arg1, %lt3A : i32
    %convert_element_type3A = arith.extui %lt3A_3 : i1 to i32
    %cond3A = arith.constant 0 : i32
    %cond3A_4 = arith.cmpi ne, %convert_element_type3A, %cond3A : i32
    scf.if %cond3A_4 {
      %mul3A_25 = arith.constant 640 : i32
      %mul3A_26 = arith.muli %arg1, %mul3A_25 : i32
      "tpu.region"() ({
        %run_scoped3A = tpu.sem_alloc : memref<!tpu.dma_semaphore, #tpu.memory_space<semaphore_mem>>
        %dma_start3A = arith.constant 0 : i32
        %dma_start3A_27 = tpu.memref_slice %arg16[%mul3A_26, %dma_start3A] : memref<10000x128xf32, #tpu.memory_space<vmem_shared>> -> memref<640x128xf32, #tpu.memory_space<vmem_shared>>
        tpu.enqueue_dma source(%arg7 : memref<640x128xf32, #tpu.memory_space<hbm>>) target(%dma_start3A_27 : memref<640x128xf32, #tpu.memory_space<vmem_shared>>) target_semaphore(%run_scoped3A : memref<!tpu.dma_semaphore, #tpu.memory_space<semaphore_mem>>)
        %dma_wait3A = arith.constant 0 : i32
        %dma_wait3A_28 = tpu.memref_slice %arg16[%mul3A_26, %dma_wait3A] : memref<10000x128xf32, #tpu.memory_space<vmem_shared>> -> memref<640x128xf32, #tpu.memory_space<vmem_shared>>
        tpu.wait_dma2 semaphore(%run_scoped3A : memref<!tpu.dma_semaphore, #tpu.memory_space<semaphore_mem>>) src(%arg7 : memref<640x128xf32, #tpu.memory_space<hbm>>) dst(%dma_wait3A_28 : memref<640x128xf32, #tpu.memory_space<vmem_shared>>)
        tpu.yield
      }) : () -> ()
    } else {
    }
    %eq3A = arith.constant 15 : i32
    %eq3A_5 = arith.cmpi eq, %arg1, %eq3A : i32
    %convert_element_type3A_6 = arith.extui %eq3A_5 : i1 to i32
    %cond3A_7 = arith.constant 0 : i32
    %cond3A_8 = arith.cmpi ne, %convert_element_type3A_6, %cond3A_7 : i32
    scf.if %cond3A_8 {
      "tpu.region"() ({
        %run_scoped3A = tpu.sem_alloc : memref<!tpu.dma_semaphore, #tpu.memory_space<semaphore_mem>>
        %dma_start3A = arith.constant 9600 : i32
        %dma_start3A_25 = arith.constant 0 : i32
        %dma_start3A_26 = tpu.memref_slice %arg16[%dma_start3A, %dma_start3A_25] : memref<10000x128xf32, #tpu.memory_space<vmem_shared>> -> memref<400x128xf32, #tpu.memory_space<vmem_shared>>
        %dma_start3A_27 = arith.constant 0 : i32
        %dma_start3A_28 = arith.constant 0 : i32
        %dma_start3A_29 = tpu.memref_slice %arg7[%dma_start3A_27, %dma_start3A_28] : memref<640x128xf32, #tpu.memory_space<hbm>> -> memref<400x128xf32, #tpu.memory_space<hbm>>
        tpu.enqueue_dma source(%dma_start3A_29 : memref<400x128xf32, #tpu.memory_space<hbm>>) target(%dma_start3A_26 : memref<400x128xf32, #tpu.memory_space<vmem_shared>>) target_semaphore(%run_scoped3A : memref<!tpu.dma_semaphore, #tpu.memory_space<semaphore_mem>>)
        %dma_wait3A = arith.constant 9600 : i32
        %dma_wait3A_30 = arith.constant 0 : i32
        %dma_wait3A_31 = tpu.memref_slice %arg16[%dma_wait3A, %dma_wait3A_30] : memref<10000x128xf32, #tpu.memory_space<vmem_shared>> -> memref<400x128xf32, #tpu.memory_space<vmem_shared>>
        %dma_wait3A_32 = arith.constant 0 : i32
        %dma_wait3A_33 = arith.constant 0 : i32
        %dma_wait3A_34 = tpu.memref_slice %arg7[%dma_wait3A_32, %dma_wait3A_33] : memref<640x128xf32, #tpu.memory_space<hbm>> -> memref<400x128xf32, #tpu.memory_space<hbm>>
        tpu.wait_dma2 semaphore(%run_scoped3A : memref<!tpu.dma_semaphore, #tpu.memory_space<semaphore_mem>>) src(%dma_wait3A_34 : memref<400x128xf32, #tpu.memory_space<hbm>>) dst(%dma_wait3A_31 : memref<400x128xf32, #tpu.memory_space<vmem_shared>>)
        tpu.yield
      }) : () -> ()
    } else {
    }
    "tpu.region"() ({
      %run_scoped3A = tpu.sem_alloc : memref<!tpu.dma_semaphore, #tpu.memory_space<semaphore_mem>>
      %dma_start3A = tpu.memref_slice %arg3[%mul3A_2] : memref<320000xi32, #tpu.memory_space<hbm>> -> memref<10000xi32, #tpu.memory_space<hbm>>
      %dma_start3A_25 = tpu.memref_slice %arg3[%mul3A_2] : memref<320000xi32, #tpu.memory_space<hbm>> -> memref<10000xi32, #tpu.memory_space<hbm>>
      tpu.enqueue_dma source(%dma_start3A_25 : memref<10000xi32, #tpu.memory_space<hbm>>) target(%arg9 : memref<10000xi32, #tpu.memory_space<vmem>>) target_semaphore(%run_scoped3A : memref<!tpu.dma_semaphore, #tpu.memory_space<semaphore_mem>>)
      %dma_wait3A = tpu.memref_slice %arg3[%mul3A_2] : memref<320000xi32, #tpu.memory_space<hbm>> -> memref<10000xi32, #tpu.memory_space<hbm>>
      %dma_wait3A_26 = tpu.memref_slice %arg3[%mul3A_2] : memref<320000xi32, #tpu.memory_space<hbm>> -> memref<10000xi32, #tpu.memory_space<hbm>>
      tpu.wait_dma2 semaphore(%run_scoped3A : memref<!tpu.dma_semaphore, #tpu.memory_space<semaphore_mem>>) src(%dma_wait3A_26 : memref<10000xi32, #tpu.memory_space<hbm>>) dst(%arg9 : memref<10000xi32, #tpu.memory_space<vmem>>)
      tpu.yield
    }) : () -> ()
    "tpu.region"() ({
      %run_scoped3A = tpu.sem_alloc : memref<!tpu.dma_semaphore, #tpu.memory_space<semaphore_mem>>
      %dma_start3A = tpu.memref_slice %arg4[%mul3A_2] : memref<320000xi32, #tpu.memory_space<hbm>> -> memref<10000xi32, #tpu.memory_space<hbm>>
      %dma_start3A_25 = tpu.memref_slice %arg4[%mul3A_2] : memref<320000xi32, #tpu.memory_space<hbm>> -> memref<10000xi32, #tpu.memory_space<hbm>>
      tpu.enqueue_dma source(%dma_start3A_25 : memref<10000xi32, #tpu.memory_space<hbm>>) target(%arg10 : memref<10000xi32, #tpu.memory_space<vmem>>) target_semaphore(%run_scoped3A : memref<!tpu.dma_semaphore, #tpu.memory_space<semaphore_mem>>)
      %dma_wait3A = tpu.memref_slice %arg4[%mul3A_2] : memref<320000xi32, #tpu.memory_space<hbm>> -> memref<10000xi32, #tpu.memory_space<hbm>>
      %dma_wait3A_26 = tpu.memref_slice %arg4[%mul3A_2] : memref<320000xi32, #tpu.memory_space<hbm>> -> memref<10000xi32, #tpu.memory_space<hbm>>
      tpu.wait_dma2 semaphore(%run_scoped3A : memref<!tpu.dma_semaphore, #tpu.memory_space<semaphore_mem>>) src(%dma_wait3A_26 : memref<10000xi32, #tpu.memory_space<hbm>>) dst(%arg10 : memref<10000xi32, #tpu.memory_space<vmem>>)
      tpu.yield
    }) : () -> ()
    "tpu.region"() ({
      %run_scoped3A = tpu.sem_alloc : memref<!tpu.dma_semaphore, #tpu.memory_space<semaphore_mem>>
      %dma_start3A = tpu.memref_slice %arg5[%mul3A_2] : memref<320000xi32, #tpu.memory_space<hbm>> -> memref<10000xi32, #tpu.memory_space<hbm>>
      %dma_start3A_25 = tpu.memref_slice %arg5[%mul3A_2] : memref<320000xi32, #tpu.memory_space<hbm>> -> memref<10000xi32, #tpu.memory_space<hbm>>
      tpu.enqueue_dma source(%dma_start3A_25 : memref<10000xi32, #tpu.memory_space<hbm>>) target(%arg11 : memref<10000xi32, #tpu.memory_space<vmem>>) target_semaphore(%run_scoped3A : memref<!tpu.dma_semaphore, #tpu.memory_space<semaphore_mem>>)
      %dma_wait3A = tpu.memref_slice %arg5[%mul3A_2] : memref<320000xi32, #tpu.memory_space<hbm>> -> memref<10000xi32, #tpu.memory_space<hbm>>
      %dma_wait3A_26 = tpu.memref_slice %arg5[%mul3A_2] : memref<320000xi32, #tpu.memory_space<hbm>> -> memref<10000xi32, #tpu.memory_space<hbm>>
      tpu.wait_dma2 semaphore(%run_scoped3A : memref<!tpu.dma_semaphore, #tpu.memory_space<semaphore_mem>>) src(%dma_wait3A_26 : memref<10000xi32, #tpu.memory_space<hbm>>) dst(%arg11 : memref<10000xi32, #tpu.memory_space<vmem>>)
      tpu.yield
    }) : () -> ()
    "tpu.region"() ({
      %run_scoped3A = tpu.sem_alloc : memref<!tpu.dma_semaphore, #tpu.memory_space<semaphore_mem>>
      %dma_start3A = arith.constant 0 : i32
      %dma_start3A_25 = tpu.memref_slice %arg12[%dma_start3A] : memref<10016xf32, #tpu.memory_space<vmem>> -> memref<10000xf32, #tpu.memory_space<vmem>>
      %dma_start3A_26 = tpu.memref_slice %arg6[%mul3A_2] : memref<320000xf32, #tpu.memory_space<hbm>> -> memref<10000xf32, #tpu.memory_space<hbm>>
      %dma_start3A_27 = arith.constant 0 : i32
      %dma_start3A_28 = tpu.memref_slice %arg12[%dma_start3A_27] : memref<10016xf32, #tpu.memory_space<vmem>> -> memref<10000xf32, #tpu.memory_space<vmem>>
      %dma_start3A_29 = tpu.memref_slice %arg6[%mul3A_2] : memref<320000xf32, #tpu.memory_space<hbm>> -> memref<10000xf32, #tpu.memory_space<hbm>>
      tpu.enqueue_dma source(%dma_start3A_29 : memref<10000xf32, #tpu.memory_space<hbm>>) target(%dma_start3A_28 : memref<10000xf32, #tpu.memory_space<vmem>>) target_semaphore(%run_scoped3A : memref<!tpu.dma_semaphore, #tpu.memory_space<semaphore_mem>>)
      %dma_wait3A = arith.constant 0 : i32
      %dma_wait3A_30 = tpu.memref_slice %arg12[%dma_wait3A] : memref<10016xf32, #tpu.memory_space<vmem>> -> memref<10000xf32, #tpu.memory_space<vmem>>
      %dma_wait3A_31 = tpu.memref_slice %arg6[%mul3A_2] : memref<320000xf32, #tpu.memory_space<hbm>> -> memref<10000xf32, #tpu.memory_space<hbm>>
      %dma_wait3A_32 = arith.constant 0 : i32
      %dma_wait3A_33 = tpu.memref_slice %arg12[%dma_wait3A_32] : memref<10016xf32, #tpu.memory_space<vmem>> -> memref<10000xf32, #tpu.memory_space<vmem>>
      %dma_wait3A_34 = tpu.memref_slice %arg6[%mul3A_2] : memref<320000xf32, #tpu.memory_space<hbm>> -> memref<10000xf32, #tpu.memory_space<hbm>>
      tpu.wait_dma2 semaphore(%run_scoped3A : memref<!tpu.dma_semaphore, #tpu.memory_space<semaphore_mem>>) src(%dma_wait3A_34 : memref<10000xf32, #tpu.memory_space<hbm>>) dst(%dma_wait3A_33 : memref<10000xf32, #tpu.memory_space<vmem>>)
      tpu.yield
    }) : () -> ()
    %barrier3A = arith.constant 0 : index
    tpu.barrier barrier_id(%barrier3A)
    %scan3A = arith.constant 0 : i32
    %scan3A_9 = arith.constant 0 : i32
    %scan3A_10 = arith.constant 125 : i32
    %scan3A_11 = arith.addi %scan3A_9, %scan3A_10 : i32
    %scan3A_12 = arith.constant 1 : i32
    scf.for %scan3A_25 = %scan3A_9 to %scan3A_11 step %scan3A_12  : i32 {
      %mul3A_26 = arith.constant 80 : i32
      %mul3A_27 = arith.muli %scan3A_25, %mul3A_26 : i32
      %add3A_28 = arith.constant 0 : i32
      %add3A_29 = arith.addi %mul3A_27, %add3A_28 : i32
      %get3A = arith.index_cast %add3A_29 : i32 to index
      %get3A_30 = tpu.vector_load %arg11[%get3A] {strides = array<i32>} : memref<10000xi32, #tpu.memory_space<vmem>>, vector<16xi32>,
      %get3A_31 = vector.shape_cast %get3A_30 : vector<16xi32> to vector<16xi32>
      %mul3A_32 = arith.constant 10000 : i32
      %mul3A_33 = vector.broadcast %mul3A_32 : i32 to vector<16xi32>
      %mul3A_34 = arith.muli %get3A_31, %mul3A_33 : vector<16xi32>
      %get3A_35 = arith.index_cast %add3A_29 : i32 to index
      %get3A_36 = tpu.vector_load %arg9[%get3A_35] {strides = array<i32>} : memref<10000xi32, #tpu.memory_space<vmem>>, vector<16xi32>,
      %get3A_37 = vector.shape_cast %get3A_36 : vector<16xi32> to vector<16xi32>
      %add3A_38 = arith.addi %mul3A_34, %get3A_37 : vector<16xi32>
      %swap3A = arith.constant 0 : index
      %swap3A_39 = tpu.vector_load %arg13[%swap3A] {strides = array<i32>} : memref<80xi32, #tpu.memory_space<vmem>>, vector<16xi32>,
      %swap3A_40 = vector.shape_cast %swap3A_39 : vector<16xi32> to vector<16xi32>
      %swap3A_41 = vector.shape_cast %add3A_38 : vector<16xi32> to vector<16xi32>
      tpu.vector_store %arg13[%swap3A], %swap3A_41 {strides = array<i32>} : memref<80xi32, #tpu.memory_space<vmem>>, vector<16xi32>,
      %get3A_42 = arith.index_cast %add3A_29 : i32 to index
      %get3A_43 = tpu.vector_load %arg10[%get3A_42] {strides = array<i32>} : memref<10000xi32, #tpu.memory_space<vmem>>, vector<16xi32>,
      %get3A_44 = vector.shape_cast %get3A_43 : vector<16xi32> to vector<16xi32>
      %swap3A_45 = arith.constant 0 : index
      %swap3A_46 = tpu.vector_load %arg14[%swap3A_45] {strides = array<i32>} : memref<80xi32, #tpu.memory_space<vmem>>, vector<16xi32>,
      %swap3A_47 = vector.shape_cast %swap3A_46 : vector<16xi32> to vector<16xi32>
      %swap3A_48 = vector.shape_cast %get3A_44 : vector<16xi32> to vector<16xi32>
      tpu.vector_store %arg14[%swap3A_45], %swap3A_48 {strides = array<i32>} : memref<80xi32, #tpu.memory_space<vmem>>, vector<16xi32>,
      %add3A_49 = arith.constant 16 : i32
      %add3A_50 = arith.addi %mul3A_27, %add3A_49 : i32
      %get3A_51 = arith.index_cast %add3A_50 : i32 to index
      %get3A_52 = tpu.vector_load %arg11[%get3A_51] {strides = array<i32>} : memref<10000xi32, #tpu.memory_space<vmem>>, vector<16xi32>,
      %get3A_53 = vector.shape_cast %get3A_52 : vector<16xi32> to vector<16xi32>
      %mul3A_54 = arith.constant 10000 : i32
      %mul3A_55 = vector.broadcast %mul3A_54 : i32 to vector<16xi32>
      %mul3A_56 = arith.muli %get3A_53, %mul3A_55 : vector<16xi32>
      %get3A_57 = arith.index_cast %add3A_50 : i32 to index
      %get3A_58 = tpu.vector_load %arg9[%get3A_57] {strides = array<i32>} : memref<10000xi32, #tpu.memory_space<vmem>>, vector<16xi32>,
      %get3A_59 = vector.shape_cast %get3A_58 : vector<16xi32> to vector<16xi32>
      %add3A_60 = arith.addi %mul3A_56, %get3A_59 : vector<16xi32>
      %swap3A_61 = arith.constant 16 : index
      %swap3A_62 = tpu.vector_load %arg13[%swap3A_61] {strides = array<i32>} : memref<80xi32, #tpu.memory_space<vmem>>, vector<16xi32>,
      %swap3A_63 = vector.shape_cast %swap3A_62 : vector<16xi32> to vector<16xi32>
      %swap3A_64 = vector.shape_cast %add3A_60 : vector<16xi32> to vector<16xi32>
      tpu.vector_store %arg13[%swap3A_61], %swap3A_64 {strides = array<i32>} : memref<80xi32, #tpu.memory_space<vmem>>, vector<16xi32>,
      %get3A_65 = arith.index_cast %add3A_50 : i32 to index
      %get3A_66 = tpu.vector_load %arg10[%get3A_65] {strides = array<i32>} : memref<10000xi32, #tpu.memory_space<vmem>>, vector<16xi32>,
      %get3A_67 = vector.shape_cast %get3A_66 : vector<16xi32> to vector<16xi32>
      %swap3A_68 = arith.constant 16 : index
      %swap3A_69 = tpu.vector_load %arg14[%swap3A_68] {strides = array<i32>} : memref<80xi32, #tpu.memory_space<vmem>>, vector<16xi32>,
      %swap3A_70 = vector.shape_cast %swap3A_69 : vector<16xi32> to vector<16xi32>
      %swap3A_71 = vector.shape_cast %get3A_67 : vector<16xi32> to vector<16xi32>
      tpu.vector_store %arg14[%swap3A_68], %swap3A_71 {strides = array<i32>} : memref<80xi32, #tpu.memory_space<vmem>>, vector<16xi32>,
      %add3A_72 = arith.constant 32 : i32
      %add3A_73 = arith.addi %mul3A_27, %add3A_72 : i32
      %get3A_74 = arith.index_cast %add3A_73 : i32 to index
      %get3A_75 = tpu.vector_load %arg11[%get3A_74] {strides = array<i32>} : memref<10000xi32, #tpu.memory_space<vmem>>, vector<16xi32>,
      %get3A_76 = vector.shape_cast %get3A_75 : vector<16xi32> to vector<16xi32>
      %mul3A_77 = arith.constant 10000 : i32
      %mul3A_78 = vector.broadcast %mul3A_77 : i32 to vector<16xi32>
      %mul3A_79 = arith.muli %get3A_76, %mul3A_78 : vector<16xi32>
      %get3A_80 = arith.index_cast %add3A_73 : i32 to index
      %get3A_81 = tpu.vector_load %arg9[%get3A_80] {strides = array<i32>} : memref<10000xi32, #tpu.memory_space<vmem>>, vector<16xi32>,
      %get3A_82 = vector.shape_cast %get3A_81 : vector<16xi32> to vector<16xi32>
      %add3A_83 = arith.addi %mul3A_79, %get3A_82 : vector<16xi32>
      %swap3A_84 = arith.constant 32 : index
      %swap3A_85 = tpu.vector_load %arg13[%swap3A_84] {strides = array<i32>} : memref<80xi32, #tpu.memory_space<vmem>>, vector<16xi32>,
      %swap3A_86 = vector.shape_cast %swap3A_85 : vector<16xi32> to vector<16xi32>
      %swap3A_87 = vector.shape_cast %add3A_83 : vector<16xi32> to vector<16xi32>
      tpu.vector_store %arg13[%swap3A_84], %swap3A_87 {strides = array<i32>} : memref<80xi32, #tpu.memory_space<vmem>>, vector<16xi32>,
      %get3A_88 = arith.index_cast %add3A_73 : i32 to index
      %get3A_89 = tpu.vector_load %arg10[%get3A_88] {strides = array<i32>} : memref<10000xi32, #tpu.memory_space<vmem>>, vector<16xi32>,
      %get3A_90 = vector.shape_cast %get3A_89 : vector<16xi32> to vector<16xi32>
      %swap3A_91 = arith.constant 32 : index
      %swap3A_92 = tpu.vector_load %arg14[%swap3A_91] {strides = array<i32>} : memref<80xi32, #tpu.memory_space<vmem>>, vector<16xi32>,
      %swap3A_93 = vector.shape_cast %swap3A_92 : vector<16xi32> to vector<16xi32>
      %swap3A_94 = vector.shape_cast %get3A_90 : vector<16xi32> to vector<16xi32>
      tpu.vector_store %arg14[%swap3A_91], %swap3A_94 {strides = array<i32>} : memref<80xi32, #tpu.memory_space<vmem>>, vector<16xi32>,
      %add3A_95 = arith.constant 48 : i32
      %add3A_96 = arith.addi %mul3A_27, %add3A_95 : i32
      %get3A_97 = arith.index_cast %add3A_96 : i32 to index
      %get3A_98 = tpu.vector_load %arg11[%get3A_97] {strides = array<i32>} : memref<10000xi32, #tpu.memory_space<vmem>>, vector<16xi32>,
      %get3A_99 = vector.shape_cast %get3A_98 : vector<16xi32> to vector<16xi32>
      %mul3A_100 = arith.constant 10000 : i32
      %mul3A_101 = vector.broadcast %mul3A_100 : i32 to vector<16xi32>
      %mul3A_102 = arith.muli %get3A_99, %mul3A_101 : vector<16xi32>
      %get3A_103 = arith.index_cast %add3A_96 : i32 to index
      %get3A_104 = tpu.vector_load %arg9[%get3A_103] {strides = array<i32>} : memref<10000xi32, #tpu.memory_space<vmem>>, vector<16xi32>,
      %get3A_105 = vector.shape_cast %get3A_104 : vector<16xi32> to vector<16xi32>
      %add3A_106 = arith.addi %mul3A_102, %get3A_105 : vector<16xi32>
      %swap3A_107 = arith.constant 48 : index
      %swap3A_108 = tpu.vector_load %arg13[%swap3A_107] {strides = array<i32>} : memref<80xi32, #tpu.memory_space<vmem>>, vector<16xi32>,
      %swap3A_109 = vector.shape_cast %swap3A_108 : vector<16xi32> to vector<16xi32>
      %swap3A_110 = vector.shape_cast %add3A_106 : vector<16xi32> to vector<16xi32>
      tpu.vector_store %arg13[%swap3A_107], %swap3A_110 {strides = array<i32>} : memref<80xi32, #tpu.memory_space<vmem>>, vector<16xi32>,
      %get3A_111 = arith.index_cast %add3A_96 : i32 to index
      %get3A_112 = tpu.vector_load %arg10[%get3A_111] {strides = array<i32>} : memref<10000xi32, #tpu.memory_space<vmem>>, vector<16xi32>,
      %get3A_113 = vector.shape_cast %get3A_112 : vector<16xi32> to vector<16xi32>
      %swap3A_114 = arith.constant 48 : index
      %swap3A_115 = tpu.vector_load %arg14[%swap3A_114] {strides = array<i32>} : memref<80xi32, #tpu.memory_space<vmem>>, vector<16xi32>,
      %swap3A_116 = vector.shape_cast %swap3A_115 : vector<16xi32> to vector<16xi32>
      %swap3A_117 = vector.shape_cast %get3A_113 : vector<16xi32> to vector<16xi32>
      tpu.vector_store %arg14[%swap3A_114], %swap3A_117 {strides = array<i32>} : memref<80xi32, #tpu.memory_space<vmem>>, vector<16xi32>,
      %add3A_118 = arith.constant 64 : i32
      %add3A_119 = arith.addi %mul3A_27, %add3A_118 : i32
      %get3A_120 = arith.index_cast %add3A_119 : i32 to index
      %get3A_121 = tpu.vector_load %arg11[%get3A_120] {strides = array<i32>} : memref<10000xi32, #tpu.memory_space<vmem>>, vector<16xi32>,
      %get3A_122 = vector.shape_cast %get3A_121 : vector<16xi32> to vector<16xi32>
      %mul3A_123 = arith.constant 10000 : i32
      %mul3A_124 = vector.broadcast %mul3A_123 : i32 to vector<16xi32>
      %mul3A_125 = arith.muli %get3A_122, %mul3A_124 : vector<16xi32>
      %get3A_126 = arith.index_cast %add3A_119 : i32 to index
      %get3A_127 = tpu.vector_load %arg9[%get3A_126] {strides = array<i32>} : memref<10000xi32, #tpu.memory_space<vmem>>, vector<16xi32>,
      %get3A_128 = vector.shape_cast %get3A_127 : vector<16xi32> to vector<16xi32>
      %add3A_129 = arith.addi %mul3A_125, %get3A_128 : vector<16xi32>
      %swap3A_130 = arith.constant 64 : index
      %swap3A_131 = tpu.vector_load %arg13[%swap3A_130] {strides = array<i32>} : memref<80xi32, #tpu.memory_space<vmem>>, vector<16xi32>,
      %swap3A_132 = vector.shape_cast %swap3A_131 : vector<16xi32> to vector<16xi32>
      %swap3A_133 = vector.shape_cast %add3A_129 : vector<16xi32> to vector<16xi32>
      tpu.vector_store %arg13[%swap3A_130], %swap3A_133 {strides = array<i32>} : memref<80xi32, #tpu.memory_space<vmem>>, vector<16xi32>,
      %get3A_134 = arith.index_cast %add3A_119 : i32 to index
      %get3A_135 = tpu.vector_load %arg10[%get3A_134] {strides = array<i32>} : memref<10000xi32, #tpu.memory_space<vmem>>, vector<16xi32>,
      %get3A_136 = vector.shape_cast %get3A_135 : vector<16xi32> to vector<16xi32>
      %swap3A_137 = arith.constant 64 : index
      %swap3A_138 = tpu.vector_load %arg14[%swap3A_137] {strides = array<i32>} : memref<80xi32, #tpu.memory_space<vmem>>, vector<16xi32>,
      %swap3A_139 = vector.shape_cast %swap3A_138 : vector<16xi32> to vector<16xi32>
      %swap3A_140 = vector.shape_cast %get3A_136 : vector<16xi32> to vector<16xi32>
      tpu.vector_store %arg14[%swap3A_137], %swap3A_140 {strides = array<i32>} : memref<80xi32, #tpu.memory_space<vmem>>, vector<16xi32>,
      %dma_start3A = arith.constant 0 : i32
      %dma_start3A_141 = arith.constant 0 : i32
      %dma_start3A_142 = tpu.memref_slice %arg2[%dma_start3A, %dma_start3A_141] : memref<50000x128xf32, #tpu.memory_space<hbm>> -> memref<50000x128xf32, #tpu.memory_space<hbm>>
      tpu.enqueue_indirect_dma source(%dma_start3A_142 : memref<50000x128xf32, #tpu.memory_space<hbm>>) target(%arg15 : memref<80x128xf32, #tpu.memory_space<vmem>>) offsets(%arg13 : memref<80xi32, #tpu.memory_space<vmem>>) semaphore(%arg17 : memref<!tpu.dma_semaphore, #tpu.memory_space<semaphore_mem>>)
      %dma_wait3A = arith.constant 0 : i32
      %dma_wait3A_143 = arith.constant 0 : i32
      %dma_wait3A_144 = tpu.memref_slice %arg2[%dma_wait3A, %dma_wait3A_143] : memref<50000x128xf32, #tpu.memory_space<hbm>> -> memref<50000x128xf32, #tpu.memory_space<hbm>>
      tpu.wait_indirect_dma semaphore(%arg17 : memref<!tpu.dma_semaphore, #tpu.memory_space<semaphore_mem>>) src(%dma_wait3A_144 : memref<50000x128xf32, #tpu.memory_space<hbm>>) dst(%arg15 : memref<80x128xf32, #tpu.memory_space<vmem>>)
      %scan3A_145 = arith.constant 0 : i32
      %scan3A_146 = arith.constant 0 : i32
      %scan3A_147 = arith.constant 80 : i32
      %scan3A_148 = arith.addi %scan3A_146, %scan3A_147 : i32
      %scan3A_149 = arith.constant 1 : i32
      scf.for %scan3A_151 = %scan3A_146 to %scan3A_148 step %scan3A_149  : i32 {
        %add3A_152 = arith.addi %mul3A_27, %scan3A_151 : i32
        %get3A_153 = arith.index_cast %add3A_152 : i32 to index
        %get3A_154 = tpu.vector_load %arg12[%get3A_153] {strides = array<i32>} : memref<10016xf32, #tpu.memory_space<vmem>>, vector<16xf32>,
        %get3A_155 = vector.shape_cast %get3A_154 : vector<16xf32> to vector<16xf32>
        %slice3A = vector.extract_strided_slice %get3A_155 {offsets = [0], sizes = [1], strides = [1]} : vector<16xf32> to vector<1xf32>
        %squeeze3A = vector.extract %slice3A[0] : f32 from vector<1xf32>
        %get3A_156 = arith.index_cast %scan3A_151 : i32 to index
        %get3A_157 = arith.constant 0 : index
        %get3A_158 = tpu.vector_load %arg15[%get3A_156, %get3A_157] {strides = array<i32>} : memref<80x128xf32, #tpu.memory_space<vmem>>, vector<1x16xf32>,
        %get3A_159 = vector.shape_cast %get3A_158 : vector<1x16xf32> to vector<16xf32>
        %mul3A_160 = vector.broadcast %squeeze3A : f32 to vector<16xf32>
        %mul3A_161 = arith.mulf %get3A_159, %mul3A_160 : vector<16xf32>
        %swap3A_162 = arith.index_cast %scan3A_151 : i32 to index
        %swap3A_163 = arith.constant 0 : index
        %swap3A_164 = tpu.vector_load %arg15[%swap3A_162, %swap3A_163] {strides = array<i32>} : memref<80x128xf32, #tpu.memory_space<vmem>>, vector<1x16xf32>,
        %swap3A_165 = vector.shape_cast %swap3A_164 : vector<1x16xf32> to vector<16xf32>
        %swap3A_166 = vector.shape_cast %mul3A_161 : vector<16xf32> to vector<1x16xf32>
        tpu.vector_store %arg15[%swap3A_162, %swap3A_163], %swap3A_166 {strides = array<i32>} : memref<80x128xf32, #tpu.memory_space<vmem>>, vector<1x16xf32>,
        %get3A_167 = arith.index_cast %scan3A_151 : i32 to index
        %get3A_168 = arith.constant 16 : index
        %get3A_169 = tpu.vector_load %arg15[%get3A_167, %get3A_168] {strides = array<i32>} : memref<80x128xf32, #tpu.memory_space<vmem>>, vector<1x16xf32>,
        %get3A_170 = vector.shape_cast %get3A_169 : vector<1x16xf32> to vector<16xf32>
        %mul3A_171 = vector.broadcast %squeeze3A : f32 to vector<16xf32>
        %mul3A_172 = arith.mulf %get3A_170, %mul3A_171 : vector<16xf32>
        %swap3A_173 = arith.index_cast %scan3A_151 : i32 to index
        %swap3A_174 = arith.constant 16 : index
        %swap3A_175 = tpu.vector_load %arg15[%swap3A_173, %swap3A_174] {strides = array<i32>} : memref<80x128xf32, #tpu.memory_space<vmem>>, vector<1x16xf32>,
        %swap3A_176 = vector.shape_cast %swap3A_175 : vector<1x16xf32> to vector<16xf32>
        %swap3A_177 = vector.shape_cast %mul3A_172 : vector<16xf32> to vector<1x16xf32>
        tpu.vector_store %arg15[%swap3A_173, %swap3A_174], %swap3A_177 {strides = array<i32>} : memref<80x128xf32, #tpu.memory_space<vmem>>, vector<1x16xf32>,
        %get3A_178 = arith.index_cast %scan3A_151 : i32 to index
        %get3A_179 = arith.constant 32 : index
        %get3A_180 = tpu.vector_load %arg15[%get3A_178, %get3A_179] {strides = array<i32>} : memref<80x128xf32, #tpu.memory_space<vmem>>, vector<1x16xf32>,
        %get3A_181 = vector.shape_cast %get3A_180 : vector<1x16xf32> to vector<16xf32>
        %mul3A_182 = vector.broadcast %squeeze3A : f32 to vector<16xf32>
        %mul3A_183 = arith.mulf %get3A_181, %mul3A_182 : vector<16xf32>
        %swap3A_184 = arith.index_cast %scan3A_151 : i32 to index
        %swap3A_185 = arith.constant 32 : index
        %swap3A_186 = tpu.vector_load %arg15[%swap3A_184, %swap3A_185] {strides = array<i32>} : memref<80x128xf32, #tpu.memory_space<vmem>>, vector<1x16xf32>,
        %swap3A_187 = vector.shape_cast %swap3A_186 : vector<1x16xf32> to vector<16xf32>
        %swap3A_188 = vector.shape_cast %mul3A_183 : vector<16xf32> to vector<1x16xf32>
        tpu.vector_store %arg15[%swap3A_184, %swap3A_185], %swap3A_188 {strides = array<i32>} : memref<80x128xf32, #tpu.memory_space<vmem>>, vector<1x16xf32>,
        %get3A_189 = arith.index_cast %scan3A_151 : i32 to index
        %get3A_190 = arith.constant 48 : index
        %get3A_191 = tpu.vector_load %arg15[%get3A_189, %get3A_190] {strides = array<i32>} : memref<80x128xf32, #tpu.memory_space<vmem>>, vector<1x16xf32>,
        %get3A_192 = vector.shape_cast %get3A_191 : vector<1x16xf32> to vector<16xf32>
        %mul3A_193 = vector.broadcast %squeeze3A : f32 to vector<16xf32>
        %mul3A_194 = arith.mulf %get3A_192, %mul3A_193 : vector<16xf32>
        %swap3A_195 = arith.index_cast %scan3A_151 : i32 to index
        %swap3A_196 = arith.constant 48 : index
        %swap3A_197 = tpu.vector_load %arg15[%swap3A_195, %swap3A_196] {strides = array<i32>} : memref<80x128xf32, #tpu.memory_space<vmem>>, vector<1x16xf32>,
        %swap3A_198 = vector.shape_cast %swap3A_197 : vector<1x16xf32> to vector<16xf32>
        %swap3A_199 = vector.shape_cast %mul3A_194 : vector<16xf32> to vector<1x16xf32>
        tpu.vector_store %arg15[%swap3A_195, %swap3A_196], %swap3A_199 {strides = array<i32>} : memref<80x128xf32, #tpu.memory_space<vmem>>, vector<1x16xf32>,
      }
      %scan3A_150 = arith.constant 80 : i32
      "tpu.region"() ({
        %run_scoped3A = tpu.sem_alloc : memref<!tpu.dma_semaphore, #tpu.memory_space<semaphore_mem>>
        %dma_start3A_151 = arith.constant 0 : i32
        %dma_start3A_152 = arith.constant 0 : i32
        %dma_start3A_153 = tpu.memref_slice %arg16[%dma_start3A_151, %dma_start3A_152] : memref<10000x128xf32, #tpu.memory_space<vmem_shared>> -> memref<10000x128xf32, #tpu.memory_space<vmem_shared>>
        tpu.enqueue_indirect_dma source(%arg15 : memref<80x128xf32, #tpu.memory_space<vmem>>) target(%dma_start3A_153 : memref<10000x128xf32, #tpu.memory_space<vmem_shared>>) offsets(%arg14 : memref<80xi32, #tpu.memory_space<vmem>>) semaphore(%run_scoped3A : memref<!tpu.dma_semaphore, #tpu.memory_space<semaphore_mem>>) {add = true}
        %dma_wait3A_154 = arith.constant 0 : i32
        %dma_wait3A_155 = arith.constant 0 : i32
        %dma_wait3A_156 = tpu.memref_slice %arg16[%dma_wait3A_154, %dma_wait3A_155] : memref<10000x128xf32, #tpu.memory_space<vmem_shared>> -> memref<10000x128xf32, #tpu.memory_space<vmem_shared>>
        tpu.wait_indirect_dma semaphore(%run_scoped3A : memref<!tpu.dma_semaphore, #tpu.memory_space<semaphore_mem>>) src(%arg15 : memref<80x128xf32, #tpu.memory_space<vmem>>) dst(%dma_wait3A_156 : memref<10000x128xf32, #tpu.memory_space<vmem_shared>>)
        tpu.yield
      }) : () -> ()
    }
    %scan3A_13 = arith.constant 125 : i32
    %barrier3A_14 = arith.constant 0 : index
    tpu.barrier barrier_id(%barrier3A_14)
    %lt3A_15 = arith.constant 15 : i32
    %lt3A_16 = arith.cmpi slt, %arg1, %lt3A_15 : i32
    %convert_element_type3A_17 = arith.extui %lt3A_16 : i1 to i32
    %cond3A_18 = arith.constant 0 : i32
    %cond3A_19 = arith.cmpi ne, %convert_element_type3A_17, %cond3A_18 : i32
    scf.if %cond3A_19 {
      %mul3A_25 = arith.constant 640 : i32
      %mul3A_26 = arith.muli %arg1, %mul3A_25 : i32
      "tpu.region"() ({
        %run_scoped3A = tpu.sem_alloc : memref<!tpu.dma_semaphore, #tpu.memory_space<semaphore_mem>>
        %dma_start3A = arith.constant 0 : i32
        %dma_start3A_27 = tpu.memref_slice %arg8[%arg0, %mul3A_26, %dma_start3A] : memref<2x10000x128xf32, #tpu.memory_space<hbm>> -> memref<1x640x128xf32, #tpu.memory_space<hbm>>
        %dma_start3A_28 = tpu.memref_squeeze %dma_start3A_27 : memref<1x640x128xf32, #tpu.memory_space<hbm>> -> memref<640x128xf32, #tpu.memory_space<hbm>>
        %dma_start3A_29 = arith.constant 0 : i32
        %dma_start3A_30 = tpu.memref_slice %arg16[%mul3A_26, %dma_start3A_29] : memref<10000x128xf32, #tpu.memory_space<vmem_shared>> -> memref<640x128xf32, #tpu.memory_space<vmem_shared>>
        tpu.enqueue_dma source(%dma_start3A_30 : memref<640x128xf32, #tpu.memory_space<vmem_shared>>) target(%dma_start3A_28 : memref<640x128xf32, #tpu.memory_space<hbm>>) target_semaphore(%run_scoped3A : memref<!tpu.dma_semaphore, #tpu.memory_space<semaphore_mem>>)
        %dma_wait3A = arith.constant 0 : i32
        %dma_wait3A_31 = tpu.memref_slice %arg8[%arg0, %mul3A_26, %dma_wait3A] : memref<2x10000x128xf32, #tpu.memory_space<hbm>> -> memref<1x640x128xf32, #tpu.memory_space<hbm>>
        %dma_wait3A_32 = tpu.memref_squeeze %dma_wait3A_31 : memref<1x640x128xf32, #tpu.memory_space<hbm>> -> memref<640x128xf32, #tpu.memory_space<hbm>>
        %dma_wait3A_33 = arith.constant 0 : i32
        %dma_wait3A_34 = tpu.memref_slice %arg16[%mul3A_26, %dma_wait3A_33] : memref<10000x128xf32, #tpu.memory_space<vmem_shared>> -> memref<640x128xf32, #tpu.memory_space<vmem_shared>>
        tpu.wait_dma2 semaphore(%run_scoped3A : memref<!tpu.dma_semaphore, #tpu.memory_space<semaphore_mem>>) src(%dma_wait3A_34 : memref<640x128xf32, #tpu.memory_space<vmem_shared>>) dst(%dma_wait3A_32 : memref<640x128xf32, #tpu.memory_space<hbm>>)
        tpu.yield
      }) : () -> ()
    } else {
    }
    %eq3A_20 = arith.constant 15 : i32
    %eq3A_21 = arith.cmpi eq, %arg1, %eq3A_20 : i32
    %convert_element_type3A_22 = arith.extui %eq3A_21 : i1 to i32
    %cond3A_23 = arith.constant 0 : i32
    %cond3A_24 = arith.cmpi ne, %convert_element_type3A_22, %cond3A_23 : i32
    scf.if %cond3A_24 {
      "tpu.region"() ({
        %run_scoped3A = tpu.sem_alloc : memref<!tpu.dma_semaphore, #tpu.memory_space<semaphore_mem>>
        %dma_start3A = arith.constant 9600 : i32
        %dma_start3A_25 = arith.constant 0 : i32
        %dma_start3A_26 = tpu.memref_slice %arg8[%arg0, %dma_start3A, %dma_start3A_25] : memref<2x10000x128xf32, #tpu.memory_space<hbm>> -> memref<1x400x128xf32, #tpu.memory_space<hbm>>
        %dma_start3A_27 = tpu.memref_squeeze %dma_start3A_26 : memref<1x400x128xf32, #tpu.memory_space<hbm>> -> memref<400x128xf32, #tpu.memory_space<hbm>>
        %dma_start3A_28 = arith.constant 9600 : i32
        %dma_start3A_29 = arith.constant 0 : i32
        %dma_start3A_30 = tpu.memref_slice %arg16[%dma_start3A_28, %dma_start3A_29] : memref<10000x128xf32, #tpu.memory_space<vmem_shared>> -> memref<400x128xf32, #tpu.memory_space<vmem_shared>>
        tpu.enqueue_dma source(%dma_start3A_30 : memref<400x128xf32, #tpu.memory_space<vmem_shared>>) target(%dma_start3A_27 : memref<400x128xf32, #tpu.memory_space<hbm>>) target_semaphore(%run_scoped3A : memref<!tpu.dma_semaphore, #tpu.memory_space<semaphore_mem>>)
        %dma_wait3A = arith.constant 9600 : i32
        %dma_wait3A_31 = arith.constant 0 : i32
        %dma_wait3A_32 = tpu.memref_slice %arg8[%arg0, %dma_wait3A, %dma_wait3A_31] : memref<2x10000x128xf32, #tpu.memory_space<hbm>> -> memref<1x400x128xf32, #tpu.memory_space<hbm>>
        %dma_wait3A_33 = tpu.memref_squeeze %dma_wait3A_32 : memref<1x400x128xf32, #tpu.memory_space<hbm>> -> memref<400x128xf32, #tpu.memory_space<hbm>>
        %dma_wait3A_34 = arith.constant 9600 : i32
        %dma_wait3A_35 = arith.constant 0 : i32
        %dma_wait3A_36 = tpu.memref_slice %arg16[%dma_wait3A_34, %dma_wait3A_35] : memref<10000x128xf32, #tpu.memory_space<vmem_shared>> -> memref<400x128xf32, #tpu.memory_space<vmem_shared>>
        tpu.wait_dma2 semaphore(%run_scoped3A : memref<!tpu.dma_semaphore, #tpu.memory_space<semaphore_mem>>) src(%dma_wait3A_36 : memref<400x128xf32, #tpu.memory_space<vmem_shared>>) dst(%dma_wait3A_33 : memref<400x128xf32, #tpu.memory_space<hbm>>)
        tpu.yield
      }) : () -> ()
    } else {
    }
    return
  }
}

module attributes {stable_mosaic.version = 14 : i64} {
  func.func @_mid_body(%arg0: i32, %arg1: memref<2x1000x128xf32, #tpu.memory_space<vmem>>, %arg2: memref<64x32xf32, #tpu.memory_space<vmem>>, %arg3: memref<64x32xf32, #tpu.memory_space<vmem>>, %arg4: memref<1000x32xf32, #tpu.memory_space<vmem>>) attributes {dimension_semantics = [#tpu.dimension_semantics<arbitrary>], iteration_bounds = array<i64: 10>, scalar_prefetch = 0 : i64, scratch_operands = 0 : i64, tpu.core_type = #tpu.core_type<tc>, window_params = [{transform_indices = @transform_0, window_bounds = array<i64: 2, 1000, 128>}, {pipeline_mode = #tpu.pipeline_mode<synchronous>, transform_indices = @transform_1, window_bounds = array<i64: 64, 32>}, {pipeline_mode = #tpu.pipeline_mode<synchronous>, transform_indices = @transform_2, window_bounds = array<i64: 64, 32>}, {transform_indices = @transform_3, window_bounds = array<i64: 1000, 32>}]} {
    %get3A = arith.constant 0 : index
    %get3A_0 = arith.constant 0 : index
    %get3A_1 = arith.constant 0 : index
    %get3A_2 = vector.load %arg1[%get3A, %get3A_0, %get3A_1] : memref<2x1000x128xf32, #tpu.memory_space<vmem>>, vector<1x1000x128xf32>
    %get3A_3 = vector.shape_cast %get3A_2 : vector<1x1000x128xf32> to vector<1000x128xf32>
    %slice3A = vector.extract_strided_slice %get3A_3 {offsets = [0, 0], sizes = [1000, 64], strides = [1, 1]} : vector<1000x128xf32> to vector<1000x64xf32>
    %get3A_4 = arith.constant 1 : index
    %get3A_5 = arith.constant 0 : index
    %get3A_6 = arith.constant 0 : index
    %get3A_7 = vector.load %arg1[%get3A_4, %get3A_5, %get3A_6] : memref<2x1000x128xf32, #tpu.memory_space<vmem>>, vector<1x1000x128xf32>
    %get3A_8 = vector.shape_cast %get3A_7 : vector<1x1000x128xf32> to vector<1000x128xf32>
    %slice3A_9 = vector.extract_strided_slice %get3A_8 {offsets = [0, 0], sizes = [1000, 64], strides = [1, 1]} : vector<1000x128xf32> to vector<1000x64xf32>
    %add3A = arith.addf %slice3A, %slice3A_9 : vector<1000x64xf32>
    %max3A = arith.constant 0.000000e+00 : f32
    %max3A_10 = vector.broadcast %max3A : f32 to vector<1000x64xf32>
    %max3A_11 = arith.maximumf %add3A, %max3A_10 : vector<1000x64xf32>
    %lt3A = arith.constant 5 : i32
    %lt3A_12 = arith.cmpi slt, %arg0, %lt3A : i32
    %get3A_13 = arith.constant 0 : index
    %get3A_14 = arith.constant 0 : index
    %get3A_15 = vector.load %arg2[%get3A_13, %get3A_14] : memref<64x32xf32, #tpu.memory_space<vmem>>, vector<64x32xf32>
    %get3A_16 = arith.constant 0 : index
    %get3A_17 = arith.constant 0 : index
    %get3A_18 = vector.load %arg3[%get3A_16, %get3A_17] : memref<64x32xf32, #tpu.memory_space<vmem>>, vector<64x32xf32>
    %select_n3A = arith.select %lt3A_12, %get3A_15, %get3A_18 : vector<64x32xf32>
    %dot_general3A = arith.constant dense<0.000000e+00> : vector<1000x32xf32>
    %dot_general3A_19 = tpu.matmul %max3A_11, %select_n3A, %dot_general3A {dimension_numbers = #tpu.dot_dimension_numbers<[1], [0], [0], [1], [0, 0, 1, 1], [], []>, transpose_lhs_hint = false} : vector<1000x64xf32>, vector<64x32xf32>, vector<1000x32xf32> -> vector<1000x32xf32>
    %max3A_20 = arith.constant 0.000000e+00 : f32
    %max3A_21 = vector.broadcast %max3A_20 : f32 to vector<1000x32xf32>
    %max3A_22 = arith.maximumf %dot_general3A_19, %max3A_21 : vector<1000x32xf32>
    %swap3A = arith.constant 0 : index
    %swap3A_23 = arith.constant 0 : index
    %swap3A_24 = vector.load %arg4[%swap3A, %swap3A_23] : memref<1000x32xf32, #tpu.memory_space<vmem>>, vector<1000x32xf32>
    tpu.vector_store %arg4[%swap3A, %swap3A_23], %max3A_22 {strides = array<i32>} : memref<1000x32xf32, #tpu.memory_space<vmem>>, vector<1000x32xf32>,
    return
  }
  func.func @transform_0(%arg0: i32) -> (i32, i32, i32) {
    %c0_i32 = arith.constant 0 : i32
    %c0_i32_0 = arith.constant 0 : i32
    %c0_i32_1 = arith.constant 0 : i32
    return %c0_i32, %arg0, %c0_i32_0 : i32, i32, i32
  }
  func.func @transform_1(%arg0: i32) -> (i32, i32) {
    %c0_i32 = arith.constant 0 : i32
    %c0_i32_0 = arith.constant 0 : i32
    %c0_i32_1 = arith.constant 0 : i32
    return %c0_i32, %c0_i32_0 : i32, i32
  }
  func.func @transform_2(%arg0: i32) -> (i32, i32) {
    %c0_i32 = arith.constant 0 : i32
    %c0_i32_0 = arith.constant 0 : i32
    %c0_i32_1 = arith.constant 0 : i32
    return %c0_i32, %c0_i32_0 : i32, i32
  }
  func.func @transform_3(%arg0: i32) -> (i32, i32) {
    %c0_i32 = arith.constant 0 : i32
    %c0_i32_0 = arith.constant 0 : i32
    return %arg0, %c0_i32 : i32, i32
  }
}

module attributes {stable_mosaic.version = 14 : i64} {
  func.func @_proj_body(%arg0: i32, %arg1: i32, %arg2: memref<1000x128xf32, #tpu.memory_space<vmem>>, %arg3: memref<1x128x128xf32, #tpu.memory_space<vmem>>, %arg4: memref<1x1000x128xf32, #tpu.memory_space<vmem>>) attributes {dimension_semantics = [#tpu.dimension_semantics<arbitrary>, #tpu.dimension_semantics<arbitrary>], iteration_bounds = array<i64: 5, 10>, scalar_prefetch = 0 : i64, scratch_operands = 0 : i64, tpu.core_type = #tpu.core_type<tc>, window_params = [{transform_indices = @transform_0, window_bounds = array<i64: 1000, 128>}, {transform_indices = @transform_1, window_bounds = array<i64: 1, 128, 128>}, {transform_indices = @transform_2, window_bounds = array<i64: 1, 1000, 128>}]} {
    %get3A = arith.constant 0 : index
    %get3A_0 = arith.constant 0 : index
    %get3A_1 = vector.load %arg2[%get3A, %get3A_0] : memref<1000x128xf32, #tpu.memory_space<vmem>>, vector<1000x128xf32>
    %get3A_2 = arith.constant 0 : index
    %get3A_3 = arith.constant 0 : index
    %get3A_4 = arith.constant 0 : index
    %get3A_5 = vector.load %arg3[%get3A_2, %get3A_3, %get3A_4] : memref<1x128x128xf32, #tpu.memory_space<vmem>>, vector<1x128x128xf32>
    %get3A_6 = vector.shape_cast %get3A_5 : vector<1x128x128xf32> to vector<128x128xf32>
    %dot_general3A = arith.constant dense<0.000000e+00> : vector<1000x128xf32>
    %dot_general3A_7 = tpu.matmul %get3A_1, %get3A_6, %dot_general3A {dimension_numbers = #tpu.dot_dimension_numbers<[1], [0], [0], [1], [0, 0, 1, 1], [], []>, transpose_lhs_hint = false} : vector<1000x128xf32>, vector<128x128xf32>, vector<1000x128xf32> -> vector<1000x128xf32>
    %swap3A = arith.constant 0 : index
    %swap3A_8 = arith.constant 0 : index
    %swap3A_9 = arith.constant 0 : index
    %swap3A_10 = vector.load %arg4[%swap3A, %swap3A_8, %swap3A_9] : memref<1x1000x128xf32, #tpu.memory_space<vmem>>, vector<1x1000x128xf32>
    %swap3A_11 = vector.shape_cast %swap3A_10 : vector<1x1000x128xf32> to vector<1000x128xf32>
    %swap3A_12 = vector.shape_cast %dot_general3A_7 : vector<1000x128xf32> to vector<1x1000x128xf32>
    tpu.vector_store %arg4[%swap3A, %swap3A_8, %swap3A_9], %swap3A_12 {strides = array<i32>} : memref<1x1000x128xf32, #tpu.memory_space<vmem>>, vector<1x1000x128xf32>,
    return
  }
  func.func @transform_0(%arg0: i32, %arg1: i32) -> (i32, i32) {
    %c0_i32 = arith.constant 0 : i32
    %c0_i32_0 = arith.constant 0 : i32
    return %arg1, %c0_i32 : i32, i32
  }
  func.func @transform_1(%arg0: i32, %arg1: i32) -> (i32, i32, i32) {
    %c0_i32 = arith.constant 0 : i32
    %c0_i32_0 = arith.constant 0 : i32
    %c0_i32_1 = arith.constant 0 : i32
    return %arg0, %c0_i32, %c0_i32_0 : i32, i32, i32
  }
  func.func @transform_2(%arg0: i32, %arg1: i32) -> (i32, i32, i32) {
    %c0_i32 = arith.constant 0 : i32
    %c0_i32_0 = arith.constant 0 : i32
    return %arg0, %arg1, %c0_i32 : i32, i32, i32
  }
}

module attributes {stable_mosaic.version = 14 : i64} {
  func.func @_dec_body(%arg0: i32, %arg1: memref<64x32xf32, #tpu.memory_space<vmem>>, %arg2: memref<5000x32xf32, #tpu.memory_space<vmem>>, %arg3: memref<5x32x32xf32, #tpu.memory_space<vmem>>, %arg4: memref<5x320000xf32, #tpu.memory_space<vmem>>) attributes {dimension_semantics = [#tpu.dimension_semantics<arbitrary>], iteration_bounds = array<i64: 79>, scalar_prefetch = 0 : i64, scratch_operands = 0 : i64, tpu.core_type = #tpu.core_type<tc>, window_params = [{transform_indices = @transform_0, window_bounds = array<i64: 64, 32>}, {pipeline_mode = #tpu.pipeline_mode<synchronous>, transform_indices = @transform_1, window_bounds = array<i64: 5000, 32>}, {pipeline_mode = #tpu.pipeline_mode<synchronous>, transform_indices = @transform_2, window_bounds = array<i64: 5, 32, 32>}, {transform_indices = @transform_3, window_bounds = array<i64: 5, 320000>}]} {
    %get3A = arith.constant 0 : index
    %get3A_0 = arith.constant 0 : index
    %get3A_1 = vector.load %arg1[%get3A, %get3A_0] : memref<64x32xf32, #tpu.memory_space<vmem>>, vector<64x32xf32>
    %get3A_2 = arith.constant 0 : index
    %get3A_3 = arith.constant 0 : index
    %get3A_4 = arith.constant 0 : index
    %get3A_5 = vector.load %arg3[%get3A_2, %get3A_3, %get3A_4] : memref<5x32x32xf32, #tpu.memory_space<vmem>>, vector<1x32x32xf32>
    %get3A_6 = vector.shape_cast %get3A_5 : vector<1x32x32xf32> to vector<32x32xf32>
    %dot_general3A = arith.constant dense<0.000000e+00> : vector<64x32xf32>
    %dot_general3A_7 = tpu.matmul %get3A_1, %get3A_6, %dot_general3A {dimension_numbers = #tpu.dot_dimension_numbers<[1], [0], [0], [1], [0, 0, 1, 1], [], []>, transpose_lhs_hint = false} : vector<64x32xf32>, vector<32x32xf32>, vector<64x32xf32> -> vector<64x32xf32>
    %get3A_8 = arith.constant 0 : index
    %get3A_9 = arith.constant 0 : index
    %get3A_10 = vector.load %arg2[%get3A_8, %get3A_9] : memref<5000x32xf32, #tpu.memory_space<vmem>>, vector<5000x32xf32>
    %dot_general3A_11 = arith.constant dense<0.000000e+00> : vector<64x5000xf32>
    %dot_general3A_12 = tpu.matmul %dot_general3A_7, %get3A_10, %dot_general3A_11 {dimension_numbers = #tpu.dot_dimension_numbers<[1], [1], [0], [0], [0, 0, 1, 0], [], []>, transpose_lhs_hint = false} : vector<64x32xf32>, vector<5000x32xf32>, vector<64x5000xf32> -> vector<64x5000xf32>
    %slice3A = vector.extract_strided_slice %dot_general3A_12 {offsets = [0, 0], sizes = [1, 5000], strides = [1, 1]} : vector<64x5000xf32> to vector<1x5000xf32>
    %squeeze3A = vector.shape_cast %slice3A : vector<1x5000xf32> to vector<5000xf32>
    %swap3A = arith.constant 0 : index
    %swap3A_13 = arith.constant 0 : index
    %swap3A_14 = vector.load %arg4[%swap3A, %swap3A_13] : memref<5x320000xf32, #tpu.memory_space<vmem>>, vector<1x5000xf32>
    %swap3A_15 = vector.shape_cast %swap3A_14 : vector<1x5000xf32> to vector<5000xf32>
    %swap3A_16 = vector.shape_cast %squeeze3A : vector<5000xf32> to vector<1x5000xf32>
    tpu.vector_store %arg4[%swap3A, %swap3A_13], %swap3A_16 {strides = array<i32>} : memref<5x320000xf32, #tpu.memory_space<vmem>>, vector<1x5000xf32>,
    %slice3A_17 = vector.extract_strided_slice %dot_general3A_12 {offsets = [1, 0], sizes = [1, 5000], strides = [1, 1]} : vector<64x5000xf32> to vector<1x5000xf32>
    %squeeze3A_18 = vector.shape_cast %slice3A_17 : vector<1x5000xf32> to vector<5000xf32>
    %swap3A_19 = arith.constant 0 : index
    %swap3A_20 = arith.constant 5000 : index
    %swap3A_21 = vector.load %arg4[%swap3A_19, %swap3A_20] : memref<5x320000xf32, #tpu.memory_space<vmem>>, vector<1x5000xf32>
    %swap3A_22 = vector.shape_cast %swap3A_21 : vector<1x5000xf32> to vector<5000xf32>
    %swap3A_23 = vector.shape_cast %squeeze3A_18 : vector<5000xf32> to vector<1x5000xf32>
    tpu.vector_store %arg4[%swap3A_19, %swap3A_20], %swap3A_23 {strides = array<i32>} : memref<5x320000xf32, #tpu.memory_space<vmem>>, vector<1x5000xf32>,
    %slice3A_24 = vector.extract_strided_slice %dot_general3A_12 {offsets = [2, 0], sizes = [1, 5000], strides = [1, 1]} : vector<64x5000xf32> to vector<1x5000xf32>
    %squeeze3A_25 = vector.shape_cast %slice3A_24 : vector<1x5000xf32> to vector<5000xf32>
    %swap3A_26 = arith.constant 0 : index
    %swap3A_27 = arith.constant 10000 : index
    %swap3A_28 = vector.load %arg4[%swap3A_26, %swap3A_27] : memref<5x320000xf32, #tpu.memory_space<vmem>>, vector<1x5000xf32>
    %swap3A_29 = vector.shape_cast %swap3A_28 : vector<1x5000xf32> to vector<5000xf32>
    %swap3A_30 = vector.shape_cast %squeeze3A_25 : vector<5000xf32> to vector<1x5000xf32>
    tpu.vector_store %arg4[%swap3A_26, %swap3A_27], %swap3A_30 {strides = array<i32>} : memref<5x320000xf32, #tpu.memory_space<vmem>>, vector<1x5000xf32>,
    %slice3A_31 = vector.extract_strided_slice %dot_general3A_12 {offsets = [3, 0], sizes = [1, 5000], strides = [1, 1]} : vector<64x5000xf32> to vector<1x5000xf32>
    %squeeze3A_32 = vector.shape_cast %slice3A_31 : vector<1x5000xf32> to vector<5000xf32>
    %swap3A_33 = arith.constant 0 : index
    %swap3A_34 = arith.constant 15000 : index
    %swap3A_35 = vector.load %arg4[%swap3A_33, %swap3A_34] : memref<5x320000xf32, #tpu.memory_space<vmem>>, vector<1x5000xf32>
    %swap3A_36 = vector.shape_cast %swap3A_35 : vector<1x5000xf32> to vector<5000xf32>
    %swap3A_37 = vector.shape_cast %squeeze3A_32 : vector<5000xf32> to vector<1x5000xf32>
    tpu.vector_store %arg4[%swap3A_33, %swap3A_34], %swap3A_37 {strides = array<i32>} : memref<5x320000xf32, #tpu.memory_space<vmem>>, vector<1x5000xf32>,
    %slice3A_38 = vector.extract_strided_slice %dot_general3A_12 {offsets = [4, 0], sizes = [1, 5000], strides = [1, 1]} : vector<64x5000xf32> to vector<1x5000xf32>
    %squeeze3A_39 = vector.shape_cast %slice3A_38 : vector<1x5000xf32> to vector<5000xf32>
    %swap3A_40 = arith.constant 0 : index
    %swap3A_41 = arith.constant 20000 : index
    %swap3A_42 = vector.load %arg4[%swap3A_40, %swap3A_41] : memref<5x320000xf32, #tpu.memory_space<vmem>>, vector<1x5000xf32>
    %swap3A_43 = vector.shape_cast %swap3A_42 : vector<1x5000xf32> to vector<5000xf32>
    %swap3A_44 = vector.shape_cast %squeeze3A_39 : vector<5000xf32> to vector<1x5000xf32>
    tpu.vector_store %arg4[%swap3A_40, %swap3A_41], %swap3A_44 {strides = array<i32>} : memref<5x320000xf32, #tpu.memory_space<vmem>>, vector<1x5000xf32>,
    %slice3A_45 = vector.extract_strided_slice %dot_general3A_12 {offsets = [5, 0], sizes = [1, 5000], strides = [1, 1]} : vector<64x5000xf32> to vector<1x5000xf32>
    %squeeze3A_46 = vector.shape_cast %slice3A_45 : vector<1x5000xf32> to vector<5000xf32>
    %swap3A_47 = arith.constant 0 : index
    %swap3A_48 = arith.constant 25000 : index
    %swap3A_49 = vector.load %arg4[%swap3A_47, %swap3A_48] : memref<5x320000xf32, #tpu.memory_space<vmem>>, vector<1x5000xf32>
    %swap3A_50 = vector.shape_cast %swap3A_49 : vector<1x5000xf32> to vector<5000xf32>
    %swap3A_51 = vector.shape_cast %squeeze3A_46 : vector<5000xf32> to vector<1x5000xf32>
    tpu.vector_store %arg4[%swap3A_47, %swap3A_48], %swap3A_51 {strides = array<i32>} : memref<5x320000xf32, #tpu.memory_space<vmem>>, vector<1x5000xf32>,
    %slice3A_52 = vector.extract_strided_slice %dot_general3A_12 {offsets = [6, 0], sizes = [1, 5000], strides = [1, 1]} : vector<64x5000xf32> to vector<1x5000xf32>
    %squeeze3A_53 = vector.shape_cast %slice3A_52 : vector<1x5000xf32> to vector<5000xf32>
    %swap3A_54 = arith.constant 0 : index
    %swap3A_55 = arith.constant 30000 : index
    %swap3A_56 = vector.load %arg4[%swap3A_54, %swap3A_55] : memref<5x320000xf32, #tpu.memory_space<vmem>>, vector<1x5000xf32>
    %swap3A_57 = vector.shape_cast %swap3A_56 : vector<1x5000xf32> to vector<5000xf32>
    %swap3A_58 = vector.shape_cast %squeeze3A_53 : vector<5000xf32> to vector<1x5000xf32>
    tpu.vector_store %arg4[%swap3A_54, %swap3A_55], %swap3A_58 {strides = array<i32>} : memref<5x320000xf32, #tpu.memory_space<vmem>>, vector<1x5000xf32>,
    %slice3A_59 = vector.extract_strided_slice %dot_general3A_12 {offsets = [7, 0], sizes = [1, 5000], strides = [1, 1]} : vector<64x5000xf32> to vector<1x5000xf32>
    %squeeze3A_60 = vector.shape_cast %slice3A_59 : vector<1x5000xf32> to vector<5000xf32>
    %swap3A_61 = arith.constant 0 : index
    %swap3A_62 = arith.constant 35000 : index
    %swap3A_63 = vector.load %arg4[%swap3A_61, %swap3A_62] : memref<5x320000xf32, #tpu.memory_space<vmem>>, vector<1x5000xf32>
    %swap3A_64 = vector.shape_cast %swap3A_63 : vector<1x5000xf32> to vector<5000xf32>
    %swap3A_65 = vector.shape_cast %squeeze3A_60 : vector<5000xf32> to vector<1x5000xf32>
    tpu.vector_store %arg4[%swap3A_61, %swap3A_62], %swap3A_65 {strides = array<i32>} : memref<5x320000xf32, #tpu.memory_space<vmem>>, vector<1x5000xf32>,
    %slice3A_66 = vector.extract_strided_slice %dot_general3A_12 {offsets = [8, 0], sizes = [1, 5000], strides = [1, 1]} : vector<64x5000xf32> to vector<1x5000xf32>
    %squeeze3A_67 = vector.shape_cast %slice3A_66 : vector<1x5000xf32> to vector<5000xf32>
    %swap3A_68 = arith.constant 0 : index
    %swap3A_69 = arith.constant 40000 : index
    %swap3A_70 = vector.load %arg4[%swap3A_68, %swap3A_69] : memref<5x320000xf32, #tpu.memory_space<vmem>>, vector<1x5000xf32>
    %swap3A_71 = vector.shape_cast %swap3A_70 : vector<1x5000xf32> to vector<5000xf32>
    %swap3A_72 = vector.shape_cast %squeeze3A_67 : vector<5000xf32> to vector<1x5000xf32>
    tpu.vector_store %arg4[%swap3A_68, %swap3A_69], %swap3A_72 {strides = array<i32>} : memref<5x320000xf32, #tpu.memory_space<vmem>>, vector<1x5000xf32>,
    %slice3A_73 = vector.extract_strided_slice %dot_general3A_12 {offsets = [9, 0], sizes = [1, 5000], strides = [1, 1]} : vector<64x5000xf32> to vector<1x5000xf32>
    %squeeze3A_74 = vector.shape_cast %slice3A_73 : vector<1x5000xf32> to vector<5000xf32>
    %swap3A_75 = arith.constant 0 : index
    %swap3A_76 = arith.constant 45000 : index
    %swap3A_77 = vector.load %arg4[%swap3A_75, %swap3A_76] : memref<5x320000xf32, #tpu.memory_space<vmem>>, vector<1x5000xf32>
    %swap3A_78 = vector.shape_cast %swap3A_77 : vector<1x5000xf32> to vector<5000xf32>
    %swap3A_79 = vector.shape_cast %squeeze3A_74 : vector<5000xf32> to vector<1x5000xf32>
    tpu.vector_store %arg4[%swap3A_75, %swap3A_76], %swap3A_79 {strides = array<i32>} : memref<5x320000xf32, #tpu.memory_space<vmem>>, vector<1x5000xf32>,
    %slice3A_80 = vector.extract_strided_slice %dot_general3A_12 {offsets = [10, 0], sizes = [1, 5000], strides = [1, 1]} : vector<64x5000xf32> to vector<1x5000xf32>
    %squeeze3A_81 = vector.shape_cast %slice3A_80 : vector<1x5000xf32> to vector<5000xf32>
    %swap3A_82 = arith.constant 0 : index
    %swap3A_83 = arith.constant 50000 : index
    %swap3A_84 = vector.load %arg4[%swap3A_82, %swap3A_83] : memref<5x320000xf32, #tpu.memory_space<vmem>>, vector<1x5000xf32>
    %swap3A_85 = vector.shape_cast %swap3A_84 : vector<1x5000xf32> to vector<5000xf32>
    %swap3A_86 = vector.shape_cast %squeeze3A_81 : vector<5000xf32> to vector<1x5000xf32>
    tpu.vector_store %arg4[%swap3A_82, %swap3A_83], %swap3A_86 {strides = array<i32>} : memref<5x320000xf32, #tpu.memory_space<vmem>>, vector<1x5000xf32>,
    %slice3A_87 = vector.extract_strided_slice %dot_general3A_12 {offsets = [11, 0], sizes = [1, 5000], strides = [1, 1]} : vector<64x5000xf32> to vector<1x5000xf32>
    %squeeze3A_88 = vector.shape_cast %slice3A_87 : vector<1x5000xf32> to vector<5000xf32>
    %swap3A_89 = arith.constant 0 : index
    %swap3A_90 = arith.constant 55000 : index
    %swap3A_91 = vector.load %arg4[%swap3A_89, %swap3A_90] : memref<5x320000xf32, #tpu.memory_space<vmem>>, vector<1x5000xf32>
    %swap3A_92 = vector.shape_cast %swap3A_91 : vector<1x5000xf32> to vector<5000xf32>
    %swap3A_93 = vector.shape_cast %squeeze3A_88 : vector<5000xf32> to vector<1x5000xf32>
    tpu.vector_store %arg4[%swap3A_89, %swap3A_90], %swap3A_93 {strides = array<i32>} : memref<5x320000xf32, #tpu.memory_space<vmem>>, vector<1x5000xf32>,
    %slice3A_94 = vector.extract_strided_slice %dot_general3A_12 {offsets = [12, 0], sizes = [1, 5000], strides = [1, 1]} : vector<64x5000xf32> to vector<1x5000xf32>
    %squeeze3A_95 = vector.shape_cast %slice3A_94 : vector<1x5000xf32> to vector<5000xf32>
    %swap3A_96 = arith.constant 0 : index
    %swap3A_97 = arith.constant 60000 : index
    %swap3A_98 = vector.load %arg4[%swap3A_96, %swap3A_97] : memref<5x320000xf32, #tpu.memory_space<vmem>>, vector<1x5000xf32>
    %swap3A_99 = vector.shape_cast %swap3A_98 : vector<1x5000xf32> to vector<5000xf32>
    %swap3A_100 = vector.shape_cast %squeeze3A_95 : vector<5000xf32> to vector<1x5000xf32>
    tpu.vector_store %arg4[%swap3A_96, %swap3A_97], %swap3A_100 {strides = array<i32>} : memref<5x320000xf32, #tpu.memory_space<vmem>>, vector<1x5000xf32>,
    %slice3A_101 = vector.extract_strided_slice %dot_general3A_12 {offsets = [13, 0], sizes = [1, 5000], strides = [1, 1]} : vector<64x5000xf32> to vector<1x5000xf32>
    %squeeze3A_102 = vector.shape_cast %slice3A_101 : vector<1x5000xf32> to vector<5000xf32>
    %swap3A_103 = arith.constant 0 : index
    %swap3A_104 = arith.constant 65000 : index
    %swap3A_105 = vector.load %arg4[%swap3A_103, %swap3A_104] : memref<5x320000xf32, #tpu.memory_space<vmem>>, vector<1x5000xf32>
    %swap3A_106 = vector.shape_cast %swap3A_105 : vector<1x5000xf32> to vector<5000xf32>
    %swap3A_107 = vector.shape_cast %squeeze3A_102 : vector<5000xf32> to vector<1x5000xf32>
    tpu.vector_store %arg4[%swap3A_103, %swap3A_104], %swap3A_107 {strides = array<i32>} : memref<5x320000xf32, #tpu.memory_space<vmem>>, vector<1x5000xf32>,
    %slice3A_108 = vector.extract_strided_slice %dot_general3A_12 {offsets = [14, 0], sizes = [1, 5000], strides = [1, 1]} : vector<64x5000xf32> to vector<1x5000xf32>
    %squeeze3A_109 = vector.shape_cast %slice3A_108 : vector<1x5000xf32> to vector<5000xf32>
    %swap3A_110 = arith.constant 0 : index
    %swap3A_111 = arith.constant 70000 : index
    %swap3A_112 = vector.load %arg4[%swap3A_110, %swap3A_111] : memref<5x320000xf32, #tpu.memory_space<vmem>>, vector<1x5000xf32>
    %swap3A_113 = vector.shape_cast %swap3A_112 : vector<1x5000xf32> to vector<5000xf32>
    %swap3A_114 = vector.shape_cast %squeeze3A_109 : vector<5000xf32> to vector<1x5000xf32>
    tpu.vector_store %arg4[%swap3A_110, %swap3A_111], %swap3A_114 {strides = array<i32>} : memref<5x320000xf32, #tpu.memory_space<vmem>>, vector<1x5000xf32>,
    %slice3A_115 = vector.extract_strided_slice %dot_general3A_12 {offsets = [15, 0], sizes = [1, 5000], strides = [1, 1]} : vector<64x5000xf32> to vector<1x5000xf32>
    %squeeze3A_116 = vector.shape_cast %slice3A_115 : vector<1x5000xf32> to vector<5000xf32>
    %swap3A_117 = arith.constant 0 : index
    %swap3A_118 = arith.constant 75000 : index
    %swap3A_119 = vector.load %arg4[%swap3A_117, %swap3A_118] : memref<5x320000xf32, #tpu.memory_space<vmem>>, vector<1x5000xf32>
    %swap3A_120 = vector.shape_cast %swap3A_119 : vector<1x5000xf32> to vector<5000xf32>
    %swap3A_121 = vector.shape_cast %squeeze3A_116 : vector<5000xf32> to vector<1x5000xf32>
    tpu.vector_store %arg4[%swap3A_117, %swap3A_118], %swap3A_121 {strides = array<i32>} : memref<5x320000xf32, #tpu.memory_space<vmem>>, vector<1x5000xf32>,
    %slice3A_122 = vector.extract_strided_slice %dot_general3A_12 {offsets = [16, 0], sizes = [1, 5000], strides = [1, 1]} : vector<64x5000xf32> to vector<1x5000xf32>
    %squeeze3A_123 = vector.shape_cast %slice3A_122 : vector<1x5000xf32> to vector<5000xf32>
    %swap3A_124 = arith.constant 0 : index
    %swap3A_125 = arith.constant 80000 : index
    %swap3A_126 = vector.load %arg4[%swap3A_124, %swap3A_125] : memref<5x320000xf32, #tpu.memory_space<vmem>>, vector<1x5000xf32>
    %swap3A_127 = vector.shape_cast %swap3A_126 : vector<1x5000xf32> to vector<5000xf32>
    %swap3A_128 = vector.shape_cast %squeeze3A_123 : vector<5000xf32> to vector<1x5000xf32>
    tpu.vector_store %arg4[%swap3A_124, %swap3A_125], %swap3A_128 {strides = array<i32>} : memref<5x320000xf32, #tpu.memory_space<vmem>>, vector<1x5000xf32>,
    %slice3A_129 = vector.extract_strided_slice %dot_general3A_12 {offsets = [17, 0], sizes = [1, 5000], strides = [1, 1]} : vector<64x5000xf32> to vector<1x5000xf32>
    %squeeze3A_130 = vector.shape_cast %slice3A_129 : vector<1x5000xf32> to vector<5000xf32>
    %swap3A_131 = arith.constant 0 : index
    %swap3A_132 = arith.constant 85000 : index
    %swap3A_133 = vector.load %arg4[%swap3A_131, %swap3A_132] : memref<5x320000xf32, #tpu.memory_space<vmem>>, vector<1x5000xf32>
    %swap3A_134 = vector.shape_cast %swap3A_133 : vector<1x5000xf32> to vector<5000xf32>
    %swap3A_135 = vector.shape_cast %squeeze3A_130 : vector<5000xf32> to vector<1x5000xf32>
    tpu.vector_store %arg4[%swap3A_131, %swap3A_132], %swap3A_135 {strides = array<i32>} : memref<5x320000xf32, #tpu.memory_space<vmem>>, vector<1x5000xf32>,
    %slice3A_136 = vector.extract_strided_slice %dot_general3A_12 {offsets = [18, 0], sizes = [1, 5000], strides = [1, 1]} : vector<64x5000xf32> to vector<1x5000xf32>
    %squeeze3A_137 = vector.shape_cast %slice3A_136 : vector<1x5000xf32> to vector<5000xf32>
    %swap3A_138 = arith.constant 0 : index
    %swap3A_139 = arith.constant 90000 : index
    %swap3A_140 = vector.load %arg4[%swap3A_138, %swap3A_139] : memref<5x320000xf32, #tpu.memory_space<vmem>>, vector<1x5000xf32>
    %swap3A_141 = vector.shape_cast %swap3A_140 : vector<1x5000xf32> to vector<5000xf32>
    %swap3A_142 = vector.shape_cast %squeeze3A_137 : vector<5000xf32> to vector<1x5000xf32>
    tpu.vector_store %arg4[%swap3A_138, %swap3A_139], %swap3A_142 {strides = array<i32>} : memref<5x320000xf32, #tpu.memory_space<vmem>>, vector<1x5000xf32>,
    %slice3A_143 = vector.extract_strided_slice %dot_general3A_12 {offsets = [19, 0], sizes = [1, 5000], strides = [1, 1]} : vector<64x5000xf32> to vector<1x5000xf32>
    %squeeze3A_144 = vector.shape_cast %slice3A_143 : vector<1x5000xf32> to vector<5000xf32>
    %swap3A_145 = arith.constant 0 : index
    %swap3A_146 = arith.constant 95000 : index
    %swap3A_147 = vector.load %arg4[%swap3A_145, %swap3A_146] : memref<5x320000xf32, #tpu.memory_space<vmem>>, vector<1x5000xf32>
    %swap3A_148 = vector.shape_cast %swap3A_147 : vector<1x5000xf32> to vector<5000xf32>
    %swap3A_149 = vector.shape_cast %squeeze3A_144 : vector<5000xf32> to vector<1x5000xf32>
    tpu.vector_store %arg4[%swap3A_145, %swap3A_146], %swap3A_149 {strides = array<i32>} : memref<5x320000xf32, #tpu.memory_space<vmem>>, vector<1x5000xf32>,
    %slice3A_150 = vector.extract_strided_slice %dot_general3A_12 {offsets = [20, 0], sizes = [1, 5000], strides = [1, 1]} : vector<64x5000xf32> to vector<1x5000xf32>
    %squeeze3A_151 = vector.shape_cast %slice3A_150 : vector<1x5000xf32> to vector<5000xf32>
    %swap3A_152 = arith.constant 0 : index
    %swap3A_153 = arith.constant 100000 : index
    %swap3A_154 = vector.load %arg4[%swap3A_152, %swap3A_153] : memref<5x320000xf32, #tpu.memory_space<vmem>>, vector<1x5000xf32>
    %swap3A_155 = vector.shape_cast %swap3A_154 : vector<1x5000xf32> to vector<5000xf32>
    %swap3A_156 = vector.shape_cast %squeeze3A_151 : vector<5000xf32> to vector<1x5000xf32>
    tpu.vector_store %arg4[%swap3A_152, %swap3A_153], %swap3A_156 {strides = array<i32>} : memref<5x320000xf32, #tpu.memory_space<vmem>>, vector<1x5000xf32>,
    %slice3A_157 = vector.extract_strided_slice %dot_general3A_12 {offsets = [21, 0], sizes = [1, 5000], strides = [1, 1]} : vector<64x5000xf32> to vector<1x5000xf32>
    %squeeze3A_158 = vector.shape_cast %slice3A_157 : vector<1x5000xf32> to vector<5000xf32>
    %swap3A_159 = arith.constant 0 : index
    %swap3A_160 = arith.constant 105000 : index
    %swap3A_161 = vector.load %arg4[%swap3A_159, %swap3A_160] : memref<5x320000xf32, #tpu.memory_space<vmem>>, vector<1x5000xf32>
    %swap3A_162 = vector.shape_cast %swap3A_161 : vector<1x5000xf32> to vector<5000xf32>
    %swap3A_163 = vector.shape_cast %squeeze3A_158 : vector<5000xf32> to vector<1x5000xf32>
    tpu.vector_store %arg4[%swap3A_159, %swap3A_160], %swap3A_163 {strides = array<i32>} : memref<5x320000xf32, #tpu.memory_space<vmem>>, vector<1x5000xf32>,
    %slice3A_164 = vector.extract_strided_slice %dot_general3A_12 {offsets = [22, 0], sizes = [1, 5000], strides = [1, 1]} : vector<64x5000xf32> to vector<1x5000xf32>
    %squeeze3A_165 = vector.shape_cast %slice3A_164 : vector<1x5000xf32> to vector<5000xf32>
    %swap3A_166 = arith.constant 0 : index
    %swap3A_167 = arith.constant 110000 : index
    %swap3A_168 = vector.load %arg4[%swap3A_166, %swap3A_167] : memref<5x320000xf32, #tpu.memory_space<vmem>>, vector<1x5000xf32>
    %swap3A_169 = vector.shape_cast %swap3A_168 : vector<1x5000xf32> to vector<5000xf32>
    %swap3A_170 = vector.shape_cast %squeeze3A_165 : vector<5000xf32> to vector<1x5000xf32>
    tpu.vector_store %arg4[%swap3A_166, %swap3A_167], %swap3A_170 {strides = array<i32>} : memref<5x320000xf32, #tpu.memory_space<vmem>>, vector<1x5000xf32>,
    %slice3A_171 = vector.extract_strided_slice %dot_general3A_12 {offsets = [23, 0], sizes = [1, 5000], strides = [1, 1]} : vector<64x5000xf32> to vector<1x5000xf32>
    %squeeze3A_172 = vector.shape_cast %slice3A_171 : vector<1x5000xf32> to vector<5000xf32>
    %swap3A_173 = arith.constant 0 : index
    %swap3A_174 = arith.constant 115000 : index
    %swap3A_175 = vector.load %arg4[%swap3A_173, %swap3A_174] : memref<5x320000xf32, #tpu.memory_space<vmem>>, vector<1x5000xf32>
    %swap3A_176 = vector.shape_cast %swap3A_175 : vector<1x5000xf32> to vector<5000xf32>
    %swap3A_177 = vector.shape_cast %squeeze3A_172 : vector<5000xf32> to vector<1x5000xf32>
    tpu.vector_store %arg4[%swap3A_173, %swap3A_174], %swap3A_177 {strides = array<i32>} : memref<5x320000xf32, #tpu.memory_space<vmem>>, vector<1x5000xf32>,
    %slice3A_178 = vector.extract_strided_slice %dot_general3A_12 {offsets = [24, 0], sizes = [1, 5000], strides = [1, 1]} : vector<64x5000xf32> to vector<1x5000xf32>
    %squeeze3A_179 = vector.shape_cast %slice3A_178 : vector<1x5000xf32> to vector<5000xf32>
    %swap3A_180 = arith.constant 0 : index
    %swap3A_181 = arith.constant 120000 : index
    %swap3A_182 = vector.load %arg4[%swap3A_180, %swap3A_181] : memref<5x320000xf32, #tpu.memory_space<vmem>>, vector<1x5000xf32>
    %swap3A_183 = vector.shape_cast %swap3A_182 : vector<1x5000xf32> to vector<5000xf32>
    %swap3A_184 = vector.shape_cast %squeeze3A_179 : vector<5000xf32> to vector<1x5000xf32>
    tpu.vector_store %arg4[%swap3A_180, %swap3A_181], %swap3A_184 {strides = array<i32>} : memref<5x320000xf32, #tpu.memory_space<vmem>>, vector<1x5000xf32>,
    %slice3A_185 = vector.extract_strided_slice %dot_general3A_12 {offsets = [25, 0], sizes = [1, 5000], strides = [1, 1]} : vector<64x5000xf32> to vector<1x5000xf32>
    %squeeze3A_186 = vector.shape_cast %slice3A_185 : vector<1x5000xf32> to vector<5000xf32>
    %swap3A_187 = arith.constant 0 : index
    %swap3A_188 = arith.constant 125000 : index
    %swap3A_189 = vector.load %arg4[%swap3A_187, %swap3A_188] : memref<5x320000xf32, #tpu.memory_space<vmem>>, vector<1x5000xf32>
    %swap3A_190 = vector.shape_cast %swap3A_189 : vector<1x5000xf32> to vector<5000xf32>
    %swap3A_191 = vector.shape_cast %squeeze3A_186 : vector<5000xf32> to vector<1x5000xf32>
    tpu.vector_store %arg4[%swap3A_187, %swap3A_188], %swap3A_191 {strides = array<i32>} : memref<5x320000xf32, #tpu.memory_space<vmem>>, vector<1x5000xf32>,
    %slice3A_192 = vector.extract_strided_slice %dot_general3A_12 {offsets = [26, 0], sizes = [1, 5000], strides = [1, 1]} : vector<64x5000xf32> to vector<1x5000xf32>
    %squeeze3A_193 = vector.shape_cast %slice3A_192 : vector<1x5000xf32> to vector<5000xf32>
    %swap3A_194 = arith.constant 0 : index
    %swap3A_195 = arith.constant 130000 : index
    %swap3A_196 = vector.load %arg4[%swap3A_194, %swap3A_195] : memref<5x320000xf32, #tpu.memory_space<vmem>>, vector<1x5000xf32>
    %swap3A_197 = vector.shape_cast %swap3A_196 : vector<1x5000xf32> to vector<5000xf32>
    %swap3A_198 = vector.shape_cast %squeeze3A_193 : vector<5000xf32> to vector<1x5000xf32>
    tpu.vector_store %arg4[%swap3A_194, %swap3A_195], %swap3A_198 {strides = array<i32>} : memref<5x320000xf32, #tpu.memory_space<vmem>>, vector<1x5000xf32>,
    %slice3A_199 = vector.extract_strided_slice %dot_general3A_12 {offsets = [27, 0], sizes = [1, 5000], strides = [1, 1]} : vector<64x5000xf32> to vector<1x5000xf32>
    %squeeze3A_200 = vector.shape_cast %slice3A_199 : vector<1x5000xf32> to vector<5000xf32>
    %swap3A_201 = arith.constant 0 : index
    %swap3A_202 = arith.constant 135000 : index
    %swap3A_203 = vector.load %arg4[%swap3A_201, %swap3A_202] : memref<5x320000xf32, #tpu.memory_space<vmem>>, vector<1x5000xf32>
    %swap3A_204 = vector.shape_cast %swap3A_203 : vector<1x5000xf32> to vector<5000xf32>
    %swap3A_205 = vector.shape_cast %squeeze3A_200 : vector<5000xf32> to vector<1x5000xf32>
    tpu.vector_store %arg4[%swap3A_201, %swap3A_202], %swap3A_205 {strides = array<i32>} : memref<5x320000xf32, #tpu.memory_space<vmem>>, vector<1x5000xf32>,
    %slice3A_206 = vector.extract_strided_slice %dot_general3A_12 {offsets = [28, 0], sizes = [1, 5000], strides = [1, 1]} : vector<64x5000xf32> to vector<1x5000xf32>
    %squeeze3A_207 = vector.shape_cast %slice3A_206 : vector<1x5000xf32> to vector<5000xf32>
    %swap3A_208 = arith.constant 0 : index
    %swap3A_209 = arith.constant 140000 : index
    %swap3A_210 = vector.load %arg4[%swap3A_208, %swap3A_209] : memref<5x320000xf32, #tpu.memory_space<vmem>>, vector<1x5000xf32>
    %swap3A_211 = vector.shape_cast %swap3A_210 : vector<1x5000xf32> to vector<5000xf32>
    %swap3A_212 = vector.shape_cast %squeeze3A_207 : vector<5000xf32> to vector<1x5000xf32>
    tpu.vector_store %arg4[%swap3A_208, %swap3A_209], %swap3A_212 {strides = array<i32>} : memref<5x320000xf32, #tpu.memory_space<vmem>>, vector<1x5000xf32>,
    %slice3A_213 = vector.extract_strided_slice %dot_general3A_12 {offsets = [29, 0], sizes = [1, 5000], strides = [1, 1]} : vector<64x5000xf32> to vector<1x5000xf32>
    %squeeze3A_214 = vector.shape_cast %slice3A_213 : vector<1x5000xf32> to vector<5000xf32>
    %swap3A_215 = arith.constant 0 : index
    %swap3A_216 = arith.constant 145000 : index
    %swap3A_217 = vector.load %arg4[%swap3A_215, %swap3A_216] : memref<5x320000xf32, #tpu.memory_space<vmem>>, vector<1x5000xf32>
    %swap3A_218 = vector.shape_cast %swap3A_217 : vector<1x5000xf32> to vector<5000xf32>
    %swap3A_219 = vector.shape_cast %squeeze3A_214 : vector<5000xf32> to vector<1x5000xf32>
    tpu.vector_store %arg4[%swap3A_215, %swap3A_216], %swap3A_219 {strides = array<i32>} : memref<5x320000xf32, #tpu.memory_space<vmem>>, vector<1x5000xf32>,
    %slice3A_220 = vector.extract_strided_slice %dot_general3A_12 {offsets = [30, 0], sizes = [1, 5000], strides = [1, 1]} : vector<64x5000xf32> to vector<1x5000xf32>
    %squeeze3A_221 = vector.shape_cast %slice3A_220 : vector<1x5000xf32> to vector<5000xf32>
    %swap3A_222 = arith.constant 0 : index
    %swap3A_223 = arith.constant 150000 : index
    %swap3A_224 = vector.load %arg4[%swap3A_222, %swap3A_223] : memref<5x320000xf32, #tpu.memory_space<vmem>>, vector<1x5000xf32>
    %swap3A_225 = vector.shape_cast %swap3A_224 : vector<1x5000xf32> to vector<5000xf32>
    %swap3A_226 = vector.shape_cast %squeeze3A_221 : vector<5000xf32> to vector<1x5000xf32>
    tpu.vector_store %arg4[%swap3A_222, %swap3A_223], %swap3A_226 {strides = array<i32>} : memref<5x320000xf32, #tpu.memory_space<vmem>>, vector<1x5000xf32>,
    %slice3A_227 = vector.extract_strided_slice %dot_general3A_12 {offsets = [31, 0], sizes = [1, 5000], strides = [1, 1]} : vector<64x5000xf32> to vector<1x5000xf32>
    %squeeze3A_228 = vector.shape_cast %slice3A_227 : vector<1x5000xf32> to vector<5000xf32>
    %swap3A_229 = arith.constant 0 : index
    %swap3A_230 = arith.constant 155000 : index
    %swap3A_231 = vector.load %arg4[%swap3A_229, %swap3A_230] : memref<5x320000xf32, #tpu.memory_space<vmem>>, vector<1x5000xf32>
    %swap3A_232 = vector.shape_cast %swap3A_231 : vector<1x5000xf32> to vector<5000xf32>
    %swap3A_233 = vector.shape_cast %squeeze3A_228 : vector<5000xf32> to vector<1x5000xf32>
    tpu.vector_store %arg4[%swap3A_229, %swap3A_230], %swap3A_233 {strides = array<i32>} : memref<5x320000xf32, #tpu.memory_space<vmem>>, vector<1x5000xf32>,
    %slice3A_234 = vector.extract_strided_slice %dot_general3A_12 {offsets = [32, 0], sizes = [1, 5000], strides = [1, 1]} : vector<64x5000xf32> to vector<1x5000xf32>
    %squeeze3A_235 = vector.shape_cast %slice3A_234 : vector<1x5000xf32> to vector<5000xf32>
    %swap3A_236 = arith.constant 0 : index
    %swap3A_237 = arith.constant 160000 : index
    %swap3A_238 = vector.load %arg4[%swap3A_236, %swap3A_237] : memref<5x320000xf32, #tpu.memory_space<vmem>>, vector<1x5000xf32>
    %swap3A_239 = vector.shape_cast %swap3A_238 : vector<1x5000xf32> to vector<5000xf32>
    %swap3A_240 = vector.shape_cast %squeeze3A_235 : vector<5000xf32> to vector<1x5000xf32>
    tpu.vector_store %arg4[%swap3A_236, %swap3A_237], %swap3A_240 {strides = array<i32>} : memref<5x320000xf32, #tpu.memory_space<vmem>>, vector<1x5000xf32>,
    %slice3A_241 = vector.extract_strided_slice %dot_general3A_12 {offsets = [33, 0], sizes = [1, 5000], strides = [1, 1]} : vector<64x5000xf32> to vector<1x5000xf32>
    %squeeze3A_242 = vector.shape_cast %slice3A_241 : vector<1x5000xf32> to vector<5000xf32>
    %swap3A_243 = arith.constant 0 : index
    %swap3A_244 = arith.constant 165000 : index
    %swap3A_245 = vector.load %arg4[%swap3A_243, %swap3A_244] : memref<5x320000xf32, #tpu.memory_space<vmem>>, vector<1x5000xf32>
    %swap3A_246 = vector.shape_cast %swap3A_245 : vector<1x5000xf32> to vector<5000xf32>
    %swap3A_247 = vector.shape_cast %squeeze3A_242 : vector<5000xf32> to vector<1x5000xf32>
    tpu.vector_store %arg4[%swap3A_243, %swap3A_244], %swap3A_247 {strides = array<i32>} : memref<5x320000xf32, #tpu.memory_space<vmem>>, vector<1x5000xf32>,
    %slice3A_248 = vector.extract_strided_slice %dot_general3A_12 {offsets = [34, 0], sizes = [1, 5000], strides = [1, 1]} : vector<64x5000xf32> to vector<1x5000xf32>
    %squeeze3A_249 = vector.shape_cast %slice3A_248 : vector<1x5000xf32> to vector<5000xf32>
    %swap3A_250 = arith.constant 0 : index
    %swap3A_251 = arith.constant 170000 : index
    %swap3A_252 = vector.load %arg4[%swap3A_250, %swap3A_251] : memref<5x320000xf32, #tpu.memory_space<vmem>>, vector<1x5000xf32>
    %swap3A_253 = vector.shape_cast %swap3A_252 : vector<1x5000xf32> to vector<5000xf32>
    %swap3A_254 = vector.shape_cast %squeeze3A_249 : vector<5000xf32> to vector<1x5000xf32>
    tpu.vector_store %arg4[%swap3A_250, %swap3A_251], %swap3A_254 {strides = array<i32>} : memref<5x320000xf32, #tpu.memory_space<vmem>>, vector<1x5000xf32>,
    %slice3A_255 = vector.extract_strided_slice %dot_general3A_12 {offsets = [35, 0], sizes = [1, 5000], strides = [1, 1]} : vector<64x5000xf32> to vector<1x5000xf32>
    %squeeze3A_256 = vector.shape_cast %slice3A_255 : vector<1x5000xf32> to vector<5000xf32>
    %swap3A_257 = arith.constant 0 : index
    %swap3A_258 = arith.constant 175000 : index
    %swap3A_259 = vector.load %arg4[%swap3A_257, %swap3A_258] : memref<5x320000xf32, #tpu.memory_space<vmem>>, vector<1x5000xf32>
    %swap3A_260 = vector.shape_cast %swap3A_259 : vector<1x5000xf32> to vector<5000xf32>
    %swap3A_261 = vector.shape_cast %squeeze3A_256 : vector<5000xf32> to vector<1x5000xf32>
    tpu.vector_store %arg4[%swap3A_257, %swap3A_258], %swap3A_261 {strides = array<i32>} : memref<5x320000xf32, #tpu.memory_space<vmem>>, vector<1x5000xf32>,
    %slice3A_262 = vector.extract_strided_slice %dot_general3A_12 {offsets = [36, 0], sizes = [1, 5000], strides = [1, 1]} : vector<64x5000xf32> to vector<1x5000xf32>
    %squeeze3A_263 = vector.shape_cast %slice3A_262 : vector<1x5000xf32> to vector<5000xf32>
    %swap3A_264 = arith.constant 0 : index
    %swap3A_265 = arith.constant 180000 : index
    %swap3A_266 = vector.load %arg4[%swap3A_264, %swap3A_265] : memref<5x320000xf32, #tpu.memory_space<vmem>>, vector<1x5000xf32>
    %swap3A_267 = vector.shape_cast %swap3A_266 : vector<1x5000xf32> to vector<5000xf32>
    %swap3A_268 = vector.shape_cast %squeeze3A_263 : vector<5000xf32> to vector<1x5000xf32>
    tpu.vector_store %arg4[%swap3A_264, %swap3A_265], %swap3A_268 {strides = array<i32>} : memref<5x320000xf32, #tpu.memory_space<vmem>>, vector<1x5000xf32>,
    %slice3A_269 = vector.extract_strided_slice %dot_general3A_12 {offsets = [37, 0], sizes = [1, 5000], strides = [1, 1]} : vector<64x5000xf32> to vector<1x5000xf32>
    %squeeze3A_270 = vector.shape_cast %slice3A_269 : vector<1x5000xf32> to vector<5000xf32>
    %swap3A_271 = arith.constant 0 : index
    %swap3A_272 = arith.constant 185000 : index
    %swap3A_273 = vector.load %arg4[%swap3A_271, %swap3A_272] : memref<5x320000xf32, #tpu.memory_space<vmem>>, vector<1x5000xf32>
    %swap3A_274 = vector.shape_cast %swap3A_273 : vector<1x5000xf32> to vector<5000xf32>
    %swap3A_275 = vector.shape_cast %squeeze3A_270 : vector<5000xf32> to vector<1x5000xf32>
    tpu.vector_store %arg4[%swap3A_271, %swap3A_272], %swap3A_275 {strides = array<i32>} : memref<5x320000xf32, #tpu.memory_space<vmem>>, vector<1x5000xf32>,
    %slice3A_276 = vector.extract_strided_slice %dot_general3A_12 {offsets = [38, 0], sizes = [1, 5000], strides = [1, 1]} : vector<64x5000xf32> to vector<1x5000xf32>
    %squeeze3A_277 = vector.shape_cast %slice3A_276 : vector<1x5000xf32> to vector<5000xf32>
    %swap3A_278 = arith.constant 0 : index
    %swap3A_279 = arith.constant 190000 : index
    %swap3A_280 = vector.load %arg4[%swap3A_278, %swap3A_279] : memref<5x320000xf32, #tpu.memory_space<vmem>>, vector<1x5000xf32>
    %swap3A_281 = vector.shape_cast %swap3A_280 : vector<1x5000xf32> to vector<5000xf32>
    %swap3A_282 = vector.shape_cast %squeeze3A_277 : vector<5000xf32> to vector<1x5000xf32>
    tpu.vector_store %arg4[%swap3A_278, %swap3A_279], %swap3A_282 {strides = array<i32>} : memref<5x320000xf32, #tpu.memory_space<vmem>>, vector<1x5000xf32>,
    %slice3A_283 = vector.extract_strided_slice %dot_general3A_12 {offsets = [39, 0], sizes = [1, 5000], strides = [1, 1]} : vector<64x5000xf32> to vector<1x5000xf32>
    %squeeze3A_284 = vector.shape_cast %slice3A_283 : vector<1x5000xf32> to vector<5000xf32>
    %swap3A_285 = arith.constant 0 : index
    %swap3A_286 = arith.constant 195000 : index
    %swap3A_287 = vector.load %arg4[%swap3A_285, %swap3A_286] : memref<5x320000xf32, #tpu.memory_space<vmem>>, vector<1x5000xf32>
    %swap3A_288 = vector.shape_cast %swap3A_287 : vector<1x5000xf32> to vector<5000xf32>
    %swap3A_289 = vector.shape_cast %squeeze3A_284 : vector<5000xf32> to vector<1x5000xf32>
    tpu.vector_store %arg4[%swap3A_285, %swap3A_286], %swap3A_289 {strides = array<i32>} : memref<5x320000xf32, #tpu.memory_space<vmem>>, vector<1x5000xf32>,
    %slice3A_290 = vector.extract_strided_slice %dot_general3A_12 {offsets = [40, 0], sizes = [1, 5000], strides = [1, 1]} : vector<64x5000xf32> to vector<1x5000xf32>
    %squeeze3A_291 = vector.shape_cast %slice3A_290 : vector<1x5000xf32> to vector<5000xf32>
    %swap3A_292 = arith.constant 0 : index
    %swap3A_293 = arith.constant 200000 : index
    %swap3A_294 = vector.load %arg4[%swap3A_292, %swap3A_293] : memref<5x320000xf32, #tpu.memory_space<vmem>>, vector<1x5000xf32>
    %swap3A_295 = vector.shape_cast %swap3A_294 : vector<1x5000xf32> to vector<5000xf32>
    %swap3A_296 = vector.shape_cast %squeeze3A_291 : vector<5000xf32> to vector<1x5000xf32>
    tpu.vector_store %arg4[%swap3A_292, %swap3A_293], %swap3A_296 {strides = array<i32>} : memref<5x320000xf32, #tpu.memory_space<vmem>>, vector<1x5000xf32>,
    %slice3A_297 = vector.extract_strided_slice %dot_general3A_12 {offsets = [41, 0], sizes = [1, 5000], strides = [1, 1]} : vector<64x5000xf32> to vector<1x5000xf32>
    %squeeze3A_298 = vector.shape_cast %slice3A_297 : vector<1x5000xf32> to vector<5000xf32>
    %swap3A_299 = arith.constant 0 : index
    %swap3A_300 = arith.constant 205000 : index
    %swap3A_301 = vector.load %arg4[%swap3A_299, %swap3A_300] : memref<5x320000xf32, #tpu.memory_space<vmem>>, vector<1x5000xf32>
    %swap3A_302 = vector.shape_cast %swap3A_301 : vector<1x5000xf32> to vector<5000xf32>
    %swap3A_303 = vector.shape_cast %squeeze3A_298 : vector<5000xf32> to vector<1x5000xf32>
    tpu.vector_store %arg4[%swap3A_299, %swap3A_300], %swap3A_303 {strides = array<i32>} : memref<5x320000xf32, #tpu.memory_space<vmem>>, vector<1x5000xf32>,
    %slice3A_304 = vector.extract_strided_slice %dot_general3A_12 {offsets = [42, 0], sizes = [1, 5000], strides = [1, 1]} : vector<64x5000xf32> to vector<1x5000xf32>
    %squeeze3A_305 = vector.shape_cast %slice3A_304 : vector<1x5000xf32> to vector<5000xf32>
    %swap3A_306 = arith.constant 0 : index
    %swap3A_307 = arith.constant 210000 : index
    %swap3A_308 = vector.load %arg4[%swap3A_306, %swap3A_307] : memref<5x320000xf32, #tpu.memory_space<vmem>>, vector<1x5000xf32>
    %swap3A_309 = vector.shape_cast %swap3A_308 : vector<1x5000xf32> to vector<5000xf32>
    %swap3A_310 = vector.shape_cast %squeeze3A_305 : vector<5000xf32> to vector<1x5000xf32>
    tpu.vector_store %arg4[%swap3A_306, %swap3A_307], %swap3A_310 {strides = array<i32>} : memref<5x320000xf32, #tpu.memory_space<vmem>>, vector<1x5000xf32>,
    %slice3A_311 = vector.extract_strided_slice %dot_general3A_12 {offsets = [43, 0], sizes = [1, 5000], strides = [1, 1]} : vector<64x5000xf32> to vector<1x5000xf32>
    %squeeze3A_312 = vector.shape_cast %slice3A_311 : vector<1x5000xf32> to vector<5000xf32>
    %swap3A_313 = arith.constant 0 : index
    %swap3A_314 = arith.constant 215000 : index
    %swap3A_315 = vector.load %arg4[%swap3A_313, %swap3A_314] : memref<5x320000xf32, #tpu.memory_space<vmem>>, vector<1x5000xf32>
    %swap3A_316 = vector.shape_cast %swap3A_315 : vector<1x5000xf32> to vector<5000xf32>
    %swap3A_317 = vector.shape_cast %squeeze3A_312 : vector<5000xf32> to vector<1x5000xf32>
    tpu.vector_store %arg4[%swap3A_313, %swap3A_314], %swap3A_317 {strides = array<i32>} : memref<5x320000xf32, #tpu.memory_space<vmem>>, vector<1x5000xf32>,
    %slice3A_318 = vector.extract_strided_slice %dot_general3A_12 {offsets = [44, 0], sizes = [1, 5000], strides = [1, 1]} : vector<64x5000xf32> to vector<1x5000xf32>
    %squeeze3A_319 = vector.shape_cast %slice3A_318 : vector<1x5000xf32> to vector<5000xf32>
    %swap3A_320 = arith.constant 0 : index
    %swap3A_321 = arith.constant 220000 : index
    %swap3A_322 = vector.load %arg4[%swap3A_320, %swap3A_321] : memref<5x320000xf32, #tpu.memory_space<vmem>>, vector<1x5000xf32>
    %swap3A_323 = vector.shape_cast %swap3A_322 : vector<1x5000xf32> to vector<5000xf32>
    %swap3A_324 = vector.shape_cast %squeeze3A_319 : vector<5000xf32> to vector<1x5000xf32>
    tpu.vector_store %arg4[%swap3A_320, %swap3A_321], %swap3A_324 {strides = array<i32>} : memref<5x320000xf32, #tpu.memory_space<vmem>>, vector<1x5000xf32>,
    %slice3A_325 = vector.extract_strided_slice %dot_general3A_12 {offsets = [45, 0], sizes = [1, 5000], strides = [1, 1]} : vector<64x5000xf32> to vector<1x5000xf32>
    %squeeze3A_326 = vector.shape_cast %slice3A_325 : vector<1x5000xf32> to vector<5000xf32>
    %swap3A_327 = arith.constant 0 : index
    %swap3A_328 = arith.constant 225000 : index
    %swap3A_329 = vector.load %arg4[%swap3A_327, %swap3A_328] : memref<5x320000xf32, #tpu.memory_space<vmem>>, vector<1x5000xf32>
    %swap3A_330 = vector.shape_cast %swap3A_329 : vector<1x5000xf32> to vector<5000xf32>
    %swap3A_331 = vector.shape_cast %squeeze3A_326 : vector<5000xf32> to vector<1x5000xf32>
    tpu.vector_store %arg4[%swap3A_327, %swap3A_328], %swap3A_331 {strides = array<i32>} : memref<5x320000xf32, #tpu.memory_space<vmem>>, vector<1x5000xf32>,
    %slice3A_332 = vector.extract_strided_slice %dot_general3A_12 {offsets = [46, 0], sizes = [1, 5000], strides = [1, 1]} : vector<64x5000xf32> to vector<1x5000xf32>
    %squeeze3A_333 = vector.shape_cast %slice3A_332 : vector<1x5000xf32> to vector<5000xf32>
    %swap3A_334 = arith.constant 0 : index
    %swap3A_335 = arith.constant 230000 : index
    %swap3A_336 = vector.load %arg4[%swap3A_334, %swap3A_335] : memref<5x320000xf32, #tpu.memory_space<vmem>>, vector<1x5000xf32>
    %swap3A_337 = vector.shape_cast %swap3A_336 : vector<1x5000xf32> to vector<5000xf32>
    %swap3A_338 = vector.shape_cast %squeeze3A_333 : vector<5000xf32> to vector<1x5000xf32>
    tpu.vector_store %arg4[%swap3A_334, %swap3A_335], %swap3A_338 {strides = array<i32>} : memref<5x320000xf32, #tpu.memory_space<vmem>>, vector<1x5000xf32>,
    %slice3A_339 = vector.extract_strided_slice %dot_general3A_12 {offsets = [47, 0], sizes = [1, 5000], strides = [1, 1]} : vector<64x5000xf32> to vector<1x5000xf32>
    %squeeze3A_340 = vector.shape_cast %slice3A_339 : vector<1x5000xf32> to vector<5000xf32>
    %swap3A_341 = arith.constant 0 : index
    %swap3A_342 = arith.constant 235000 : index
    %swap3A_343 = vector.load %arg4[%swap3A_341, %swap3A_342] : memref<5x320000xf32, #tpu.memory_space<vmem>>, vector<1x5000xf32>
    %swap3A_344 = vector.shape_cast %swap3A_343 : vector<1x5000xf32> to vector<5000xf32>
    %swap3A_345 = vector.shape_cast %squeeze3A_340 : vector<5000xf32> to vector<1x5000xf32>
    tpu.vector_store %arg4[%swap3A_341, %swap3A_342], %swap3A_345 {strides = array<i32>} : memref<5x320000xf32, #tpu.memory_space<vmem>>, vector<1x5000xf32>,
    %slice3A_346 = vector.extract_strided_slice %dot_general3A_12 {offsets = [48, 0], sizes = [1, 5000], strides = [1, 1]} : vector<64x5000xf32> to vector<1x5000xf32>
    %squeeze3A_347 = vector.shape_cast %slice3A_346 : vector<1x5000xf32> to vector<5000xf32>
    %swap3A_348 = arith.constant 0 : index
    %swap3A_349 = arith.constant 240000 : index
    %swap3A_350 = vector.load %arg4[%swap3A_348, %swap3A_349] : memref<5x320000xf32, #tpu.memory_space<vmem>>, vector<1x5000xf32>
    %swap3A_351 = vector.shape_cast %swap3A_350 : vector<1x5000xf32> to vector<5000xf32>
    %swap3A_352 = vector.shape_cast %squeeze3A_347 : vector<5000xf32> to vector<1x5000xf32>
    tpu.vector_store %arg4[%swap3A_348, %swap3A_349], %swap3A_352 {strides = array<i32>} : memref<5x320000xf32, #tpu.memory_space<vmem>>, vector<1x5000xf32>,
    %slice3A_353 = vector.extract_strided_slice %dot_general3A_12 {offsets = [49, 0], sizes = [1, 5000], strides = [1, 1]} : vector<64x5000xf32> to vector<1x5000xf32>
    %squeeze3A_354 = vector.shape_cast %slice3A_353 : vector<1x5000xf32> to vector<5000xf32>
    %swap3A_355 = arith.constant 0 : index
    %swap3A_356 = arith.constant 245000 : index
    %swap3A_357 = vector.load %arg4[%swap3A_355, %swap3A_356] : memref<5x320000xf32, #tpu.memory_space<vmem>>, vector<1x5000xf32>
    %swap3A_358 = vector.shape_cast %swap3A_357 : vector<1x5000xf32> to vector<5000xf32>
    %swap3A_359 = vector.shape_cast %squeeze3A_354 : vector<5000xf32> to vector<1x5000xf32>
    tpu.vector_store %arg4[%swap3A_355, %swap3A_356], %swap3A_359 {strides = array<i32>} : memref<5x320000xf32, #tpu.memory_space<vmem>>, vector<1x5000xf32>,
    %slice3A_360 = vector.extract_strided_slice %dot_general3A_12 {offsets = [50, 0], sizes = [1, 5000], strides = [1, 1]} : vector<64x5000xf32> to vector<1x5000xf32>
    %squeeze3A_361 = vector.shape_cast %slice3A_360 : vector<1x5000xf32> to vector<5000xf32>
    %swap3A_362 = arith.constant 0 : index
    %swap3A_363 = arith.constant 250000 : index
    %swap3A_364 = vector.load %arg4[%swap3A_362, %swap3A_363] : memref<5x320000xf32, #tpu.memory_space<vmem>>, vector<1x5000xf32>
    %swap3A_365 = vector.shape_cast %swap3A_364 : vector<1x5000xf32> to vector<5000xf32>
    %swap3A_366 = vector.shape_cast %squeeze3A_361 : vector<5000xf32> to vector<1x5000xf32>
    tpu.vector_store %arg4[%swap3A_362, %swap3A_363], %swap3A_366 {strides = array<i32>} : memref<5x320000xf32, #tpu.memory_space<vmem>>, vector<1x5000xf32>,
    %slice3A_367 = vector.extract_strided_slice %dot_general3A_12 {offsets = [51, 0], sizes = [1, 5000], strides = [1, 1]} : vector<64x5000xf32> to vector<1x5000xf32>
    %squeeze3A_368 = vector.shape_cast %slice3A_367 : vector<1x5000xf32> to vector<5000xf32>
    %swap3A_369 = arith.constant 0 : index
    %swap3A_370 = arith.constant 255000 : index
    %swap3A_371 = vector.load %arg4[%swap3A_369, %swap3A_370] : memref<5x320000xf32, #tpu.memory_space<vmem>>, vector<1x5000xf32>
    %swap3A_372 = vector.shape_cast %swap3A_371 : vector<1x5000xf32> to vector<5000xf32>
    %swap3A_373 = vector.shape_cast %squeeze3A_368 : vector<5000xf32> to vector<1x5000xf32>
    tpu.vector_store %arg4[%swap3A_369, %swap3A_370], %swap3A_373 {strides = array<i32>} : memref<5x320000xf32, #tpu.memory_space<vmem>>, vector<1x5000xf32>,
    %slice3A_374 = vector.extract_strided_slice %dot_general3A_12 {offsets = [52, 0], sizes = [1, 5000], strides = [1, 1]} : vector<64x5000xf32> to vector<1x5000xf32>
    %squeeze3A_375 = vector.shape_cast %slice3A_374 : vector<1x5000xf32> to vector<5000xf32>
    %swap3A_376 = arith.constant 0 : index
    %swap3A_377 = arith.constant 260000 : index
    %swap3A_378 = vector.load %arg4[%swap3A_376, %swap3A_377] : memref<5x320000xf32, #tpu.memory_space<vmem>>, vector<1x5000xf32>
    %swap3A_379 = vector.shape_cast %swap3A_378 : vector<1x5000xf32> to vector<5000xf32>
    %swap3A_380 = vector.shape_cast %squeeze3A_375 : vector<5000xf32> to vector<1x5000xf32>
    tpu.vector_store %arg4[%swap3A_376, %swap3A_377], %swap3A_380 {strides = array<i32>} : memref<5x320000xf32, #tpu.memory_space<vmem>>, vector<1x5000xf32>,
    %slice3A_381 = vector.extract_strided_slice %dot_general3A_12 {offsets = [53, 0], sizes = [1, 5000], strides = [1, 1]} : vector<64x5000xf32> to vector<1x5000xf32>
    %squeeze3A_382 = vector.shape_cast %slice3A_381 : vector<1x5000xf32> to vector<5000xf32>
    %swap3A_383 = arith.constant 0 : index
    %swap3A_384 = arith.constant 265000 : index
    %swap3A_385 = vector.load %arg4[%swap3A_383, %swap3A_384] : memref<5x320000xf32, #tpu.memory_space<vmem>>, vector<1x5000xf32>
    %swap3A_386 = vector.shape_cast %swap3A_385 : vector<1x5000xf32> to vector<5000xf32>
    %swap3A_387 = vector.shape_cast %squeeze3A_382 : vector<5000xf32> to vector<1x5000xf32>
    tpu.vector_store %arg4[%swap3A_383, %swap3A_384], %swap3A_387 {strides = array<i32>} : memref<5x320000xf32, #tpu.memory_space<vmem>>, vector<1x5000xf32>,
    %slice3A_388 = vector.extract_strided_slice %dot_general3A_12 {offsets = [54, 0], sizes = [1, 5000], strides = [1, 1]} : vector<64x5000xf32> to vector<1x5000xf32>
    %squeeze3A_389 = vector.shape_cast %slice3A_388 : vector<1x5000xf32> to vector<5000xf32>
    %swap3A_390 = arith.constant 0 : index
    %swap3A_391 = arith.constant 270000 : index
    %swap3A_392 = vector.load %arg4[%swap3A_390, %swap3A_391] : memref<5x320000xf32, #tpu.memory_space<vmem>>, vector<1x5000xf32>
    %swap3A_393 = vector.shape_cast %swap3A_392 : vector<1x5000xf32> to vector<5000xf32>
    %swap3A_394 = vector.shape_cast %squeeze3A_389 : vector<5000xf32> to vector<1x5000xf32>
    tpu.vector_store %arg4[%swap3A_390, %swap3A_391], %swap3A_394 {strides = array<i32>} : memref<5x320000xf32, #tpu.memory_space<vmem>>, vector<1x5000xf32>,
    %slice3A_395 = vector.extract_strided_slice %dot_general3A_12 {offsets = [55, 0], sizes = [1, 5000], strides = [1, 1]} : vector<64x5000xf32> to vector<1x5000xf32>
    %squeeze3A_396 = vector.shape_cast %slice3A_395 : vector<1x5000xf32> to vector<5000xf32>
    %swap3A_397 = arith.constant 0 : index
    %swap3A_398 = arith.constant 275000 : index
    %swap3A_399 = vector.load %arg4[%swap3A_397, %swap3A_398] : memref<5x320000xf32, #tpu.memory_space<vmem>>, vector<1x5000xf32>
    %swap3A_400 = vector.shape_cast %swap3A_399 : vector<1x5000xf32> to vector<5000xf32>
    %swap3A_401 = vector.shape_cast %squeeze3A_396 : vector<5000xf32> to vector<1x5000xf32>
    tpu.vector_store %arg4[%swap3A_397, %swap3A_398], %swap3A_401 {strides = array<i32>} : memref<5x320000xf32, #tpu.memory_space<vmem>>, vector<1x5000xf32>,
    %slice3A_402 = vector.extract_strided_slice %dot_general3A_12 {offsets = [56, 0], sizes = [1, 5000], strides = [1, 1]} : vector<64x5000xf32> to vector<1x5000xf32>
    %squeeze3A_403 = vector.shape_cast %slice3A_402 : vector<1x5000xf32> to vector<5000xf32>
    %swap3A_404 = arith.constant 0 : index
    %swap3A_405 = arith.constant 280000 : index
    %swap3A_406 = vector.load %arg4[%swap3A_404, %swap3A_405] : memref<5x320000xf32, #tpu.memory_space<vmem>>, vector<1x5000xf32>
    %swap3A_407 = vector.shape_cast %swap3A_406 : vector<1x5000xf32> to vector<5000xf32>
    %swap3A_408 = vector.shape_cast %squeeze3A_403 : vector<5000xf32> to vector<1x5000xf32>
    tpu.vector_store %arg4[%swap3A_404, %swap3A_405], %swap3A_408 {strides = array<i32>} : memref<5x320000xf32, #tpu.memory_space<vmem>>, vector<1x5000xf32>,
    %slice3A_409 = vector.extract_strided_slice %dot_general3A_12 {offsets = [57, 0], sizes = [1, 5000], strides = [1, 1]} : vector<64x5000xf32> to vector<1x5000xf32>
    %squeeze3A_410 = vector.shape_cast %slice3A_409 : vector<1x5000xf32> to vector<5000xf32>
    %swap3A_411 = arith.constant 0 : index
    %swap3A_412 = arith.constant 285000 : index
    %swap3A_413 = vector.load %arg4[%swap3A_411, %swap3A_412] : memref<5x320000xf32, #tpu.memory_space<vmem>>, vector<1x5000xf32>
    %swap3A_414 = vector.shape_cast %swap3A_413 : vector<1x5000xf32> to vector<5000xf32>
    %swap3A_415 = vector.shape_cast %squeeze3A_410 : vector<5000xf32> to vector<1x5000xf32>
    tpu.vector_store %arg4[%swap3A_411, %swap3A_412], %swap3A_415 {strides = array<i32>} : memref<5x320000xf32, #tpu.memory_space<vmem>>, vector<1x5000xf32>,
    %slice3A_416 = vector.extract_strided_slice %dot_general3A_12 {offsets = [58, 0], sizes = [1, 5000], strides = [1, 1]} : vector<64x5000xf32> to vector<1x5000xf32>
    %squeeze3A_417 = vector.shape_cast %slice3A_416 : vector<1x5000xf32> to vector<5000xf32>
    %swap3A_418 = arith.constant 0 : index
    %swap3A_419 = arith.constant 290000 : index
    %swap3A_420 = vector.load %arg4[%swap3A_418, %swap3A_419] : memref<5x320000xf32, #tpu.memory_space<vmem>>, vector<1x5000xf32>
    %swap3A_421 = vector.shape_cast %swap3A_420 : vector<1x5000xf32> to vector<5000xf32>
    %swap3A_422 = vector.shape_cast %squeeze3A_417 : vector<5000xf32> to vector<1x5000xf32>
    tpu.vector_store %arg4[%swap3A_418, %swap3A_419], %swap3A_422 {strides = array<i32>} : memref<5x320000xf32, #tpu.memory_space<vmem>>, vector<1x5000xf32>,
    %slice3A_423 = vector.extract_strided_slice %dot_general3A_12 {offsets = [59, 0], sizes = [1, 5000], strides = [1, 1]} : vector<64x5000xf32> to vector<1x5000xf32>
    %squeeze3A_424 = vector.shape_cast %slice3A_423 : vector<1x5000xf32> to vector<5000xf32>
    %swap3A_425 = arith.constant 0 : index
    %swap3A_426 = arith.constant 295000 : index
    %swap3A_427 = vector.load %arg4[%swap3A_425, %swap3A_426] : memref<5x320000xf32, #tpu.memory_space<vmem>>, vector<1x5000xf32>
    %swap3A_428 = vector.shape_cast %swap3A_427 : vector<1x5000xf32> to vector<5000xf32>
    %swap3A_429 = vector.shape_cast %squeeze3A_424 : vector<5000xf32> to vector<1x5000xf32>
    tpu.vector_store %arg4[%swap3A_425, %swap3A_426], %swap3A_429 {strides = array<i32>} : memref<5x320000xf32, #tpu.memory_space<vmem>>, vector<1x5000xf32>,
    %slice3A_430 = vector.extract_strided_slice %dot_general3A_12 {offsets = [60, 0], sizes = [1, 5000], strides = [1, 1]} : vector<64x5000xf32> to vector<1x5000xf32>
    %squeeze3A_431 = vector.shape_cast %slice3A_430 : vector<1x5000xf32> to vector<5000xf32>
    %swap3A_432 = arith.constant 0 : index
    %swap3A_433 = arith.constant 300000 : index
    %swap3A_434 = vector.load %arg4[%swap3A_432, %swap3A_433] : memref<5x320000xf32, #tpu.memory_space<vmem>>, vector<1x5000xf32>
    %swap3A_435 = vector.shape_cast %swap3A_434 : vector<1x5000xf32> to vector<5000xf32>
    %swap3A_436 = vector.shape_cast %squeeze3A_431 : vector<5000xf32> to vector<1x5000xf32>
    tpu.vector_store %arg4[%swap3A_432, %swap3A_433], %swap3A_436 {strides = array<i32>} : memref<5x320000xf32, #tpu.memory_space<vmem>>, vector<1x5000xf32>,
    %slice3A_437 = vector.extract_strided_slice %dot_general3A_12 {offsets = [61, 0], sizes = [1, 5000], strides = [1, 1]} : vector<64x5000xf32> to vector<1x5000xf32>
    %squeeze3A_438 = vector.shape_cast %slice3A_437 : vector<1x5000xf32> to vector<5000xf32>
    %swap3A_439 = arith.constant 0 : index
    %swap3A_440 = arith.constant 305000 : index
    %swap3A_441 = vector.load %arg4[%swap3A_439, %swap3A_440] : memref<5x320000xf32, #tpu.memory_space<vmem>>, vector<1x5000xf32>
    %swap3A_442 = vector.shape_cast %swap3A_441 : vector<1x5000xf32> to vector<5000xf32>
    %swap3A_443 = vector.shape_cast %squeeze3A_438 : vector<5000xf32> to vector<1x5000xf32>
    tpu.vector_store %arg4[%swap3A_439, %swap3A_440], %swap3A_443 {strides = array<i32>} : memref<5x320000xf32, #tpu.memory_space<vmem>>, vector<1x5000xf32>,
    %slice3A_444 = vector.extract_strided_slice %dot_general3A_12 {offsets = [62, 0], sizes = [1, 5000], strides = [1, 1]} : vector<64x5000xf32> to vector<1x5000xf32>
    %squeeze3A_445 = vector.shape_cast %slice3A_444 : vector<1x5000xf32> to vector<5000xf32>
    %swap3A_446 = arith.constant 0 : index
    %swap3A_447 = arith.constant 310000 : index
    %swap3A_448 = vector.load %arg4[%swap3A_446, %swap3A_447] : memref<5x320000xf32, #tpu.memory_space<vmem>>, vector<1x5000xf32>
    %swap3A_449 = vector.shape_cast %swap3A_448 : vector<1x5000xf32> to vector<5000xf32>
    %swap3A_450 = vector.shape_cast %squeeze3A_445 : vector<5000xf32> to vector<1x5000xf32>
    tpu.vector_store %arg4[%swap3A_446, %swap3A_447], %swap3A_450 {strides = array<i32>} : memref<5x320000xf32, #tpu.memory_space<vmem>>, vector<1x5000xf32>,
    %slice3A_451 = vector.extract_strided_slice %dot_general3A_12 {offsets = [63, 0], sizes = [1, 5000], strides = [1, 1]} : vector<64x5000xf32> to vector<1x5000xf32>
    %squeeze3A_452 = vector.shape_cast %slice3A_451 : vector<1x5000xf32> to vector<5000xf32>
    %swap3A_453 = arith.constant 0 : index
    %swap3A_454 = arith.constant 315000 : index
    %swap3A_455 = vector.load %arg4[%swap3A_453, %swap3A_454] : memref<5x320000xf32, #tpu.memory_space<vmem>>, vector<1x5000xf32>
    %swap3A_456 = vector.shape_cast %swap3A_455 : vector<1x5000xf32> to vector<5000xf32>
    %swap3A_457 = vector.shape_cast %squeeze3A_452 : vector<5000xf32> to vector<1x5000xf32>
    tpu.vector_store %arg4[%swap3A_453, %swap3A_454], %swap3A_457 {strides = array<i32>} : memref<5x320000xf32, #tpu.memory_space<vmem>>, vector<1x5000xf32>,
    %get3A_458 = arith.constant 0 : index
    %get3A_459 = arith.constant 0 : index
    %get3A_460 = vector.load %arg1[%get3A_458, %get3A_459] : memref<64x32xf32, #tpu.memory_space<vmem>>, vector<64x32xf32>
    %get3A_461 = arith.constant 1 : index
    %get3A_462 = arith.constant 0 : index
    %get3A_463 = arith.constant 0 : index
    %get3A_464 = vector.load %arg3[%get3A_461, %get3A_462, %get3A_463] : memref<5x32x32xf32, #tpu.memory_space<vmem>>, vector<1x32x32xf32>
    %get3A_465 = vector.shape_cast %get3A_464 : vector<1x32x32xf32> to vector<32x32xf32>
    %dot_general3A_466 = arith.constant dense<0.000000e+00> : vector<64x32xf32>
    %dot_general3A_467 = tpu.matmul %get3A_460, %get3A_465, %dot_general3A_466 {dimension_numbers = #tpu.dot_dimension_numbers<[1], [0], [0], [1], [0, 0, 1, 1], [], []>, transpose_lhs_hint = false} : vector<64x32xf32>, vector<32x32xf32>, vector<64x32xf32> -> vector<64x32xf32>
    %get3A_468 = arith.constant 0 : index
    %get3A_469 = arith.constant 0 : index
    %get3A_470 = vector.load %arg2[%get3A_468, %get3A_469] : memref<5000x32xf32, #tpu.memory_space<vmem>>, vector<5000x32xf32>
    %dot_general3A_471 = arith.constant dense<0.000000e+00> : vector<64x5000xf32>
    %dot_general3A_472 = tpu.matmul %dot_general3A_467, %get3A_470, %dot_general3A_471 {dimension_numbers = #tpu.dot_dimension_numbers<[1], [1], [0], [0], [0, 0, 1, 0], [], []>, transpose_lhs_hint = false} : vector<64x32xf32>, vector<5000x32xf32>, vector<64x5000xf32> -> vector<64x5000xf32>
    %slice3A_473 = vector.extract_strided_slice %dot_general3A_472 {offsets = [0, 0], sizes = [1, 5000], strides = [1, 1]} : vector<64x5000xf32> to vector<1x5000xf32>
    %squeeze3A_474 = vector.shape_cast %slice3A_473 : vector<1x5000xf32> to vector<5000xf32>
    %swap3A_475 = arith.constant 1 : index
    %swap3A_476 = arith.constant 0 : index
    %swap3A_477 = vector.load %arg4[%swap3A_475, %swap3A_476] : memref<5x320000xf32, #tpu.memory_space<vmem>>, vector<1x5000xf32>
    %swap3A_478 = vector.shape_cast %swap3A_477 : vector<1x5000xf32> to vector<5000xf32>
    %swap3A_479 = vector.shape_cast %squeeze3A_474 : vector<5000xf32> to vector<1x5000xf32>
    tpu.vector_store %arg4[%swap3A_475, %swap3A_476], %swap3A_479 {strides = array<i32>} : memref<5x320000xf32, #tpu.memory_space<vmem>>, vector<1x5000xf32>,
    %slice3A_480 = vector.extract_strided_slice %dot_general3A_472 {offsets = [1, 0], sizes = [1, 5000], strides = [1, 1]} : vector<64x5000xf32> to vector<1x5000xf32>
    %squeeze3A_481 = vector.shape_cast %slice3A_480 : vector<1x5000xf32> to vector<5000xf32>
    %swap3A_482 = arith.constant 1 : index
    %swap3A_483 = arith.constant 5000 : index
    %swap3A_484 = vector.load %arg4[%swap3A_482, %swap3A_483] : memref<5x320000xf32, #tpu.memory_space<vmem>>, vector<1x5000xf32>
    %swap3A_485 = vector.shape_cast %swap3A_484 : vector<1x5000xf32> to vector<5000xf32>
    %swap3A_486 = vector.shape_cast %squeeze3A_481 : vector<5000xf32> to vector<1x5000xf32>
    tpu.vector_store %arg4[%swap3A_482, %swap3A_483], %swap3A_486 {strides = array<i32>} : memref<5x320000xf32, #tpu.memory_space<vmem>>, vector<1x5000xf32>,
    %slice3A_487 = vector.extract_strided_slice %dot_general3A_472 {offsets = [2, 0], sizes = [1, 5000], strides = [1, 1]} : vector<64x5000xf32> to vector<1x5000xf32>
    %squeeze3A_488 = vector.shape_cast %slice3A_487 : vector<1x5000xf32> to vector<5000xf32>
    %swap3A_489 = arith.constant 1 : index
    %swap3A_490 = arith.constant 10000 : index
    %swap3A_491 = vector.load %arg4[%swap3A_489, %swap3A_490] : memref<5x320000xf32, #tpu.memory_space<vmem>>, vector<1x5000xf32>
    %swap3A_492 = vector.shape_cast %swap3A_491 : vector<1x5000xf32> to vector<5000xf32>
    %swap3A_493 = vector.shape_cast %squeeze3A_488 : vector<5000xf32> to vector<1x5000xf32>
    tpu.vector_store %arg4[%swap3A_489, %swap3A_490], %swap3A_493 {strides = array<i32>} : memref<5x320000xf32, #tpu.memory_space<vmem>>, vector<1x5000xf32>,
    %slice3A_494 = vector.extract_strided_slice %dot_general3A_472 {offsets = [3, 0], sizes = [1, 5000], strides = [1, 1]} : vector<64x5000xf32> to vector<1x5000xf32>
    %squeeze3A_495 = vector.shape_cast %slice3A_494 : vector<1x5000xf32> to vector<5000xf32>
    %swap3A_496 = arith.constant 1 : index
    %swap3A_497 = arith.constant 15000 : index
    %swap3A_498 = vector.load %arg4[%swap3A_496, %swap3A_497] : memref<5x320000xf32, #tpu.memory_space<vmem>>, vector<1x5000xf32>
    %swap3A_499 = vector.shape_cast %swap3A_498 : vector<1x5000xf32> to vector<5000xf32>
    %swap3A_500 = vector.shape_cast %squeeze3A_495 : vector<5000xf32> to vector<1x5000xf32>
    tpu.vector_store %arg4[%swap3A_496, %swap3A_497], %swap3A_500 {strides = array<i32>} : memref<5x320000xf32, #tpu.memory_space<vmem>>, vector<1x5000xf32>,
    %slice3A_501 = vector.extract_strided_slice %dot_general3A_472 {offsets = [4, 0], sizes = [1, 5000], strides = [1, 1]} : vector<64x5000xf32> to vector<1x5000xf32>
    %squeeze3A_502 = vector.shape_cast %slice3A_501 : vector<1x5000xf32> to vector<5000xf32>
    %swap3A_503 = arith.constant 1 : index
    %swap3A_504 = arith.constant 20000 : index
    %swap3A_505 = vector.load %arg4[%swap3A_503, %swap3A_504] : memref<5x320000xf32, #tpu.memory_space<vmem>>, vector<1x5000xf32>
    %swap3A_506 = vector.shape_cast %swap3A_505 : vector<1x5000xf32> to vector<5000xf32>
    %swap3A_507 = vector.shape_cast %squeeze3A_502 : vector<5000xf32> to vector<1x5000xf32>
    tpu.vector_store %arg4[%swap3A_503, %swap3A_504], %swap3A_507 {strides = array<i32>} : memref<5x320000xf32, #tpu.memory_space<vmem>>, vector<1x5000xf32>,
    %slice3A_508 = vector.extract_strided_slice %dot_general3A_472 {offsets = [5, 0], sizes = [1, 5000], strides = [1, 1]} : vector<64x5000xf32> to vector<1x5000xf32>
    %squeeze3A_509 = vector.shape_cast %slice3A_508 : vector<1x5000xf32> to vector<5000xf32>
    %swap3A_510 = arith.constant 1 : index
    %swap3A_511 = arith.constant 25000 : index
    %swap3A_512 = vector.load %arg4[%swap3A_510, %swap3A_511] : memref<5x320000xf32, #tpu.memory_space<vmem>>, vector<1x5000xf32>
    %swap3A_513 = vector.shape_cast %swap3A_512 : vector<1x5000xf32> to vector<5000xf32>
    %swap3A_514 = vector.shape_cast %squeeze3A_509 : vector<5000xf32> to vector<1x5000xf32>
    tpu.vector_store %arg4[%swap3A_510, %swap3A_511], %swap3A_514 {strides = array<i32>} : memref<5x320000xf32, #tpu.memory_space<vmem>>, vector<1x5000xf32>,
    %slice3A_515 = vector.extract_strided_slice %dot_general3A_472 {offsets = [6, 0], sizes = [1, 5000], strides = [1, 1]} : vector<64x5000xf32> to vector<1x5000xf32>
    %squeeze3A_516 = vector.shape_cast %slice3A_515 : vector<1x5000xf32> to vector<5000xf32>
    %swap3A_517 = arith.constant 1 : index
    %swap3A_518 = arith.constant 30000 : index
    %swap3A_519 = vector.load %arg4[%swap3A_517, %swap3A_518] : memref<5x320000xf32, #tpu.memory_space<vmem>>, vector<1x5000xf32>
    %swap3A_520 = vector.shape_cast %swap3A_519 : vector<1x5000xf32> to vector<5000xf32>
    %swap3A_521 = vector.shape_cast %squeeze3A_516 : vector<5000xf32> to vector<1x5000xf32>
    tpu.vector_store %arg4[%swap3A_517, %swap3A_518], %swap3A_521 {strides = array<i32>} : memref<5x320000xf32, #tpu.memory_space<vmem>>, vector<1x5000xf32>,
    %slice3A_522 = vector.extract_strided_slice %dot_general3A_472 {offsets = [7, 0], sizes = [1, 5000], strides = [1, 1]} : vector<64x5000xf32> to vector<1x5000xf32>
    %squeeze3A_523 = vector.shape_cast %slice3A_522 : vector<1x5000xf32> to vector<5000xf32>
    %swap3A_524 = arith.constant 1 : index
    %swap3A_525 = arith.constant 35000 : index
    %swap3A_526 = vector.load %arg4[%swap3A_524, %swap3A_525] : memref<5x320000xf32, #tpu.memory_space<vmem>>, vector<1x5000xf32>
    %swap3A_527 = vector.shape_cast %swap3A_526 : vector<1x5000xf32> to vector<5000xf32>
    %swap3A_528 = vector.shape_cast %squeeze3A_523 : vector<5000xf32> to vector<1x5000xf32>
    tpu.vector_store %arg4[%swap3A_524, %swap3A_525], %swap3A_528 {strides = array<i32>} : memref<5x320000xf32, #tpu.memory_space<vmem>>, vector<1x5000xf32>,
    %slice3A_529 = vector.extract_strided_slice %dot_general3A_472 {offsets = [8, 0], sizes = [1, 5000], strides = [1, 1]} : vector<64x5000xf32> to vector<1x5000xf32>
    %squeeze3A_530 = vector.shape_cast %slice3A_529 : vector<1x5000xf32> to vector<5000xf32>
    %swap3A_531 = arith.constant 1 : index
    %swap3A_532 = arith.constant 40000 : index
    %swap3A_533 = vector.load %arg4[%swap3A_531, %swap3A_532] : memref<5x320000xf32, #tpu.memory_space<vmem>>, vector<1x5000xf32>
    %swap3A_534 = vector.shape_cast %swap3A_533 : vector<1x5000xf32> to vector<5000xf32>
    %swap3A_535 = vector.shape_cast %squeeze3A_530 : vector<5000xf32> to vector<1x5000xf32>
    tpu.vector_store %arg4[%swap3A_531, %swap3A_532], %swap3A_535 {strides = array<i32>} : memref<5x320000xf32, #tpu.memory_space<vmem>>, vector<1x5000xf32>,
    %slice3A_536 = vector.extract_strided_slice %dot_general3A_472 {offsets = [9, 0], sizes = [1, 5000], strides = [1, 1]} : vector<64x5000xf32> to vector<1x5000xf32>
    %squeeze3A_537 = vector.shape_cast %slice3A_536 : vector<1x5000xf32> to vector<5000xf32>
    %swap3A_538 = arith.constant 1 : index
    %swap3A_539 = arith.constant 45000 : index
    %swap3A_540 = vector.load %arg4[%swap3A_538, %swap3A_539] : memref<5x320000xf32, #tpu.memory_space<vmem>>, vector<1x5000xf32>
    %swap3A_541 = vector.shape_cast %swap3A_540 : vector<1x5000xf32> to vector<5000xf32>
    %swap3A_542 = vector.shape_cast %squeeze3A_537 : vector<5000xf32> to vector<1x5000xf32>
    tpu.vector_store %arg4[%swap3A_538, %swap3A_539], %swap3A_542 {strides = array<i32>} : memref<5x320000xf32, #tpu.memory_space<vmem>>, vector<1x5000xf32>,
    %slice3A_543 = vector.extract_strided_slice %dot_general3A_472 {offsets = [10, 0], sizes = [1, 5000], strides = [1, 1]} : vector<64x5000xf32> to vector<1x5000xf32>
    %squeeze3A_544 = vector.shape_cast %slice3A_543 : vector<1x5000xf32> to vector<5000xf32>
    %swap3A_545 = arith.constant 1 : index
    %swap3A_546 = arith.constant 50000 : index
    %swap3A_547 = vector.load %arg4[%swap3A_545, %swap3A_546] : memref<5x320000xf32, #tpu.memory_space<vmem>>, vector<1x5000xf32>
    %swap3A_548 = vector.shape_cast %swap3A_547 : vector<1x5000xf32> to vector<5000xf32>
    %swap3A_549 = vector.shape_cast %squeeze3A_544 : vector<5000xf32> to vector<1x5000xf32>
    tpu.vector_store %arg4[%swap3A_545, %swap3A_546], %swap3A_549 {strides = array<i32>} : memref<5x320000xf32, #tpu.memory_space<vmem>>, vector<1x5000xf32>,
    %slice3A_550 = vector.extract_strided_slice %dot_general3A_472 {offsets = [11, 0], sizes = [1, 5000], strides = [1, 1]} : vector<64x5000xf32> to vector<1x5000xf32>
    %squeeze3A_551 = vector.shape_cast %slice3A_550 : vector<1x5000xf32> to vector<5000xf32>
    %swap3A_552 = arith.constant 1 : index
    %swap3A_553 = arith.constant 55000 : index
    %swap3A_554 = vector.load %arg4[%swap3A_552, %swap3A_553] : memref<5x320000xf32, #tpu.memory_space<vmem>>, vector<1x5000xf32>
    %swap3A_555 = vector.shape_cast %swap3A_554 : vector<1x5000xf32> to vector<5000xf32>
    %swap3A_556 = vector.shape_cast %squeeze3A_551 : vector<5000xf32> to vector<1x5000xf32>
    tpu.vector_store %arg4[%swap3A_552, %swap3A_553], %swap3A_556 {strides = array<i32>} : memref<5x320000xf32, #tpu.memory_space<vmem>>, vector<1x5000xf32>,
    %slice3A_557 = vector.extract_strided_slice %dot_general3A_472 {offsets = [12, 0], sizes = [1, 5000], strides = [1, 1]} : vector<64x5000xf32> to vector<1x5000xf32>
    %squeeze3A_558 = vector.shape_cast %slice3A_557 : vector<1x5000xf32> to vector<5000xf32>
    %swap3A_559 = arith.constant 1 : index
    %swap3A_560 = arith.constant 60000 : index
    %swap3A_561 = vector.load %arg4[%swap3A_559, %swap3A_560] : memref<5x320000xf32, #tpu.memory_space<vmem>>, vector<1x5000xf32>
    %swap3A_562 = vector.shape_cast %swap3A_561 : vector<1x5000xf32> to vector<5000xf32>
    %swap3A_563 = vector.shape_cast %squeeze3A_558 : vector<5000xf32> to vector<1x5000xf32>
    tpu.vector_store %arg4[%swap3A_559, %swap3A_560], %swap3A_563 {strides = array<i32>} : memref<5x320000xf32, #tpu.memory_space<vmem>>, vector<1x5000xf32>,
    %slice3A_564 = vector.extract_strided_slice %dot_general3A_472 {offsets = [13, 0], sizes = [1, 5000], strides = [1, 1]} : vector<64x5000xf32> to vector<1x5000xf32>
    %squeeze3A_565 = vector.shape_cast %slice3A_564 : vector<1x5000xf32> to vector<5000xf32>
    %swap3A_566 = arith.constant 1 : index
    %swap3A_567 = arith.constant 65000 : index
    %swap3A_568 = vector.load %arg4[%swap3A_566, %swap3A_567] : memref<5x320000xf32, #tpu.memory_space<vmem>>, vector<1x5000xf32>
    %swap3A_569 = vector.shape_cast %swap3A_568 : vector<1x5000xf32> to vector<5000xf32>
    %swap3A_570 = vector.shape_cast %squeeze3A_565 : vector<5000xf32> to vector<1x5000xf32>
    tpu.vector_store %arg4[%swap3A_566, %swap3A_567], %swap3A_570 {strides = array<i32>} : memref<5x320000xf32, #tpu.memory_space<vmem>>, vector<1x5000xf32>,
    %slice3A_571 = vector.extract_strided_slice %dot_general3A_472 {offsets = [14, 0], sizes = [1, 5000], strides = [1, 1]} : vector<64x5000xf32> to vector<1x5000xf32>
    %squeeze3A_572 = vector.shape_cast %slice3A_571 : vector<1x5000xf32> to vector<5000xf32>
    %swap3A_573 = arith.constant 1 : index
    %swap3A_574 = arith.constant 70000 : index
    %swap3A_575 = vector.load %arg4[%swap3A_573, %swap3A_574] : memref<5x320000xf32, #tpu.memory_space<vmem>>, vector<1x5000xf32>
    %swap3A_576 = vector.shape_cast %swap3A_575 : vector<1x5000xf32> to vector<5000xf32>
    %swap3A_577 = vector.shape_cast %squeeze3A_572 : vector<5000xf32> to vector<1x5000xf32>
    tpu.vector_store %arg4[%swap3A_573, %swap3A_574], %swap3A_577 {strides = array<i32>} : memref<5x320000xf32, #tpu.memory_space<vmem>>, vector<1x5000xf32>,
    %slice3A_578 = vector.extract_strided_slice %dot_general3A_472 {offsets = [15, 0], sizes = [1, 5000], strides = [1, 1]} : vector<64x5000xf32> to vector<1x5000xf32>
    %squeeze3A_579 = vector.shape_cast %slice3A_578 : vector<1x5000xf32> to vector<5000xf32>
    %swap3A_580 = arith.constant 1 : index
    %swap3A_581 = arith.constant 75000 : index
    %swap3A_582 = vector.load %arg4[%swap3A_580, %swap3A_581] : memref<5x320000xf32, #tpu.memory_space<vmem>>, vector<1x5000xf32>
    %swap3A_583 = vector.shape_cast %swap3A_582 : vector<1x5000xf32> to vector<5000xf32>
    %swap3A_584 = vector.shape_cast %squeeze3A_579 : vector<5000xf32> to vector<1x5000xf32>
    tpu.vector_store %arg4[%swap3A_580, %swap3A_581], %swap3A_584 {strides = array<i32>} : memref<5x320000xf32, #tpu.memory_space<vmem>>, vector<1x5000xf32>,
    %slice3A_585 = vector.extract_strided_slice %dot_general3A_472 {offsets = [16, 0], sizes = [1, 5000], strides = [1, 1]} : vector<64x5000xf32> to vector<1x5000xf32>
    %squeeze3A_586 = vector.shape_cast %slice3A_585 : vector<1x5000xf32> to vector<5000xf32>
    %swap3A_587 = arith.constant 1 : index
    %swap3A_588 = arith.constant 80000 : index
    %swap3A_589 = vector.load %arg4[%swap3A_587, %swap3A_588] : memref<5x320000xf32, #tpu.memory_space<vmem>>, vector<1x5000xf32>
    %swap3A_590 = vector.shape_cast %swap3A_589 : vector<1x5000xf32> to vector<5000xf32>
    %swap3A_591 = vector.shape_cast %squeeze3A_586 : vector<5000xf32> to vector<1x5000xf32>
    tpu.vector_store %arg4[%swap3A_587, %swap3A_588], %swap3A_591 {strides = array<i32>} : memref<5x320000xf32, #tpu.memory_space<vmem>>, vector<1x5000xf32>,
    %slice3A_592 = vector.extract_strided_slice %dot_general3A_472 {offsets = [17, 0], sizes = [1, 5000], strides = [1, 1]} : vector<64x5000xf32> to vector<1x5000xf32>
    %squeeze3A_593 = vector.shape_cast %slice3A_592 : vector<1x5000xf32> to vector<5000xf32>
    %swap3A_594 = arith.constant 1 : index
    %swap3A_595 = arith.constant 85000 : index
    %swap3A_596 = vector.load %arg4[%swap3A_594, %swap3A_595] : memref<5x320000xf32, #tpu.memory_space<vmem>>, vector<1x5000xf32>
    %swap3A_597 = vector.shape_cast %swap3A_596 : vector<1x5000xf32> to vector<5000xf32>
    %swap3A_598 = vector.shape_cast %squeeze3A_593 : vector<5000xf32> to vector<1x5000xf32>
    tpu.vector_store %arg4[%swap3A_594, %swap3A_595], %swap3A_598 {strides = array<i32>} : memref<5x320000xf32, #tpu.memory_space<vmem>>, vector<1x5000xf32>,
    %slice3A_599 = vector.extract_strided_slice %dot_general3A_472 {offsets = [18, 0], sizes = [1, 5000], strides = [1, 1]} : vector<64x5000xf32> to vector<1x5000xf32>
    %squeeze3A_600 = vector.shape_cast %slice3A_599 : vector<1x5000xf32> to vector<5000xf32>
    %swap3A_601 = arith.constant 1 : index
    %swap3A_602 = arith.constant 90000 : index
    %swap3A_603 = vector.load %arg4[%swap3A_601, %swap3A_602] : memref<5x320000xf32, #tpu.memory_space<vmem>>, vector<1x5000xf32>
    %swap3A_604 = vector.shape_cast %swap3A_603 : vector<1x5000xf32> to vector<5000xf32>
    %swap3A_605 = vector.shape_cast %squeeze3A_600 : vector<5000xf32> to vector<1x5000xf32>
    tpu.vector_store %arg4[%swap3A_601, %swap3A_602], %swap3A_605 {strides = array<i32>} : memref<5x320000xf32, #tpu.memory_space<vmem>>, vector<1x5000xf32>,
    %slice3A_606 = vector.extract_strided_slice %dot_general3A_472 {offsets = [19, 0], sizes = [1, 5000], strides = [1, 1]} : vector<64x5000xf32> to vector<1x5000xf32>
    %squeeze3A_607 = vector.shape_cast %slice3A_606 : vector<1x5000xf32> to vector<5000xf32>
    %swap3A_608 = arith.constant 1 : index
    %swap3A_609 = arith.constant 95000 : index
    %swap3A_610 = vector.load %arg4[%swap3A_608, %swap3A_609] : memref<5x320000xf32, #tpu.memory_space<vmem>>, vector<1x5000xf32>
    %swap3A_611 = vector.shape_cast %swap3A_610 : vector<1x5000xf32> to vector<5000xf32>
    %swap3A_612 = vector.shape_cast %squeeze3A_607 : vector<5000xf32> to vector<1x5000xf32>
    tpu.vector_store %arg4[%swap3A_608, %swap3A_609], %swap3A_612 {strides = array<i32>} : memref<5x320000xf32, #tpu.memory_space<vmem>>, vector<1x5000xf32>,
    %slice3A_613 = vector.extract_strided_slice %dot_general3A_472 {offsets = [20, 0], sizes = [1, 5000], strides = [1, 1]} : vector<64x5000xf32> to vector<1x5000xf32>
    %squeeze3A_614 = vector.shape_cast %slice3A_613 : vector<1x5000xf32> to vector<5000xf32>
    %swap3A_615 = arith.constant 1 : index
    %swap3A_616 = arith.constant 100000 : index
    %swap3A_617 = vector.load %arg4[%swap3A_615, %swap3A_616] : memref<5x320000xf32, #tpu.memory_space<vmem>>, vector<1x5000xf32>
    %swap3A_618 = vector.shape_cast %swap3A_617 : vector<1x5000xf32> to vector<5000xf32>
    %swap3A_619 = vector.shape_cast %squeeze3A_614 : vector<5000xf32> to vector<1x5000xf32>
    tpu.vector_store %arg4[%swap3A_615, %swap3A_616], %swap3A_619 {strides = array<i32>} : memref<5x320000xf32, #tpu.memory_space<vmem>>, vector<1x5000xf32>,
    %slice3A_620 = vector.extract_strided_slice %dot_general3A_472 {offsets = [21, 0], sizes = [1, 5000], strides = [1, 1]} : vector<64x5000xf32> to vector<1x5000xf32>
    %squeeze3A_621 = vector.shape_cast %slice3A_620 : vector<1x5000xf32> to vector<5000xf32>
    %swap3A_622 = arith.constant 1 : index
    %swap3A_623 = arith.constant 105000 : index
    %swap3A_624 = vector.load %arg4[%swap3A_622, %swap3A_623] : memref<5x320000xf32, #tpu.memory_space<vmem>>, vector<1x5000xf32>
    %swap3A_625 = vector.shape_cast %swap3A_624 : vector<1x5000xf32> to vector<5000xf32>
    %swap3A_626 = vector.shape_cast %squeeze3A_621 : vector<5000xf32> to vector<1x5000xf32>
    tpu.vector_store %arg4[%swap3A_622, %swap3A_623], %swap3A_626 {strides = array<i32>} : memref<5x320000xf32, #tpu.memory_space<vmem>>, vector<1x5000xf32>,
    %slice3A_627 = vector.extract_strided_slice %dot_general3A_472 {offsets = [22, 0], sizes = [1, 5000], strides = [1, 1]} : vector<64x5000xf32> to vector<1x5000xf32>
    %squeeze3A_628 = vector.shape_cast %slice3A_627 : vector<1x5000xf32> to vector<5000xf32>
    %swap3A_629 = arith.constant 1 : index
    %swap3A_630 = arith.constant 110000 : index
    %swap3A_631 = vector.load %arg4[%swap3A_629, %swap3A_630] : memref<5x320000xf32, #tpu.memory_space<vmem>>, vector<1x5000xf32>
    %swap3A_632 = vector.shape_cast %swap3A_631 : vector<1x5000xf32> to vector<5000xf32>
    %swap3A_633 = vector.shape_cast %squeeze3A_628 : vector<5000xf32> to vector<1x5000xf32>
    tpu.vector_store %arg4[%swap3A_629, %swap3A_630], %swap3A_633 {strides = array<i32>} : memref<5x320000xf32, #tpu.memory_space<vmem>>, vector<1x5000xf32>,
    %slice3A_634 = vector.extract_strided_slice %dot_general3A_472 {offsets = [23, 0], sizes = [1, 5000], strides = [1, 1]} : vector<64x5000xf32> to vector<1x5000xf32>
    %squeeze3A_635 = vector.shape_cast %slice3A_634 : vector<1x5000xf32> to vector<5000xf32>
    %swap3A_636 = arith.constant 1 : index
    %swap3A_637 = arith.constant 115000 : index
    %swap3A_638 = vector.load %arg4[%swap3A_636, %swap3A_637] : memref<5x320000xf32, #tpu.memory_space<vmem>>, vector<1x5000xf32>
    %swap3A_639 = vector.shape_cast %swap3A_638 : vector<1x5000xf32> to vector<5000xf32>
    %swap3A_640 = vector.shape_cast %squeeze3A_635 : vector<5000xf32> to vector<1x5000xf32>
    tpu.vector_store %arg4[%swap3A_636, %swap3A_637], %swap3A_640 {strides = array<i32>} : memref<5x320000xf32, #tpu.memory_space<vmem>>, vector<1x5000xf32>,
    %slice3A_641 = vector.extract_strided_slice %dot_general3A_472 {offsets = [24, 0], sizes = [1, 5000], strides = [1, 1]} : vector<64x5000xf32> to vector<1x5000xf32>
    %squeeze3A_642 = vector.shape_cast %slice3A_641 : vector<1x5000xf32> to vector<5000xf32>
    %swap3A_643 = arith.constant 1 : index
    %swap3A_644 = arith.constant 120000 : index
    %swap3A_645 = vector.load %arg4[%swap3A_643, %swap3A_644] : memref<5x320000xf32, #tpu.memory_space<vmem>>, vector<1x5000xf32>
    %swap3A_646 = vector.shape_cast %swap3A_645 : vector<1x5000xf32> to vector<5000xf32>
    %swap3A_647 = vector.shape_cast %squeeze3A_642 : vector<5000xf32> to vector<1x5000xf32>
    tpu.vector_store %arg4[%swap3A_643, %swap3A_644], %swap3A_647 {strides = array<i32>} : memref<5x320000xf32, #tpu.memory_space<vmem>>, vector<1x5000xf32>,
    %slice3A_648 = vector.extract_strided_slice %dot_general3A_472 {offsets = [25, 0], sizes = [1, 5000], strides = [1, 1]} : vector<64x5000xf32> to vector<1x5000xf32>
    %squeeze3A_649 = vector.shape_cast %slice3A_648 : vector<1x5000xf32> to vector<5000xf32>
    %swap3A_650 = arith.constant 1 : index
    %swap3A_651 = arith.constant 125000 : index
    %swap3A_652 = vector.load %arg4[%swap3A_650, %swap3A_651] : memref<5x320000xf32, #tpu.memory_space<vmem>>, vector<1x5000xf32>
    %swap3A_653 = vector.shape_cast %swap3A_652 : vector<1x5000xf32> to vector<5000xf32>
    %swap3A_654 = vector.shape_cast %squeeze3A_649 : vector<5000xf32> to vector<1x5000xf32>
    tpu.vector_store %arg4[%swap3A_650, %swap3A_651], %swap3A_654 {strides = array<i32>} : memref<5x320000xf32, #tpu.memory_space<vmem>>, vector<1x5000xf32>,
    %slice3A_655 = vector.extract_strided_slice %dot_general3A_472 {offsets = [26, 0], sizes = [1, 5000], strides = [1, 1]} : vector<64x5000xf32> to vector<1x5000xf32>
    %squeeze3A_656 = vector.shape_cast %slice3A_655 : vector<1x5000xf32> to vector<5000xf32>
    %swap3A_657 = arith.constant 1 : index
    %swap3A_658 = arith.constant 130000 : index
    %swap3A_659 = vector.load %arg4[%swap3A_657, %swap3A_658] : memref<5x320000xf32, #tpu.memory_space<vmem>>, vector<1x5000xf32>
    %swap3A_660 = vector.shape_cast %swap3A_659 : vector<1x5000xf32> to vector<5000xf32>
    %swap3A_661 = vector.shape_cast %squeeze3A_656 : vector<5000xf32> to vector<1x5000xf32>
    tpu.vector_store %arg4[%swap3A_657, %swap3A_658], %swap3A_661 {strides = array<i32>} : memref<5x320000xf32, #tpu.memory_space<vmem>>, vector<1x5000xf32>,
    %slice3A_662 = vector.extract_strided_slice %dot_general3A_472 {offsets = [27, 0], sizes = [1, 5000], strides = [1, 1]} : vector<64x5000xf32> to vector<1x5000xf32>
    %squeeze3A_663 = vector.shape_cast %slice3A_662 : vector<1x5000xf32> to vector<5000xf32>
    %swap3A_664 = arith.constant 1 : index
    %swap3A_665 = arith.constant 135000 : index
    %swap3A_666 = vector.load %arg4[%swap3A_664, %swap3A_665] : memref<5x320000xf32, #tpu.memory_space<vmem>>, vector<1x5000xf32>
    %swap3A_667 = vector.shape_cast %swap3A_666 : vector<1x5000xf32> to vector<5000xf32>
    %swap3A_668 = vector.shape_cast %squeeze3A_663 : vector<5000xf32> to vector<1x5000xf32>
    tpu.vector_store %arg4[%swap3A_664, %swap3A_665], %swap3A_668 {strides = array<i32>} : memref<5x320000xf32, #tpu.memory_space<vmem>>, vector<1x5000xf32>,
    %slice3A_669 = vector.extract_strided_slice %dot_general3A_472 {offsets = [28, 0], sizes = [1, 5000], strides = [1, 1]} : vector<64x5000xf32> to vector<1x5000xf32>
    %squeeze3A_670 = vector.shape_cast %slice3A_669 : vector<1x5000xf32> to vector<5000xf32>
    %swap3A_671 = arith.constant 1 : index
    %swap3A_672 = arith.constant 140000 : index
    %swap3A_673 = vector.load %arg4[%swap3A_671, %swap3A_672] : memref<5x320000xf32, #tpu.memory_space<vmem>>, vector<1x5000xf32>
    %swap3A_674 = vector.shape_cast %swap3A_673 : vector<1x5000xf32> to vector<5000xf32>
    %swap3A_675 = vector.shape_cast %squeeze3A_670 : vector<5000xf32> to vector<1x5000xf32>
    tpu.vector_store %arg4[%swap3A_671, %swap3A_672], %swap3A_675 {strides = array<i32>} : memref<5x320000xf32, #tpu.memory_space<vmem>>, vector<1x5000xf32>,
    %slice3A_676 = vector.extract_strided_slice %dot_general3A_472 {offsets = [29, 0], sizes = [1, 5000], strides = [1, 1]} : vector<64x5000xf32> to vector<1x5000xf32>
    %squeeze3A_677 = vector.shape_cast %slice3A_676 : vector<1x5000xf32> to vector<5000xf32>
    %swap3A_678 = arith.constant 1 : index
    %swap3A_679 = arith.constant 145000 : index
    %swap3A_680 = vector.load %arg4[%swap3A_678, %swap3A_679] : memref<5x320000xf32, #tpu.memory_space<vmem>>, vector<1x5000xf32>
    %swap3A_681 = vector.shape_cast %swap3A_680 : vector<1x5000xf32> to vector<5000xf32>
    %swap3A_682 = vector.shape_cast %squeeze3A_677 : vector<5000xf32> to vector<1x5000xf32>
    tpu.vector_store %arg4[%swap3A_678, %swap3A_679], %swap3A_682 {strides = array<i32>} : memref<5x320000xf32, #tpu.memory_space<vmem>>, vector<1x5000xf32>,
    %slice3A_683 = vector.extract_strided_slice %dot_general3A_472 {offsets = [30, 0], sizes = [1, 5000], strides = [1, 1]} : vector<64x5000xf32> to vector<1x5000xf32>
    %squeeze3A_684 = vector.shape_cast %slice3A_683 : vector<1x5000xf32> to vector<5000xf32>
    %swap3A_685 = arith.constant 1 : index
    %swap3A_686 = arith.constant 150000 : index
    %swap3A_687 = vector.load %arg4[%swap3A_685, %swap3A_686] : memref<5x320000xf32, #tpu.memory_space<vmem>>, vector<1x5000xf32>
    %swap3A_688 = vector.shape_cast %swap3A_687 : vector<1x5000xf32> to vector<5000xf32>
    %swap3A_689 = vector.shape_cast %squeeze3A_684 : vector<5000xf32> to vector<1x5000xf32>
    tpu.vector_store %arg4[%swap3A_685, %swap3A_686], %swap3A_689 {strides = array<i32>} : memref<5x320000xf32, #tpu.memory_space<vmem>>, vector<1x5000xf32>,
    %slice3A_690 = vector.extract_strided_slice %dot_general3A_472 {offsets = [31, 0], sizes = [1, 5000], strides = [1, 1]} : vector<64x5000xf32> to vector<1x5000xf32>
    %squeeze3A_691 = vector.shape_cast %slice3A_690 : vector<1x5000xf32> to vector<5000xf32>
    %swap3A_692 = arith.constant 1 : index
    %swap3A_693 = arith.constant 155000 : index
    %swap3A_694 = vector.load %arg4[%swap3A_692, %swap3A_693] : memref<5x320000xf32, #tpu.memory_space<vmem>>, vector<1x5000xf32>
    %swap3A_695 = vector.shape_cast %swap3A_694 : vector<1x5000xf32> to vector<5000xf32>
    %swap3A_696 = vector.shape_cast %squeeze3A_691 : vector<5000xf32> to vector<1x5000xf32>
    tpu.vector_store %arg4[%swap3A_692, %swap3A_693], %swap3A_696 {strides = array<i32>} : memref<5x320000xf32, #tpu.memory_space<vmem>>, vector<1x5000xf32>,
    %slice3A_697 = vector.extract_strided_slice %dot_general3A_472 {offsets = [32, 0], sizes = [1, 5000], strides = [1, 1]} : vector<64x5000xf32> to vector<1x5000xf32>
    %squeeze3A_698 = vector.shape_cast %slice3A_697 : vector<1x5000xf32> to vector<5000xf32>
    %swap3A_699 = arith.constant 1 : index
    %swap3A_700 = arith.constant 160000 : index
    %swap3A_701 = vector.load %arg4[%swap3A_699, %swap3A_700] : memref<5x320000xf32, #tpu.memory_space<vmem>>, vector<1x5000xf32>
    %swap3A_702 = vector.shape_cast %swap3A_701 : vector<1x5000xf32> to vector<5000xf32>
    %swap3A_703 = vector.shape_cast %squeeze3A_698 : vector<5000xf32> to vector<1x5000xf32>
    tpu.vector_store %arg4[%swap3A_699, %swap3A_700], %swap3A_703 {strides = array<i32>} : memref<5x320000xf32, #tpu.memory_space<vmem>>, vector<1x5000xf32>,
    %slice3A_704 = vector.extract_strided_slice %dot_general3A_472 {offsets = [33, 0], sizes = [1, 5000], strides = [1, 1]} : vector<64x5000xf32> to vector<1x5000xf32>
    %squeeze3A_705 = vector.shape_cast %slice3A_704 : vector<1x5000xf32> to vector<5000xf32>
    %swap3A_706 = arith.constant 1 : index
    %swap3A_707 = arith.constant 165000 : index
    %swap3A_708 = vector.load %arg4[%swap3A_706, %swap3A_707] : memref<5x320000xf32, #tpu.memory_space<vmem>>, vector<1x5000xf32>
    %swap3A_709 = vector.shape_cast %swap3A_708 : vector<1x5000xf32> to vector<5000xf32>
    %swap3A_710 = vector.shape_cast %squeeze3A_705 : vector<5000xf32> to vector<1x5000xf32>
    tpu.vector_store %arg4[%swap3A_706, %swap3A_707], %swap3A_710 {strides = array<i32>} : memref<5x320000xf32, #tpu.memory_space<vmem>>, vector<1x5000xf32>,
    %slice3A_711 = vector.extract_strided_slice %dot_general3A_472 {offsets = [34, 0], sizes = [1, 5000], strides = [1, 1]} : vector<64x5000xf32> to vector<1x5000xf32>
    %squeeze3A_712 = vector.shape_cast %slice3A_711 : vector<1x5000xf32> to vector<5000xf32>
    %swap3A_713 = arith.constant 1 : index
    %swap3A_714 = arith.constant 170000 : index
    %swap3A_715 = vector.load %arg4[%swap3A_713, %swap3A_714] : memref<5x320000xf32, #tpu.memory_space<vmem>>, vector<1x5000xf32>
    %swap3A_716 = vector.shape_cast %swap3A_715 : vector<1x5000xf32> to vector<5000xf32>
    %swap3A_717 = vector.shape_cast %squeeze3A_712 : vector<5000xf32> to vector<1x5000xf32>
    tpu.vector_store %arg4[%swap3A_713, %swap3A_714], %swap3A_717 {strides = array<i32>} : memref<5x320000xf32, #tpu.memory_space<vmem>>, vector<1x5000xf32>,
    %slice3A_718 = vector.extract_strided_slice %dot_general3A_472 {offsets = [35, 0], sizes = [1, 5000], strides = [1, 1]} : vector<64x5000xf32> to vector<1x5000xf32>
    %squeeze3A_719 = vector.shape_cast %slice3A_718 : vector<1x5000xf32> to vector<5000xf32>
    %swap3A_720 = arith.constant 1 : index
    %swap3A_721 = arith.constant 175000 : index
    %swap3A_722 = vector.load %arg4[%swap3A_720, %swap3A_721] : memref<5x320000xf32, #tpu.memory_space<vmem>>, vector<1x5000xf32>
    %swap3A_723 = vector.shape_cast %swap3A_722 : vector<1x5000xf32> to vector<5000xf32>
    %swap3A_724 = vector.shape_cast %squeeze3A_719 : vector<5000xf32> to vector<1x5000xf32>
    tpu.vector_store %arg4[%swap3A_720, %swap3A_721], %swap3A_724 {strides = array<i32>} : memref<5x320000xf32, #tpu.memory_space<vmem>>, vector<1x5000xf32>,
    %slice3A_725 = vector.extract_strided_slice %dot_general3A_472 {offsets = [36, 0], sizes = [1, 5000], strides = [1, 1]} : vector<64x5000xf32> to vector<1x5000xf32>
    %squeeze3A_726 = vector.shape_cast %slice3A_725 : vector<1x5000xf32> to vector<5000xf32>
    %swap3A_727 = arith.constant 1 : index
    %swap3A_728 = arith.constant 180000 : index
    %swap3A_729 = vector.load %arg4[%swap3A_727, %swap3A_728] : memref<5x320000xf32, #tpu.memory_space<vmem>>, vector<1x5000xf32>
    %swap3A_730 = vector.shape_cast %swap3A_729 : vector<1x5000xf32> to vector<5000xf32>
    %swap3A_731 = vector.shape_cast %squeeze3A_726 : vector<5000xf32> to vector<1x5000xf32>
    tpu.vector_store %arg4[%swap3A_727, %swap3A_728], %swap3A_731 {strides = array<i32>} : memref<5x320000xf32, #tpu.memory_space<vmem>>, vector<1x5000xf32>,
    %slice3A_732 = vector.extract_strided_slice %dot_general3A_472 {offsets = [37, 0], sizes = [1, 5000], strides = [1, 1]} : vector<64x5000xf32> to vector<1x5000xf32>
    %squeeze3A_733 = vector.shape_cast %slice3A_732 : vector<1x5000xf32> to vector<5000xf32>
    %swap3A_734 = arith.constant 1 : index
    %swap3A_735 = arith.constant 185000 : index
    %swap3A_736 = vector.load %arg4[%swap3A_734, %swap3A_735] : memref<5x320000xf32, #tpu.memory_space<vmem>>, vector<1x5000xf32>
    %swap3A_737 = vector.shape_cast %swap3A_736 : vector<1x5000xf32> to vector<5000xf32>
    %swap3A_738 = vector.shape_cast %squeeze3A_733 : vector<5000xf32> to vector<1x5000xf32>
    tpu.vector_store %arg4[%swap3A_734, %swap3A_735], %swap3A_738 {strides = array<i32>} : memref<5x320000xf32, #tpu.memory_space<vmem>>, vector<1x5000xf32>,
    %slice3A_739 = vector.extract_strided_slice %dot_general3A_472 {offsets = [38, 0], sizes = [1, 5000], strides = [1, 1]} : vector<64x5000xf32> to vector<1x5000xf32>
    %squeeze3A_740 = vector.shape_cast %slice3A_739 : vector<1x5000xf32> to vector<5000xf32>
    %swap3A_741 = arith.constant 1 : index
    %swap3A_742 = arith.constant 190000 : index
    %swap3A_743 = vector.load %arg4[%swap3A_741, %swap3A_742] : memref<5x320000xf32, #tpu.memory_space<vmem>>, vector<1x5000xf32>
    %swap3A_744 = vector.shape_cast %swap3A_743 : vector<1x5000xf32> to vector<5000xf32>
    %swap3A_745 = vector.shape_cast %squeeze3A_740 : vector<5000xf32> to vector<1x5000xf32>
    tpu.vector_store %arg4[%swap3A_741, %swap3A_742], %swap3A_745 {strides = array<i32>} : memref<5x320000xf32, #tpu.memory_space<vmem>>, vector<1x5000xf32>,
    %slice3A_746 = vector.extract_strided_slice %dot_general3A_472 {offsets = [39, 0], sizes = [1, 5000], strides = [1, 1]} : vector<64x5000xf32> to vector<1x5000xf32>
    %squeeze3A_747 = vector.shape_cast %slice3A_746 : vector<1x5000xf32> to vector<5000xf32>
    %swap3A_748 = arith.constant 1 : index
    %swap3A_749 = arith.constant 195000 : index
    %swap3A_750 = vector.load %arg4[%swap3A_748, %swap3A_749] : memref<5x320000xf32, #tpu.memory_space<vmem>>, vector<1x5000xf32>
    %swap3A_751 = vector.shape_cast %swap3A_750 : vector<1x5000xf32> to vector<5000xf32>
    %swap3A_752 = vector.shape_cast %squeeze3A_747 : vector<5000xf32> to vector<1x5000xf32>
    tpu.vector_store %arg4[%swap3A_748, %swap3A_749], %swap3A_752 {strides = array<i32>} : memref<5x320000xf32, #tpu.memory_space<vmem>>, vector<1x5000xf32>,
    %slice3A_753 = vector.extract_strided_slice %dot_general3A_472 {offsets = [40, 0], sizes = [1, 5000], strides = [1, 1]} : vector<64x5000xf32> to vector<1x5000xf32>
    %squeeze3A_754 = vector.shape_cast %slice3A_753 : vector<1x5000xf32> to vector<5000xf32>
    %swap3A_755 = arith.constant 1 : index
    %swap3A_756 = arith.constant 200000 : index
    %swap3A_757 = vector.load %arg4[%swap3A_755, %swap3A_756] : memref<5x320000xf32, #tpu.memory_space<vmem>>, vector<1x5000xf32>
    %swap3A_758 = vector.shape_cast %swap3A_757 : vector<1x5000xf32> to vector<5000xf32>
    %swap3A_759 = vector.shape_cast %squeeze3A_754 : vector<5000xf32> to vector<1x5000xf32>
    tpu.vector_store %arg4[%swap3A_755, %swap3A_756], %swap3A_759 {strides = array<i32>} : memref<5x320000xf32, #tpu.memory_space<vmem>>, vector<1x5000xf32>,
    %slice3A_760 = vector.extract_strided_slice %dot_general3A_472 {offsets = [41, 0], sizes = [1, 5000], strides = [1, 1]} : vector<64x5000xf32> to vector<1x5000xf32>
    %squeeze3A_761 = vector.shape_cast %slice3A_760 : vector<1x5000xf32> to vector<5000xf32>
    %swap3A_762 = arith.constant 1 : index
    %swap3A_763 = arith.constant 205000 : index
    %swap3A_764 = vector.load %arg4[%swap3A_762, %swap3A_763] : memref<5x320000xf32, #tpu.memory_space<vmem>>, vector<1x5000xf32>
    %swap3A_765 = vector.shape_cast %swap3A_764 : vector<1x5000xf32> to vector<5000xf32>
    %swap3A_766 = vector.shape_cast %squeeze3A_761 : vector<5000xf32> to vector<1x5000xf32>
    tpu.vector_store %arg4[%swap3A_762, %swap3A_763], %swap3A_766 {strides = array<i32>} : memref<5x320000xf32, #tpu.memory_space<vmem>>, vector<1x5000xf32>,
    %slice3A_767 = vector.extract_strided_slice %dot_general3A_472 {offsets = [42, 0], sizes = [1, 5000], strides = [1, 1]} : vector<64x5000xf32> to vector<1x5000xf32>
    %squeeze3A_768 = vector.shape_cast %slice3A_767 : vector<1x5000xf32> to vector<5000xf32>
    %swap3A_769 = arith.constant 1 : index
    %swap3A_770 = arith.constant 210000 : index
    %swap3A_771 = vector.load %arg4[%swap3A_769, %swap3A_770] : memref<5x320000xf32, #tpu.memory_space<vmem>>, vector<1x5000xf32>
    %swap3A_772 = vector.shape_cast %swap3A_771 : vector<1x5000xf32> to vector<5000xf32>
    %swap3A_773 = vector.shape_cast %squeeze3A_768 : vector<5000xf32> to vector<1x5000xf32>
    tpu.vector_store %arg4[%swap3A_769, %swap3A_770], %swap3A_773 {strides = array<i32>} : memref<5x320000xf32, #tpu.memory_space<vmem>>, vector<1x5000xf32>,
    %slice3A_774 = vector.extract_strided_slice %dot_general3A_472 {offsets = [43, 0], sizes = [1, 5000], strides = [1, 1]} : vector<64x5000xf32> to vector<1x5000xf32>
    %squeeze3A_775 = vector.shape_cast %slice3A_774 : vector<1x5000xf32> to vector<5000xf32>
    %swap3A_776 = arith.constant 1 : index
    %swap3A_777 = arith.constant 215000 : index
    %swap3A_778 = vector.load %arg4[%swap3A_776, %swap3A_777] : memref<5x320000xf32, #tpu.memory_space<vmem>>, vector<1x5000xf32>
    %swap3A_779 = vector.shape_cast %swap3A_778 : vector<1x5000xf32> to vector<5000xf32>
    %swap3A_780 = vector.shape_cast %squeeze3A_775 : vector<5000xf32> to vector<1x5000xf32>
    tpu.vector_store %arg4[%swap3A_776, %swap3A_777], %swap3A_780 {strides = array<i32>} : memref<5x320000xf32, #tpu.memory_space<vmem>>, vector<1x5000xf32>,
    %slice3A_781 = vector.extract_strided_slice %dot_general3A_472 {offsets = [44, 0], sizes = [1, 5000], strides = [1, 1]} : vector<64x5000xf32> to vector<1x5000xf32>
    %squeeze3A_782 = vector.shape_cast %slice3A_781 : vector<1x5000xf32> to vector<5000xf32>
    %swap3A_783 = arith.constant 1 : index
    %swap3A_784 = arith.constant 220000 : index
    %swap3A_785 = vector.load %arg4[%swap3A_783, %swap3A_784] : memref<5x320000xf32, #tpu.memory_space<vmem>>, vector<1x5000xf32>
    %swap3A_786 = vector.shape_cast %swap3A_785 : vector<1x5000xf32> to vector<5000xf32>
    %swap3A_787 = vector.shape_cast %squeeze3A_782 : vector<5000xf32> to vector<1x5000xf32>
    tpu.vector_store %arg4[%swap3A_783, %swap3A_784], %swap3A_787 {strides = array<i32>} : memref<5x320000xf32, #tpu.memory_space<vmem>>, vector<1x5000xf32>,
    %slice3A_788 = vector.extract_strided_slice %dot_general3A_472 {offsets = [45, 0], sizes = [1, 5000], strides = [1, 1]} : vector<64x5000xf32> to vector<1x5000xf32>
    %squeeze3A_789 = vector.shape_cast %slice3A_788 : vector<1x5000xf32> to vector<5000xf32>
    %swap3A_790 = arith.constant 1 : index
    %swap3A_791 = arith.constant 225000 : index
    %swap3A_792 = vector.load %arg4[%swap3A_790, %swap3A_791] : memref<5x320000xf32, #tpu.memory_space<vmem>>, vector<1x5000xf32>
    %swap3A_793 = vector.shape_cast %swap3A_792 : vector<1x5000xf32> to vector<5000xf32>
    %swap3A_794 = vector.shape_cast %squeeze3A_789 : vector<5000xf32> to vector<1x5000xf32>
    tpu.vector_store %arg4[%swap3A_790, %swap3A_791], %swap3A_794 {strides = array<i32>} : memref<5x320000xf32, #tpu.memory_space<vmem>>, vector<1x5000xf32>,
    %slice3A_795 = vector.extract_strided_slice %dot_general3A_472 {offsets = [46, 0], sizes = [1, 5000], strides = [1, 1]} : vector<64x5000xf32> to vector<1x5000xf32>
    %squeeze3A_796 = vector.shape_cast %slice3A_795 : vector<1x5000xf32> to vector<5000xf32>
    %swap3A_797 = arith.constant 1 : index
    %swap3A_798 = arith.constant 230000 : index
    %swap3A_799 = vector.load %arg4[%swap3A_797, %swap3A_798] : memref<5x320000xf32, #tpu.memory_space<vmem>>, vector<1x5000xf32>
    %swap3A_800 = vector.shape_cast %swap3A_799 : vector<1x5000xf32> to vector<5000xf32>
    %swap3A_801 = vector.shape_cast %squeeze3A_796 : vector<5000xf32> to vector<1x5000xf32>
    tpu.vector_store %arg4[%swap3A_797, %swap3A_798], %swap3A_801 {strides = array<i32>} : memref<5x320000xf32, #tpu.memory_space<vmem>>, vector<1x5000xf32>,
    %slice3A_802 = vector.extract_strided_slice %dot_general3A_472 {offsets = [47, 0], sizes = [1, 5000], strides = [1, 1]} : vector<64x5000xf32> to vector<1x5000xf32>
    %squeeze3A_803 = vector.shape_cast %slice3A_802 : vector<1x5000xf32> to vector<5000xf32>
    %swap3A_804 = arith.constant 1 : index
    %swap3A_805 = arith.constant 235000 : index
    %swap3A_806 = vector.load %arg4[%swap3A_804, %swap3A_805] : memref<5x320000xf32, #tpu.memory_space<vmem>>, vector<1x5000xf32>
    %swap3A_807 = vector.shape_cast %swap3A_806 : vector<1x5000xf32> to vector<5000xf32>
    %swap3A_808 = vector.shape_cast %squeeze3A_803 : vector<5000xf32> to vector<1x5000xf32>
    tpu.vector_store %arg4[%swap3A_804, %swap3A_805], %swap3A_808 {strides = array<i32>} : memref<5x320000xf32, #tpu.memory_space<vmem>>, vector<1x5000xf32>,
    %slice3A_809 = vector.extract_strided_slice %dot_general3A_472 {offsets = [48, 0], sizes = [1, 5000], strides = [1, 1]} : vector<64x5000xf32> to vector<1x5000xf32>
    %squeeze3A_810 = vector.shape_cast %slice3A_809 : vector<1x5000xf32> to vector<5000xf32>
    %swap3A_811 = arith.constant 1 : index
    %swap3A_812 = arith.constant 240000 : index
    %swap3A_813 = vector.load %arg4[%swap3A_811, %swap3A_812] : memref<5x320000xf32, #tpu.memory_space<vmem>>, vector<1x5000xf32>
    %swap3A_814 = vector.shape_cast %swap3A_813 : vector<1x5000xf32> to vector<5000xf32>
    %swap3A_815 = vector.shape_cast %squeeze3A_810 : vector<5000xf32> to vector<1x5000xf32>
    tpu.vector_store %arg4[%swap3A_811, %swap3A_812], %swap3A_815 {strides = array<i32>} : memref<5x320000xf32, #tpu.memory_space<vmem>>, vector<1x5000xf32>,
    %slice3A_816 = vector.extract_strided_slice %dot_general3A_472 {offsets = [49, 0], sizes = [1, 5000], strides = [1, 1]} : vector<64x5000xf32> to vector<1x5000xf32>
    %squeeze3A_817 = vector.shape_cast %slice3A_816 : vector<1x5000xf32> to vector<5000xf32>
    %swap3A_818 = arith.constant 1 : index
    %swap3A_819 = arith.constant 245000 : index
    %swap3A_820 = vector.load %arg4[%swap3A_818, %swap3A_819] : memref<5x320000xf32, #tpu.memory_space<vmem>>, vector<1x5000xf32>
    %swap3A_821 = vector.shape_cast %swap3A_820 : vector<1x5000xf32> to vector<5000xf32>
    %swap3A_822 = vector.shape_cast %squeeze3A_817 : vector<5000xf32> to vector<1x5000xf32>
    tpu.vector_store %arg4[%swap3A_818, %swap3A_819], %swap3A_822 {strides = array<i32>} : memref<5x320000xf32, #tpu.memory_space<vmem>>, vector<1x5000xf32>,
    %slice3A_823 = vector.extract_strided_slice %dot_general3A_472 {offsets = [50, 0], sizes = [1, 5000], strides = [1, 1]} : vector<64x5000xf32> to vector<1x5000xf32>
    %squeeze3A_824 = vector.shape_cast %slice3A_823 : vector<1x5000xf32> to vector<5000xf32>
    %swap3A_825 = arith.constant 1 : index
    %swap3A_826 = arith.constant 250000 : index
    %swap3A_827 = vector.load %arg4[%swap3A_825, %swap3A_826] : memref<5x320000xf32, #tpu.memory_space<vmem>>, vector<1x5000xf32>
    %swap3A_828 = vector.shape_cast %swap3A_827 : vector<1x5000xf32> to vector<5000xf32>
    %swap3A_829 = vector.shape_cast %squeeze3A_824 : vector<5000xf32> to vector<1x5000xf32>
    tpu.vector_store %arg4[%swap3A_825, %swap3A_826], %swap3A_829 {strides = array<i32>} : memref<5x320000xf32, #tpu.memory_space<vmem>>, vector<1x5000xf32>,
    %slice3A_830 = vector.extract_strided_slice %dot_general3A_472 {offsets = [51, 0], sizes = [1, 5000], strides = [1, 1]} : vector<64x5000xf32> to vector<1x5000xf32>
    %squeeze3A_831 = vector.shape_cast %slice3A_830 : vector<1x5000xf32> to vector<5000xf32>
    %swap3A_832 = arith.constant 1 : index
    %swap3A_833 = arith.constant 255000 : index
    %swap3A_834 = vector.load %arg4[%swap3A_832, %swap3A_833] : memref<5x320000xf32, #tpu.memory_space<vmem>>, vector<1x5000xf32>
    %swap3A_835 = vector.shape_cast %swap3A_834 : vector<1x5000xf32> to vector<5000xf32>
    %swap3A_836 = vector.shape_cast %squeeze3A_831 : vector<5000xf32> to vector<1x5000xf32>
    tpu.vector_store %arg4[%swap3A_832, %swap3A_833], %swap3A_836 {strides = array<i32>} : memref<5x320000xf32, #tpu.memory_space<vmem>>, vector<1x5000xf32>,
    %slice3A_837 = vector.extract_strided_slice %dot_general3A_472 {offsets = [52, 0], sizes = [1, 5000], strides = [1, 1]} : vector<64x5000xf32> to vector<1x5000xf32>
    %squeeze3A_838 = vector.shape_cast %slice3A_837 : vector<1x5000xf32> to vector<5000xf32>
    %swap3A_839 = arith.constant 1 : index
    %swap3A_840 = arith.constant 260000 : index
    %swap3A_841 = vector.load %arg4[%swap3A_839, %swap3A_840] : memref<5x320000xf32, #tpu.memory_space<vmem>>, vector<1x5000xf32>
    %swap3A_842 = vector.shape_cast %swap3A_841 : vector<1x5000xf32> to vector<5000xf32>
    %swap3A_843 = vector.shape_cast %squeeze3A_838 : vector<5000xf32> to vector<1x5000xf32>
    tpu.vector_store %arg4[%swap3A_839, %swap3A_840], %swap3A_843 {strides = array<i32>} : memref<5x320000xf32, #tpu.memory_space<vmem>>, vector<1x5000xf32>,
    %slice3A_844 = vector.extract_strided_slice %dot_general3A_472 {offsets = [53, 0], sizes = [1, 5000], strides = [1, 1]} : vector<64x5000xf32> to vector<1x5000xf32>
    %squeeze3A_845 = vector.shape_cast %slice3A_844 : vector<1x5000xf32> to vector<5000xf32>
    %swap3A_846 = arith.constant 1 : index
    %swap3A_847 = arith.constant 265000 : index
    %swap3A_848 = vector.load %arg4[%swap3A_846, %swap3A_847] : memref<5x320000xf32, #tpu.memory_space<vmem>>, vector<1x5000xf32>
    %swap3A_849 = vector.shape_cast %swap3A_848 : vector<1x5000xf32> to vector<5000xf32>
    %swap3A_850 = vector.shape_cast %squeeze3A_845 : vector<5000xf32> to vector<1x5000xf32>
    tpu.vector_store %arg4[%swap3A_846, %swap3A_847], %swap3A_850 {strides = array<i32>} : memref<5x320000xf32, #tpu.memory_space<vmem>>, vector<1x5000xf32>,
    %slice3A_851 = vector.extract_strided_slice %dot_general3A_472 {offsets = [54, 0], sizes = [1, 5000], strides = [1, 1]} : vector<64x5000xf32> to vector<1x5000xf32>
    %squeeze3A_852 = vector.shape_cast %slice3A_851 : vector<1x5000xf32> to vector<5000xf32>
    %swap3A_853 = arith.constant 1 : index
    %swap3A_854 = arith.constant 270000 : index
    %swap3A_855 = vector.load %arg4[%swap3A_853, %swap3A_854] : memref<5x320000xf32, #tpu.memory_space<vmem>>, vector<1x5000xf32>
    %swap3A_856 = vector.shape_cast %swap3A_855 : vector<1x5000xf32> to vector<5000xf32>
    %swap3A_857 = vector.shape_cast %squeeze3A_852 : vector<5000xf32> to vector<1x5000xf32>
    tpu.vector_store %arg4[%swap3A_853, %swap3A_854], %swap3A_857 {strides = array<i32>} : memref<5x320000xf32, #tpu.memory_space<vmem>>, vector<1x5000xf32>,
    %slice3A_858 = vector.extract_strided_slice %dot_general3A_472 {offsets = [55, 0], sizes = [1, 5000], strides = [1, 1]} : vector<64x5000xf32> to vector<1x5000xf32>
    %squeeze3A_859 = vector.shape_cast %slice3A_858 : vector<1x5000xf32> to vector<5000xf32>
    %swap3A_860 = arith.constant 1 : index
    %swap3A_861 = arith.constant 275000 : index
    %swap3A_862 = vector.load %arg4[%swap3A_860, %swap3A_861] : memref<5x320000xf32, #tpu.memory_space<vmem>>, vector<1x5000xf32>
    %swap3A_863 = vector.shape_cast %swap3A_862 : vector<1x5000xf32> to vector<5000xf32>
    %swap3A_864 = vector.shape_cast %squeeze3A_859 : vector<5000xf32> to vector<1x5000xf32>
    tpu.vector_store %arg4[%swap3A_860, %swap3A_861], %swap3A_864 {strides = array<i32>} : memref<5x320000xf32, #tpu.memory_space<vmem>>, vector<1x5000xf32>,
    %slice3A_865 = vector.extract_strided_slice %dot_general3A_472 {offsets = [56, 0], sizes = [1, 5000], strides = [1, 1]} : vector<64x5000xf32> to vector<1x5000xf32>
    %squeeze3A_866 = vector.shape_cast %slice3A_865 : vector<1x5000xf32> to vector<5000xf32>
    %swap3A_867 = arith.constant 1 : index
    %swap3A_868 = arith.constant 280000 : index
    %swap3A_869 = vector.load %arg4[%swap3A_867, %swap3A_868] : memref<5x320000xf32, #tpu.memory_space<vmem>>, vector<1x5000xf32>
    %swap3A_870 = vector.shape_cast %swap3A_869 : vector<1x5000xf32> to vector<5000xf32>
    %swap3A_871 = vector.shape_cast %squeeze3A_866 : vector<5000xf32> to vector<1x5000xf32>
    tpu.vector_store %arg4[%swap3A_867, %swap3A_868], %swap3A_871 {strides = array<i32>} : memref<5x320000xf32, #tpu.memory_space<vmem>>, vector<1x5000xf32>,
    %slice3A_872 = vector.extract_strided_slice %dot_general3A_472 {offsets = [57, 0], sizes = [1, 5000], strides = [1, 1]} : vector<64x5000xf32> to vector<1x5000xf32>
    %squeeze3A_873 = vector.shape_cast %slice3A_872 : vector<1x5000xf32> to vector<5000xf32>
    %swap3A_874 = arith.constant 1 : index
    %swap3A_875 = arith.constant 285000 : index
    %swap3A_876 = vector.load %arg4[%swap3A_874, %swap3A_875] : memref<5x320000xf32, #tpu.memory_space<vmem>>, vector<1x5000xf32>
    %swap3A_877 = vector.shape_cast %swap3A_876 : vector<1x5000xf32> to vector<5000xf32>
    %swap3A_878 = vector.shape_cast %squeeze3A_873 : vector<5000xf32> to vector<1x5000xf32>
    tpu.vector_store %arg4[%swap3A_874, %swap3A_875], %swap3A_878 {strides = array<i32>} : memref<5x320000xf32, #tpu.memory_space<vmem>>, vector<1x5000xf32>,
    %slice3A_879 = vector.extract_strided_slice %dot_general3A_472 {offsets = [58, 0], sizes = [1, 5000], strides = [1, 1]} : vector<64x5000xf32> to vector<1x5000xf32>
    %squeeze3A_880 = vector.shape_cast %slice3A_879 : vector<1x5000xf32> to vector<5000xf32>
    %swap3A_881 = arith.constant 1 : index
    %swap3A_882 = arith.constant 290000 : index
    %swap3A_883 = vector.load %arg4[%swap3A_881, %swap3A_882] : memref<5x320000xf32, #tpu.memory_space<vmem>>, vector<1x5000xf32>
    %swap3A_884 = vector.shape_cast %swap3A_883 : vector<1x5000xf32> to vector<5000xf32>
    %swap3A_885 = vector.shape_cast %squeeze3A_880 : vector<5000xf32> to vector<1x5000xf32>
    tpu.vector_store %arg4[%swap3A_881, %swap3A_882], %swap3A_885 {strides = array<i32>} : memref<5x320000xf32, #tpu.memory_space<vmem>>, vector<1x5000xf32>,
    %slice3A_886 = vector.extract_strided_slice %dot_general3A_472 {offsets = [59, 0], sizes = [1, 5000], strides = [1, 1]} : vector<64x5000xf32> to vector<1x5000xf32>
    %squeeze3A_887 = vector.shape_cast %slice3A_886 : vector<1x5000xf32> to vector<5000xf32>
    %swap3A_888 = arith.constant 1 : index
    %swap3A_889 = arith.constant 295000 : index
    %swap3A_890 = vector.load %arg4[%swap3A_888, %swap3A_889] : memref<5x320000xf32, #tpu.memory_space<vmem>>, vector<1x5000xf32>
    %swap3A_891 = vector.shape_cast %swap3A_890 : vector<1x5000xf32> to vector<5000xf32>
    %swap3A_892 = vector.shape_cast %squeeze3A_887 : vector<5000xf32> to vector<1x5000xf32>
    tpu.vector_store %arg4[%swap3A_888, %swap3A_889], %swap3A_892 {strides = array<i32>} : memref<5x320000xf32, #tpu.memory_space<vmem>>, vector<1x5000xf32>,
    %slice3A_893 = vector.extract_strided_slice %dot_general3A_472 {offsets = [60, 0], sizes = [1, 5000], strides = [1, 1]} : vector<64x5000xf32> to vector<1x5000xf32>
    %squeeze3A_894 = vector.shape_cast %slice3A_893 : vector<1x5000xf32> to vector<5000xf32>
    %swap3A_895 = arith.constant 1 : index
    %swap3A_896 = arith.constant 300000 : index
    %swap3A_897 = vector.load %arg4[%swap3A_895, %swap3A_896] : memref<5x320000xf32, #tpu.memory_space<vmem>>, vector<1x5000xf32>
    %swap3A_898 = vector.shape_cast %swap3A_897 : vector<1x5000xf32> to vector<5000xf32>
    %swap3A_899 = vector.shape_cast %squeeze3A_894 : vector<5000xf32> to vector<1x5000xf32>
    tpu.vector_store %arg4[%swap3A_895, %swap3A_896], %swap3A_899 {strides = array<i32>} : memref<5x320000xf32, #tpu.memory_space<vmem>>, vector<1x5000xf32>,
    %slice3A_900 = vector.extract_strided_slice %dot_general3A_472 {offsets = [61, 0], sizes = [1, 5000], strides = [1, 1]} : vector<64x5000xf32> to vector<1x5000xf32>
    %squeeze3A_901 = vector.shape_cast %slice3A_900 : vector<1x5000xf32> to vector<5000xf32>
    %swap3A_902 = arith.constant 1 : index
    %swap3A_903 = arith.constant 305000 : index
    %swap3A_904 = vector.load %arg4[%swap3A_902, %swap3A_903] : memref<5x320000xf32, #tpu.memory_space<vmem>>, vector<1x5000xf32>
    %swap3A_905 = vector.shape_cast %swap3A_904 : vector<1x5000xf32> to vector<5000xf32>
    %swap3A_906 = vector.shape_cast %squeeze3A_901 : vector<5000xf32> to vector<1x5000xf32>
    tpu.vector_store %arg4[%swap3A_902, %swap3A_903], %swap3A_906 {strides = array<i32>} : memref<5x320000xf32, #tpu.memory_space<vmem>>, vector<1x5000xf32>,
    %slice3A_907 = vector.extract_strided_slice %dot_general3A_472 {offsets = [62, 0], sizes = [1, 5000], strides = [1, 1]} : vector<64x5000xf32> to vector<1x5000xf32>
    %squeeze3A_908 = vector.shape_cast %slice3A_907 : vector<1x5000xf32> to vector<5000xf32>
    %swap3A_909 = arith.constant 1 : index
    %swap3A_910 = arith.constant 310000 : index
    %swap3A_911 = vector.load %arg4[%swap3A_909, %swap3A_910] : memref<5x320000xf32, #tpu.memory_space<vmem>>, vector<1x5000xf32>
    %swap3A_912 = vector.shape_cast %swap3A_911 : vector<1x5000xf32> to vector<5000xf32>
    %swap3A_913 = vector.shape_cast %squeeze3A_908 : vector<5000xf32> to vector<1x5000xf32>
    tpu.vector_store %arg4[%swap3A_909, %swap3A_910], %swap3A_913 {strides = array<i32>} : memref<5x320000xf32, #tpu.memory_space<vmem>>, vector<1x5000xf32>,
    %slice3A_914 = vector.extract_strided_slice %dot_general3A_472 {offsets = [63, 0], sizes = [1, 5000], strides = [1, 1]} : vector<64x5000xf32> to vector<1x5000xf32>
    %squeeze3A_915 = vector.shape_cast %slice3A_914 : vector<1x5000xf32> to vector<5000xf32>
    %swap3A_916 = arith.constant 1 : index
    %swap3A_917 = arith.constant 315000 : index
    %swap3A_918 = vector.load %arg4[%swap3A_916, %swap3A_917] : memref<5x320000xf32, #tpu.memory_space<vmem>>, vector<1x5000xf32>
    %swap3A_919 = vector.shape_cast %swap3A_918 : vector<1x5000xf32> to vector<5000xf32>
    %swap3A_920 = vector.shape_cast %squeeze3A_915 : vector<5000xf32> to vector<1x5000xf32>
    tpu.vector_store %arg4[%swap3A_916, %swap3A_917], %swap3A_920 {strides = array<i32>} : memref<5x320000xf32, #tpu.memory_space<vmem>>, vector<1x5000xf32>,
    %get3A_921 = arith.constant 0 : index
    %get3A_922 = arith.constant 0 : index
    %get3A_923 = vector.load %arg1[%get3A_921, %get3A_922] : memref<64x32xf32, #tpu.memory_space<vmem>>, vector<64x32xf32>
    %get3A_924 = arith.constant 2 : index
    %get3A_925 = arith.constant 0 : index
    %get3A_926 = arith.constant 0 : index
    %get3A_927 = vector.load %arg3[%get3A_924, %get3A_925, %get3A_926] : memref<5x32x32xf32, #tpu.memory_space<vmem>>, vector<1x32x32xf32>
    %get3A_928 = vector.shape_cast %get3A_927 : vector<1x32x32xf32> to vector<32x32xf32>
    %dot_general3A_929 = arith.constant dense<0.000000e+00> : vector<64x32xf32>
    %dot_general3A_930 = tpu.matmul %get3A_923, %get3A_928, %dot_general3A_929 {dimension_numbers = #tpu.dot_dimension_numbers<[1], [0], [0], [1], [0, 0, 1, 1], [], []>, transpose_lhs_hint = false} : vector<64x32xf32>, vector<32x32xf32>, vector<64x32xf32> -> vector<64x32xf32>
    %get3A_931 = arith.constant 0 : index
    %get3A_932 = arith.constant 0 : index
    %get3A_933 = vector.load %arg2[%get3A_931, %get3A_932] : memref<5000x32xf32, #tpu.memory_space<vmem>>, vector<5000x32xf32>
    %dot_general3A_934 = arith.constant dense<0.000000e+00> : vector<64x5000xf32>
    %dot_general3A_935 = tpu.matmul %dot_general3A_930, %get3A_933, %dot_general3A_934 {dimension_numbers = #tpu.dot_dimension_numbers<[1], [1], [0], [0], [0, 0, 1, 0], [], []>, transpose_lhs_hint = false} : vector<64x32xf32>, vector<5000x32xf32>, vector<64x5000xf32> -> vector<64x5000xf32>
    %slice3A_936 = vector.extract_strided_slice %dot_general3A_935 {offsets = [0, 0], sizes = [1, 5000], strides = [1, 1]} : vector<64x5000xf32> to vector<1x5000xf32>
    %squeeze3A_937 = vector.shape_cast %slice3A_936 : vector<1x5000xf32> to vector<5000xf32>
    %swap3A_938 = arith.constant 2 : index
    %swap3A_939 = arith.constant 0 : index
    %swap3A_940 = vector.load %arg4[%swap3A_938, %swap3A_939] : memref<5x320000xf32, #tpu.memory_space<vmem>>, vector<1x5000xf32>
    %swap3A_941 = vector.shape_cast %swap3A_940 : vector<1x5000xf32> to vector<5000xf32>
    %swap3A_942 = vector.shape_cast %squeeze3A_937 : vector<5000xf32> to vector<1x5000xf32>
    tpu.vector_store %arg4[%swap3A_938, %swap3A_939], %swap3A_942 {strides = array<i32>} : memref<5x320000xf32, #tpu.memory_space<vmem>>, vector<1x5000xf32>,
    %slice3A_943 = vector.extract_strided_slice %dot_general3A_935 {offsets = [1, 0], sizes = [1, 5000], strides = [1, 1]} : vector<64x5000xf32> to vector<1x5000xf32>
    %squeeze3A_944 = vector.shape_cast %slice3A_943 : vector<1x5000xf32> to vector<5000xf32>
    %swap3A_945 = arith.constant 2 : index
    %swap3A_946 = arith.constant 5000 : index
    %swap3A_947 = vector.load %arg4[%swap3A_945, %swap3A_946] : memref<5x320000xf32, #tpu.memory_space<vmem>>, vector<1x5000xf32>
    %swap3A_948 = vector.shape_cast %swap3A_947 : vector<1x5000xf32> to vector<5000xf32>
    %swap3A_949 = vector.shape_cast %squeeze3A_944 : vector<5000xf32> to vector<1x5000xf32>
    tpu.vector_store %arg4[%swap3A_945, %swap3A_946], %swap3A_949 {strides = array<i32>} : memref<5x320000xf32, #tpu.memory_space<vmem>>, vector<1x5000xf32>,
    %slice3A_950 = vector.extract_strided_slice %dot_general3A_935 {offsets = [2, 0], sizes = [1, 5000], strides = [1, 1]} : vector<64x5000xf32> to vector<1x5000xf32>
    %squeeze3A_951 = vector.shape_cast %slice3A_950 : vector<1x5000xf32> to vector<5000xf32>
    %swap3A_952 = arith.constant 2 : index
    %swap3A_953 = arith.constant 10000 : index
    %swap3A_954 = vector.load %arg4[%swap3A_952, %swap3A_953] : memref<5x320000xf32, #tpu.memory_space<vmem>>, vector<1x5000xf32>
    %swap3A_955 = vector.shape_cast %swap3A_954 : vector<1x5000xf32> to vector<5000xf32>
    %swap3A_956 = vector.shape_cast %squeeze3A_951 : vector<5000xf32> to vector<1x5000xf32>
    tpu.vector_store %arg4[%swap3A_952, %swap3A_953], %swap3A_956 {strides = array<i32>} : memref<5x320000xf32, #tpu.memory_space<vmem>>, vector<1x5000xf32>,
    %slice3A_957 = vector.extract_strided_slice %dot_general3A_935 {offsets = [3, 0], sizes = [1, 5000], strides = [1, 1]} : vector<64x5000xf32> to vector<1x5000xf32>
    %squeeze3A_958 = vector.shape_cast %slice3A_957 : vector<1x5000xf32> to vector<5000xf32>
    %swap3A_959 = arith.constant 2 : index
    %swap3A_960 = arith.constant 15000 : index
    %swap3A_961 = vector.load %arg4[%swap3A_959, %swap3A_960] : memref<5x320000xf32, #tpu.memory_space<vmem>>, vector<1x5000xf32>
    %swap3A_962 = vector.shape_cast %swap3A_961 : vector<1x5000xf32> to vector<5000xf32>
    %swap3A_963 = vector.shape_cast %squeeze3A_958 : vector<5000xf32> to vector<1x5000xf32>
    tpu.vector_store %arg4[%swap3A_959, %swap3A_960], %swap3A_963 {strides = array<i32>} : memref<5x320000xf32, #tpu.memory_space<vmem>>, vector<1x5000xf32>,
    %slice3A_964 = vector.extract_strided_slice %dot_general3A_935 {offsets = [4, 0], sizes = [1, 5000], strides = [1, 1]} : vector<64x5000xf32> to vector<1x5000xf32>
    %squeeze3A_965 = vector.shape_cast %slice3A_964 : vector<1x5000xf32> to vector<5000xf32>
    %swap3A_966 = arith.constant 2 : index
    %swap3A_967 = arith.constant 20000 : index
    %swap3A_968 = vector.load %arg4[%swap3A_966, %swap3A_967] : memref<5x320000xf32, #tpu.memory_space<vmem>>, vector<1x5000xf32>
    %swap3A_969 = vector.shape_cast %swap3A_968 : vector<1x5000xf32> to vector<5000xf32>
    %swap3A_970 = vector.shape_cast %squeeze3A_965 : vector<5000xf32> to vector<1x5000xf32>
    tpu.vector_store %arg4[%swap3A_966, %swap3A_967], %swap3A_970 {strides = array<i32>} : memref<5x320000xf32, #tpu.memory_space<vmem>>, vector<1x5000xf32>,
    %slice3A_971 = vector.extract_strided_slice %dot_general3A_935 {offsets = [5, 0], sizes = [1, 5000], strides = [1, 1]} : vector<64x5000xf32> to vector<1x5000xf32>
    %squeeze3A_972 = vector.shape_cast %slice3A_971 : vector<1x5000xf32> to vector<5000xf32>
    %swap3A_973 = arith.constant 2 : index
    %swap3A_974 = arith.constant 25000 : index
    %swap3A_975 = vector.load %arg4[%swap3A_973, %swap3A_974] : memref<5x320000xf32, #tpu.memory_space<vmem>>, vector<1x5000xf32>
    %swap3A_976 = vector.shape_cast %swap3A_975 : vector<1x5000xf32> to vector<5000xf32>
    %swap3A_977 = vector.shape_cast %squeeze3A_972 : vector<5000xf32> to vector<1x5000xf32>
    tpu.vector_store %arg4[%swap3A_973, %swap3A_974], %swap3A_977 {strides = array<i32>} : memref<5x320000xf32, #tpu.memory_space<vmem>>, vector<1x5000xf32>,
    %slice3A_978 = vector.extract_strided_slice %dot_general3A_935 {offsets = [6, 0], sizes = [1, 5000], strides = [1, 1]} : vector<64x5000xf32> to vector<1x5000xf32>
    %squeeze3A_979 = vector.shape_cast %slice3A_978 : vector<1x5000xf32> to vector<5000xf32>
    %swap3A_980 = arith.constant 2 : index
    %swap3A_981 = arith.constant 30000 : index
    %swap3A_982 = vector.load %arg4[%swap3A_980, %swap3A_981] : memref<5x320000xf32, #tpu.memory_space<vmem>>, vector<1x5000xf32>
    %swap3A_983 = vector.shape_cast %swap3A_982 : vector<1x5000xf32> to vector<5000xf32>
    %swap3A_984 = vector.shape_cast %squeeze3A_979 : vector<5000xf32> to vector<1x5000xf32>
    tpu.vector_store %arg4[%swap3A_980, %swap3A_981], %swap3A_984 {strides = array<i32>} : memref<5x320000xf32, #tpu.memory_space<vmem>>, vector<1x5000xf32>,
    %slice3A_985 = vector.extract_strided_slice %dot_general3A_935 {offsets = [7, 0], sizes = [1, 5000], strides = [1, 1]} : vector<64x5000xf32> to vector<1x5000xf32>
    %squeeze3A_986 = vector.shape_cast %slice3A_985 : vector<1x5000xf32> to vector<5000xf32>
    %swap3A_987 = arith.constant 2 : index
    %swap3A_988 = arith.constant 35000 : index
    %swap3A_989 = vector.load %arg4[%swap3A_987, %swap3A_988] : memref<5x320000xf32, #tpu.memory_space<vmem>>, vector<1x5000xf32>
    %swap3A_990 = vector.shape_cast %swap3A_989 : vector<1x5000xf32> to vector<5000xf32>
    %swap3A_991 = vector.shape_cast %squeeze3A_986 : vector<5000xf32> to vector<1x5000xf32>
    tpu.vector_store %arg4[%swap3A_987, %swap3A_988], %swap3A_991 {strides = array<i32>} : memref<5x320000xf32, #tpu.memory_space<vmem>>, vector<1x5000xf32>,
    %slice3A_992 = vector.extract_strided_slice %dot_general3A_935 {offsets = [8, 0], sizes = [1, 5000], strides = [1, 1]} : vector<64x5000xf32> to vector<1x5000xf32>
    %squeeze3A_993 = vector.shape_cast %slice3A_992 : vector<1x5000xf32> to vector<5000xf32>
    %swap3A_994 = arith.constant 2 : index
    %swap3A_995 = arith.constant 40000 : index
    %swap3A_996 = vector.load %arg4[%swap3A_994, %swap3A_995] : memref<5x320000xf32, #tpu.memory_space<vmem>>, vector<1x5000xf32>
    %swap3A_997 = vector.shape_cast %swap3A_996 : vector<1x5000xf32> to vector<5000xf32>
    %swap3A_998 = vector.shape_cast %squeeze3A_993 : vector<5000xf32> to vector<1x5000xf32>
    tpu.vector_store %arg4[%swap3A_994, %swap3A_995], %swap3A_998 {strides = array<i32>} : memref<5x320000xf32, #tpu.memory_space<vmem>>, vector<1x5000xf32>,
    %slice3A_999 = vector.extract_strided_slice %dot_general3A_935 {offsets = [9, 0], sizes = [1, 5000], strides = [1, 1]} : vector<64x5000xf32> to vector<1x5000xf32>
    %squeeze3A_1000 = vector.shape_cast %slice3A_999 : vector<1x5000xf32> to vector<5000xf32>
    %swap3A_1001 = arith.constant 2 : index
    %swap3A_1002 = arith.constant 45000 : index
    %swap3A_1003 = vector.load %arg4[%swap3A_1001, %swap3A_1002] : memref<5x320000xf32, #tpu.memory_space<vmem>>, vector<1x5000xf32>
    %swap3A_1004 = vector.shape_cast %swap3A_1003 : vector<1x5000xf32> to vector<5000xf32>
    %swap3A_1005 = vector.shape_cast %squeeze3A_1000 : vector<5000xf32> to vector<1x5000xf32>
    tpu.vector_store %arg4[%swap3A_1001, %swap3A_1002], %swap3A_1005 {strides = array<i32>} : memref<5x320000xf32, #tpu.memory_space<vmem>>, vector<1x5000xf32>,
    %slice3A_1006 = vector.extract_strided_slice %dot_general3A_935 {offsets = [10, 0], sizes = [1, 5000], strides = [1, 1]} : vector<64x5000xf32> to vector<1x5000xf32>
    %squeeze3A_1007 = vector.shape_cast %slice3A_1006 : vector<1x5000xf32> to vector<5000xf32>
    %swap3A_1008 = arith.constant 2 : index
    %swap3A_1009 = arith.constant 50000 : index
    %swap3A_1010 = vector.load %arg4[%swap3A_1008, %swap3A_1009] : memref<5x320000xf32, #tpu.memory_space<vmem>>, vector<1x5000xf32>
    %swap3A_1011 = vector.shape_cast %swap3A_1010 : vector<1x5000xf32> to vector<5000xf32>
    %swap3A_1012 = vector.shape_cast %squeeze3A_1007 : vector<5000xf32> to vector<1x5000xf32>
    tpu.vector_store %arg4[%swap3A_1008, %swap3A_1009], %swap3A_1012 {strides = array<i32>} : memref<5x320000xf32, #tpu.memory_space<vmem>>, vector<1x5000xf32>,
    %slice3A_1013 = vector.extract_strided_slice %dot_general3A_935 {offsets = [11, 0], sizes = [1, 5000], strides = [1, 1]} : vector<64x5000xf32> to vector<1x5000xf32>
    %squeeze3A_1014 = vector.shape_cast %slice3A_1013 : vector<1x5000xf32> to vector<5000xf32>
    %swap3A_1015 = arith.constant 2 : index
    %swap3A_1016 = arith.constant 55000 : index
    %swap3A_1017 = vector.load %arg4[%swap3A_1015, %swap3A_1016] : memref<5x320000xf32, #tpu.memory_space<vmem>>, vector<1x5000xf32>
    %swap3A_1018 = vector.shape_cast %swap3A_1017 : vector<1x5000xf32> to vector<5000xf32>
    %swap3A_1019 = vector.shape_cast %squeeze3A_1014 : vector<5000xf32> to vector<1x5000xf32>
    tpu.vector_store %arg4[%swap3A_1015, %swap3A_1016], %swap3A_1019 {strides = array<i32>} : memref<5x320000xf32, #tpu.memory_space<vmem>>, vector<1x5000xf32>,
    %slice3A_1020 = vector.extract_strided_slice %dot_general3A_935 {offsets = [12, 0], sizes = [1, 5000], strides = [1, 1]} : vector<64x5000xf32> to vector<1x5000xf32>
    %squeeze3A_1021 = vector.shape_cast %slice3A_1020 : vector<1x5000xf32> to vector<5000xf32>
    %swap3A_1022 = arith.constant 2 : index
    %swap3A_1023 = arith.constant 60000 : index
    %swap3A_1024 = vector.load %arg4[%swap3A_1022, %swap3A_1023] : memref<5x320000xf32, #tpu.memory_space<vmem>>, vector<1x5000xf32>
    %swap3A_1025 = vector.shape_cast %swap3A_1024 : vector<1x5000xf32> to vector<5000xf32>
    %swap3A_1026 = vector.shape_cast %squeeze3A_1021 : vector<5000xf32> to vector<1x5000xf32>
    tpu.vector_store %arg4[%swap3A_1022, %swap3A_1023], %swap3A_1026 {strides = array<i32>} : memref<5x320000xf32, #tpu.memory_space<vmem>>, vector<1x5000xf32>,
    %slice3A_1027 = vector.extract_strided_slice %dot_general3A_935 {offsets = [13, 0], sizes = [1, 5000], strides = [1, 1]} : vector<64x5000xf32> to vector<1x5000xf32>
    %squeeze3A_1028 = vector.shape_cast %slice3A_1027 : vector<1x5000xf32> to vector<5000xf32>
    %swap3A_1029 = arith.constant 2 : index
    %swap3A_1030 = arith.constant 65000 : index
    %swap3A_1031 = vector.load %arg4[%swap3A_1029, %swap3A_1030] : memref<5x320000xf32, #tpu.memory_space<vmem>>, vector<1x5000xf32>
    %swap3A_1032 = vector.shape_cast %swap3A_1031 : vector<1x5000xf32> to vector<5000xf32>
    %swap3A_1033 = vector.shape_cast %squeeze3A_1028 : vector<5000xf32> to vector<1x5000xf32>
    tpu.vector_store %arg4[%swap3A_1029, %swap3A_1030], %swap3A_1033 {strides = array<i32>} : memref<5x320000xf32, #tpu.memory_space<vmem>>, vector<1x5000xf32>,
    %slice3A_1034 = vector.extract_strided_slice %dot_general3A_935 {offsets = [14, 0], sizes = [1, 5000], strides = [1, 1]} : vector<64x5000xf32> to vector<1x5000xf32>
    %squeeze3A_1035 = vector.shape_cast %slice3A_1034 : vector<1x5000xf32> to vector<5000xf32>
    %swap3A_1036 = arith.constant 2 : index
    %swap3A_1037 = arith.constant 70000 : index
    %swap3A_1038 = vector.load %arg4[%swap3A_1036, %swap3A_1037] : memref<5x320000xf32, #tpu.memory_space<vmem>>, vector<1x5000xf32>
    %swap3A_1039 = vector.shape_cast %swap3A_1038 : vector<1x5000xf32> to vector<5000xf32>
    %swap3A_1040 = vector.shape_cast %squeeze3A_1035 : vector<5000xf32> to vector<1x5000xf32>
    tpu.vector_store %arg4[%swap3A_1036, %swap3A_1037], %swap3A_1040 {strides = array<i32>} : memref<5x320000xf32, #tpu.memory_space<vmem>>, vector<1x5000xf32>,
    %slice3A_1041 = vector.extract_strided_slice %dot_general3A_935 {offsets = [15, 0], sizes = [1, 5000], strides = [1, 1]} : vector<64x5000xf32> to vector<1x5000xf32>
    %squeeze3A_1042 = vector.shape_cast %slice3A_1041 : vector<1x5000xf32> to vector<5000xf32>
    %swap3A_1043 = arith.constant 2 : index
    %swap3A_1044 = arith.constant 75000 : index
    %swap3A_1045 = vector.load %arg4[%swap3A_1043, %swap3A_1044] : memref<5x320000xf32, #tpu.memory_space<vmem>>, vector<1x5000xf32>
    %swap3A_1046 = vector.shape_cast %swap3A_1045 : vector<1x5000xf32> to vector<5000xf32>
    %swap3A_1047 = vector.shape_cast %squeeze3A_1042 : vector<5000xf32> to vector<1x5000xf32>
    tpu.vector_store %arg4[%swap3A_1043, %swap3A_1044], %swap3A_1047 {strides = array<i32>} : memref<5x320000xf32, #tpu.memory_space<vmem>>, vector<1x5000xf32>,
    %slice3A_1048 = vector.extract_strided_slice %dot_general3A_935 {offsets = [16, 0], sizes = [1, 5000], strides = [1, 1]} : vector<64x5000xf32> to vector<1x5000xf32>
    %squeeze3A_1049 = vector.shape_cast %slice3A_1048 : vector<1x5000xf32> to vector<5000xf32>
    %swap3A_1050 = arith.constant 2 : index
    %swap3A_1051 = arith.constant 80000 : index
    %swap3A_1052 = vector.load %arg4[%swap3A_1050, %swap3A_1051] : memref<5x320000xf32, #tpu.memory_space<vmem>>, vector<1x5000xf32>
    %swap3A_1053 = vector.shape_cast %swap3A_1052 : vector<1x5000xf32> to vector<5000xf32>
    %swap3A_1054 = vector.shape_cast %squeeze3A_1049 : vector<5000xf32> to vector<1x5000xf32>
    tpu.vector_store %arg4[%swap3A_1050, %swap3A_1051], %swap3A_1054 {strides = array<i32>} : memref<5x320000xf32, #tpu.memory_space<vmem>>, vector<1x5000xf32>,
    %slice3A_1055 = vector.extract_strided_slice %dot_general3A_935 {offsets = [17, 0], sizes = [1, 5000], strides = [1, 1]} : vector<64x5000xf32> to vector<1x5000xf32>
    %squeeze3A_1056 = vector.shape_cast %slice3A_1055 : vector<1x5000xf32> to vector<5000xf32>
    %swap3A_1057 = arith.constant 2 : index
    %swap3A_1058 = arith.constant 85000 : index
    %swap3A_1059 = vector.load %arg4[%swap3A_1057, %swap3A_1058] : memref<5x320000xf32, #tpu.memory_space<vmem>>, vector<1x5000xf32>
    %swap3A_1060 = vector.shape_cast %swap3A_1059 : vector<1x5000xf32> to vector<5000xf32>
    %swap3A_1061 = vector.shape_cast %squeeze3A_1056 : vector<5000xf32> to vector<1x5000xf32>
    tpu.vector_store %arg4[%swap3A_1057, %swap3A_1058], %swap3A_1061 {strides = array<i32>} : memref<5x320000xf32, #tpu.memory_space<vmem>>, vector<1x5000xf32>,
    %slice3A_1062 = vector.extract_strided_slice %dot_general3A_935 {offsets = [18, 0], sizes = [1, 5000], strides = [1, 1]} : vector<64x5000xf32> to vector<1x5000xf32>
    %squeeze3A_1063 = vector.shape_cast %slice3A_1062 : vector<1x5000xf32> to vector<5000xf32>
    %swap3A_1064 = arith.constant 2 : index
    %swap3A_1065 = arith.constant 90000 : index
    %swap3A_1066 = vector.load %arg4[%swap3A_1064, %swap3A_1065] : memref<5x320000xf32, #tpu.memory_space<vmem>>, vector<1x5000xf32>
    %swap3A_1067 = vector.shape_cast %swap3A_1066 : vector<1x5000xf32> to vector<5000xf32>
    %swap3A_1068 = vector.shape_cast %squeeze3A_1063 : vector<5000xf32> to vector<1x5000xf32>
    tpu.vector_store %arg4[%swap3A_1064, %swap3A_1065], %swap3A_1068 {strides = array<i32>} : memref<5x320000xf32, #tpu.memory_space<vmem>>, vector<1x5000xf32>,
    %slice3A_1069 = vector.extract_strided_slice %dot_general3A_935 {offsets = [19, 0], sizes = [1, 5000], strides = [1, 1]} : vector<64x5000xf32> to vector<1x5000xf32>
    %squeeze3A_1070 = vector.shape_cast %slice3A_1069 : vector<1x5000xf32> to vector<5000xf32>
    %swap3A_1071 = arith.constant 2 : index
    %swap3A_1072 = arith.constant 95000 : index
    %swap3A_1073 = vector.load %arg4[%swap3A_1071, %swap3A_1072] : memref<5x320000xf32, #tpu.memory_space<vmem>>, vector<1x5000xf32>
    %swap3A_1074 = vector.shape_cast %swap3A_1073 : vector<1x5000xf32> to vector<5000xf32>
    %swap3A_1075 = vector.shape_cast %squeeze3A_1070 : vector<5000xf32> to vector<1x5000xf32>
    tpu.vector_store %arg4[%swap3A_1071, %swap3A_1072], %swap3A_1075 {strides = array<i32>} : memref<5x320000xf32, #tpu.memory_space<vmem>>, vector<1x5000xf32>,
    %slice3A_1076 = vector.extract_strided_slice %dot_general3A_935 {offsets = [20, 0], sizes = [1, 5000], strides = [1, 1]} : vector<64x5000xf32> to vector<1x5000xf32>
    %squeeze3A_1077 = vector.shape_cast %slice3A_1076 : vector<1x5000xf32> to vector<5000xf32>
    %swap3A_1078 = arith.constant 2 : index
    %swap3A_1079 = arith.constant 100000 : index
    %swap3A_1080 = vector.load %arg4[%swap3A_1078, %swap3A_1079] : memref<5x320000xf32, #tpu.memory_space<vmem>>, vector<1x5000xf32>
    %swap3A_1081 = vector.shape_cast %swap3A_1080 : vector<1x5000xf32> to vector<5000xf32>
    %swap3A_1082 = vector.shape_cast %squeeze3A_1077 : vector<5000xf32> to vector<1x5000xf32>
    tpu.vector_store %arg4[%swap3A_1078, %swap3A_1079], %swap3A_1082 {strides = array<i32>} : memref<5x320000xf32, #tpu.memory_space<vmem>>, vector<1x5000xf32>,
    %slice3A_1083 = vector.extract_strided_slice %dot_general3A_935 {offsets = [21, 0], sizes = [1, 5000], strides = [1, 1]} : vector<64x5000xf32> to vector<1x5000xf32>
    %squeeze3A_1084 = vector.shape_cast %slice3A_1083 : vector<1x5000xf32> to vector<5000xf32>
    %swap3A_1085 = arith.constant 2 : index
    %swap3A_1086 = arith.constant 105000 : index
    %swap3A_1087 = vector.load %arg4[%swap3A_1085, %swap3A_1086] : memref<5x320000xf32, #tpu.memory_space<vmem>>, vector<1x5000xf32>
    %swap3A_1088 = vector.shape_cast %swap3A_1087 : vector<1x5000xf32> to vector<5000xf32>
    %swap3A_1089 = vector.shape_cast %squeeze3A_1084 : vector<5000xf32> to vector<1x5000xf32>
    tpu.vector_store %arg4[%swap3A_1085, %swap3A_1086], %swap3A_1089 {strides = array<i32>} : memref<5x320000xf32, #tpu.memory_space<vmem>>, vector<1x5000xf32>,
    %slice3A_1090 = vector.extract_strided_slice %dot_general3A_935 {offsets = [22, 0], sizes = [1, 5000], strides = [1, 1]} : vector<64x5000xf32> to vector<1x5000xf32>
    %squeeze3A_1091 = vector.shape_cast %slice3A_1090 : vector<1x5000xf32> to vector<5000xf32>
    %swap3A_1092 = arith.constant 2 : index
    %swap3A_1093 = arith.constant 110000 : index
    %swap3A_1094 = vector.load %arg4[%swap3A_1092, %swap3A_1093] : memref<5x320000xf32, #tpu.memory_space<vmem>>, vector<1x5000xf32>
    %swap3A_1095 = vector.shape_cast %swap3A_1094 : vector<1x5000xf32> to vector<5000xf32>
    %swap3A_1096 = vector.shape_cast %squeeze3A_1091 : vector<5000xf32> to vector<1x5000xf32>
    tpu.vector_store %arg4[%swap3A_1092, %swap3A_1093], %swap3A_1096 {strides = array<i32>} : memref<5x320000xf32, #tpu.memory_space<vmem>>, vector<1x5000xf32>,
    %slice3A_1097 = vector.extract_strided_slice %dot_general3A_935 {offsets = [23, 0], sizes = [1, 5000], strides = [1, 1]} : vector<64x5000xf32> to vector<1x5000xf32>
    %squeeze3A_1098 = vector.shape_cast %slice3A_1097 : vector<1x5000xf32> to vector<5000xf32>
    %swap3A_1099 = arith.constant 2 : index
    %swap3A_1100 = arith.constant 115000 : index
    %swap3A_1101 = vector.load %arg4[%swap3A_1099, %swap3A_1100] : memref<5x320000xf32, #tpu.memory_space<vmem>>, vector<1x5000xf32>
    %swap3A_1102 = vector.shape_cast %swap3A_1101 : vector<1x5000xf32> to vector<5000xf32>
    %swap3A_1103 = vector.shape_cast %squeeze3A_1098 : vector<5000xf32> to vector<1x5000xf32>
    tpu.vector_store %arg4[%swap3A_1099, %swap3A_1100], %swap3A_1103 {strides = array<i32>} : memref<5x320000xf32, #tpu.memory_space<vmem>>, vector<1x5000xf32>,
    %slice3A_1104 = vector.extract_strided_slice %dot_general3A_935 {offsets = [24, 0], sizes = [1, 5000], strides = [1, 1]} : vector<64x5000xf32> to vector<1x5000xf32>
    %squeeze3A_1105 = vector.shape_cast %slice3A_1104 : vector<1x5000xf32> to vector<5000xf32>
    %swap3A_1106 = arith.constant 2 : index
    %swap3A_1107 = arith.constant 120000 : index
    %swap3A_1108 = vector.load %arg4[%swap3A_1106, %swap3A_1107] : memref<5x320000xf32, #tpu.memory_space<vmem>>, vector<1x5000xf32>
    %swap3A_1109 = vector.shape_cast %swap3A_1108 : vector<1x5000xf32> to vector<5000xf32>
    %swap3A_1110 = vector.shape_cast %squeeze3A_1105 : vector<5000xf32> to vector<1x5000xf32>
    tpu.vector_store %arg4[%swap3A_1106, %swap3A_1107], %swap3A_1110 {strides = array<i32>} : memref<5x320000xf32, #tpu.memory_space<vmem>>, vector<1x5000xf32>,
    %slice3A_1111 = vector.extract_strided_slice %dot_general3A_935 {offsets = [25, 0], sizes = [1, 5000], strides = [1, 1]} : vector<64x5000xf32> to vector<1x5000xf32>
    %squeeze3A_1112 = vector.shape_cast %slice3A_1111 : vector<1x5000xf32> to vector<5000xf32>
    %swap3A_1113 = arith.constant 2 : index
    %swap3A_1114 = arith.constant 125000 : index
    %swap3A_1115 = vector.load %arg4[%swap3A_1113, %swap3A_1114] : memref<5x320000xf32, #tpu.memory_space<vmem>>, vector<1x5000xf32>
    %swap3A_1116 = vector.shape_cast %swap3A_1115 : vector<1x5000xf32> to vector<5000xf32>
    %swap3A_1117 = vector.shape_cast %squeeze3A_1112 : vector<5000xf32> to vector<1x5000xf32>
    tpu.vector_store %arg4[%swap3A_1113, %swap3A_1114], %swap3A_1117 {strides = array<i32>} : memref<5x320000xf32, #tpu.memory_space<vmem>>, vector<1x5000xf32>,
    %slice3A_1118 = vector.extract_strided_slice %dot_general3A_935 {offsets = [26, 0], sizes = [1, 5000], strides = [1, 1]} : vector<64x5000xf32> to vector<1x5000xf32>
    %squeeze3A_1119 = vector.shape_cast %slice3A_1118 : vector<1x5000xf32> to vector<5000xf32>
    %swap3A_1120 = arith.constant 2 : index
    %swap3A_1121 = arith.constant 130000 : index
    %swap3A_1122 = vector.load %arg4[%swap3A_1120, %swap3A_1121] : memref<5x320000xf32, #tpu.memory_space<vmem>>, vector<1x5000xf32>
    %swap3A_1123 = vector.shape_cast %swap3A_1122 : vector<1x5000xf32> to vector<5000xf32>
    %swap3A_1124 = vector.shape_cast %squeeze3A_1119 : vector<5000xf32> to vector<1x5000xf32>
    tpu.vector_store %arg4[%swap3A_1120, %swap3A_1121], %swap3A_1124 {strides = array<i32>} : memref<5x320000xf32, #tpu.memory_space<vmem>>, vector<1x5000xf32>,
    %slice3A_1125 = vector.extract_strided_slice %dot_general3A_935 {offsets = [27, 0], sizes = [1, 5000], strides = [1, 1]} : vector<64x5000xf32> to vector<1x5000xf32>
    %squeeze3A_1126 = vector.shape_cast %slice3A_1125 : vector<1x5000xf32> to vector<5000xf32>
    %swap3A_1127 = arith.constant 2 : index
    %swap3A_1128 = arith.constant 135000 : index
    %swap3A_1129 = vector.load %arg4[%swap3A_1127, %swap3A_1128] : memref<5x320000xf32, #tpu.memory_space<vmem>>, vector<1x5000xf32>
    %swap3A_1130 = vector.shape_cast %swap3A_1129 : vector<1x5000xf32> to vector<5000xf32>
    %swap3A_1131 = vector.shape_cast %squeeze3A_1126 : vector<5000xf32> to vector<1x5000xf32>
    tpu.vector_store %arg4[%swap3A_1127, %swap3A_1128], %swap3A_1131 {strides = array<i32>} : memref<5x320000xf32, #tpu.memory_space<vmem>>, vector<1x5000xf32>,
    %slice3A_1132 = vector.extract_strided_slice %dot_general3A_935 {offsets = [28, 0], sizes = [1, 5000], strides = [1, 1]} : vector<64x5000xf32> to vector<1x5000xf32>
    %squeeze3A_1133 = vector.shape_cast %slice3A_1132 : vector<1x5000xf32> to vector<5000xf32>
    %swap3A_1134 = arith.constant 2 : index
    %swap3A_1135 = arith.constant 140000 : index
    %swap3A_1136 = vector.load %arg4[%swap3A_1134, %swap3A_1135] : memref<5x320000xf32, #tpu.memory_space<vmem>>, vector<1x5000xf32>
    %swap3A_1137 = vector.shape_cast %swap3A_1136 : vector<1x5000xf32> to vector<5000xf32>
    %swap3A_1138 = vector.shape_cast %squeeze3A_1133 : vector<5000xf32> to vector<1x5000xf32>
    tpu.vector_store %arg4[%swap3A_1134, %swap3A_1135], %swap3A_1138 {strides = array<i32>} : memref<5x320000xf32, #tpu.memory_space<vmem>>, vector<1x5000xf32>,
    %slice3A_1139 = vector.extract_strided_slice %dot_general3A_935 {offsets = [29, 0], sizes = [1, 5000], strides = [1, 1]} : vector<64x5000xf32> to vector<1x5000xf32>
    %squeeze3A_1140 = vector.shape_cast %slice3A_1139 : vector<1x5000xf32> to vector<5000xf32>
    %swap3A_1141 = arith.constant 2 : index
    %swap3A_1142 = arith.constant 145000 : index
    %swap3A_1143 = vector.load %arg4[%swap3A_1141, %swap3A_1142] : memref<5x320000xf32, #tpu.memory_space<vmem>>, vector<1x5000xf32>
    %swap3A_1144 = vector.shape_cast %swap3A_1143 : vector<1x5000xf32> to vector<5000xf32>
    %swap3A_1145 = vector.shape_cast %squeeze3A_1140 : vector<5000xf32> to vector<1x5000xf32>
    tpu.vector_store %arg4[%swap3A_1141, %swap3A_1142], %swap3A_1145 {strides = array<i32>} : memref<5x320000xf32, #tpu.memory_space<vmem>>, vector<1x5000xf32>,
    %slice3A_1146 = vector.extract_strided_slice %dot_general3A_935 {offsets = [30, 0], sizes = [1, 5000], strides = [1, 1]} : vector<64x5000xf32> to vector<1x5000xf32>
    %squeeze3A_1147 = vector.shape_cast %slice3A_1146 : vector<1x5000xf32> to vector<5000xf32>
    %swap3A_1148 = arith.constant 2 : index
    %swap3A_1149 = arith.constant 150000 : index
    %swap3A_1150 = vector.load %arg4[%swap3A_1148, %swap3A_1149] : memref<5x320000xf32, #tpu.memory_space<vmem>>, vector<1x5000xf32>
    %swap3A_1151 = vector.shape_cast %swap3A_1150 : vector<1x5000xf32> to vector<5000xf32>
    %swap3A_1152 = vector.shape_cast %squeeze3A_1147 : vector<5000xf32> to vector<1x5000xf32>
    tpu.vector_store %arg4[%swap3A_1148, %swap3A_1149], %swap3A_1152 {strides = array<i32>} : memref<5x320000xf32, #tpu.memory_space<vmem>>, vector<1x5000xf32>,
    %slice3A_1153 = vector.extract_strided_slice %dot_general3A_935 {offsets = [31, 0], sizes = [1, 5000], strides = [1, 1]} : vector<64x5000xf32> to vector<1x5000xf32>
    %squeeze3A_1154 = vector.shape_cast %slice3A_1153 : vector<1x5000xf32> to vector<5000xf32>
    %swap3A_1155 = arith.constant 2 : index
    %swap3A_1156 = arith.constant 155000 : index
    %swap3A_1157 = vector.load %arg4[%swap3A_1155, %swap3A_1156] : memref<5x320000xf32, #tpu.memory_space<vmem>>, vector<1x5000xf32>
    %swap3A_1158 = vector.shape_cast %swap3A_1157 : vector<1x5000xf32> to vector<5000xf32>
    %swap3A_1159 = vector.shape_cast %squeeze3A_1154 : vector<5000xf32> to vector<1x5000xf32>
    tpu.vector_store %arg4[%swap3A_1155, %swap3A_1156], %swap3A_1159 {strides = array<i32>} : memref<5x320000xf32, #tpu.memory_space<vmem>>, vector<1x5000xf32>,
    %slice3A_1160 = vector.extract_strided_slice %dot_general3A_935 {offsets = [32, 0], sizes = [1, 5000], strides = [1, 1]} : vector<64x5000xf32> to vector<1x5000xf32>
    %squeeze3A_1161 = vector.shape_cast %slice3A_1160 : vector<1x5000xf32> to vector<5000xf32>
    %swap3A_1162 = arith.constant 2 : index
    %swap3A_1163 = arith.constant 160000 : index
    %swap3A_1164 = vector.load %arg4[%swap3A_1162, %swap3A_1163] : memref<5x320000xf32, #tpu.memory_space<vmem>>, vector<1x5000xf32>
    %swap3A_1165 = vector.shape_cast %swap3A_1164 : vector<1x5000xf32> to vector<5000xf32>
    %swap3A_1166 = vector.shape_cast %squeeze3A_1161 : vector<5000xf32> to vector<1x5000xf32>
    tpu.vector_store %arg4[%swap3A_1162, %swap3A_1163], %swap3A_1166 {strides = array<i32>} : memref<5x320000xf32, #tpu.memory_space<vmem>>, vector<1x5000xf32>,
    %slice3A_1167 = vector.extract_strided_slice %dot_general3A_935 {offsets = [33, 0], sizes = [1, 5000], strides = [1, 1]} : vector<64x5000xf32> to vector<1x5000xf32>
    %squeeze3A_1168 = vector.shape_cast %slice3A_1167 : vector<1x5000xf32> to vector<5000xf32>
    %swap3A_1169 = arith.constant 2 : index
    %swap3A_1170 = arith.constant 165000 : index
    %swap3A_1171 = vector.load %arg4[%swap3A_1169, %swap3A_1170] : memref<5x320000xf32, #tpu.memory_space<vmem>>, vector<1x5000xf32>
    %swap3A_1172 = vector.shape_cast %swap3A_1171 : vector<1x5000xf32> to vector<5000xf32>
    %swap3A_1173 = vector.shape_cast %squeeze3A_1168 : vector<5000xf32> to vector<1x5000xf32>
    tpu.vector_store %arg4[%swap3A_1169, %swap3A_1170], %swap3A_1173 {strides = array<i32>} : memref<5x320000xf32, #tpu.memory_space<vmem>>, vector<1x5000xf32>,
    %slice3A_1174 = vector.extract_strided_slice %dot_general3A_935 {offsets = [34, 0], sizes = [1, 5000], strides = [1, 1]} : vector<64x5000xf32> to vector<1x5000xf32>
    %squeeze3A_1175 = vector.shape_cast %slice3A_1174 : vector<1x5000xf32> to vector<5000xf32>
    %swap3A_1176 = arith.constant 2 : index
    %swap3A_1177 = arith.constant 170000 : index
    %swap3A_1178 = vector.load %arg4[%swap3A_1176, %swap3A_1177] : memref<5x320000xf32, #tpu.memory_space<vmem>>, vector<1x5000xf32>
    %swap3A_1179 = vector.shape_cast %swap3A_1178 : vector<1x5000xf32> to vector<5000xf32>
    %swap3A_1180 = vector.shape_cast %squeeze3A_1175 : vector<5000xf32> to vector<1x5000xf32>
    tpu.vector_store %arg4[%swap3A_1176, %swap3A_1177], %swap3A_1180 {strides = array<i32>} : memref<5x320000xf32, #tpu.memory_space<vmem>>, vector<1x5000xf32>,
    %slice3A_1181 = vector.extract_strided_slice %dot_general3A_935 {offsets = [35, 0], sizes = [1, 5000], strides = [1, 1]} : vector<64x5000xf32> to vector<1x5000xf32>
    %squeeze3A_1182 = vector.shape_cast %slice3A_1181 : vector<1x5000xf32> to vector<5000xf32>
    %swap3A_1183 = arith.constant 2 : index
    %swap3A_1184 = arith.constant 175000 : index
    %swap3A_1185 = vector.load %arg4[%swap3A_1183, %swap3A_1184] : memref<5x320000xf32, #tpu.memory_space<vmem>>, vector<1x5000xf32>
    %swap3A_1186 = vector.shape_cast %swap3A_1185 : vector<1x5000xf32> to vector<5000xf32>
    %swap3A_1187 = vector.shape_cast %squeeze3A_1182 : vector<5000xf32> to vector<1x5000xf32>
    tpu.vector_store %arg4[%swap3A_1183, %swap3A_1184], %swap3A_1187 {strides = array<i32>} : memref<5x320000xf32, #tpu.memory_space<vmem>>, vector<1x5000xf32>,
    %slice3A_1188 = vector.extract_strided_slice %dot_general3A_935 {offsets = [36, 0], sizes = [1, 5000], strides = [1, 1]} : vector<64x5000xf32> to vector<1x5000xf32>
    %squeeze3A_1189 = vector.shape_cast %slice3A_1188 : vector<1x5000xf32> to vector<5000xf32>
    %swap3A_1190 = arith.constant 2 : index
    %swap3A_1191 = arith.constant 180000 : index
    %swap3A_1192 = vector.load %arg4[%swap3A_1190, %swap3A_1191] : memref<5x320000xf32, #tpu.memory_space<vmem>>, vector<1x5000xf32>
    %swap3A_1193 = vector.shape_cast %swap3A_1192 : vector<1x5000xf32> to vector<5000xf32>
    %swap3A_1194 = vector.shape_cast %squeeze3A_1189 : vector<5000xf32> to vector<1x5000xf32>
    tpu.vector_store %arg4[%swap3A_1190, %swap3A_1191], %swap3A_1194 {strides = array<i32>} : memref<5x320000xf32, #tpu.memory_space<vmem>>, vector<1x5000xf32>,
    %slice3A_1195 = vector.extract_strided_slice %dot_general3A_935 {offsets = [37, 0], sizes = [1, 5000], strides = [1, 1]} : vector<64x5000xf32> to vector<1x5000xf32>
    %squeeze3A_1196 = vector.shape_cast %slice3A_1195 : vector<1x5000xf32> to vector<5000xf32>
    %swap3A_1197 = arith.constant 2 : index
    %swap3A_1198 = arith.constant 185000 : index
    %swap3A_1199 = vector.load %arg4[%swap3A_1197, %swap3A_1198] : memref<5x320000xf32, #tpu.memory_space<vmem>>, vector<1x5000xf32>
    %swap3A_1200 = vector.shape_cast %swap3A_1199 : vector<1x5000xf32> to vector<5000xf32>
    %swap3A_1201 = vector.shape_cast %squeeze3A_1196 : vector<5000xf32> to vector<1x5000xf32>
    tpu.vector_store %arg4[%swap3A_1197, %swap3A_1198], %swap3A_1201 {strides = array<i32>} : memref<5x320000xf32, #tpu.memory_space<vmem>>, vector<1x5000xf32>,
    %slice3A_1202 = vector.extract_strided_slice %dot_general3A_935 {offsets = [38, 0], sizes = [1, 5000], strides = [1, 1]} : vector<64x5000xf32> to vector<1x5000xf32>
    %squeeze3A_1203 = vector.shape_cast %slice3A_1202 : vector<1x5000xf32> to vector<5000xf32>
    %swap3A_1204 = arith.constant 2 : index
    %swap3A_1205 = arith.constant 190000 : index
    %swap3A_1206 = vector.load %arg4[%swap3A_1204, %swap3A_1205] : memref<5x320000xf32, #tpu.memory_space<vmem>>, vector<1x5000xf32>
    %swap3A_1207 = vector.shape_cast %swap3A_1206 : vector<1x5000xf32> to vector<5000xf32>
    %swap3A_1208 = vector.shape_cast %squeeze3A_1203 : vector<5000xf32> to vector<1x5000xf32>
    tpu.vector_store %arg4[%swap3A_1204, %swap3A_1205], %swap3A_1208 {strides = array<i32>} : memref<5x320000xf32, #tpu.memory_space<vmem>>, vector<1x5000xf32>,
    %slice3A_1209 = vector.extract_strided_slice %dot_general3A_935 {offsets = [39, 0], sizes = [1, 5000], strides = [1, 1]} : vector<64x5000xf32> to vector<1x5000xf32>
    %squeeze3A_1210 = vector.shape_cast %slice3A_1209 : vector<1x5000xf32> to vector<5000xf32>
    %swap3A_1211 = arith.constant 2 : index
    %swap3A_1212 = arith.constant 195000 : index
    %swap3A_1213 = vector.load %arg4[%swap3A_1211, %swap3A_1212] : memref<5x320000xf32, #tpu.memory_space<vmem>>, vector<1x5000xf32>
    %swap3A_1214 = vector.shape_cast %swap3A_1213 : vector<1x5000xf32> to vector<5000xf32>
    %swap3A_1215 = vector.shape_cast %squeeze3A_1210 : vector<5000xf32> to vector<1x5000xf32>
    tpu.vector_store %arg4[%swap3A_1211, %swap3A_1212], %swap3A_1215 {strides = array<i32>} : memref<5x320000xf32, #tpu.memory_space<vmem>>, vector<1x5000xf32>,
    %slice3A_1216 = vector.extract_strided_slice %dot_general3A_935 {offsets = [40, 0], sizes = [1, 5000], strides = [1, 1]} : vector<64x5000xf32> to vector<1x5000xf32>
    %squeeze3A_1217 = vector.shape_cast %slice3A_1216 : vector<1x5000xf32> to vector<5000xf32>
    %swap3A_1218 = arith.constant 2 : index
    %swap3A_1219 = arith.constant 200000 : index
    %swap3A_1220 = vector.load %arg4[%swap3A_1218, %swap3A_1219] : memref<5x320000xf32, #tpu.memory_space<vmem>>, vector<1x5000xf32>
    %swap3A_1221 = vector.shape_cast %swap3A_1220 : vector<1x5000xf32> to vector<5000xf32>
    %swap3A_1222 = vector.shape_cast %squeeze3A_1217 : vector<5000xf32> to vector<1x5000xf32>
    tpu.vector_store %arg4[%swap3A_1218, %swap3A_1219], %swap3A_1222 {strides = array<i32>} : memref<5x320000xf32, #tpu.memory_space<vmem>>, vector<1x5000xf32>,
    %slice3A_1223 = vector.extract_strided_slice %dot_general3A_935 {offsets = [41, 0], sizes = [1, 5000], strides = [1, 1]} : vector<64x5000xf32> to vector<1x5000xf32>
    %squeeze3A_1224 = vector.shape_cast %slice3A_1223 : vector<1x5000xf32> to vector<5000xf32>
    %swap3A_1225 = arith.constant 2 : index
    %swap3A_1226 = arith.constant 205000 : index
    %swap3A_1227 = vector.load %arg4[%swap3A_1225, %swap3A_1226] : memref<5x320000xf32, #tpu.memory_space<vmem>>, vector<1x5000xf32>
    %swap3A_1228 = vector.shape_cast %swap3A_1227 : vector<1x5000xf32> to vector<5000xf32>
    %swap3A_1229 = vector.shape_cast %squeeze3A_1224 : vector<5000xf32> to vector<1x5000xf32>
    tpu.vector_store %arg4[%swap3A_1225, %swap3A_1226], %swap3A_1229 {strides = array<i32>} : memref<5x320000xf32, #tpu.memory_space<vmem>>, vector<1x5000xf32>,
    %slice3A_1230 = vector.extract_strided_slice %dot_general3A_935 {offsets = [42, 0], sizes = [1, 5000], strides = [1, 1]} : vector<64x5000xf32> to vector<1x5000xf32>
    %squeeze3A_1231 = vector.shape_cast %slice3A_1230 : vector<1x5000xf32> to vector<5000xf32>
    %swap3A_1232 = arith.constant 2 : index
    %swap3A_1233 = arith.constant 210000 : index
    %swap3A_1234 = vector.load %arg4[%swap3A_1232, %swap3A_1233] : memref<5x320000xf32, #tpu.memory_space<vmem>>, vector<1x5000xf32>
    %swap3A_1235 = vector.shape_cast %swap3A_1234 : vector<1x5000xf32> to vector<5000xf32>
    %swap3A_1236 = vector.shape_cast %squeeze3A_1231 : vector<5000xf32> to vector<1x5000xf32>
    tpu.vector_store %arg4[%swap3A_1232, %swap3A_1233], %swap3A_1236 {strides = array<i32>} : memref<5x320000xf32, #tpu.memory_space<vmem>>, vector<1x5000xf32>,
    %slice3A_1237 = vector.extract_strided_slice %dot_general3A_935 {offsets = [43, 0], sizes = [1, 5000], strides = [1, 1]} : vector<64x5000xf32> to vector<1x5000xf32>
    %squeeze3A_1238 = vector.shape_cast %slice3A_1237 : vector<1x5000xf32> to vector<5000xf32>
    %swap3A_1239 = arith.constant 2 : index
    %swap3A_1240 = arith.constant 215000 : index
    %swap3A_1241 = vector.load %arg4[%swap3A_1239, %swap3A_1240] : memref<5x320000xf32, #tpu.memory_space<vmem>>, vector<1x5000xf32>
    %swap3A_1242 = vector.shape_cast %swap3A_1241 : vector<1x5000xf32> to vector<5000xf32>
    %swap3A_1243 = vector.shape_cast %squeeze3A_1238 : vector<5000xf32> to vector<1x5000xf32>
    tpu.vector_store %arg4[%swap3A_1239, %swap3A_1240], %swap3A_1243 {strides = array<i32>} : memref<5x320000xf32, #tpu.memory_space<vmem>>, vector<1x5000xf32>,
    %slice3A_1244 = vector.extract_strided_slice %dot_general3A_935 {offsets = [44, 0], sizes = [1, 5000], strides = [1, 1]} : vector<64x5000xf32> to vector<1x5000xf32>
    %squeeze3A_1245 = vector.shape_cast %slice3A_1244 : vector<1x5000xf32> to vector<5000xf32>
    %swap3A_1246 = arith.constant 2 : index
    %swap3A_1247 = arith.constant 220000 : index
    %swap3A_1248 = vector.load %arg4[%swap3A_1246, %swap3A_1247] : memref<5x320000xf32, #tpu.memory_space<vmem>>, vector<1x5000xf32>
    %swap3A_1249 = vector.shape_cast %swap3A_1248 : vector<1x5000xf32> to vector<5000xf32>
    %swap3A_1250 = vector.shape_cast %squeeze3A_1245 : vector<5000xf32> to vector<1x5000xf32>
    tpu.vector_store %arg4[%swap3A_1246, %swap3A_1247], %swap3A_1250 {strides = array<i32>} : memref<5x320000xf32, #tpu.memory_space<vmem>>, vector<1x5000xf32>,
    %slice3A_1251 = vector.extract_strided_slice %dot_general3A_935 {offsets = [45, 0], sizes = [1, 5000], strides = [1, 1]} : vector<64x5000xf32> to vector<1x5000xf32>
    %squeeze3A_1252 = vector.shape_cast %slice3A_1251 : vector<1x5000xf32> to vector<5000xf32>
    %swap3A_1253 = arith.constant 2 : index
    %swap3A_1254 = arith.constant 225000 : index
    %swap3A_1255 = vector.load %arg4[%swap3A_1253, %swap3A_1254] : memref<5x320000xf32, #tpu.memory_space<vmem>>, vector<1x5000xf32>
    %swap3A_1256 = vector.shape_cast %swap3A_1255 : vector<1x5000xf32> to vector<5000xf32>
    %swap3A_1257 = vector.shape_cast %squeeze3A_1252 : vector<5000xf32> to vector<1x5000xf32>
    tpu.vector_store %arg4[%swap3A_1253, %swap3A_1254], %swap3A_1257 {strides = array<i32>} : memref<5x320000xf32, #tpu.memory_space<vmem>>, vector<1x5000xf32>,
    %slice3A_1258 = vector.extract_strided_slice %dot_general3A_935 {offsets = [46, 0], sizes = [1, 5000], strides = [1, 1]} : vector<64x5000xf32> to vector<1x5000xf32>
    %squeeze3A_1259 = vector.shape_cast %slice3A_1258 : vector<1x5000xf32> to vector<5000xf32>
    %swap3A_1260 = arith.constant 2 : index
    %swap3A_1261 = arith.constant 230000 : index
    %swap3A_1262 = vector.load %arg4[%swap3A_1260, %swap3A_1261] : memref<5x320000xf32, #tpu.memory_space<vmem>>, vector<1x5000xf32>
    %swap3A_1263 = vector.shape_cast %swap3A_1262 : vector<1x5000xf32> to vector<5000xf32>
    %swap3A_1264 = vector.shape_cast %squeeze3A_1259 : vector<5000xf32> to vector<1x5000xf32>
    tpu.vector_store %arg4[%swap3A_1260, %swap3A_1261], %swap3A_1264 {strides = array<i32>} : memref<5x320000xf32, #tpu.memory_space<vmem>>, vector<1x5000xf32>,
    %slice3A_1265 = vector.extract_strided_slice %dot_general3A_935 {offsets = [47, 0], sizes = [1, 5000], strides = [1, 1]} : vector<64x5000xf32> to vector<1x5000xf32>
    %squeeze3A_1266 = vector.shape_cast %slice3A_1265 : vector<1x5000xf32> to vector<5000xf32>
    %swap3A_1267 = arith.constant 2 : index
    %swap3A_1268 = arith.constant 235000 : index
    %swap3A_1269 = vector.load %arg4[%swap3A_1267, %swap3A_1268] : memref<5x320000xf32, #tpu.memory_space<vmem>>, vector<1x5000xf32>
    %swap3A_1270 = vector.shape_cast %swap3A_1269 : vector<1x5000xf32> to vector<5000xf32>
    %swap3A_1271 = vector.shape_cast %squeeze3A_1266 : vector<5000xf32> to vector<1x5000xf32>
    tpu.vector_store %arg4[%swap3A_1267, %swap3A_1268], %swap3A_1271 {strides = array<i32>} : memref<5x320000xf32, #tpu.memory_space<vmem>>, vector<1x5000xf32>,
    %slice3A_1272 = vector.extract_strided_slice %dot_general3A_935 {offsets = [48, 0], sizes = [1, 5000], strides = [1, 1]} : vector<64x5000xf32> to vector<1x5000xf32>
    %squeeze3A_1273 = vector.shape_cast %slice3A_1272 : vector<1x5000xf32> to vector<5000xf32>
    %swap3A_1274 = arith.constant 2 : index
    %swap3A_1275 = arith.constant 240000 : index
    %swap3A_1276 = vector.load %arg4[%swap3A_1274, %swap3A_1275] : memref<5x320000xf32, #tpu.memory_space<vmem>>, vector<1x5000xf32>
    %swap3A_1277 = vector.shape_cast %swap3A_1276 : vector<1x5000xf32> to vector<5000xf32>
    %swap3A_1278 = vector.shape_cast %squeeze3A_1273 : vector<5000xf32> to vector<1x5000xf32>
    tpu.vector_store %arg4[%swap3A_1274, %swap3A_1275], %swap3A_1278 {strides = array<i32>} : memref<5x320000xf32, #tpu.memory_space<vmem>>, vector<1x5000xf32>,
    %slice3A_1279 = vector.extract_strided_slice %dot_general3A_935 {offsets = [49, 0], sizes = [1, 5000], strides = [1, 1]} : vector<64x5000xf32> to vector<1x5000xf32>
    %squeeze3A_1280 = vector.shape_cast %slice3A_1279 : vector<1x5000xf32> to vector<5000xf32>
    %swap3A_1281 = arith.constant 2 : index
    %swap3A_1282 = arith.constant 245000 : index
    %swap3A_1283 = vector.load %arg4[%swap3A_1281, %swap3A_1282] : memref<5x320000xf32, #tpu.memory_space<vmem>>, vector<1x5000xf32>
    %swap3A_1284 = vector.shape_cast %swap3A_1283 : vector<1x5000xf32> to vector<5000xf32>
    %swap3A_1285 = vector.shape_cast %squeeze3A_1280 : vector<5000xf32> to vector<1x5000xf32>
    tpu.vector_store %arg4[%swap3A_1281, %swap3A_1282], %swap3A_1285 {strides = array<i32>} : memref<5x320000xf32, #tpu.memory_space<vmem>>, vector<1x5000xf32>,
    %slice3A_1286 = vector.extract_strided_slice %dot_general3A_935 {offsets = [50, 0], sizes = [1, 5000], strides = [1, 1]} : vector<64x5000xf32> to vector<1x5000xf32>
    %squeeze3A_1287 = vector.shape_cast %slice3A_1286 : vector<1x5000xf32> to vector<5000xf32>
    %swap3A_1288 = arith.constant 2 : index
    %swap3A_1289 = arith.constant 250000 : index
    %swap3A_1290 = vector.load %arg4[%swap3A_1288, %swap3A_1289] : memref<5x320000xf32, #tpu.memory_space<vmem>>, vector<1x5000xf32>
    %swap3A_1291 = vector.shape_cast %swap3A_1290 : vector<1x5000xf32> to vector<5000xf32>
    %swap3A_1292 = vector.shape_cast %squeeze3A_1287 : vector<5000xf32> to vector<1x5000xf32>
    tpu.vector_store %arg4[%swap3A_1288, %swap3A_1289], %swap3A_1292 {strides = array<i32>} : memref<5x320000xf32, #tpu.memory_space<vmem>>, vector<1x5000xf32>,
    %slice3A_1293 = vector.extract_strided_slice %dot_general3A_935 {offsets = [51, 0], sizes = [1, 5000], strides = [1, 1]} : vector<64x5000xf32> to vector<1x5000xf32>
    %squeeze3A_1294 = vector.shape_cast %slice3A_1293 : vector<1x5000xf32> to vector<5000xf32>
    %swap3A_1295 = arith.constant 2 : index
    %swap3A_1296 = arith.constant 255000 : index
    %swap3A_1297 = vector.load %arg4[%swap3A_1295, %swap3A_1296] : memref<5x320000xf32, #tpu.memory_space<vmem>>, vector<1x5000xf32>
    %swap3A_1298 = vector.shape_cast %swap3A_1297 : vector<1x5000xf32> to vector<5000xf32>
    %swap3A_1299 = vector.shape_cast %squeeze3A_1294 : vector<5000xf32> to vector<1x5000xf32>
    tpu.vector_store %arg4[%swap3A_1295, %swap3A_1296], %swap3A_1299 {strides = array<i32>} : memref<5x320000xf32, #tpu.memory_space<vmem>>, vector<1x5000xf32>,
    %slice3A_1300 = vector.extract_strided_slice %dot_general3A_935 {offsets = [52, 0], sizes = [1, 5000], strides = [1, 1]} : vector<64x5000xf32> to vector<1x5000xf32>
    %squeeze3A_1301 = vector.shape_cast %slice3A_1300 : vector<1x5000xf32> to vector<5000xf32>
    %swap3A_1302 = arith.constant 2 : index
    %swap3A_1303 = arith.constant 260000 : index
    %swap3A_1304 = vector.load %arg4[%swap3A_1302, %swap3A_1303] : memref<5x320000xf32, #tpu.memory_space<vmem>>, vector<1x5000xf32>
    %swap3A_1305 = vector.shape_cast %swap3A_1304 : vector<1x5000xf32> to vector<5000xf32>
    %swap3A_1306 = vector.shape_cast %squeeze3A_1301 : vector<5000xf32> to vector<1x5000xf32>
    tpu.vector_store %arg4[%swap3A_1302, %swap3A_1303], %swap3A_1306 {strides = array<i32>} : memref<5x320000xf32, #tpu.memory_space<vmem>>, vector<1x5000xf32>,
    %slice3A_1307 = vector.extract_strided_slice %dot_general3A_935 {offsets = [53, 0], sizes = [1, 5000], strides = [1, 1]} : vector<64x5000xf32> to vector<1x5000xf32>
    %squeeze3A_1308 = vector.shape_cast %slice3A_1307 : vector<1x5000xf32> to vector<5000xf32>
    %swap3A_1309 = arith.constant 2 : index
    %swap3A_1310 = arith.constant 265000 : index
    %swap3A_1311 = vector.load %arg4[%swap3A_1309, %swap3A_1310] : memref<5x320000xf32, #tpu.memory_space<vmem>>, vector<1x5000xf32>
    %swap3A_1312 = vector.shape_cast %swap3A_1311 : vector<1x5000xf32> to vector<5000xf32>
    %swap3A_1313 = vector.shape_cast %squeeze3A_1308 : vector<5000xf32> to vector<1x5000xf32>
    tpu.vector_store %arg4[%swap3A_1309, %swap3A_1310], %swap3A_1313 {strides = array<i32>} : memref<5x320000xf32, #tpu.memory_space<vmem>>, vector<1x5000xf32>,
    %slice3A_1314 = vector.extract_strided_slice %dot_general3A_935 {offsets = [54, 0], sizes = [1, 5000], strides = [1, 1]} : vector<64x5000xf32> to vector<1x5000xf32>
    %squeeze3A_1315 = vector.shape_cast %slice3A_1314 : vector<1x5000xf32> to vector<5000xf32>
    %swap3A_1316 = arith.constant 2 : index
    %swap3A_1317 = arith.constant 270000 : index
    %swap3A_1318 = vector.load %arg4[%swap3A_1316, %swap3A_1317] : memref<5x320000xf32, #tpu.memory_space<vmem>>, vector<1x5000xf32>
    %swap3A_1319 = vector.shape_cast %swap3A_1318 : vector<1x5000xf32> to vector<5000xf32>
    %swap3A_1320 = vector.shape_cast %squeeze3A_1315 : vector<5000xf32> to vector<1x5000xf32>
    tpu.vector_store %arg4[%swap3A_1316, %swap3A_1317], %swap3A_1320 {strides = array<i32>} : memref<5x320000xf32, #tpu.memory_space<vmem>>, vector<1x5000xf32>,
    %slice3A_1321 = vector.extract_strided_slice %dot_general3A_935 {offsets = [55, 0], sizes = [1, 5000], strides = [1, 1]} : vector<64x5000xf32> to vector<1x5000xf32>
    %squeeze3A_1322 = vector.shape_cast %slice3A_1321 : vector<1x5000xf32> to vector<5000xf32>
    %swap3A_1323 = arith.constant 2 : index
    %swap3A_1324 = arith.constant 275000 : index
    %swap3A_1325 = vector.load %arg4[%swap3A_1323, %swap3A_1324] : memref<5x320000xf32, #tpu.memory_space<vmem>>, vector<1x5000xf32>
    %swap3A_1326 = vector.shape_cast %swap3A_1325 : vector<1x5000xf32> to vector<5000xf32>
    %swap3A_1327 = vector.shape_cast %squeeze3A_1322 : vector<5000xf32> to vector<1x5000xf32>
    tpu.vector_store %arg4[%swap3A_1323, %swap3A_1324], %swap3A_1327 {strides = array<i32>} : memref<5x320000xf32, #tpu.memory_space<vmem>>, vector<1x5000xf32>,
    %slice3A_1328 = vector.extract_strided_slice %dot_general3A_935 {offsets = [56, 0], sizes = [1, 5000], strides = [1, 1]} : vector<64x5000xf32> to vector<1x5000xf32>
    %squeeze3A_1329 = vector.shape_cast %slice3A_1328 : vector<1x5000xf32> to vector<5000xf32>
    %swap3A_1330 = arith.constant 2 : index
    %swap3A_1331 = arith.constant 280000 : index
    %swap3A_1332 = vector.load %arg4[%swap3A_1330, %swap3A_1331] : memref<5x320000xf32, #tpu.memory_space<vmem>>, vector<1x5000xf32>
    %swap3A_1333 = vector.shape_cast %swap3A_1332 : vector<1x5000xf32> to vector<5000xf32>
    %swap3A_1334 = vector.shape_cast %squeeze3A_1329 : vector<5000xf32> to vector<1x5000xf32>
    tpu.vector_store %arg4[%swap3A_1330, %swap3A_1331], %swap3A_1334 {strides = array<i32>} : memref<5x320000xf32, #tpu.memory_space<vmem>>, vector<1x5000xf32>,
    %slice3A_1335 = vector.extract_strided_slice %dot_general3A_935 {offsets = [57, 0], sizes = [1, 5000], strides = [1, 1]} : vector<64x5000xf32> to vector<1x5000xf32>
    %squeeze3A_1336 = vector.shape_cast %slice3A_1335 : vector<1x5000xf32> to vector<5000xf32>
    %swap3A_1337 = arith.constant 2 : index
    %swap3A_1338 = arith.constant 285000 : index
    %swap3A_1339 = vector.load %arg4[%swap3A_1337, %swap3A_1338] : memref<5x320000xf32, #tpu.memory_space<vmem>>, vector<1x5000xf32>
    %swap3A_1340 = vector.shape_cast %swap3A_1339 : vector<1x5000xf32> to vector<5000xf32>
    %swap3A_1341 = vector.shape_cast %squeeze3A_1336 : vector<5000xf32> to vector<1x5000xf32>
    tpu.vector_store %arg4[%swap3A_1337, %swap3A_1338], %swap3A_1341 {strides = array<i32>} : memref<5x320000xf32, #tpu.memory_space<vmem>>, vector<1x5000xf32>,
    %slice3A_1342 = vector.extract_strided_slice %dot_general3A_935 {offsets = [58, 0], sizes = [1, 5000], strides = [1, 1]} : vector<64x5000xf32> to vector<1x5000xf32>
    %squeeze3A_1343 = vector.shape_cast %slice3A_1342 : vector<1x5000xf32> to vector<5000xf32>
    %swap3A_1344 = arith.constant 2 : index
    %swap3A_1345 = arith.constant 290000 : index
    %swap3A_1346 = vector.load %arg4[%swap3A_1344, %swap3A_1345] : memref<5x320000xf32, #tpu.memory_space<vmem>>, vector<1x5000xf32>
    %swap3A_1347 = vector.shape_cast %swap3A_1346 : vector<1x5000xf32> to vector<5000xf32>
    %swap3A_1348 = vector.shape_cast %squeeze3A_1343 : vector<5000xf32> to vector<1x5000xf32>
    tpu.vector_store %arg4[%swap3A_1344, %swap3A_1345], %swap3A_1348 {strides = array<i32>} : memref<5x320000xf32, #tpu.memory_space<vmem>>, vector<1x5000xf32>,
    %slice3A_1349 = vector.extract_strided_slice %dot_general3A_935 {offsets = [59, 0], sizes = [1, 5000], strides = [1, 1]} : vector<64x5000xf32> to vector<1x5000xf32>
    %squeeze3A_1350 = vector.shape_cast %slice3A_1349 : vector<1x5000xf32> to vector<5000xf32>
    %swap3A_1351 = arith.constant 2 : index
    %swap3A_1352 = arith.constant 295000 : index
    %swap3A_1353 = vector.load %arg4[%swap3A_1351, %swap3A_1352] : memref<5x320000xf32, #tpu.memory_space<vmem>>, vector<1x5000xf32>
    %swap3A_1354 = vector.shape_cast %swap3A_1353 : vector<1x5000xf32> to vector<5000xf32>
    %swap3A_1355 = vector.shape_cast %squeeze3A_1350 : vector<5000xf32> to vector<1x5000xf32>
    tpu.vector_store %arg4[%swap3A_1351, %swap3A_1352], %swap3A_1355 {strides = array<i32>} : memref<5x320000xf32, #tpu.memory_space<vmem>>, vector<1x5000xf32>,
    %slice3A_1356 = vector.extract_strided_slice %dot_general3A_935 {offsets = [60, 0], sizes = [1, 5000], strides = [1, 1]} : vector<64x5000xf32> to vector<1x5000xf32>
    %squeeze3A_1357 = vector.shape_cast %slice3A_1356 : vector<1x5000xf32> to vector<5000xf32>
    %swap3A_1358 = arith.constant 2 : index
    %swap3A_1359 = arith.constant 300000 : index
    %swap3A_1360 = vector.load %arg4[%swap3A_1358, %swap3A_1359] : memref<5x320000xf32, #tpu.memory_space<vmem>>, vector<1x5000xf32>
    %swap3A_1361 = vector.shape_cast %swap3A_1360 : vector<1x5000xf32> to vector<5000xf32>
    %swap3A_1362 = vector.shape_cast %squeeze3A_1357 : vector<5000xf32> to vector<1x5000xf32>
    tpu.vector_store %arg4[%swap3A_1358, %swap3A_1359], %swap3A_1362 {strides = array<i32>} : memref<5x320000xf32, #tpu.memory_space<vmem>>, vector<1x5000xf32>,
    %slice3A_1363 = vector.extract_strided_slice %dot_general3A_935 {offsets = [61, 0], sizes = [1, 5000], strides = [1, 1]} : vector<64x5000xf32> to vector<1x5000xf32>
    %squeeze3A_1364 = vector.shape_cast %slice3A_1363 : vector<1x5000xf32> to vector<5000xf32>
    %swap3A_1365 = arith.constant 2 : index
    %swap3A_1366 = arith.constant 305000 : index
    %swap3A_1367 = vector.load %arg4[%swap3A_1365, %swap3A_1366] : memref<5x320000xf32, #tpu.memory_space<vmem>>, vector<1x5000xf32>
    %swap3A_1368 = vector.shape_cast %swap3A_1367 : vector<1x5000xf32> to vector<5000xf32>
    %swap3A_1369 = vector.shape_cast %squeeze3A_1364 : vector<5000xf32> to vector<1x5000xf32>
    tpu.vector_store %arg4[%swap3A_1365, %swap3A_1366], %swap3A_1369 {strides = array<i32>} : memref<5x320000xf32, #tpu.memory_space<vmem>>, vector<1x5000xf32>,
    %slice3A_1370 = vector.extract_strided_slice %dot_general3A_935 {offsets = [62, 0], sizes = [1, 5000], strides = [1, 1]} : vector<64x5000xf32> to vector<1x5000xf32>
    %squeeze3A_1371 = vector.shape_cast %slice3A_1370 : vector<1x5000xf32> to vector<5000xf32>
    %swap3A_1372 = arith.constant 2 : index
    %swap3A_1373 = arith.constant 310000 : index
    %swap3A_1374 = vector.load %arg4[%swap3A_1372, %swap3A_1373] : memref<5x320000xf32, #tpu.memory_space<vmem>>, vector<1x5000xf32>
    %swap3A_1375 = vector.shape_cast %swap3A_1374 : vector<1x5000xf32> to vector<5000xf32>
    %swap3A_1376 = vector.shape_cast %squeeze3A_1371 : vector<5000xf32> to vector<1x5000xf32>
    tpu.vector_store %arg4[%swap3A_1372, %swap3A_1373], %swap3A_1376 {strides = array<i32>} : memref<5x320000xf32, #tpu.memory_space<vmem>>, vector<1x5000xf32>,
    %slice3A_1377 = vector.extract_strided_slice %dot_general3A_935 {offsets = [63, 0], sizes = [1, 5000], strides = [1, 1]} : vector<64x5000xf32> to vector<1x5000xf32>
    %squeeze3A_1378 = vector.shape_cast %slice3A_1377 : vector<1x5000xf32> to vector<5000xf32>
    %swap3A_1379 = arith.constant 2 : index
    %swap3A_1380 = arith.constant 315000 : index
    %swap3A_1381 = vector.load %arg4[%swap3A_1379, %swap3A_1380] : memref<5x320000xf32, #tpu.memory_space<vmem>>, vector<1x5000xf32>
    %swap3A_1382 = vector.shape_cast %swap3A_1381 : vector<1x5000xf32> to vector<5000xf32>
    %swap3A_1383 = vector.shape_cast %squeeze3A_1378 : vector<5000xf32> to vector<1x5000xf32>
    tpu.vector_store %arg4[%swap3A_1379, %swap3A_1380], %swap3A_1383 {strides = array<i32>} : memref<5x320000xf32, #tpu.memory_space<vmem>>, vector<1x5000xf32>,
    %get3A_1384 = arith.constant 0 : index
    %get3A_1385 = arith.constant 0 : index
    %get3A_1386 = vector.load %arg1[%get3A_1384, %get3A_1385] : memref<64x32xf32, #tpu.memory_space<vmem>>, vector<64x32xf32>
    %get3A_1387 = arith.constant 3 : index
    %get3A_1388 = arith.constant 0 : index
    %get3A_1389 = arith.constant 0 : index
    %get3A_1390 = vector.load %arg3[%get3A_1387, %get3A_1388, %get3A_1389] : memref<5x32x32xf32, #tpu.memory_space<vmem>>, vector<1x32x32xf32>
    %get3A_1391 = vector.shape_cast %get3A_1390 : vector<1x32x32xf32> to vector<32x32xf32>
    %dot_general3A_1392 = arith.constant dense<0.000000e+00> : vector<64x32xf32>
    %dot_general3A_1393 = tpu.matmul %get3A_1386, %get3A_1391, %dot_general3A_1392 {dimension_numbers = #tpu.dot_dimension_numbers<[1], [0], [0], [1], [0, 0, 1, 1], [], []>, transpose_lhs_hint = false} : vector<64x32xf32>, vector<32x32xf32>, vector<64x32xf32> -> vector<64x32xf32>
    %get3A_1394 = arith.constant 0 : index
    %get3A_1395 = arith.constant 0 : index
    %get3A_1396 = vector.load %arg2[%get3A_1394, %get3A_1395] : memref<5000x32xf32, #tpu.memory_space<vmem>>, vector<5000x32xf32>
    %dot_general3A_1397 = arith.constant dense<0.000000e+00> : vector<64x5000xf32>
    %dot_general3A_1398 = tpu.matmul %dot_general3A_1393, %get3A_1396, %dot_general3A_1397 {dimension_numbers = #tpu.dot_dimension_numbers<[1], [1], [0], [0], [0, 0, 1, 0], [], []>, transpose_lhs_hint = false} : vector<64x32xf32>, vector<5000x32xf32>, vector<64x5000xf32> -> vector<64x5000xf32>
    %slice3A_1399 = vector.extract_strided_slice %dot_general3A_1398 {offsets = [0, 0], sizes = [1, 5000], strides = [1, 1]} : vector<64x5000xf32> to vector<1x5000xf32>
    %squeeze3A_1400 = vector.shape_cast %slice3A_1399 : vector<1x5000xf32> to vector<5000xf32>
    %swap3A_1401 = arith.constant 3 : index
    %swap3A_1402 = arith.constant 0 : index
    %swap3A_1403 = vector.load %arg4[%swap3A_1401, %swap3A_1402] : memref<5x320000xf32, #tpu.memory_space<vmem>>, vector<1x5000xf32>
    %swap3A_1404 = vector.shape_cast %swap3A_1403 : vector<1x5000xf32> to vector<5000xf32>
    %swap3A_1405 = vector.shape_cast %squeeze3A_1400 : vector<5000xf32> to vector<1x5000xf32>
    tpu.vector_store %arg4[%swap3A_1401, %swap3A_1402], %swap3A_1405 {strides = array<i32>} : memref<5x320000xf32, #tpu.memory_space<vmem>>, vector<1x5000xf32>,
    %slice3A_1406 = vector.extract_strided_slice %dot_general3A_1398 {offsets = [1, 0], sizes = [1, 5000], strides = [1, 1]} : vector<64x5000xf32> to vector<1x5000xf32>
    %squeeze3A_1407 = vector.shape_cast %slice3A_1406 : vector<1x5000xf32> to vector<5000xf32>
    %swap3A_1408 = arith.constant 3 : index
    %swap3A_1409 = arith.constant 5000 : index
    %swap3A_1410 = vector.load %arg4[%swap3A_1408, %swap3A_1409] : memref<5x320000xf32, #tpu.memory_space<vmem>>, vector<1x5000xf32>
    %swap3A_1411 = vector.shape_cast %swap3A_1410 : vector<1x5000xf32> to vector<5000xf32>
    %swap3A_1412 = vector.shape_cast %squeeze3A_1407 : vector<5000xf32> to vector<1x5000xf32>
    tpu.vector_store %arg4[%swap3A_1408, %swap3A_1409], %swap3A_1412 {strides = array<i32>} : memref<5x320000xf32, #tpu.memory_space<vmem>>, vector<1x5000xf32>,
    %slice3A_1413 = vector.extract_strided_slice %dot_general3A_1398 {offsets = [2, 0], sizes = [1, 5000], strides = [1, 1]} : vector<64x5000xf32> to vector<1x5000xf32>
    %squeeze3A_1414 = vector.shape_cast %slice3A_1413 : vector<1x5000xf32> to vector<5000xf32>
    %swap3A_1415 = arith.constant 3 : index
    %swap3A_1416 = arith.constant 10000 : index
    %swap3A_1417 = vector.load %arg4[%swap3A_1415, %swap3A_1416] : memref<5x320000xf32, #tpu.memory_space<vmem>>, vector<1x5000xf32>
    %swap3A_1418 = vector.shape_cast %swap3A_1417 : vector<1x5000xf32> to vector<5000xf32>
    %swap3A_1419 = vector.shape_cast %squeeze3A_1414 : vector<5000xf32> to vector<1x5000xf32>
    tpu.vector_store %arg4[%swap3A_1415, %swap3A_1416], %swap3A_1419 {strides = array<i32>} : memref<5x320000xf32, #tpu.memory_space<vmem>>, vector<1x5000xf32>,
    %slice3A_1420 = vector.extract_strided_slice %dot_general3A_1398 {offsets = [3, 0], sizes = [1, 5000], strides = [1, 1]} : vector<64x5000xf32> to vector<1x5000xf32>
    %squeeze3A_1421 = vector.shape_cast %slice3A_1420 : vector<1x5000xf32> to vector<5000xf32>
    %swap3A_1422 = arith.constant 3 : index
    %swap3A_1423 = arith.constant 15000 : index
    %swap3A_1424 = vector.load %arg4[%swap3A_1422, %swap3A_1423] : memref<5x320000xf32, #tpu.memory_space<vmem>>, vector<1x5000xf32>
    %swap3A_1425 = vector.shape_cast %swap3A_1424 : vector<1x5000xf32> to vector<5000xf32>
    %swap3A_1426 = vector.shape_cast %squeeze3A_1421 : vector<5000xf32> to vector<1x5000xf32>
    tpu.vector_store %arg4[%swap3A_1422, %swap3A_1423], %swap3A_1426 {strides = array<i32>} : memref<5x320000xf32, #tpu.memory_space<vmem>>, vector<1x5000xf32>,
    %slice3A_1427 = vector.extract_strided_slice %dot_general3A_1398 {offsets = [4, 0], sizes = [1, 5000], strides = [1, 1]} : vector<64x5000xf32> to vector<1x5000xf32>
    %squeeze3A_1428 = vector.shape_cast %slice3A_1427 : vector<1x5000xf32> to vector<5000xf32>
    %swap3A_1429 = arith.constant 3 : index
    %swap3A_1430 = arith.constant 20000 : index
    %swap3A_1431 = vector.load %arg4[%swap3A_1429, %swap3A_1430] : memref<5x320000xf32, #tpu.memory_space<vmem>>, vector<1x5000xf32>
    %swap3A_1432 = vector.shape_cast %swap3A_1431 : vector<1x5000xf32> to vector<5000xf32>
    %swap3A_1433 = vector.shape_cast %squeeze3A_1428 : vector<5000xf32> to vector<1x5000xf32>
    tpu.vector_store %arg4[%swap3A_1429, %swap3A_1430], %swap3A_1433 {strides = array<i32>} : memref<5x320000xf32, #tpu.memory_space<vmem>>, vector<1x5000xf32>,
    %slice3A_1434 = vector.extract_strided_slice %dot_general3A_1398 {offsets = [5, 0], sizes = [1, 5000], strides = [1, 1]} : vector<64x5000xf32> to vector<1x5000xf32>
    %squeeze3A_1435 = vector.shape_cast %slice3A_1434 : vector<1x5000xf32> to vector<5000xf32>
    %swap3A_1436 = arith.constant 3 : index
    %swap3A_1437 = arith.constant 25000 : index
    %swap3A_1438 = vector.load %arg4[%swap3A_1436, %swap3A_1437] : memref<5x320000xf32, #tpu.memory_space<vmem>>, vector<1x5000xf32>
    %swap3A_1439 = vector.shape_cast %swap3A_1438 : vector<1x5000xf32> to vector<5000xf32>
    %swap3A_1440 = vector.shape_cast %squeeze3A_1435 : vector<5000xf32> to vector<1x5000xf32>
    tpu.vector_store %arg4[%swap3A_1436, %swap3A_1437], %swap3A_1440 {strides = array<i32>} : memref<5x320000xf32, #tpu.memory_space<vmem>>, vector<1x5000xf32>,
    %slice3A_1441 = vector.extract_strided_slice %dot_general3A_1398 {offsets = [6, 0], sizes = [1, 5000], strides = [1, 1]} : vector<64x5000xf32> to vector<1x5000xf32>
    %squeeze3A_1442 = vector.shape_cast %slice3A_1441 : vector<1x5000xf32> to vector<5000xf32>
    %swap3A_1443 = arith.constant 3 : index
    %swap3A_1444 = arith.constant 30000 : index
    %swap3A_1445 = vector.load %arg4[%swap3A_1443, %swap3A_1444] : memref<5x320000xf32, #tpu.memory_space<vmem>>, vector<1x5000xf32>
    %swap3A_1446 = vector.shape_cast %swap3A_1445 : vector<1x5000xf32> to vector<5000xf32>
    %swap3A_1447 = vector.shape_cast %squeeze3A_1442 : vector<5000xf32> to vector<1x5000xf32>
    tpu.vector_store %arg4[%swap3A_1443, %swap3A_1444], %swap3A_1447 {strides = array<i32>} : memref<5x320000xf32, #tpu.memory_space<vmem>>, vector<1x5000xf32>,
    %slice3A_1448 = vector.extract_strided_slice %dot_general3A_1398 {offsets = [7, 0], sizes = [1, 5000], strides = [1, 1]} : vector<64x5000xf32> to vector<1x5000xf32>
    %squeeze3A_1449 = vector.shape_cast %slice3A_1448 : vector<1x5000xf32> to vector<5000xf32>
    %swap3A_1450 = arith.constant 3 : index
    %swap3A_1451 = arith.constant 35000 : index
    %swap3A_1452 = vector.load %arg4[%swap3A_1450, %swap3A_1451] : memref<5x320000xf32, #tpu.memory_space<vmem>>, vector<1x5000xf32>
    %swap3A_1453 = vector.shape_cast %swap3A_1452 : vector<1x5000xf32> to vector<5000xf32>
    %swap3A_1454 = vector.shape_cast %squeeze3A_1449 : vector<5000xf32> to vector<1x5000xf32>
    tpu.vector_store %arg4[%swap3A_1450, %swap3A_1451], %swap3A_1454 {strides = array<i32>} : memref<5x320000xf32, #tpu.memory_space<vmem>>, vector<1x5000xf32>,
    %slice3A_1455 = vector.extract_strided_slice %dot_general3A_1398 {offsets = [8, 0], sizes = [1, 5000], strides = [1, 1]} : vector<64x5000xf32> to vector<1x5000xf32>
    %squeeze3A_1456 = vector.shape_cast %slice3A_1455 : vector<1x5000xf32> to vector<5000xf32>
    %swap3A_1457 = arith.constant 3 : index
    %swap3A_1458 = arith.constant 40000 : index
    %swap3A_1459 = vector.load %arg4[%swap3A_1457, %swap3A_1458] : memref<5x320000xf32, #tpu.memory_space<vmem>>, vector<1x5000xf32>
    %swap3A_1460 = vector.shape_cast %swap3A_1459 : vector<1x5000xf32> to vector<5000xf32>
    %swap3A_1461 = vector.shape_cast %squeeze3A_1456 : vector<5000xf32> to vector<1x5000xf32>
    tpu.vector_store %arg4[%swap3A_1457, %swap3A_1458], %swap3A_1461 {strides = array<i32>} : memref<5x320000xf32, #tpu.memory_space<vmem>>, vector<1x5000xf32>,
    %slice3A_1462 = vector.extract_strided_slice %dot_general3A_1398 {offsets = [9, 0], sizes = [1, 5000], strides = [1, 1]} : vector<64x5000xf32> to vector<1x5000xf32>
    %squeeze3A_1463 = vector.shape_cast %slice3A_1462 : vector<1x5000xf32> to vector<5000xf32>
    %swap3A_1464 = arith.constant 3 : index
    %swap3A_1465 = arith.constant 45000 : index
    %swap3A_1466 = vector.load %arg4[%swap3A_1464, %swap3A_1465] : memref<5x320000xf32, #tpu.memory_space<vmem>>, vector<1x5000xf32>
    %swap3A_1467 = vector.shape_cast %swap3A_1466 : vector<1x5000xf32> to vector<5000xf32>
    %swap3A_1468 = vector.shape_cast %squeeze3A_1463 : vector<5000xf32> to vector<1x5000xf32>
    tpu.vector_store %arg4[%swap3A_1464, %swap3A_1465], %swap3A_1468 {strides = array<i32>} : memref<5x320000xf32, #tpu.memory_space<vmem>>, vector<1x5000xf32>,
    %slice3A_1469 = vector.extract_strided_slice %dot_general3A_1398 {offsets = [10, 0], sizes = [1, 5000], strides = [1, 1]} : vector<64x5000xf32> to vector<1x5000xf32>
    %squeeze3A_1470 = vector.shape_cast %slice3A_1469 : vector<1x5000xf32> to vector<5000xf32>
    %swap3A_1471 = arith.constant 3 : index
    %swap3A_1472 = arith.constant 50000 : index
    %swap3A_1473 = vector.load %arg4[%swap3A_1471, %swap3A_1472] : memref<5x320000xf32, #tpu.memory_space<vmem>>, vector<1x5000xf32>
    %swap3A_1474 = vector.shape_cast %swap3A_1473 : vector<1x5000xf32> to vector<5000xf32>
    %swap3A_1475 = vector.shape_cast %squeeze3A_1470 : vector<5000xf32> to vector<1x5000xf32>
    tpu.vector_store %arg4[%swap3A_1471, %swap3A_1472], %swap3A_1475 {strides = array<i32>} : memref<5x320000xf32, #tpu.memory_space<vmem>>, vector<1x5000xf32>,
    %slice3A_1476 = vector.extract_strided_slice %dot_general3A_1398 {offsets = [11, 0], sizes = [1, 5000], strides = [1, 1]} : vector<64x5000xf32> to vector<1x5000xf32>
    %squeeze3A_1477 = vector.shape_cast %slice3A_1476 : vector<1x5000xf32> to vector<5000xf32>
    %swap3A_1478 = arith.constant 3 : index
    %swap3A_1479 = arith.constant 55000 : index
    %swap3A_1480 = vector.load %arg4[%swap3A_1478, %swap3A_1479] : memref<5x320000xf32, #tpu.memory_space<vmem>>, vector<1x5000xf32>
    %swap3A_1481 = vector.shape_cast %swap3A_1480 : vector<1x5000xf32> to vector<5000xf32>
    %swap3A_1482 = vector.shape_cast %squeeze3A_1477 : vector<5000xf32> to vector<1x5000xf32>
    tpu.vector_store %arg4[%swap3A_1478, %swap3A_1479], %swap3A_1482 {strides = array<i32>} : memref<5x320000xf32, #tpu.memory_space<vmem>>, vector<1x5000xf32>,
    %slice3A_1483 = vector.extract_strided_slice %dot_general3A_1398 {offsets = [12, 0], sizes = [1, 5000], strides = [1, 1]} : vector<64x5000xf32> to vector<1x5000xf32>
    %squeeze3A_1484 = vector.shape_cast %slice3A_1483 : vector<1x5000xf32> to vector<5000xf32>
    %swap3A_1485 = arith.constant 3 : index
    %swap3A_1486 = arith.constant 60000 : index
    %swap3A_1487 = vector.load %arg4[%swap3A_1485, %swap3A_1486] : memref<5x320000xf32, #tpu.memory_space<vmem>>, vector<1x5000xf32>
    %swap3A_1488 = vector.shape_cast %swap3A_1487 : vector<1x5000xf32> to vector<5000xf32>
    %swap3A_1489 = vector.shape_cast %squeeze3A_1484 : vector<5000xf32> to vector<1x5000xf32>
    tpu.vector_store %arg4[%swap3A_1485, %swap3A_1486], %swap3A_1489 {strides = array<i32>} : memref<5x320000xf32, #tpu.memory_space<vmem>>, vector<1x5000xf32>,
    %slice3A_1490 = vector.extract_strided_slice %dot_general3A_1398 {offsets = [13, 0], sizes = [1, 5000], strides = [1, 1]} : vector<64x5000xf32> to vector<1x5000xf32>
    %squeeze3A_1491 = vector.shape_cast %slice3A_1490 : vector<1x5000xf32> to vector<5000xf32>
    %swap3A_1492 = arith.constant 3 : index
    %swap3A_1493 = arith.constant 65000 : index
    %swap3A_1494 = vector.load %arg4[%swap3A_1492, %swap3A_1493] : memref<5x320000xf32, #tpu.memory_space<vmem>>, vector<1x5000xf32>
    %swap3A_1495 = vector.shape_cast %swap3A_1494 : vector<1x5000xf32> to vector<5000xf32>
    %swap3A_1496 = vector.shape_cast %squeeze3A_1491 : vector<5000xf32> to vector<1x5000xf32>
    tpu.vector_store %arg4[%swap3A_1492, %swap3A_1493], %swap3A_1496 {strides = array<i32>} : memref<5x320000xf32, #tpu.memory_space<vmem>>, vector<1x5000xf32>,
    %slice3A_1497 = vector.extract_strided_slice %dot_general3A_1398 {offsets = [14, 0], sizes = [1, 5000], strides = [1, 1]} : vector<64x5000xf32> to vector<1x5000xf32>
    %squeeze3A_1498 = vector.shape_cast %slice3A_1497 : vector<1x5000xf32> to vector<5000xf32>
    %swap3A_1499 = arith.constant 3 : index
    %swap3A_1500 = arith.constant 70000 : index
    %swap3A_1501 = vector.load %arg4[%swap3A_1499, %swap3A_1500] : memref<5x320000xf32, #tpu.memory_space<vmem>>, vector<1x5000xf32>
    %swap3A_1502 = vector.shape_cast %swap3A_1501 : vector<1x5000xf32> to vector<5000xf32>
    %swap3A_1503 = vector.shape_cast %squeeze3A_1498 : vector<5000xf32> to vector<1x5000xf32>
    tpu.vector_store %arg4[%swap3A_1499, %swap3A_1500], %swap3A_1503 {strides = array<i32>} : memref<5x320000xf32, #tpu.memory_space<vmem>>, vector<1x5000xf32>,
    %slice3A_1504 = vector.extract_strided_slice %dot_general3A_1398 {offsets = [15, 0], sizes = [1, 5000], strides = [1, 1]} : vector<64x5000xf32> to vector<1x5000xf32>
    %squeeze3A_1505 = vector.shape_cast %slice3A_1504 : vector<1x5000xf32> to vector<5000xf32>
    %swap3A_1506 = arith.constant 3 : index
    %swap3A_1507 = arith.constant 75000 : index
    %swap3A_1508 = vector.load %arg4[%swap3A_1506, %swap3A_1507] : memref<5x320000xf32, #tpu.memory_space<vmem>>, vector<1x5000xf32>
    %swap3A_1509 = vector.shape_cast %swap3A_1508 : vector<1x5000xf32> to vector<5000xf32>
    %swap3A_1510 = vector.shape_cast %squeeze3A_1505 : vector<5000xf32> to vector<1x5000xf32>
    tpu.vector_store %arg4[%swap3A_1506, %swap3A_1507], %swap3A_1510 {strides = array<i32>} : memref<5x320000xf32, #tpu.memory_space<vmem>>, vector<1x5000xf32>,
    %slice3A_1511 = vector.extract_strided_slice %dot_general3A_1398 {offsets = [16, 0], sizes = [1, 5000], strides = [1, 1]} : vector<64x5000xf32> to vector<1x5000xf32>
    %squeeze3A_1512 = vector.shape_cast %slice3A_1511 : vector<1x5000xf32> to vector<5000xf32>
    %swap3A_1513 = arith.constant 3 : index
    %swap3A_1514 = arith.constant 80000 : index
    %swap3A_1515 = vector.load %arg4[%swap3A_1513, %swap3A_1514] : memref<5x320000xf32, #tpu.memory_space<vmem>>, vector<1x5000xf32>
    %swap3A_1516 = vector.shape_cast %swap3A_1515 : vector<1x5000xf32> to vector<5000xf32>
    %swap3A_1517 = vector.shape_cast %squeeze3A_1512 : vector<5000xf32> to vector<1x5000xf32>
    tpu.vector_store %arg4[%swap3A_1513, %swap3A_1514], %swap3A_1517 {strides = array<i32>} : memref<5x320000xf32, #tpu.memory_space<vmem>>, vector<1x5000xf32>,
    %slice3A_1518 = vector.extract_strided_slice %dot_general3A_1398 {offsets = [17, 0], sizes = [1, 5000], strides = [1, 1]} : vector<64x5000xf32> to vector<1x5000xf32>
    %squeeze3A_1519 = vector.shape_cast %slice3A_1518 : vector<1x5000xf32> to vector<5000xf32>
    %swap3A_1520 = arith.constant 3 : index
    %swap3A_1521 = arith.constant 85000 : index
    %swap3A_1522 = vector.load %arg4[%swap3A_1520, %swap3A_1521] : memref<5x320000xf32, #tpu.memory_space<vmem>>, vector<1x5000xf32>
    %swap3A_1523 = vector.shape_cast %swap3A_1522 : vector<1x5000xf32> to vector<5000xf32>
    %swap3A_1524 = vector.shape_cast %squeeze3A_1519 : vector<5000xf32> to vector<1x5000xf32>
    tpu.vector_store %arg4[%swap3A_1520, %swap3A_1521], %swap3A_1524 {strides = array<i32>} : memref<5x320000xf32, #tpu.memory_space<vmem>>, vector<1x5000xf32>,
    %slice3A_1525 = vector.extract_strided_slice %dot_general3A_1398 {offsets = [18, 0], sizes = [1, 5000], strides = [1, 1]} : vector<64x5000xf32> to vector<1x5000xf32>
    %squeeze3A_1526 = vector.shape_cast %slice3A_1525 : vector<1x5000xf32> to vector<5000xf32>
    %swap3A_1527 = arith.constant 3 : index
    %swap3A_1528 = arith.constant 90000 : index
    %swap3A_1529 = vector.load %arg4[%swap3A_1527, %swap3A_1528] : memref<5x320000xf32, #tpu.memory_space<vmem>>, vector<1x5000xf32>
    %swap3A_1530 = vector.shape_cast %swap3A_1529 : vector<1x5000xf32> to vector<5000xf32>
    %swap3A_1531 = vector.shape_cast %squeeze3A_1526 : vector<5000xf32> to vector<1x5000xf32>
    tpu.vector_store %arg4[%swap3A_1527, %swap3A_1528], %swap3A_1531 {strides = array<i32>} : memref<5x320000xf32, #tpu.memory_space<vmem>>, vector<1x5000xf32>,
    %slice3A_1532 = vector.extract_strided_slice %dot_general3A_1398 {offsets = [19, 0], sizes = [1, 5000], strides = [1, 1]} : vector<64x5000xf32> to vector<1x5000xf32>
    %squeeze3A_1533 = vector.shape_cast %slice3A_1532 : vector<1x5000xf32> to vector<5000xf32>
    %swap3A_1534 = arith.constant 3 : index
    %swap3A_1535 = arith.constant 95000 : index
    %swap3A_1536 = vector.load %arg4[%swap3A_1534, %swap3A_1535] : memref<5x320000xf32, #tpu.memory_space<vmem>>, vector<1x5000xf32>
    %swap3A_1537 = vector.shape_cast %swap3A_1536 : vector<1x5000xf32> to vector<5000xf32>
    %swap3A_1538 = vector.shape_cast %squeeze3A_1533 : vector<5000xf32> to vector<1x5000xf32>
    tpu.vector_store %arg4[%swap3A_1534, %swap3A_1535], %swap3A_1538 {strides = array<i32>} : memref<5x320000xf32, #tpu.memory_space<vmem>>, vector<1x5000xf32>,
    %slice3A_1539 = vector.extract_strided_slice %dot_general3A_1398 {offsets = [20, 0], sizes = [1, 5000], strides = [1, 1]} : vector<64x5000xf32> to vector<1x5000xf32>
    %squeeze3A_1540 = vector.shape_cast %slice3A_1539 : vector<1x5000xf32> to vector<5000xf32>
    %swap3A_1541 = arith.constant 3 : index
    %swap3A_1542 = arith.constant 100000 : index
    %swap3A_1543 = vector.load %arg4[%swap3A_1541, %swap3A_1542] : memref<5x320000xf32, #tpu.memory_space<vmem>>, vector<1x5000xf32>
    %swap3A_1544 = vector.shape_cast %swap3A_1543 : vector<1x5000xf32> to vector<5000xf32>
    %swap3A_1545 = vector.shape_cast %squeeze3A_1540 : vector<5000xf32> to vector<1x5000xf32>
    tpu.vector_store %arg4[%swap3A_1541, %swap3A_1542], %swap3A_1545 {strides = array<i32>} : memref<5x320000xf32, #tpu.memory_space<vmem>>, vector<1x5000xf32>,
    %slice3A_1546 = vector.extract_strided_slice %dot_general3A_1398 {offsets = [21, 0], sizes = [1, 5000], strides = [1, 1]} : vector<64x5000xf32> to vector<1x5000xf32>
    %squeeze3A_1547 = vector.shape_cast %slice3A_1546 : vector<1x5000xf32> to vector<5000xf32>
    %swap3A_1548 = arith.constant 3 : index
    %swap3A_1549 = arith.constant 105000 : index
    %swap3A_1550 = vector.load %arg4[%swap3A_1548, %swap3A_1549] : memref<5x320000xf32, #tpu.memory_space<vmem>>, vector<1x5000xf32>
    %swap3A_1551 = vector.shape_cast %swap3A_1550 : vector<1x5000xf32> to vector<5000xf32>
    %swap3A_1552 = vector.shape_cast %squeeze3A_1547 : vector<5000xf32> to vector<1x5000xf32>
    tpu.vector_store %arg4[%swap3A_1548, %swap3A_1549], %swap3A_1552 {strides = array<i32>} : memref<5x320000xf32, #tpu.memory_space<vmem>>, vector<1x5000xf32>,
    %slice3A_1553 = vector.extract_strided_slice %dot_general3A_1398 {offsets = [22, 0], sizes = [1, 5000], strides = [1, 1]} : vector<64x5000xf32> to vector<1x5000xf32>
    %squeeze3A_1554 = vector.shape_cast %slice3A_1553 : vector<1x5000xf32> to vector<5000xf32>
    %swap3A_1555 = arith.constant 3 : index
    %swap3A_1556 = arith.constant 110000 : index
    %swap3A_1557 = vector.load %arg4[%swap3A_1555, %swap3A_1556] : memref<5x320000xf32, #tpu.memory_space<vmem>>, vector<1x5000xf32>
    %swap3A_1558 = vector.shape_cast %swap3A_1557 : vector<1x5000xf32> to vector<5000xf32>
    %swap3A_1559 = vector.shape_cast %squeeze3A_1554 : vector<5000xf32> to vector<1x5000xf32>
    tpu.vector_store %arg4[%swap3A_1555, %swap3A_1556], %swap3A_1559 {strides = array<i32>} : memref<5x320000xf32, #tpu.memory_space<vmem>>, vector<1x5000xf32>,
    %slice3A_1560 = vector.extract_strided_slice %dot_general3A_1398 {offsets = [23, 0], sizes = [1, 5000], strides = [1, 1]} : vector<64x5000xf32> to vector<1x5000xf32>
    %squeeze3A_1561 = vector.shape_cast %slice3A_1560 : vector<1x5000xf32> to vector<5000xf32>
    %swap3A_1562 = arith.constant 3 : index
    %swap3A_1563 = arith.constant 115000 : index
    %swap3A_1564 = vector.load %arg4[%swap3A_1562, %swap3A_1563] : memref<5x320000xf32, #tpu.memory_space<vmem>>, vector<1x5000xf32>
    %swap3A_1565 = vector.shape_cast %swap3A_1564 : vector<1x5000xf32> to vector<5000xf32>
    %swap3A_1566 = vector.shape_cast %squeeze3A_1561 : vector<5000xf32> to vector<1x5000xf32>
    tpu.vector_store %arg4[%swap3A_1562, %swap3A_1563], %swap3A_1566 {strides = array<i32>} : memref<5x320000xf32, #tpu.memory_space<vmem>>, vector<1x5000xf32>,
    %slice3A_1567 = vector.extract_strided_slice %dot_general3A_1398 {offsets = [24, 0], sizes = [1, 5000], strides = [1, 1]} : vector<64x5000xf32> to vector<1x5000xf32>
    %squeeze3A_1568 = vector.shape_cast %slice3A_1567 : vector<1x5000xf32> to vector<5000xf32>
    %swap3A_1569 = arith.constant 3 : index
    %swap3A_1570 = arith.constant 120000 : index
    %swap3A_1571 = vector.load %arg4[%swap3A_1569, %swap3A_1570] : memref<5x320000xf32, #tpu.memory_space<vmem>>, vector<1x5000xf32>
    %swap3A_1572 = vector.shape_cast %swap3A_1571 : vector<1x5000xf32> to vector<5000xf32>
    %swap3A_1573 = vector.shape_cast %squeeze3A_1568 : vector<5000xf32> to vector<1x5000xf32>
    tpu.vector_store %arg4[%swap3A_1569, %swap3A_1570], %swap3A_1573 {strides = array<i32>} : memref<5x320000xf32, #tpu.memory_space<vmem>>, vector<1x5000xf32>,
    %slice3A_1574 = vector.extract_strided_slice %dot_general3A_1398 {offsets = [25, 0], sizes = [1, 5000], strides = [1, 1]} : vector<64x5000xf32> to vector<1x5000xf32>
    %squeeze3A_1575 = vector.shape_cast %slice3A_1574 : vector<1x5000xf32> to vector<5000xf32>
    %swap3A_1576 = arith.constant 3 : index
    %swap3A_1577 = arith.constant 125000 : index
    %swap3A_1578 = vector.load %arg4[%swap3A_1576, %swap3A_1577] : memref<5x320000xf32, #tpu.memory_space<vmem>>, vector<1x5000xf32>
    %swap3A_1579 = vector.shape_cast %swap3A_1578 : vector<1x5000xf32> to vector<5000xf32>
    %swap3A_1580 = vector.shape_cast %squeeze3A_1575 : vector<5000xf32> to vector<1x5000xf32>
    tpu.vector_store %arg4[%swap3A_1576, %swap3A_1577], %swap3A_1580 {strides = array<i32>} : memref<5x320000xf32, #tpu.memory_space<vmem>>, vector<1x5000xf32>,
    %slice3A_1581 = vector.extract_strided_slice %dot_general3A_1398 {offsets = [26, 0], sizes = [1, 5000], strides = [1, 1]} : vector<64x5000xf32> to vector<1x5000xf32>
    %squeeze3A_1582 = vector.shape_cast %slice3A_1581 : vector<1x5000xf32> to vector<5000xf32>
    %swap3A_1583 = arith.constant 3 : index
    %swap3A_1584 = arith.constant 130000 : index
    %swap3A_1585 = vector.load %arg4[%swap3A_1583, %swap3A_1584] : memref<5x320000xf32, #tpu.memory_space<vmem>>, vector<1x5000xf32>
    %swap3A_1586 = vector.shape_cast %swap3A_1585 : vector<1x5000xf32> to vector<5000xf32>
    %swap3A_1587 = vector.shape_cast %squeeze3A_1582 : vector<5000xf32> to vector<1x5000xf32>
    tpu.vector_store %arg4[%swap3A_1583, %swap3A_1584], %swap3A_1587 {strides = array<i32>} : memref<5x320000xf32, #tpu.memory_space<vmem>>, vector<1x5000xf32>,
    %slice3A_1588 = vector.extract_strided_slice %dot_general3A_1398 {offsets = [27, 0], sizes = [1, 5000], strides = [1, 1]} : vector<64x5000xf32> to vector<1x5000xf32>
    %squeeze3A_1589 = vector.shape_cast %slice3A_1588 : vector<1x5000xf32> to vector<5000xf32>
    %swap3A_1590 = arith.constant 3 : index
    %swap3A_1591 = arith.constant 135000 : index
    %swap3A_1592 = vector.load %arg4[%swap3A_1590, %swap3A_1591] : memref<5x320000xf32, #tpu.memory_space<vmem>>, vector<1x5000xf32>
    %swap3A_1593 = vector.shape_cast %swap3A_1592 : vector<1x5000xf32> to vector<5000xf32>
    %swap3A_1594 = vector.shape_cast %squeeze3A_1589 : vector<5000xf32> to vector<1x5000xf32>
    tpu.vector_store %arg4[%swap3A_1590, %swap3A_1591], %swap3A_1594 {strides = array<i32>} : memref<5x320000xf32, #tpu.memory_space<vmem>>, vector<1x5000xf32>,
    %slice3A_1595 = vector.extract_strided_slice %dot_general3A_1398 {offsets = [28, 0], sizes = [1, 5000], strides = [1, 1]} : vector<64x5000xf32> to vector<1x5000xf32>
    %squeeze3A_1596 = vector.shape_cast %slice3A_1595 : vector<1x5000xf32> to vector<5000xf32>
    %swap3A_1597 = arith.constant 3 : index
    %swap3A_1598 = arith.constant 140000 : index
    %swap3A_1599 = vector.load %arg4[%swap3A_1597, %swap3A_1598] : memref<5x320000xf32, #tpu.memory_space<vmem>>, vector<1x5000xf32>
    %swap3A_1600 = vector.shape_cast %swap3A_1599 : vector<1x5000xf32> to vector<5000xf32>
    %swap3A_1601 = vector.shape_cast %squeeze3A_1596 : vector<5000xf32> to vector<1x5000xf32>
    tpu.vector_store %arg4[%swap3A_1597, %swap3A_1598], %swap3A_1601 {strides = array<i32>} : memref<5x320000xf32, #tpu.memory_space<vmem>>, vector<1x5000xf32>,
    %slice3A_1602 = vector.extract_strided_slice %dot_general3A_1398 {offsets = [29, 0], sizes = [1, 5000], strides = [1, 1]} : vector<64x5000xf32> to vector<1x5000xf32>
    %squeeze3A_1603 = vector.shape_cast %slice3A_1602 : vector<1x5000xf32> to vector<5000xf32>
    %swap3A_1604 = arith.constant 3 : index
    %swap3A_1605 = arith.constant 145000 : index
    %swap3A_1606 = vector.load %arg4[%swap3A_1604, %swap3A_1605] : memref<5x320000xf32, #tpu.memory_space<vmem>>, vector<1x5000xf32>
    %swap3A_1607 = vector.shape_cast %swap3A_1606 : vector<1x5000xf32> to vector<5000xf32>
    %swap3A_1608 = vector.shape_cast %squeeze3A_1603 : vector<5000xf32> to vector<1x5000xf32>
    tpu.vector_store %arg4[%swap3A_1604, %swap3A_1605], %swap3A_1608 {strides = array<i32>} : memref<5x320000xf32, #tpu.memory_space<vmem>>, vector<1x5000xf32>,
    %slice3A_1609 = vector.extract_strided_slice %dot_general3A_1398 {offsets = [30, 0], sizes = [1, 5000], strides = [1, 1]} : vector<64x5000xf32> to vector<1x5000xf32>
    %squeeze3A_1610 = vector.shape_cast %slice3A_1609 : vector<1x5000xf32> to vector<5000xf32>
    %swap3A_1611 = arith.constant 3 : index
    %swap3A_1612 = arith.constant 150000 : index
    %swap3A_1613 = vector.load %arg4[%swap3A_1611, %swap3A_1612] : memref<5x320000xf32, #tpu.memory_space<vmem>>, vector<1x5000xf32>
    %swap3A_1614 = vector.shape_cast %swap3A_1613 : vector<1x5000xf32> to vector<5000xf32>
    %swap3A_1615 = vector.shape_cast %squeeze3A_1610 : vector<5000xf32> to vector<1x5000xf32>
    tpu.vector_store %arg4[%swap3A_1611, %swap3A_1612], %swap3A_1615 {strides = array<i32>} : memref<5x320000xf32, #tpu.memory_space<vmem>>, vector<1x5000xf32>,
    %slice3A_1616 = vector.extract_strided_slice %dot_general3A_1398 {offsets = [31, 0], sizes = [1, 5000], strides = [1, 1]} : vector<64x5000xf32> to vector<1x5000xf32>
    %squeeze3A_1617 = vector.shape_cast %slice3A_1616 : vector<1x5000xf32> to vector<5000xf32>
    %swap3A_1618 = arith.constant 3 : index
    %swap3A_1619 = arith.constant 155000 : index
    %swap3A_1620 = vector.load %arg4[%swap3A_1618, %swap3A_1619] : memref<5x320000xf32, #tpu.memory_space<vmem>>, vector<1x5000xf32>
    %swap3A_1621 = vector.shape_cast %swap3A_1620 : vector<1x5000xf32> to vector<5000xf32>
    %swap3A_1622 = vector.shape_cast %squeeze3A_1617 : vector<5000xf32> to vector<1x5000xf32>
    tpu.vector_store %arg4[%swap3A_1618, %swap3A_1619], %swap3A_1622 {strides = array<i32>} : memref<5x320000xf32, #tpu.memory_space<vmem>>, vector<1x5000xf32>,
    %slice3A_1623 = vector.extract_strided_slice %dot_general3A_1398 {offsets = [32, 0], sizes = [1, 5000], strides = [1, 1]} : vector<64x5000xf32> to vector<1x5000xf32>
    %squeeze3A_1624 = vector.shape_cast %slice3A_1623 : vector<1x5000xf32> to vector<5000xf32>
    %swap3A_1625 = arith.constant 3 : index
    %swap3A_1626 = arith.constant 160000 : index
    %swap3A_1627 = vector.load %arg4[%swap3A_1625, %swap3A_1626] : memref<5x320000xf32, #tpu.memory_space<vmem>>, vector<1x5000xf32>
    %swap3A_1628 = vector.shape_cast %swap3A_1627 : vector<1x5000xf32> to vector<5000xf32>
    %swap3A_1629 = vector.shape_cast %squeeze3A_1624 : vector<5000xf32> to vector<1x5000xf32>
    tpu.vector_store %arg4[%swap3A_1625, %swap3A_1626], %swap3A_1629 {strides = array<i32>} : memref<5x320000xf32, #tpu.memory_space<vmem>>, vector<1x5000xf32>,
    %slice3A_1630 = vector.extract_strided_slice %dot_general3A_1398 {offsets = [33, 0], sizes = [1, 5000], strides = [1, 1]} : vector<64x5000xf32> to vector<1x5000xf32>
    %squeeze3A_1631 = vector.shape_cast %slice3A_1630 : vector<1x5000xf32> to vector<5000xf32>
    %swap3A_1632 = arith.constant 3 : index
    %swap3A_1633 = arith.constant 165000 : index
    %swap3A_1634 = vector.load %arg4[%swap3A_1632, %swap3A_1633] : memref<5x320000xf32, #tpu.memory_space<vmem>>, vector<1x5000xf32>
    %swap3A_1635 = vector.shape_cast %swap3A_1634 : vector<1x5000xf32> to vector<5000xf32>
    %swap3A_1636 = vector.shape_cast %squeeze3A_1631 : vector<5000xf32> to vector<1x5000xf32>
    tpu.vector_store %arg4[%swap3A_1632, %swap3A_1633], %swap3A_1636 {strides = array<i32>} : memref<5x320000xf32, #tpu.memory_space<vmem>>, vector<1x5000xf32>,
    %slice3A_1637 = vector.extract_strided_slice %dot_general3A_1398 {offsets = [34, 0], sizes = [1, 5000], strides = [1, 1]} : vector<64x5000xf32> to vector<1x5000xf32>
    %squeeze3A_1638 = vector.shape_cast %slice3A_1637 : vector<1x5000xf32> to vector<5000xf32>
    %swap3A_1639 = arith.constant 3 : index
    %swap3A_1640 = arith.constant 170000 : index
    %swap3A_1641 = vector.load %arg4[%swap3A_1639, %swap3A_1640] : memref<5x320000xf32, #tpu.memory_space<vmem>>, vector<1x5000xf32>
    %swap3A_1642 = vector.shape_cast %swap3A_1641 : vector<1x5000xf32> to vector<5000xf32>
    %swap3A_1643 = vector.shape_cast %squeeze3A_1638 : vector<5000xf32> to vector<1x5000xf32>
    tpu.vector_store %arg4[%swap3A_1639, %swap3A_1640], %swap3A_1643 {strides = array<i32>} : memref<5x320000xf32, #tpu.memory_space<vmem>>, vector<1x5000xf32>,
    %slice3A_1644 = vector.extract_strided_slice %dot_general3A_1398 {offsets = [35, 0], sizes = [1, 5000], strides = [1, 1]} : vector<64x5000xf32> to vector<1x5000xf32>
    %squeeze3A_1645 = vector.shape_cast %slice3A_1644 : vector<1x5000xf32> to vector<5000xf32>
    %swap3A_1646 = arith.constant 3 : index
    %swap3A_1647 = arith.constant 175000 : index
    %swap3A_1648 = vector.load %arg4[%swap3A_1646, %swap3A_1647] : memref<5x320000xf32, #tpu.memory_space<vmem>>, vector<1x5000xf32>
    %swap3A_1649 = vector.shape_cast %swap3A_1648 : vector<1x5000xf32> to vector<5000xf32>
    %swap3A_1650 = vector.shape_cast %squeeze3A_1645 : vector<5000xf32> to vector<1x5000xf32>
    tpu.vector_store %arg4[%swap3A_1646, %swap3A_1647], %swap3A_1650 {strides = array<i32>} : memref<5x320000xf32, #tpu.memory_space<vmem>>, vector<1x5000xf32>,
    %slice3A_1651 = vector.extract_strided_slice %dot_general3A_1398 {offsets = [36, 0], sizes = [1, 5000], strides = [1, 1]} : vector<64x5000xf32> to vector<1x5000xf32>
    %squeeze3A_1652 = vector.shape_cast %slice3A_1651 : vector<1x5000xf32> to vector<5000xf32>
    %swap3A_1653 = arith.constant 3 : index
    %swap3A_1654 = arith.constant 180000 : index
    %swap3A_1655 = vector.load %arg4[%swap3A_1653, %swap3A_1654] : memref<5x320000xf32, #tpu.memory_space<vmem>>, vector<1x5000xf32>
    %swap3A_1656 = vector.shape_cast %swap3A_1655 : vector<1x5000xf32> to vector<5000xf32>
    %swap3A_1657 = vector.shape_cast %squeeze3A_1652 : vector<5000xf32> to vector<1x5000xf32>
    tpu.vector_store %arg4[%swap3A_1653, %swap3A_1654], %swap3A_1657 {strides = array<i32>} : memref<5x320000xf32, #tpu.memory_space<vmem>>, vector<1x5000xf32>,
    %slice3A_1658 = vector.extract_strided_slice %dot_general3A_1398 {offsets = [37, 0], sizes = [1, 5000], strides = [1, 1]} : vector<64x5000xf32> to vector<1x5000xf32>
    %squeeze3A_1659 = vector.shape_cast %slice3A_1658 : vector<1x5000xf32> to vector<5000xf32>
    %swap3A_1660 = arith.constant 3 : index
    %swap3A_1661 = arith.constant 185000 : index
    %swap3A_1662 = vector.load %arg4[%swap3A_1660, %swap3A_1661] : memref<5x320000xf32, #tpu.memory_space<vmem>>, vector<1x5000xf32>
    %swap3A_1663 = vector.shape_cast %swap3A_1662 : vector<1x5000xf32> to vector<5000xf32>
    %swap3A_1664 = vector.shape_cast %squeeze3A_1659 : vector<5000xf32> to vector<1x5000xf32>
    tpu.vector_store %arg4[%swap3A_1660, %swap3A_1661], %swap3A_1664 {strides = array<i32>} : memref<5x320000xf32, #tpu.memory_space<vmem>>, vector<1x5000xf32>,
    %slice3A_1665 = vector.extract_strided_slice %dot_general3A_1398 {offsets = [38, 0], sizes = [1, 5000], strides = [1, 1]} : vector<64x5000xf32> to vector<1x5000xf32>
    %squeeze3A_1666 = vector.shape_cast %slice3A_1665 : vector<1x5000xf32> to vector<5000xf32>
    %swap3A_1667 = arith.constant 3 : index
    %swap3A_1668 = arith.constant 190000 : index
    %swap3A_1669 = vector.load %arg4[%swap3A_1667, %swap3A_1668] : memref<5x320000xf32, #tpu.memory_space<vmem>>, vector<1x5000xf32>
    %swap3A_1670 = vector.shape_cast %swap3A_1669 : vector<1x5000xf32> to vector<5000xf32>
    %swap3A_1671 = vector.shape_cast %squeeze3A_1666 : vector<5000xf32> to vector<1x5000xf32>
    tpu.vector_store %arg4[%swap3A_1667, %swap3A_1668], %swap3A_1671 {strides = array<i32>} : memref<5x320000xf32, #tpu.memory_space<vmem>>, vector<1x5000xf32>,
    %slice3A_1672 = vector.extract_strided_slice %dot_general3A_1398 {offsets = [39, 0], sizes = [1, 5000], strides = [1, 1]} : vector<64x5000xf32> to vector<1x5000xf32>
    %squeeze3A_1673 = vector.shape_cast %slice3A_1672 : vector<1x5000xf32> to vector<5000xf32>
    %swap3A_1674 = arith.constant 3 : index
    %swap3A_1675 = arith.constant 195000 : index
    %swap3A_1676 = vector.load %arg4[%swap3A_1674, %swap3A_1675] : memref<5x320000xf32, #tpu.memory_space<vmem>>, vector<1x5000xf32>
    %swap3A_1677 = vector.shape_cast %swap3A_1676 : vector<1x5000xf32> to vector<5000xf32>
    %swap3A_1678 = vector.shape_cast %squeeze3A_1673 : vector<5000xf32> to vector<1x5000xf32>
    tpu.vector_store %arg4[%swap3A_1674, %swap3A_1675], %swap3A_1678 {strides = array<i32>} : memref<5x320000xf32, #tpu.memory_space<vmem>>, vector<1x5000xf32>,
    %slice3A_1679 = vector.extract_strided_slice %dot_general3A_1398 {offsets = [40, 0], sizes = [1, 5000], strides = [1, 1]} : vector<64x5000xf32> to vector<1x5000xf32>
    %squeeze3A_1680 = vector.shape_cast %slice3A_1679 : vector<1x5000xf32> to vector<5000xf32>
    %swap3A_1681 = arith.constant 3 : index
    %swap3A_1682 = arith.constant 200000 : index
    %swap3A_1683 = vector.load %arg4[%swap3A_1681, %swap3A_1682] : memref<5x320000xf32, #tpu.memory_space<vmem>>, vector<1x5000xf32>
    %swap3A_1684 = vector.shape_cast %swap3A_1683 : vector<1x5000xf32> to vector<5000xf32>
    %swap3A_1685 = vector.shape_cast %squeeze3A_1680 : vector<5000xf32> to vector<1x5000xf32>
    tpu.vector_store %arg4[%swap3A_1681, %swap3A_1682], %swap3A_1685 {strides = array<i32>} : memref<5x320000xf32, #tpu.memory_space<vmem>>, vector<1x5000xf32>,
    %slice3A_1686 = vector.extract_strided_slice %dot_general3A_1398 {offsets = [41, 0], sizes = [1, 5000], strides = [1, 1]} : vector<64x5000xf32> to vector<1x5000xf32>
    %squeeze3A_1687 = vector.shape_cast %slice3A_1686 : vector<1x5000xf32> to vector<5000xf32>
    %swap3A_1688 = arith.constant 3 : index
    %swap3A_1689 = arith.constant 205000 : index
    %swap3A_1690 = vector.load %arg4[%swap3A_1688, %swap3A_1689] : memref<5x320000xf32, #tpu.memory_space<vmem>>, vector<1x5000xf32>
    %swap3A_1691 = vector.shape_cast %swap3A_1690 : vector<1x5000xf32> to vector<5000xf32>
    %swap3A_1692 = vector.shape_cast %squeeze3A_1687 : vector<5000xf32> to vector<1x5000xf32>
    tpu.vector_store %arg4[%swap3A_1688, %swap3A_1689], %swap3A_1692 {strides = array<i32>} : memref<5x320000xf32, #tpu.memory_space<vmem>>, vector<1x5000xf32>,
    %slice3A_1693 = vector.extract_strided_slice %dot_general3A_1398 {offsets = [42, 0], sizes = [1, 5000], strides = [1, 1]} : vector<64x5000xf32> to vector<1x5000xf32>
    %squeeze3A_1694 = vector.shape_cast %slice3A_1693 : vector<1x5000xf32> to vector<5000xf32>
    %swap3A_1695 = arith.constant 3 : index
    %swap3A_1696 = arith.constant 210000 : index
    %swap3A_1697 = vector.load %arg4[%swap3A_1695, %swap3A_1696] : memref<5x320000xf32, #tpu.memory_space<vmem>>, vector<1x5000xf32>
    %swap3A_1698 = vector.shape_cast %swap3A_1697 : vector<1x5000xf32> to vector<5000xf32>
    %swap3A_1699 = vector.shape_cast %squeeze3A_1694 : vector<5000xf32> to vector<1x5000xf32>
    tpu.vector_store %arg4[%swap3A_1695, %swap3A_1696], %swap3A_1699 {strides = array<i32>} : memref<5x320000xf32, #tpu.memory_space<vmem>>, vector<1x5000xf32>,
    %slice3A_1700 = vector.extract_strided_slice %dot_general3A_1398 {offsets = [43, 0], sizes = [1, 5000], strides = [1, 1]} : vector<64x5000xf32> to vector<1x5000xf32>
    %squeeze3A_1701 = vector.shape_cast %slice3A_1700 : vector<1x5000xf32> to vector<5000xf32>
    %swap3A_1702 = arith.constant 3 : index
    %swap3A_1703 = arith.constant 215000 : index
    %swap3A_1704 = vector.load %arg4[%swap3A_1702, %swap3A_1703] : memref<5x320000xf32, #tpu.memory_space<vmem>>, vector<1x5000xf32>
    %swap3A_1705 = vector.shape_cast %swap3A_1704 : vector<1x5000xf32> to vector<5000xf32>
    %swap3A_1706 = vector.shape_cast %squeeze3A_1701 : vector<5000xf32> to vector<1x5000xf32>
    tpu.vector_store %arg4[%swap3A_1702, %swap3A_1703], %swap3A_1706 {strides = array<i32>} : memref<5x320000xf32, #tpu.memory_space<vmem>>, vector<1x5000xf32>,
    %slice3A_1707 = vector.extract_strided_slice %dot_general3A_1398 {offsets = [44, 0], sizes = [1, 5000], strides = [1, 1]} : vector<64x5000xf32> to vector<1x5000xf32>
    %squeeze3A_1708 = vector.shape_cast %slice3A_1707 : vector<1x5000xf32> to vector<5000xf32>
    %swap3A_1709 = arith.constant 3 : index
    %swap3A_1710 = arith.constant 220000 : index
    %swap3A_1711 = vector.load %arg4[%swap3A_1709, %swap3A_1710] : memref<5x320000xf32, #tpu.memory_space<vmem>>, vector<1x5000xf32>
    %swap3A_1712 = vector.shape_cast %swap3A_1711 : vector<1x5000xf32> to vector<5000xf32>
    %swap3A_1713 = vector.shape_cast %squeeze3A_1708 : vector<5000xf32> to vector<1x5000xf32>
    tpu.vector_store %arg4[%swap3A_1709, %swap3A_1710], %swap3A_1713 {strides = array<i32>} : memref<5x320000xf32, #tpu.memory_space<vmem>>, vector<1x5000xf32>,
    %slice3A_1714 = vector.extract_strided_slice %dot_general3A_1398 {offsets = [45, 0], sizes = [1, 5000], strides = [1, 1]} : vector<64x5000xf32> to vector<1x5000xf32>
    %squeeze3A_1715 = vector.shape_cast %slice3A_1714 : vector<1x5000xf32> to vector<5000xf32>
    %swap3A_1716 = arith.constant 3 : index
    %swap3A_1717 = arith.constant 225000 : index
    %swap3A_1718 = vector.load %arg4[%swap3A_1716, %swap3A_1717] : memref<5x320000xf32, #tpu.memory_space<vmem>>, vector<1x5000xf32>
    %swap3A_1719 = vector.shape_cast %swap3A_1718 : vector<1x5000xf32> to vector<5000xf32>
    %swap3A_1720 = vector.shape_cast %squeeze3A_1715 : vector<5000xf32> to vector<1x5000xf32>
    tpu.vector_store %arg4[%swap3A_1716, %swap3A_1717], %swap3A_1720 {strides = array<i32>} : memref<5x320000xf32, #tpu.memory_space<vmem>>, vector<1x5000xf32>,
    %slice3A_1721 = vector.extract_strided_slice %dot_general3A_1398 {offsets = [46, 0], sizes = [1, 5000], strides = [1, 1]} : vector<64x5000xf32> to vector<1x5000xf32>
    %squeeze3A_1722 = vector.shape_cast %slice3A_1721 : vector<1x5000xf32> to vector<5000xf32>
    %swap3A_1723 = arith.constant 3 : index
    %swap3A_1724 = arith.constant 230000 : index
    %swap3A_1725 = vector.load %arg4[%swap3A_1723, %swap3A_1724] : memref<5x320000xf32, #tpu.memory_space<vmem>>, vector<1x5000xf32>
    %swap3A_1726 = vector.shape_cast %swap3A_1725 : vector<1x5000xf32> to vector<5000xf32>
    %swap3A_1727 = vector.shape_cast %squeeze3A_1722 : vector<5000xf32> to vector<1x5000xf32>
    tpu.vector_store %arg4[%swap3A_1723, %swap3A_1724], %swap3A_1727 {strides = array<i32>} : memref<5x320000xf32, #tpu.memory_space<vmem>>, vector<1x5000xf32>,
    %slice3A_1728 = vector.extract_strided_slice %dot_general3A_1398 {offsets = [47, 0], sizes = [1, 5000], strides = [1, 1]} : vector<64x5000xf32> to vector<1x5000xf32>
    %squeeze3A_1729 = vector.shape_cast %slice3A_1728 : vector<1x5000xf32> to vector<5000xf32>
    %swap3A_1730 = arith.constant 3 : index
    %swap3A_1731 = arith.constant 235000 : index
    %swap3A_1732 = vector.load %arg4[%swap3A_1730, %swap3A_1731] : memref<5x320000xf32, #tpu.memory_space<vmem>>, vector<1x5000xf32>
    %swap3A_1733 = vector.shape_cast %swap3A_1732 : vector<1x5000xf32> to vector<5000xf32>
    %swap3A_1734 = vector.shape_cast %squeeze3A_1729 : vector<5000xf32> to vector<1x5000xf32>
    tpu.vector_store %arg4[%swap3A_1730, %swap3A_1731], %swap3A_1734 {strides = array<i32>} : memref<5x320000xf32, #tpu.memory_space<vmem>>, vector<1x5000xf32>,
    %slice3A_1735 = vector.extract_strided_slice %dot_general3A_1398 {offsets = [48, 0], sizes = [1, 5000], strides = [1, 1]} : vector<64x5000xf32> to vector<1x5000xf32>
    %squeeze3A_1736 = vector.shape_cast %slice3A_1735 : vector<1x5000xf32> to vector<5000xf32>
    %swap3A_1737 = arith.constant 3 : index
    %swap3A_1738 = arith.constant 240000 : index
    %swap3A_1739 = vector.load %arg4[%swap3A_1737, %swap3A_1738] : memref<5x320000xf32, #tpu.memory_space<vmem>>, vector<1x5000xf32>
    %swap3A_1740 = vector.shape_cast %swap3A_1739 : vector<1x5000xf32> to vector<5000xf32>
    %swap3A_1741 = vector.shape_cast %squeeze3A_1736 : vector<5000xf32> to vector<1x5000xf32>
    tpu.vector_store %arg4[%swap3A_1737, %swap3A_1738], %swap3A_1741 {strides = array<i32>} : memref<5x320000xf32, #tpu.memory_space<vmem>>, vector<1x5000xf32>,
    %slice3A_1742 = vector.extract_strided_slice %dot_general3A_1398 {offsets = [49, 0], sizes = [1, 5000], strides = [1, 1]} : vector<64x5000xf32> to vector<1x5000xf32>
    %squeeze3A_1743 = vector.shape_cast %slice3A_1742 : vector<1x5000xf32> to vector<5000xf32>
    %swap3A_1744 = arith.constant 3 : index
    %swap3A_1745 = arith.constant 245000 : index
    %swap3A_1746 = vector.load %arg4[%swap3A_1744, %swap3A_1745] : memref<5x320000xf32, #tpu.memory_space<vmem>>, vector<1x5000xf32>
    %swap3A_1747 = vector.shape_cast %swap3A_1746 : vector<1x5000xf32> to vector<5000xf32>
    %swap3A_1748 = vector.shape_cast %squeeze3A_1743 : vector<5000xf32> to vector<1x5000xf32>
    tpu.vector_store %arg4[%swap3A_1744, %swap3A_1745], %swap3A_1748 {strides = array<i32>} : memref<5x320000xf32, #tpu.memory_space<vmem>>, vector<1x5000xf32>,
    %slice3A_1749 = vector.extract_strided_slice %dot_general3A_1398 {offsets = [50, 0], sizes = [1, 5000], strides = [1, 1]} : vector<64x5000xf32> to vector<1x5000xf32>
    %squeeze3A_1750 = vector.shape_cast %slice3A_1749 : vector<1x5000xf32> to vector<5000xf32>
    %swap3A_1751 = arith.constant 3 : index
    %swap3A_1752 = arith.constant 250000 : index
    %swap3A_1753 = vector.load %arg4[%swap3A_1751, %swap3A_1752] : memref<5x320000xf32, #tpu.memory_space<vmem>>, vector<1x5000xf32>
    %swap3A_1754 = vector.shape_cast %swap3A_1753 : vector<1x5000xf32> to vector<5000xf32>
    %swap3A_1755 = vector.shape_cast %squeeze3A_1750 : vector<5000xf32> to vector<1x5000xf32>
    tpu.vector_store %arg4[%swap3A_1751, %swap3A_1752], %swap3A_1755 {strides = array<i32>} : memref<5x320000xf32, #tpu.memory_space<vmem>>, vector<1x5000xf32>,
    %slice3A_1756 = vector.extract_strided_slice %dot_general3A_1398 {offsets = [51, 0], sizes = [1, 5000], strides = [1, 1]} : vector<64x5000xf32> to vector<1x5000xf32>
    %squeeze3A_1757 = vector.shape_cast %slice3A_1756 : vector<1x5000xf32> to vector<5000xf32>
    %swap3A_1758 = arith.constant 3 : index
    %swap3A_1759 = arith.constant 255000 : index
    %swap3A_1760 = vector.load %arg4[%swap3A_1758, %swap3A_1759] : memref<5x320000xf32, #tpu.memory_space<vmem>>, vector<1x5000xf32>
    %swap3A_1761 = vector.shape_cast %swap3A_1760 : vector<1x5000xf32> to vector<5000xf32>
    %swap3A_1762 = vector.shape_cast %squeeze3A_1757 : vector<5000xf32> to vector<1x5000xf32>
    tpu.vector_store %arg4[%swap3A_1758, %swap3A_1759], %swap3A_1762 {strides = array<i32>} : memref<5x320000xf32, #tpu.memory_space<vmem>>, vector<1x5000xf32>,
    %slice3A_1763 = vector.extract_strided_slice %dot_general3A_1398 {offsets = [52, 0], sizes = [1, 5000], strides = [1, 1]} : vector<64x5000xf32> to vector<1x5000xf32>
    %squeeze3A_1764 = vector.shape_cast %slice3A_1763 : vector<1x5000xf32> to vector<5000xf32>
    %swap3A_1765 = arith.constant 3 : index
    %swap3A_1766 = arith.constant 260000 : index
    %swap3A_1767 = vector.load %arg4[%swap3A_1765, %swap3A_1766] : memref<5x320000xf32, #tpu.memory_space<vmem>>, vector<1x5000xf32>
    %swap3A_1768 = vector.shape_cast %swap3A_1767 : vector<1x5000xf32> to vector<5000xf32>
    %swap3A_1769 = vector.shape_cast %squeeze3A_1764 : vector<5000xf32> to vector<1x5000xf32>
    tpu.vector_store %arg4[%swap3A_1765, %swap3A_1766], %swap3A_1769 {strides = array<i32>} : memref<5x320000xf32, #tpu.memory_space<vmem>>, vector<1x5000xf32>,
    %slice3A_1770 = vector.extract_strided_slice %dot_general3A_1398 {offsets = [53, 0], sizes = [1, 5000], strides = [1, 1]} : vector<64x5000xf32> to vector<1x5000xf32>
    %squeeze3A_1771 = vector.shape_cast %slice3A_1770 : vector<1x5000xf32> to vector<5000xf32>
    %swap3A_1772 = arith.constant 3 : index
    %swap3A_1773 = arith.constant 265000 : index
    %swap3A_1774 = vector.load %arg4[%swap3A_1772, %swap3A_1773] : memref<5x320000xf32, #tpu.memory_space<vmem>>, vector<1x5000xf32>
    %swap3A_1775 = vector.shape_cast %swap3A_1774 : vector<1x5000xf32> to vector<5000xf32>
    %swap3A_1776 = vector.shape_cast %squeeze3A_1771 : vector<5000xf32> to vector<1x5000xf32>
    tpu.vector_store %arg4[%swap3A_1772, %swap3A_1773], %swap3A_1776 {strides = array<i32>} : memref<5x320000xf32, #tpu.memory_space<vmem>>, vector<1x5000xf32>,
    %slice3A_1777 = vector.extract_strided_slice %dot_general3A_1398 {offsets = [54, 0], sizes = [1, 5000], strides = [1, 1]} : vector<64x5000xf32> to vector<1x5000xf32>
    %squeeze3A_1778 = vector.shape_cast %slice3A_1777 : vector<1x5000xf32> to vector<5000xf32>
    %swap3A_1779 = arith.constant 3 : index
    %swap3A_1780 = arith.constant 270000 : index
    %swap3A_1781 = vector.load %arg4[%swap3A_1779, %swap3A_1780] : memref<5x320000xf32, #tpu.memory_space<vmem>>, vector<1x5000xf32>
    %swap3A_1782 = vector.shape_cast %swap3A_1781 : vector<1x5000xf32> to vector<5000xf32>
    %swap3A_1783 = vector.shape_cast %squeeze3A_1778 : vector<5000xf32> to vector<1x5000xf32>
    tpu.vector_store %arg4[%swap3A_1779, %swap3A_1780], %swap3A_1783 {strides = array<i32>} : memref<5x320000xf32, #tpu.memory_space<vmem>>, vector<1x5000xf32>,
    %slice3A_1784 = vector.extract_strided_slice %dot_general3A_1398 {offsets = [55, 0], sizes = [1, 5000], strides = [1, 1]} : vector<64x5000xf32> to vector<1x5000xf32>
    %squeeze3A_1785 = vector.shape_cast %slice3A_1784 : vector<1x5000xf32> to vector<5000xf32>
    %swap3A_1786 = arith.constant 3 : index
    %swap3A_1787 = arith.constant 275000 : index
    %swap3A_1788 = vector.load %arg4[%swap3A_1786, %swap3A_1787] : memref<5x320000xf32, #tpu.memory_space<vmem>>, vector<1x5000xf32>
    %swap3A_1789 = vector.shape_cast %swap3A_1788 : vector<1x5000xf32> to vector<5000xf32>
    %swap3A_1790 = vector.shape_cast %squeeze3A_1785 : vector<5000xf32> to vector<1x5000xf32>
    tpu.vector_store %arg4[%swap3A_1786, %swap3A_1787], %swap3A_1790 {strides = array<i32>} : memref<5x320000xf32, #tpu.memory_space<vmem>>, vector<1x5000xf32>,
    %slice3A_1791 = vector.extract_strided_slice %dot_general3A_1398 {offsets = [56, 0], sizes = [1, 5000], strides = [1, 1]} : vector<64x5000xf32> to vector<1x5000xf32>
    %squeeze3A_1792 = vector.shape_cast %slice3A_1791 : vector<1x5000xf32> to vector<5000xf32>
    %swap3A_1793 = arith.constant 3 : index
    %swap3A_1794 = arith.constant 280000 : index
    %swap3A_1795 = vector.load %arg4[%swap3A_1793, %swap3A_1794] : memref<5x320000xf32, #tpu.memory_space<vmem>>, vector<1x5000xf32>
    %swap3A_1796 = vector.shape_cast %swap3A_1795 : vector<1x5000xf32> to vector<5000xf32>
    %swap3A_1797 = vector.shape_cast %squeeze3A_1792 : vector<5000xf32> to vector<1x5000xf32>
    tpu.vector_store %arg4[%swap3A_1793, %swap3A_1794], %swap3A_1797 {strides = array<i32>} : memref<5x320000xf32, #tpu.memory_space<vmem>>, vector<1x5000xf32>,
    %slice3A_1798 = vector.extract_strided_slice %dot_general3A_1398 {offsets = [57, 0], sizes = [1, 5000], strides = [1, 1]} : vector<64x5000xf32> to vector<1x5000xf32>
    %squeeze3A_1799 = vector.shape_cast %slice3A_1798 : vector<1x5000xf32> to vector<5000xf32>
    %swap3A_1800 = arith.constant 3 : index
    %swap3A_1801 = arith.constant 285000 : index
    %swap3A_1802 = vector.load %arg4[%swap3A_1800, %swap3A_1801] : memref<5x320000xf32, #tpu.memory_space<vmem>>, vector<1x5000xf32>
    %swap3A_1803 = vector.shape_cast %swap3A_1802 : vector<1x5000xf32> to vector<5000xf32>
    %swap3A_1804 = vector.shape_cast %squeeze3A_1799 : vector<5000xf32> to vector<1x5000xf32>
    tpu.vector_store %arg4[%swap3A_1800, %swap3A_1801], %swap3A_1804 {strides = array<i32>} : memref<5x320000xf32, #tpu.memory_space<vmem>>, vector<1x5000xf32>,
    %slice3A_1805 = vector.extract_strided_slice %dot_general3A_1398 {offsets = [58, 0], sizes = [1, 5000], strides = [1, 1]} : vector<64x5000xf32> to vector<1x5000xf32>
    %squeeze3A_1806 = vector.shape_cast %slice3A_1805 : vector<1x5000xf32> to vector<5000xf32>
    %swap3A_1807 = arith.constant 3 : index
    %swap3A_1808 = arith.constant 290000 : index
    %swap3A_1809 = vector.load %arg4[%swap3A_1807, %swap3A_1808] : memref<5x320000xf32, #tpu.memory_space<vmem>>, vector<1x5000xf32>
    %swap3A_1810 = vector.shape_cast %swap3A_1809 : vector<1x5000xf32> to vector<5000xf32>
    %swap3A_1811 = vector.shape_cast %squeeze3A_1806 : vector<5000xf32> to vector<1x5000xf32>
    tpu.vector_store %arg4[%swap3A_1807, %swap3A_1808], %swap3A_1811 {strides = array<i32>} : memref<5x320000xf32, #tpu.memory_space<vmem>>, vector<1x5000xf32>,
    %slice3A_1812 = vector.extract_strided_slice %dot_general3A_1398 {offsets = [59, 0], sizes = [1, 5000], strides = [1, 1]} : vector<64x5000xf32> to vector<1x5000xf32>
    %squeeze3A_1813 = vector.shape_cast %slice3A_1812 : vector<1x5000xf32> to vector<5000xf32>
    %swap3A_1814 = arith.constant 3 : index
    %swap3A_1815 = arith.constant 295000 : index
    %swap3A_1816 = vector.load %arg4[%swap3A_1814, %swap3A_1815] : memref<5x320000xf32, #tpu.memory_space<vmem>>, vector<1x5000xf32>
    %swap3A_1817 = vector.shape_cast %swap3A_1816 : vector<1x5000xf32> to vector<5000xf32>
    %swap3A_1818 = vector.shape_cast %squeeze3A_1813 : vector<5000xf32> to vector<1x5000xf32>
    tpu.vector_store %arg4[%swap3A_1814, %swap3A_1815], %swap3A_1818 {strides = array<i32>} : memref<5x320000xf32, #tpu.memory_space<vmem>>, vector<1x5000xf32>,
    %slice3A_1819 = vector.extract_strided_slice %dot_general3A_1398 {offsets = [60, 0], sizes = [1, 5000], strides = [1, 1]} : vector<64x5000xf32> to vector<1x5000xf32>
    %squeeze3A_1820 = vector.shape_cast %slice3A_1819 : vector<1x5000xf32> to vector<5000xf32>
    %swap3A_1821 = arith.constant 3 : index
    %swap3A_1822 = arith.constant 300000 : index
    %swap3A_1823 = vector.load %arg4[%swap3A_1821, %swap3A_1822] : memref<5x320000xf32, #tpu.memory_space<vmem>>, vector<1x5000xf32>
    %swap3A_1824 = vector.shape_cast %swap3A_1823 : vector<1x5000xf32> to vector<5000xf32>
    %swap3A_1825 = vector.shape_cast %squeeze3A_1820 : vector<5000xf32> to vector<1x5000xf32>
    tpu.vector_store %arg4[%swap3A_1821, %swap3A_1822], %swap3A_1825 {strides = array<i32>} : memref<5x320000xf32, #tpu.memory_space<vmem>>, vector<1x5000xf32>,
    %slice3A_1826 = vector.extract_strided_slice %dot_general3A_1398 {offsets = [61, 0], sizes = [1, 5000], strides = [1, 1]} : vector<64x5000xf32> to vector<1x5000xf32>
    %squeeze3A_1827 = vector.shape_cast %slice3A_1826 : vector<1x5000xf32> to vector<5000xf32>
    %swap3A_1828 = arith.constant 3 : index
    %swap3A_1829 = arith.constant 305000 : index
    %swap3A_1830 = vector.load %arg4[%swap3A_1828, %swap3A_1829] : memref<5x320000xf32, #tpu.memory_space<vmem>>, vector<1x5000xf32>
    %swap3A_1831 = vector.shape_cast %swap3A_1830 : vector<1x5000xf32> to vector<5000xf32>
    %swap3A_1832 = vector.shape_cast %squeeze3A_1827 : vector<5000xf32> to vector<1x5000xf32>
    tpu.vector_store %arg4[%swap3A_1828, %swap3A_1829], %swap3A_1832 {strides = array<i32>} : memref<5x320000xf32, #tpu.memory_space<vmem>>, vector<1x5000xf32>,
    %slice3A_1833 = vector.extract_strided_slice %dot_general3A_1398 {offsets = [62, 0], sizes = [1, 5000], strides = [1, 1]} : vector<64x5000xf32> to vector<1x5000xf32>
    %squeeze3A_1834 = vector.shape_cast %slice3A_1833 : vector<1x5000xf32> to vector<5000xf32>
    %swap3A_1835 = arith.constant 3 : index
    %swap3A_1836 = arith.constant 310000 : index
    %swap3A_1837 = vector.load %arg4[%swap3A_1835, %swap3A_1836] : memref<5x320000xf32, #tpu.memory_space<vmem>>, vector<1x5000xf32>
    %swap3A_1838 = vector.shape_cast %swap3A_1837 : vector<1x5000xf32> to vector<5000xf32>
    %swap3A_1839 = vector.shape_cast %squeeze3A_1834 : vector<5000xf32> to vector<1x5000xf32>
    tpu.vector_store %arg4[%swap3A_1835, %swap3A_1836], %swap3A_1839 {strides = array<i32>} : memref<5x320000xf32, #tpu.memory_space<vmem>>, vector<1x5000xf32>,
    %slice3A_1840 = vector.extract_strided_slice %dot_general3A_1398 {offsets = [63, 0], sizes = [1, 5000], strides = [1, 1]} : vector<64x5000xf32> to vector<1x5000xf32>
    %squeeze3A_1841 = vector.shape_cast %slice3A_1840 : vector<1x5000xf32> to vector<5000xf32>
    %swap3A_1842 = arith.constant 3 : index
    %swap3A_1843 = arith.constant 315000 : index
    %swap3A_1844 = vector.load %arg4[%swap3A_1842, %swap3A_1843] : memref<5x320000xf32, #tpu.memory_space<vmem>>, vector<1x5000xf32>
    %swap3A_1845 = vector.shape_cast %swap3A_1844 : vector<1x5000xf32> to vector<5000xf32>
    %swap3A_1846 = vector.shape_cast %squeeze3A_1841 : vector<5000xf32> to vector<1x5000xf32>
    tpu.vector_store %arg4[%swap3A_1842, %swap3A_1843], %swap3A_1846 {strides = array<i32>} : memref<5x320000xf32, #tpu.memory_space<vmem>>, vector<1x5000xf32>,
    %get3A_1847 = arith.constant 0 : index
    %get3A_1848 = arith.constant 0 : index
    %get3A_1849 = vector.load %arg1[%get3A_1847, %get3A_1848] : memref<64x32xf32, #tpu.memory_space<vmem>>, vector<64x32xf32>
    %get3A_1850 = arith.constant 4 : index
    %get3A_1851 = arith.constant 0 : index
    %get3A_1852 = arith.constant 0 : index
    %get3A_1853 = vector.load %arg3[%get3A_1850, %get3A_1851, %get3A_1852] : memref<5x32x32xf32, #tpu.memory_space<vmem>>, vector<1x32x32xf32>
    %get3A_1854 = vector.shape_cast %get3A_1853 : vector<1x32x32xf32> to vector<32x32xf32>
    %dot_general3A_1855 = arith.constant dense<0.000000e+00> : vector<64x32xf32>
    %dot_general3A_1856 = tpu.matmul %get3A_1849, %get3A_1854, %dot_general3A_1855 {dimension_numbers = #tpu.dot_dimension_numbers<[1], [0], [0], [1], [0, 0, 1, 1], [], []>, transpose_lhs_hint = false} : vector<64x32xf32>, vector<32x32xf32>, vector<64x32xf32> -> vector<64x32xf32>
    %get3A_1857 = arith.constant 0 : index
    %get3A_1858 = arith.constant 0 : index
    %get3A_1859 = vector.load %arg2[%get3A_1857, %get3A_1858] : memref<5000x32xf32, #tpu.memory_space<vmem>>, vector<5000x32xf32>
    %dot_general3A_1860 = arith.constant dense<0.000000e+00> : vector<64x5000xf32>
    %dot_general3A_1861 = tpu.matmul %dot_general3A_1856, %get3A_1859, %dot_general3A_1860 {dimension_numbers = #tpu.dot_dimension_numbers<[1], [1], [0], [0], [0, 0, 1, 0], [], []>, transpose_lhs_hint = false} : vector<64x32xf32>, vector<5000x32xf32>, vector<64x5000xf32> -> vector<64x5000xf32>
    %slice3A_1862 = vector.extract_strided_slice %dot_general3A_1861 {offsets = [0, 0], sizes = [1, 5000], strides = [1, 1]} : vector<64x5000xf32> to vector<1x5000xf32>
    %squeeze3A_1863 = vector.shape_cast %slice3A_1862 : vector<1x5000xf32> to vector<5000xf32>
    %swap3A_1864 = arith.constant 4 : index
    %swap3A_1865 = arith.constant 0 : index
    %swap3A_1866 = vector.load %arg4[%swap3A_1864, %swap3A_1865] : memref<5x320000xf32, #tpu.memory_space<vmem>>, vector<1x5000xf32>
    %swap3A_1867 = vector.shape_cast %swap3A_1866 : vector<1x5000xf32> to vector<5000xf32>
    %swap3A_1868 = vector.shape_cast %squeeze3A_1863 : vector<5000xf32> to vector<1x5000xf32>
    tpu.vector_store %arg4[%swap3A_1864, %swap3A_1865], %swap3A_1868 {strides = array<i32>} : memref<5x320000xf32, #tpu.memory_space<vmem>>, vector<1x5000xf32>,
    %slice3A_1869 = vector.extract_strided_slice %dot_general3A_1861 {offsets = [1, 0], sizes = [1, 5000], strides = [1, 1]} : vector<64x5000xf32> to vector<1x5000xf32>
    %squeeze3A_1870 = vector.shape_cast %slice3A_1869 : vector<1x5000xf32> to vector<5000xf32>
    %swap3A_1871 = arith.constant 4 : index
    %swap3A_1872 = arith.constant 5000 : index
    %swap3A_1873 = vector.load %arg4[%swap3A_1871, %swap3A_1872] : memref<5x320000xf32, #tpu.memory_space<vmem>>, vector<1x5000xf32>
    %swap3A_1874 = vector.shape_cast %swap3A_1873 : vector<1x5000xf32> to vector<5000xf32>
    %swap3A_1875 = vector.shape_cast %squeeze3A_1870 : vector<5000xf32> to vector<1x5000xf32>
    tpu.vector_store %arg4[%swap3A_1871, %swap3A_1872], %swap3A_1875 {strides = array<i32>} : memref<5x320000xf32, #tpu.memory_space<vmem>>, vector<1x5000xf32>,
    %slice3A_1876 = vector.extract_strided_slice %dot_general3A_1861 {offsets = [2, 0], sizes = [1, 5000], strides = [1, 1]} : vector<64x5000xf32> to vector<1x5000xf32>
    %squeeze3A_1877 = vector.shape_cast %slice3A_1876 : vector<1x5000xf32> to vector<5000xf32>
    %swap3A_1878 = arith.constant 4 : index
    %swap3A_1879 = arith.constant 10000 : index
    %swap3A_1880 = vector.load %arg4[%swap3A_1878, %swap3A_1879] : memref<5x320000xf32, #tpu.memory_space<vmem>>, vector<1x5000xf32>
    %swap3A_1881 = vector.shape_cast %swap3A_1880 : vector<1x5000xf32> to vector<5000xf32>
    %swap3A_1882 = vector.shape_cast %squeeze3A_1877 : vector<5000xf32> to vector<1x5000xf32>
    tpu.vector_store %arg4[%swap3A_1878, %swap3A_1879], %swap3A_1882 {strides = array<i32>} : memref<5x320000xf32, #tpu.memory_space<vmem>>, vector<1x5000xf32>,
    %slice3A_1883 = vector.extract_strided_slice %dot_general3A_1861 {offsets = [3, 0], sizes = [1, 5000], strides = [1, 1]} : vector<64x5000xf32> to vector<1x5000xf32>
    %squeeze3A_1884 = vector.shape_cast %slice3A_1883 : vector<1x5000xf32> to vector<5000xf32>
    %swap3A_1885 = arith.constant 4 : index
    %swap3A_1886 = arith.constant 15000 : index
    %swap3A_1887 = vector.load %arg4[%swap3A_1885, %swap3A_1886] : memref<5x320000xf32, #tpu.memory_space<vmem>>, vector<1x5000xf32>
    %swap3A_1888 = vector.shape_cast %swap3A_1887 : vector<1x5000xf32> to vector<5000xf32>
    %swap3A_1889 = vector.shape_cast %squeeze3A_1884 : vector<5000xf32> to vector<1x5000xf32>
    tpu.vector_store %arg4[%swap3A_1885, %swap3A_1886], %swap3A_1889 {strides = array<i32>} : memref<5x320000xf32, #tpu.memory_space<vmem>>, vector<1x5000xf32>,
    %slice3A_1890 = vector.extract_strided_slice %dot_general3A_1861 {offsets = [4, 0], sizes = [1, 5000], strides = [1, 1]} : vector<64x5000xf32> to vector<1x5000xf32>
    %squeeze3A_1891 = vector.shape_cast %slice3A_1890 : vector<1x5000xf32> to vector<5000xf32>
    %swap3A_1892 = arith.constant 4 : index
    %swap3A_1893 = arith.constant 20000 : index
    %swap3A_1894 = vector.load %arg4[%swap3A_1892, %swap3A_1893] : memref<5x320000xf32, #tpu.memory_space<vmem>>, vector<1x5000xf32>
    %swap3A_1895 = vector.shape_cast %swap3A_1894 : vector<1x5000xf32> to vector<5000xf32>
    %swap3A_1896 = vector.shape_cast %squeeze3A_1891 : vector<5000xf32> to vector<1x5000xf32>
    tpu.vector_store %arg4[%swap3A_1892, %swap3A_1893], %swap3A_1896 {strides = array<i32>} : memref<5x320000xf32, #tpu.memory_space<vmem>>, vector<1x5000xf32>,
    %slice3A_1897 = vector.extract_strided_slice %dot_general3A_1861 {offsets = [5, 0], sizes = [1, 5000], strides = [1, 1]} : vector<64x5000xf32> to vector<1x5000xf32>
    %squeeze3A_1898 = vector.shape_cast %slice3A_1897 : vector<1x5000xf32> to vector<5000xf32>
    %swap3A_1899 = arith.constant 4 : index
    %swap3A_1900 = arith.constant 25000 : index
    %swap3A_1901 = vector.load %arg4[%swap3A_1899, %swap3A_1900] : memref<5x320000xf32, #tpu.memory_space<vmem>>, vector<1x5000xf32>
    %swap3A_1902 = vector.shape_cast %swap3A_1901 : vector<1x5000xf32> to vector<5000xf32>
    %swap3A_1903 = vector.shape_cast %squeeze3A_1898 : vector<5000xf32> to vector<1x5000xf32>
    tpu.vector_store %arg4[%swap3A_1899, %swap3A_1900], %swap3A_1903 {strides = array<i32>} : memref<5x320000xf32, #tpu.memory_space<vmem>>, vector<1x5000xf32>,
    %slice3A_1904 = vector.extract_strided_slice %dot_general3A_1861 {offsets = [6, 0], sizes = [1, 5000], strides = [1, 1]} : vector<64x5000xf32> to vector<1x5000xf32>
    %squeeze3A_1905 = vector.shape_cast %slice3A_1904 : vector<1x5000xf32> to vector<5000xf32>
    %swap3A_1906 = arith.constant 4 : index
    %swap3A_1907 = arith.constant 30000 : index
    %swap3A_1908 = vector.load %arg4[%swap3A_1906, %swap3A_1907] : memref<5x320000xf32, #tpu.memory_space<vmem>>, vector<1x5000xf32>
    %swap3A_1909 = vector.shape_cast %swap3A_1908 : vector<1x5000xf32> to vector<5000xf32>
    %swap3A_1910 = vector.shape_cast %squeeze3A_1905 : vector<5000xf32> to vector<1x5000xf32>
    tpu.vector_store %arg4[%swap3A_1906, %swap3A_1907], %swap3A_1910 {strides = array<i32>} : memref<5x320000xf32, #tpu.memory_space<vmem>>, vector<1x5000xf32>,
    %slice3A_1911 = vector.extract_strided_slice %dot_general3A_1861 {offsets = [7, 0], sizes = [1, 5000], strides = [1, 1]} : vector<64x5000xf32> to vector<1x5000xf32>
    %squeeze3A_1912 = vector.shape_cast %slice3A_1911 : vector<1x5000xf32> to vector<5000xf32>
    %swap3A_1913 = arith.constant 4 : index
    %swap3A_1914 = arith.constant 35000 : index
    %swap3A_1915 = vector.load %arg4[%swap3A_1913, %swap3A_1914] : memref<5x320000xf32, #tpu.memory_space<vmem>>, vector<1x5000xf32>
    %swap3A_1916 = vector.shape_cast %swap3A_1915 : vector<1x5000xf32> to vector<5000xf32>
    %swap3A_1917 = vector.shape_cast %squeeze3A_1912 : vector<5000xf32> to vector<1x5000xf32>
    tpu.vector_store %arg4[%swap3A_1913, %swap3A_1914], %swap3A_1917 {strides = array<i32>} : memref<5x320000xf32, #tpu.memory_space<vmem>>, vector<1x5000xf32>,
    %slice3A_1918 = vector.extract_strided_slice %dot_general3A_1861 {offsets = [8, 0], sizes = [1, 5000], strides = [1, 1]} : vector<64x5000xf32> to vector<1x5000xf32>
    %squeeze3A_1919 = vector.shape_cast %slice3A_1918 : vector<1x5000xf32> to vector<5000xf32>
    %swap3A_1920 = arith.constant 4 : index
    %swap3A_1921 = arith.constant 40000 : index
    %swap3A_1922 = vector.load %arg4[%swap3A_1920, %swap3A_1921] : memref<5x320000xf32, #tpu.memory_space<vmem>>, vector<1x5000xf32>
    %swap3A_1923 = vector.shape_cast %swap3A_1922 : vector<1x5000xf32> to vector<5000xf32>
    %swap3A_1924 = vector.shape_cast %squeeze3A_1919 : vector<5000xf32> to vector<1x5000xf32>
    tpu.vector_store %arg4[%swap3A_1920, %swap3A_1921], %swap3A_1924 {strides = array<i32>} : memref<5x320000xf32, #tpu.memory_space<vmem>>, vector<1x5000xf32>,
    %slice3A_1925 = vector.extract_strided_slice %dot_general3A_1861 {offsets = [9, 0], sizes = [1, 5000], strides = [1, 1]} : vector<64x5000xf32> to vector<1x5000xf32>
    %squeeze3A_1926 = vector.shape_cast %slice3A_1925 : vector<1x5000xf32> to vector<5000xf32>
    %swap3A_1927 = arith.constant 4 : index
    %swap3A_1928 = arith.constant 45000 : index
    %swap3A_1929 = vector.load %arg4[%swap3A_1927, %swap3A_1928] : memref<5x320000xf32, #tpu.memory_space<vmem>>, vector<1x5000xf32>
    %swap3A_1930 = vector.shape_cast %swap3A_1929 : vector<1x5000xf32> to vector<5000xf32>
    %swap3A_1931 = vector.shape_cast %squeeze3A_1926 : vector<5000xf32> to vector<1x5000xf32>
    tpu.vector_store %arg4[%swap3A_1927, %swap3A_1928], %swap3A_1931 {strides = array<i32>} : memref<5x320000xf32, #tpu.memory_space<vmem>>, vector<1x5000xf32>,
    %slice3A_1932 = vector.extract_strided_slice %dot_general3A_1861 {offsets = [10, 0], sizes = [1, 5000], strides = [1, 1]} : vector<64x5000xf32> to vector<1x5000xf32>
    %squeeze3A_1933 = vector.shape_cast %slice3A_1932 : vector<1x5000xf32> to vector<5000xf32>
    %swap3A_1934 = arith.constant 4 : index
    %swap3A_1935 = arith.constant 50000 : index
    %swap3A_1936 = vector.load %arg4[%swap3A_1934, %swap3A_1935] : memref<5x320000xf32, #tpu.memory_space<vmem>>, vector<1x5000xf32>
    %swap3A_1937 = vector.shape_cast %swap3A_1936 : vector<1x5000xf32> to vector<5000xf32>
    %swap3A_1938 = vector.shape_cast %squeeze3A_1933 : vector<5000xf32> to vector<1x5000xf32>
    tpu.vector_store %arg4[%swap3A_1934, %swap3A_1935], %swap3A_1938 {strides = array<i32>} : memref<5x320000xf32, #tpu.memory_space<vmem>>, vector<1x5000xf32>,
    %slice3A_1939 = vector.extract_strided_slice %dot_general3A_1861 {offsets = [11, 0], sizes = [1, 5000], strides = [1, 1]} : vector<64x5000xf32> to vector<1x5000xf32>
    %squeeze3A_1940 = vector.shape_cast %slice3A_1939 : vector<1x5000xf32> to vector<5000xf32>
    %swap3A_1941 = arith.constant 4 : index
    %swap3A_1942 = arith.constant 55000 : index
    %swap3A_1943 = vector.load %arg4[%swap3A_1941, %swap3A_1942] : memref<5x320000xf32, #tpu.memory_space<vmem>>, vector<1x5000xf32>
    %swap3A_1944 = vector.shape_cast %swap3A_1943 : vector<1x5000xf32> to vector<5000xf32>
    %swap3A_1945 = vector.shape_cast %squeeze3A_1940 : vector<5000xf32> to vector<1x5000xf32>
    tpu.vector_store %arg4[%swap3A_1941, %swap3A_1942], %swap3A_1945 {strides = array<i32>} : memref<5x320000xf32, #tpu.memory_space<vmem>>, vector<1x5000xf32>,
    %slice3A_1946 = vector.extract_strided_slice %dot_general3A_1861 {offsets = [12, 0], sizes = [1, 5000], strides = [1, 1]} : vector<64x5000xf32> to vector<1x5000xf32>
    %squeeze3A_1947 = vector.shape_cast %slice3A_1946 : vector<1x5000xf32> to vector<5000xf32>
    %swap3A_1948 = arith.constant 4 : index
    %swap3A_1949 = arith.constant 60000 : index
    %swap3A_1950 = vector.load %arg4[%swap3A_1948, %swap3A_1949] : memref<5x320000xf32, #tpu.memory_space<vmem>>, vector<1x5000xf32>
    %swap3A_1951 = vector.shape_cast %swap3A_1950 : vector<1x5000xf32> to vector<5000xf32>
    %swap3A_1952 = vector.shape_cast %squeeze3A_1947 : vector<5000xf32> to vector<1x5000xf32>
    tpu.vector_store %arg4[%swap3A_1948, %swap3A_1949], %swap3A_1952 {strides = array<i32>} : memref<5x320000xf32, #tpu.memory_space<vmem>>, vector<1x5000xf32>,
    %slice3A_1953 = vector.extract_strided_slice %dot_general3A_1861 {offsets = [13, 0], sizes = [1, 5000], strides = [1, 1]} : vector<64x5000xf32> to vector<1x5000xf32>
    %squeeze3A_1954 = vector.shape_cast %slice3A_1953 : vector<1x5000xf32> to vector<5000xf32>
    %swap3A_1955 = arith.constant 4 : index
    %swap3A_1956 = arith.constant 65000 : index
    %swap3A_1957 = vector.load %arg4[%swap3A_1955, %swap3A_1956] : memref<5x320000xf32, #tpu.memory_space<vmem>>, vector<1x5000xf32>
    %swap3A_1958 = vector.shape_cast %swap3A_1957 : vector<1x5000xf32> to vector<5000xf32>
    %swap3A_1959 = vector.shape_cast %squeeze3A_1954 : vector<5000xf32> to vector<1x5000xf32>
    tpu.vector_store %arg4[%swap3A_1955, %swap3A_1956], %swap3A_1959 {strides = array<i32>} : memref<5x320000xf32, #tpu.memory_space<vmem>>, vector<1x5000xf32>,
    %slice3A_1960 = vector.extract_strided_slice %dot_general3A_1861 {offsets = [14, 0], sizes = [1, 5000], strides = [1, 1]} : vector<64x5000xf32> to vector<1x5000xf32>
    %squeeze3A_1961 = vector.shape_cast %slice3A_1960 : vector<1x5000xf32> to vector<5000xf32>
    %swap3A_1962 = arith.constant 4 : index
    %swap3A_1963 = arith.constant 70000 : index
    %swap3A_1964 = vector.load %arg4[%swap3A_1962, %swap3A_1963] : memref<5x320000xf32, #tpu.memory_space<vmem>>, vector<1x5000xf32>
    %swap3A_1965 = vector.shape_cast %swap3A_1964 : vector<1x5000xf32> to vector<5000xf32>
    %swap3A_1966 = vector.shape_cast %squeeze3A_1961 : vector<5000xf32> to vector<1x5000xf32>
    tpu.vector_store %arg4[%swap3A_1962, %swap3A_1963], %swap3A_1966 {strides = array<i32>} : memref<5x320000xf32, #tpu.memory_space<vmem>>, vector<1x5000xf32>,
    %slice3A_1967 = vector.extract_strided_slice %dot_general3A_1861 {offsets = [15, 0], sizes = [1, 5000], strides = [1, 1]} : vector<64x5000xf32> to vector<1x5000xf32>
    %squeeze3A_1968 = vector.shape_cast %slice3A_1967 : vector<1x5000xf32> to vector<5000xf32>
    %swap3A_1969 = arith.constant 4 : index
    %swap3A_1970 = arith.constant 75000 : index
    %swap3A_1971 = vector.load %arg4[%swap3A_1969, %swap3A_1970] : memref<5x320000xf32, #tpu.memory_space<vmem>>, vector<1x5000xf32>
    %swap3A_1972 = vector.shape_cast %swap3A_1971 : vector<1x5000xf32> to vector<5000xf32>
    %swap3A_1973 = vector.shape_cast %squeeze3A_1968 : vector<5000xf32> to vector<1x5000xf32>
    tpu.vector_store %arg4[%swap3A_1969, %swap3A_1970], %swap3A_1973 {strides = array<i32>} : memref<5x320000xf32, #tpu.memory_space<vmem>>, vector<1x5000xf32>,
    %slice3A_1974 = vector.extract_strided_slice %dot_general3A_1861 {offsets = [16, 0], sizes = [1, 5000], strides = [1, 1]} : vector<64x5000xf32> to vector<1x5000xf32>
    %squeeze3A_1975 = vector.shape_cast %slice3A_1974 : vector<1x5000xf32> to vector<5000xf32>
    %swap3A_1976 = arith.constant 4 : index
    %swap3A_1977 = arith.constant 80000 : index
    %swap3A_1978 = vector.load %arg4[%swap3A_1976, %swap3A_1977] : memref<5x320000xf32, #tpu.memory_space<vmem>>, vector<1x5000xf32>
    %swap3A_1979 = vector.shape_cast %swap3A_1978 : vector<1x5000xf32> to vector<5000xf32>
    %swap3A_1980 = vector.shape_cast %squeeze3A_1975 : vector<5000xf32> to vector<1x5000xf32>
    tpu.vector_store %arg4[%swap3A_1976, %swap3A_1977], %swap3A_1980 {strides = array<i32>} : memref<5x320000xf32, #tpu.memory_space<vmem>>, vector<1x5000xf32>,
    %slice3A_1981 = vector.extract_strided_slice %dot_general3A_1861 {offsets = [17, 0], sizes = [1, 5000], strides = [1, 1]} : vector<64x5000xf32> to vector<1x5000xf32>
    %squeeze3A_1982 = vector.shape_cast %slice3A_1981 : vector<1x5000xf32> to vector<5000xf32>
    %swap3A_1983 = arith.constant 4 : index
    %swap3A_1984 = arith.constant 85000 : index
    %swap3A_1985 = vector.load %arg4[%swap3A_1983, %swap3A_1984] : memref<5x320000xf32, #tpu.memory_space<vmem>>, vector<1x5000xf32>
    %swap3A_1986 = vector.shape_cast %swap3A_1985 : vector<1x5000xf32> to vector<5000xf32>
    %swap3A_1987 = vector.shape_cast %squeeze3A_1982 : vector<5000xf32> to vector<1x5000xf32>
    tpu.vector_store %arg4[%swap3A_1983, %swap3A_1984], %swap3A_1987 {strides = array<i32>} : memref<5x320000xf32, #tpu.memory_space<vmem>>, vector<1x5000xf32>,
    %slice3A_1988 = vector.extract_strided_slice %dot_general3A_1861 {offsets = [18, 0], sizes = [1, 5000], strides = [1, 1]} : vector<64x5000xf32> to vector<1x5000xf32>
    %squeeze3A_1989 = vector.shape_cast %slice3A_1988 : vector<1x5000xf32> to vector<5000xf32>
    %swap3A_1990 = arith.constant 4 : index
    %swap3A_1991 = arith.constant 90000 : index
    %swap3A_1992 = vector.load %arg4[%swap3A_1990, %swap3A_1991] : memref<5x320000xf32, #tpu.memory_space<vmem>>, vector<1x5000xf32>
    %swap3A_1993 = vector.shape_cast %swap3A_1992 : vector<1x5000xf32> to vector<5000xf32>
    %swap3A_1994 = vector.shape_cast %squeeze3A_1989 : vector<5000xf32> to vector<1x5000xf32>
    tpu.vector_store %arg4[%swap3A_1990, %swap3A_1991], %swap3A_1994 {strides = array<i32>} : memref<5x320000xf32, #tpu.memory_space<vmem>>, vector<1x5000xf32>,
    %slice3A_1995 = vector.extract_strided_slice %dot_general3A_1861 {offsets = [19, 0], sizes = [1, 5000], strides = [1, 1]} : vector<64x5000xf32> to vector<1x5000xf32>
    %squeeze3A_1996 = vector.shape_cast %slice3A_1995 : vector<1x5000xf32> to vector<5000xf32>
    %swap3A_1997 = arith.constant 4 : index
    %swap3A_1998 = arith.constant 95000 : index
    %swap3A_1999 = vector.load %arg4[%swap3A_1997, %swap3A_1998] : memref<5x320000xf32, #tpu.memory_space<vmem>>, vector<1x5000xf32>
    %swap3A_2000 = vector.shape_cast %swap3A_1999 : vector<1x5000xf32> to vector<5000xf32>
    %swap3A_2001 = vector.shape_cast %squeeze3A_1996 : vector<5000xf32> to vector<1x5000xf32>
    tpu.vector_store %arg4[%swap3A_1997, %swap3A_1998], %swap3A_2001 {strides = array<i32>} : memref<5x320000xf32, #tpu.memory_space<vmem>>, vector<1x5000xf32>,
    %slice3A_2002 = vector.extract_strided_slice %dot_general3A_1861 {offsets = [20, 0], sizes = [1, 5000], strides = [1, 1]} : vector<64x5000xf32> to vector<1x5000xf32>
    %squeeze3A_2003 = vector.shape_cast %slice3A_2002 : vector<1x5000xf32> to vector<5000xf32>
    %swap3A_2004 = arith.constant 4 : index
    %swap3A_2005 = arith.constant 100000 : index
    %swap3A_2006 = vector.load %arg4[%swap3A_2004, %swap3A_2005] : memref<5x320000xf32, #tpu.memory_space<vmem>>, vector<1x5000xf32>
    %swap3A_2007 = vector.shape_cast %swap3A_2006 : vector<1x5000xf32> to vector<5000xf32>
    %swap3A_2008 = vector.shape_cast %squeeze3A_2003 : vector<5000xf32> to vector<1x5000xf32>
    tpu.vector_store %arg4[%swap3A_2004, %swap3A_2005], %swap3A_2008 {strides = array<i32>} : memref<5x320000xf32, #tpu.memory_space<vmem>>, vector<1x5000xf32>,
    %slice3A_2009 = vector.extract_strided_slice %dot_general3A_1861 {offsets = [21, 0], sizes = [1, 5000], strides = [1, 1]} : vector<64x5000xf32> to vector<1x5000xf32>
    %squeeze3A_2010 = vector.shape_cast %slice3A_2009 : vector<1x5000xf32> to vector<5000xf32>
    %swap3A_2011 = arith.constant 4 : index
    %swap3A_2012 = arith.constant 105000 : index
    %swap3A_2013 = vector.load %arg4[%swap3A_2011, %swap3A_2012] : memref<5x320000xf32, #tpu.memory_space<vmem>>, vector<1x5000xf32>
    %swap3A_2014 = vector.shape_cast %swap3A_2013 : vector<1x5000xf32> to vector<5000xf32>
    %swap3A_2015 = vector.shape_cast %squeeze3A_2010 : vector<5000xf32> to vector<1x5000xf32>
    tpu.vector_store %arg4[%swap3A_2011, %swap3A_2012], %swap3A_2015 {strides = array<i32>} : memref<5x320000xf32, #tpu.memory_space<vmem>>, vector<1x5000xf32>,
    %slice3A_2016 = vector.extract_strided_slice %dot_general3A_1861 {offsets = [22, 0], sizes = [1, 5000], strides = [1, 1]} : vector<64x5000xf32> to vector<1x5000xf32>
    %squeeze3A_2017 = vector.shape_cast %slice3A_2016 : vector<1x5000xf32> to vector<5000xf32>
    %swap3A_2018 = arith.constant 4 : index
    %swap3A_2019 = arith.constant 110000 : index
    %swap3A_2020 = vector.load %arg4[%swap3A_2018, %swap3A_2019] : memref<5x320000xf32, #tpu.memory_space<vmem>>, vector<1x5000xf32>
    %swap3A_2021 = vector.shape_cast %swap3A_2020 : vector<1x5000xf32> to vector<5000xf32>
    %swap3A_2022 = vector.shape_cast %squeeze3A_2017 : vector<5000xf32> to vector<1x5000xf32>
    tpu.vector_store %arg4[%swap3A_2018, %swap3A_2019], %swap3A_2022 {strides = array<i32>} : memref<5x320000xf32, #tpu.memory_space<vmem>>, vector<1x5000xf32>,
    %slice3A_2023 = vector.extract_strided_slice %dot_general3A_1861 {offsets = [23, 0], sizes = [1, 5000], strides = [1, 1]} : vector<64x5000xf32> to vector<1x5000xf32>
    %squeeze3A_2024 = vector.shape_cast %slice3A_2023 : vector<1x5000xf32> to vector<5000xf32>
    %swap3A_2025 = arith.constant 4 : index
    %swap3A_2026 = arith.constant 115000 : index
    %swap3A_2027 = vector.load %arg4[%swap3A_2025, %swap3A_2026] : memref<5x320000xf32, #tpu.memory_space<vmem>>, vector<1x5000xf32>
    %swap3A_2028 = vector.shape_cast %swap3A_2027 : vector<1x5000xf32> to vector<5000xf32>
    %swap3A_2029 = vector.shape_cast %squeeze3A_2024 : vector<5000xf32> to vector<1x5000xf32>
    tpu.vector_store %arg4[%swap3A_2025, %swap3A_2026], %swap3A_2029 {strides = array<i32>} : memref<5x320000xf32, #tpu.memory_space<vmem>>, vector<1x5000xf32>,
    %slice3A_2030 = vector.extract_strided_slice %dot_general3A_1861 {offsets = [24, 0], sizes = [1, 5000], strides = [1, 1]} : vector<64x5000xf32> to vector<1x5000xf32>
    %squeeze3A_2031 = vector.shape_cast %slice3A_2030 : vector<1x5000xf32> to vector<5000xf32>
    %swap3A_2032 = arith.constant 4 : index
    %swap3A_2033 = arith.constant 120000 : index
    %swap3A_2034 = vector.load %arg4[%swap3A_2032, %swap3A_2033] : memref<5x320000xf32, #tpu.memory_space<vmem>>, vector<1x5000xf32>
    %swap3A_2035 = vector.shape_cast %swap3A_2034 : vector<1x5000xf32> to vector<5000xf32>
    %swap3A_2036 = vector.shape_cast %squeeze3A_2031 : vector<5000xf32> to vector<1x5000xf32>
    tpu.vector_store %arg4[%swap3A_2032, %swap3A_2033], %swap3A_2036 {strides = array<i32>} : memref<5x320000xf32, #tpu.memory_space<vmem>>, vector<1x5000xf32>,
    %slice3A_2037 = vector.extract_strided_slice %dot_general3A_1861 {offsets = [25, 0], sizes = [1, 5000], strides = [1, 1]} : vector<64x5000xf32> to vector<1x5000xf32>
    %squeeze3A_2038 = vector.shape_cast %slice3A_2037 : vector<1x5000xf32> to vector<5000xf32>
    %swap3A_2039 = arith.constant 4 : index
    %swap3A_2040 = arith.constant 125000 : index
    %swap3A_2041 = vector.load %arg4[%swap3A_2039, %swap3A_2040] : memref<5x320000xf32, #tpu.memory_space<vmem>>, vector<1x5000xf32>
    %swap3A_2042 = vector.shape_cast %swap3A_2041 : vector<1x5000xf32> to vector<5000xf32>
    %swap3A_2043 = vector.shape_cast %squeeze3A_2038 : vector<5000xf32> to vector<1x5000xf32>
    tpu.vector_store %arg4[%swap3A_2039, %swap3A_2040], %swap3A_2043 {strides = array<i32>} : memref<5x320000xf32, #tpu.memory_space<vmem>>, vector<1x5000xf32>,
    %slice3A_2044 = vector.extract_strided_slice %dot_general3A_1861 {offsets = [26, 0], sizes = [1, 5000], strides = [1, 1]} : vector<64x5000xf32> to vector<1x5000xf32>
    %squeeze3A_2045 = vector.shape_cast %slice3A_2044 : vector<1x5000xf32> to vector<5000xf32>
    %swap3A_2046 = arith.constant 4 : index
    %swap3A_2047 = arith.constant 130000 : index
    %swap3A_2048 = vector.load %arg4[%swap3A_2046, %swap3A_2047] : memref<5x320000xf32, #tpu.memory_space<vmem>>, vector<1x5000xf32>
    %swap3A_2049 = vector.shape_cast %swap3A_2048 : vector<1x5000xf32> to vector<5000xf32>
    %swap3A_2050 = vector.shape_cast %squeeze3A_2045 : vector<5000xf32> to vector<1x5000xf32>
    tpu.vector_store %arg4[%swap3A_2046, %swap3A_2047], %swap3A_2050 {strides = array<i32>} : memref<5x320000xf32, #tpu.memory_space<vmem>>, vector<1x5000xf32>,
    %slice3A_2051 = vector.extract_strided_slice %dot_general3A_1861 {offsets = [27, 0], sizes = [1, 5000], strides = [1, 1]} : vector<64x5000xf32> to vector<1x5000xf32>
    %squeeze3A_2052 = vector.shape_cast %slice3A_2051 : vector<1x5000xf32> to vector<5000xf32>
    %swap3A_2053 = arith.constant 4 : index
    %swap3A_2054 = arith.constant 135000 : index
    %swap3A_2055 = vector.load %arg4[%swap3A_2053, %swap3A_2054] : memref<5x320000xf32, #tpu.memory_space<vmem>>, vector<1x5000xf32>
    %swap3A_2056 = vector.shape_cast %swap3A_2055 : vector<1x5000xf32> to vector<5000xf32>
    %swap3A_2057 = vector.shape_cast %squeeze3A_2052 : vector<5000xf32> to vector<1x5000xf32>
    tpu.vector_store %arg4[%swap3A_2053, %swap3A_2054], %swap3A_2057 {strides = array<i32>} : memref<5x320000xf32, #tpu.memory_space<vmem>>, vector<1x5000xf32>,
    %slice3A_2058 = vector.extract_strided_slice %dot_general3A_1861 {offsets = [28, 0], sizes = [1, 5000], strides = [1, 1]} : vector<64x5000xf32> to vector<1x5000xf32>
    %squeeze3A_2059 = vector.shape_cast %slice3A_2058 : vector<1x5000xf32> to vector<5000xf32>
    %swap3A_2060 = arith.constant 4 : index
    %swap3A_2061 = arith.constant 140000 : index
    %swap3A_2062 = vector.load %arg4[%swap3A_2060, %swap3A_2061] : memref<5x320000xf32, #tpu.memory_space<vmem>>, vector<1x5000xf32>
    %swap3A_2063 = vector.shape_cast %swap3A_2062 : vector<1x5000xf32> to vector<5000xf32>
    %swap3A_2064 = vector.shape_cast %squeeze3A_2059 : vector<5000xf32> to vector<1x5000xf32>
    tpu.vector_store %arg4[%swap3A_2060, %swap3A_2061], %swap3A_2064 {strides = array<i32>} : memref<5x320000xf32, #tpu.memory_space<vmem>>, vector<1x5000xf32>,
    %slice3A_2065 = vector.extract_strided_slice %dot_general3A_1861 {offsets = [29, 0], sizes = [1, 5000], strides = [1, 1]} : vector<64x5000xf32> to vector<1x5000xf32>
    %squeeze3A_2066 = vector.shape_cast %slice3A_2065 : vector<1x5000xf32> to vector<5000xf32>
    %swap3A_2067 = arith.constant 4 : index
    %swap3A_2068 = arith.constant 145000 : index
    %swap3A_2069 = vector.load %arg4[%swap3A_2067, %swap3A_2068] : memref<5x320000xf32, #tpu.memory_space<vmem>>, vector<1x5000xf32>
    %swap3A_2070 = vector.shape_cast %swap3A_2069 : vector<1x5000xf32> to vector<5000xf32>
    %swap3A_2071 = vector.shape_cast %squeeze3A_2066 : vector<5000xf32> to vector<1x5000xf32>
    tpu.vector_store %arg4[%swap3A_2067, %swap3A_2068], %swap3A_2071 {strides = array<i32>} : memref<5x320000xf32, #tpu.memory_space<vmem>>, vector<1x5000xf32>,
    %slice3A_2072 = vector.extract_strided_slice %dot_general3A_1861 {offsets = [30, 0], sizes = [1, 5000], strides = [1, 1]} : vector<64x5000xf32> to vector<1x5000xf32>
    %squeeze3A_2073 = vector.shape_cast %slice3A_2072 : vector<1x5000xf32> to vector<5000xf32>
    %swap3A_2074 = arith.constant 4 : index
    %swap3A_2075 = arith.constant 150000 : index
    %swap3A_2076 = vector.load %arg4[%swap3A_2074, %swap3A_2075] : memref<5x320000xf32, #tpu.memory_space<vmem>>, vector<1x5000xf32>
    %swap3A_2077 = vector.shape_cast %swap3A_2076 : vector<1x5000xf32> to vector<5000xf32>
    %swap3A_2078 = vector.shape_cast %squeeze3A_2073 : vector<5000xf32> to vector<1x5000xf32>
    tpu.vector_store %arg4[%swap3A_2074, %swap3A_2075], %swap3A_2078 {strides = array<i32>} : memref<5x320000xf32, #tpu.memory_space<vmem>>, vector<1x5000xf32>,
    %slice3A_2079 = vector.extract_strided_slice %dot_general3A_1861 {offsets = [31, 0], sizes = [1, 5000], strides = [1, 1]} : vector<64x5000xf32> to vector<1x5000xf32>
    %squeeze3A_2080 = vector.shape_cast %slice3A_2079 : vector<1x5000xf32> to vector<5000xf32>
    %swap3A_2081 = arith.constant 4 : index
    %swap3A_2082 = arith.constant 155000 : index
    %swap3A_2083 = vector.load %arg4[%swap3A_2081, %swap3A_2082] : memref<5x320000xf32, #tpu.memory_space<vmem>>, vector<1x5000xf32>
    %swap3A_2084 = vector.shape_cast %swap3A_2083 : vector<1x5000xf32> to vector<5000xf32>
    %swap3A_2085 = vector.shape_cast %squeeze3A_2080 : vector<5000xf32> to vector<1x5000xf32>
    tpu.vector_store %arg4[%swap3A_2081, %swap3A_2082], %swap3A_2085 {strides = array<i32>} : memref<5x320000xf32, #tpu.memory_space<vmem>>, vector<1x5000xf32>,
    %slice3A_2086 = vector.extract_strided_slice %dot_general3A_1861 {offsets = [32, 0], sizes = [1, 5000], strides = [1, 1]} : vector<64x5000xf32> to vector<1x5000xf32>
    %squeeze3A_2087 = vector.shape_cast %slice3A_2086 : vector<1x5000xf32> to vector<5000xf32>
    %swap3A_2088 = arith.constant 4 : index
    %swap3A_2089 = arith.constant 160000 : index
    %swap3A_2090 = vector.load %arg4[%swap3A_2088, %swap3A_2089] : memref<5x320000xf32, #tpu.memory_space<vmem>>, vector<1x5000xf32>
    %swap3A_2091 = vector.shape_cast %swap3A_2090 : vector<1x5000xf32> to vector<5000xf32>
    %swap3A_2092 = vector.shape_cast %squeeze3A_2087 : vector<5000xf32> to vector<1x5000xf32>
    tpu.vector_store %arg4[%swap3A_2088, %swap3A_2089], %swap3A_2092 {strides = array<i32>} : memref<5x320000xf32, #tpu.memory_space<vmem>>, vector<1x5000xf32>,
    %slice3A_2093 = vector.extract_strided_slice %dot_general3A_1861 {offsets = [33, 0], sizes = [1, 5000], strides = [1, 1]} : vector<64x5000xf32> to vector<1x5000xf32>
    %squeeze3A_2094 = vector.shape_cast %slice3A_2093 : vector<1x5000xf32> to vector<5000xf32>
    %swap3A_2095 = arith.constant 4 : index
    %swap3A_2096 = arith.constant 165000 : index
    %swap3A_2097 = vector.load %arg4[%swap3A_2095, %swap3A_2096] : memref<5x320000xf32, #tpu.memory_space<vmem>>, vector<1x5000xf32>
    %swap3A_2098 = vector.shape_cast %swap3A_2097 : vector<1x5000xf32> to vector<5000xf32>
    %swap3A_2099 = vector.shape_cast %squeeze3A_2094 : vector<5000xf32> to vector<1x5000xf32>
    tpu.vector_store %arg4[%swap3A_2095, %swap3A_2096], %swap3A_2099 {strides = array<i32>} : memref<5x320000xf32, #tpu.memory_space<vmem>>, vector<1x5000xf32>,
    %slice3A_2100 = vector.extract_strided_slice %dot_general3A_1861 {offsets = [34, 0], sizes = [1, 5000], strides = [1, 1]} : vector<64x5000xf32> to vector<1x5000xf32>
    %squeeze3A_2101 = vector.shape_cast %slice3A_2100 : vector<1x5000xf32> to vector<5000xf32>
    %swap3A_2102 = arith.constant 4 : index
    %swap3A_2103 = arith.constant 170000 : index
    %swap3A_2104 = vector.load %arg4[%swap3A_2102, %swap3A_2103] : memref<5x320000xf32, #tpu.memory_space<vmem>>, vector<1x5000xf32>
    %swap3A_2105 = vector.shape_cast %swap3A_2104 : vector<1x5000xf32> to vector<5000xf32>
    %swap3A_2106 = vector.shape_cast %squeeze3A_2101 : vector<5000xf32> to vector<1x5000xf32>
    tpu.vector_store %arg4[%swap3A_2102, %swap3A_2103], %swap3A_2106 {strides = array<i32>} : memref<5x320000xf32, #tpu.memory_space<vmem>>, vector<1x5000xf32>,
    %slice3A_2107 = vector.extract_strided_slice %dot_general3A_1861 {offsets = [35, 0], sizes = [1, 5000], strides = [1, 1]} : vector<64x5000xf32> to vector<1x5000xf32>
    %squeeze3A_2108 = vector.shape_cast %slice3A_2107 : vector<1x5000xf32> to vector<5000xf32>
    %swap3A_2109 = arith.constant 4 : index
    %swap3A_2110 = arith.constant 175000 : index
    %swap3A_2111 = vector.load %arg4[%swap3A_2109, %swap3A_2110] : memref<5x320000xf32, #tpu.memory_space<vmem>>, vector<1x5000xf32>
    %swap3A_2112 = vector.shape_cast %swap3A_2111 : vector<1x5000xf32> to vector<5000xf32>
    %swap3A_2113 = vector.shape_cast %squeeze3A_2108 : vector<5000xf32> to vector<1x5000xf32>
    tpu.vector_store %arg4[%swap3A_2109, %swap3A_2110], %swap3A_2113 {strides = array<i32>} : memref<5x320000xf32, #tpu.memory_space<vmem>>, vector<1x5000xf32>,
    %slice3A_2114 = vector.extract_strided_slice %dot_general3A_1861 {offsets = [36, 0], sizes = [1, 5000], strides = [1, 1]} : vector<64x5000xf32> to vector<1x5000xf32>
    %squeeze3A_2115 = vector.shape_cast %slice3A_2114 : vector<1x5000xf32> to vector<5000xf32>
    %swap3A_2116 = arith.constant 4 : index
    %swap3A_2117 = arith.constant 180000 : index
    %swap3A_2118 = vector.load %arg4[%swap3A_2116, %swap3A_2117] : memref<5x320000xf32, #tpu.memory_space<vmem>>, vector<1x5000xf32>
    %swap3A_2119 = vector.shape_cast %swap3A_2118 : vector<1x5000xf32> to vector<5000xf32>
    %swap3A_2120 = vector.shape_cast %squeeze3A_2115 : vector<5000xf32> to vector<1x5000xf32>
    tpu.vector_store %arg4[%swap3A_2116, %swap3A_2117], %swap3A_2120 {strides = array<i32>} : memref<5x320000xf32, #tpu.memory_space<vmem>>, vector<1x5000xf32>,
    %slice3A_2121 = vector.extract_strided_slice %dot_general3A_1861 {offsets = [37, 0], sizes = [1, 5000], strides = [1, 1]} : vector<64x5000xf32> to vector<1x5000xf32>
    %squeeze3A_2122 = vector.shape_cast %slice3A_2121 : vector<1x5000xf32> to vector<5000xf32>
    %swap3A_2123 = arith.constant 4 : index
    %swap3A_2124 = arith.constant 185000 : index
    %swap3A_2125 = vector.load %arg4[%swap3A_2123, %swap3A_2124] : memref<5x320000xf32, #tpu.memory_space<vmem>>, vector<1x5000xf32>
    %swap3A_2126 = vector.shape_cast %swap3A_2125 : vector<1x5000xf32> to vector<5000xf32>
    %swap3A_2127 = vector.shape_cast %squeeze3A_2122 : vector<5000xf32> to vector<1x5000xf32>
    tpu.vector_store %arg4[%swap3A_2123, %swap3A_2124], %swap3A_2127 {strides = array<i32>} : memref<5x320000xf32, #tpu.memory_space<vmem>>, vector<1x5000xf32>,
    %slice3A_2128 = vector.extract_strided_slice %dot_general3A_1861 {offsets = [38, 0], sizes = [1, 5000], strides = [1, 1]} : vector<64x5000xf32> to vector<1x5000xf32>
    %squeeze3A_2129 = vector.shape_cast %slice3A_2128 : vector<1x5000xf32> to vector<5000xf32>
    %swap3A_2130 = arith.constant 4 : index
    %swap3A_2131 = arith.constant 190000 : index
    %swap3A_2132 = vector.load %arg4[%swap3A_2130, %swap3A_2131] : memref<5x320000xf32, #tpu.memory_space<vmem>>, vector<1x5000xf32>
    %swap3A_2133 = vector.shape_cast %swap3A_2132 : vector<1x5000xf32> to vector<5000xf32>
    %swap3A_2134 = vector.shape_cast %squeeze3A_2129 : vector<5000xf32> to vector<1x5000xf32>
    tpu.vector_store %arg4[%swap3A_2130, %swap3A_2131], %swap3A_2134 {strides = array<i32>} : memref<5x320000xf32, #tpu.memory_space<vmem>>, vector<1x5000xf32>,
    %slice3A_2135 = vector.extract_strided_slice %dot_general3A_1861 {offsets = [39, 0], sizes = [1, 5000], strides = [1, 1]} : vector<64x5000xf32> to vector<1x5000xf32>
    %squeeze3A_2136 = vector.shape_cast %slice3A_2135 : vector<1x5000xf32> to vector<5000xf32>
    %swap3A_2137 = arith.constant 4 : index
    %swap3A_2138 = arith.constant 195000 : index
    %swap3A_2139 = vector.load %arg4[%swap3A_2137, %swap3A_2138] : memref<5x320000xf32, #tpu.memory_space<vmem>>, vector<1x5000xf32>
    %swap3A_2140 = vector.shape_cast %swap3A_2139 : vector<1x5000xf32> to vector<5000xf32>
    %swap3A_2141 = vector.shape_cast %squeeze3A_2136 : vector<5000xf32> to vector<1x5000xf32>
    tpu.vector_store %arg4[%swap3A_2137, %swap3A_2138], %swap3A_2141 {strides = array<i32>} : memref<5x320000xf32, #tpu.memory_space<vmem>>, vector<1x5000xf32>,
    %slice3A_2142 = vector.extract_strided_slice %dot_general3A_1861 {offsets = [40, 0], sizes = [1, 5000], strides = [1, 1]} : vector<64x5000xf32> to vector<1x5000xf32>
    %squeeze3A_2143 = vector.shape_cast %slice3A_2142 : vector<1x5000xf32> to vector<5000xf32>
    %swap3A_2144 = arith.constant 4 : index
    %swap3A_2145 = arith.constant 200000 : index
    %swap3A_2146 = vector.load %arg4[%swap3A_2144, %swap3A_2145] : memref<5x320000xf32, #tpu.memory_space<vmem>>, vector<1x5000xf32>
    %swap3A_2147 = vector.shape_cast %swap3A_2146 : vector<1x5000xf32> to vector<5000xf32>
    %swap3A_2148 = vector.shape_cast %squeeze3A_2143 : vector<5000xf32> to vector<1x5000xf32>
    tpu.vector_store %arg4[%swap3A_2144, %swap3A_2145], %swap3A_2148 {strides = array<i32>} : memref<5x320000xf32, #tpu.memory_space<vmem>>, vector<1x5000xf32>,
    %slice3A_2149 = vector.extract_strided_slice %dot_general3A_1861 {offsets = [41, 0], sizes = [1, 5000], strides = [1, 1]} : vector<64x5000xf32> to vector<1x5000xf32>
    %squeeze3A_2150 = vector.shape_cast %slice3A_2149 : vector<1x5000xf32> to vector<5000xf32>
    %swap3A_2151 = arith.constant 4 : index
    %swap3A_2152 = arith.constant 205000 : index
    %swap3A_2153 = vector.load %arg4[%swap3A_2151, %swap3A_2152] : memref<5x320000xf32, #tpu.memory_space<vmem>>, vector<1x5000xf32>
    %swap3A_2154 = vector.shape_cast %swap3A_2153 : vector<1x5000xf32> to vector<5000xf32>
    %swap3A_2155 = vector.shape_cast %squeeze3A_2150 : vector<5000xf32> to vector<1x5000xf32>
    tpu.vector_store %arg4[%swap3A_2151, %swap3A_2152], %swap3A_2155 {strides = array<i32>} : memref<5x320000xf32, #tpu.memory_space<vmem>>, vector<1x5000xf32>,
    %slice3A_2156 = vector.extract_strided_slice %dot_general3A_1861 {offsets = [42, 0], sizes = [1, 5000], strides = [1, 1]} : vector<64x5000xf32> to vector<1x5000xf32>
    %squeeze3A_2157 = vector.shape_cast %slice3A_2156 : vector<1x5000xf32> to vector<5000xf32>
    %swap3A_2158 = arith.constant 4 : index
    %swap3A_2159 = arith.constant 210000 : index
    %swap3A_2160 = vector.load %arg4[%swap3A_2158, %swap3A_2159] : memref<5x320000xf32, #tpu.memory_space<vmem>>, vector<1x5000xf32>
    %swap3A_2161 = vector.shape_cast %swap3A_2160 : vector<1x5000xf32> to vector<5000xf32>
    %swap3A_2162 = vector.shape_cast %squeeze3A_2157 : vector<5000xf32> to vector<1x5000xf32>
    tpu.vector_store %arg4[%swap3A_2158, %swap3A_2159], %swap3A_2162 {strides = array<i32>} : memref<5x320000xf32, #tpu.memory_space<vmem>>, vector<1x5000xf32>,
    %slice3A_2163 = vector.extract_strided_slice %dot_general3A_1861 {offsets = [43, 0], sizes = [1, 5000], strides = [1, 1]} : vector<64x5000xf32> to vector<1x5000xf32>
    %squeeze3A_2164 = vector.shape_cast %slice3A_2163 : vector<1x5000xf32> to vector<5000xf32>
    %swap3A_2165 = arith.constant 4 : index
    %swap3A_2166 = arith.constant 215000 : index
    %swap3A_2167 = vector.load %arg4[%swap3A_2165, %swap3A_2166] : memref<5x320000xf32, #tpu.memory_space<vmem>>, vector<1x5000xf32>
    %swap3A_2168 = vector.shape_cast %swap3A_2167 : vector<1x5000xf32> to vector<5000xf32>
    %swap3A_2169 = vector.shape_cast %squeeze3A_2164 : vector<5000xf32> to vector<1x5000xf32>
    tpu.vector_store %arg4[%swap3A_2165, %swap3A_2166], %swap3A_2169 {strides = array<i32>} : memref<5x320000xf32, #tpu.memory_space<vmem>>, vector<1x5000xf32>,
    %slice3A_2170 = vector.extract_strided_slice %dot_general3A_1861 {offsets = [44, 0], sizes = [1, 5000], strides = [1, 1]} : vector<64x5000xf32> to vector<1x5000xf32>
    %squeeze3A_2171 = vector.shape_cast %slice3A_2170 : vector<1x5000xf32> to vector<5000xf32>
    %swap3A_2172 = arith.constant 4 : index
    %swap3A_2173 = arith.constant 220000 : index
    %swap3A_2174 = vector.load %arg4[%swap3A_2172, %swap3A_2173] : memref<5x320000xf32, #tpu.memory_space<vmem>>, vector<1x5000xf32>
    %swap3A_2175 = vector.shape_cast %swap3A_2174 : vector<1x5000xf32> to vector<5000xf32>
    %swap3A_2176 = vector.shape_cast %squeeze3A_2171 : vector<5000xf32> to vector<1x5000xf32>
    tpu.vector_store %arg4[%swap3A_2172, %swap3A_2173], %swap3A_2176 {strides = array<i32>} : memref<5x320000xf32, #tpu.memory_space<vmem>>, vector<1x5000xf32>,
    %slice3A_2177 = vector.extract_strided_slice %dot_general3A_1861 {offsets = [45, 0], sizes = [1, 5000], strides = [1, 1]} : vector<64x5000xf32> to vector<1x5000xf32>
    %squeeze3A_2178 = vector.shape_cast %slice3A_2177 : vector<1x5000xf32> to vector<5000xf32>
    %swap3A_2179 = arith.constant 4 : index
    %swap3A_2180 = arith.constant 225000 : index
    %swap3A_2181 = vector.load %arg4[%swap3A_2179, %swap3A_2180] : memref<5x320000xf32, #tpu.memory_space<vmem>>, vector<1x5000xf32>
    %swap3A_2182 = vector.shape_cast %swap3A_2181 : vector<1x5000xf32> to vector<5000xf32>
    %swap3A_2183 = vector.shape_cast %squeeze3A_2178 : vector<5000xf32> to vector<1x5000xf32>
    tpu.vector_store %arg4[%swap3A_2179, %swap3A_2180], %swap3A_2183 {strides = array<i32>} : memref<5x320000xf32, #tpu.memory_space<vmem>>, vector<1x5000xf32>,
    %slice3A_2184 = vector.extract_strided_slice %dot_general3A_1861 {offsets = [46, 0], sizes = [1, 5000], strides = [1, 1]} : vector<64x5000xf32> to vector<1x5000xf32>
    %squeeze3A_2185 = vector.shape_cast %slice3A_2184 : vector<1x5000xf32> to vector<5000xf32>
    %swap3A_2186 = arith.constant 4 : index
    %swap3A_2187 = arith.constant 230000 : index
    %swap3A_2188 = vector.load %arg4[%swap3A_2186, %swap3A_2187] : memref<5x320000xf32, #tpu.memory_space<vmem>>, vector<1x5000xf32>
    %swap3A_2189 = vector.shape_cast %swap3A_2188 : vector<1x5000xf32> to vector<5000xf32>
    %swap3A_2190 = vector.shape_cast %squeeze3A_2185 : vector<5000xf32> to vector<1x5000xf32>
    tpu.vector_store %arg4[%swap3A_2186, %swap3A_2187], %swap3A_2190 {strides = array<i32>} : memref<5x320000xf32, #tpu.memory_space<vmem>>, vector<1x5000xf32>,
    %slice3A_2191 = vector.extract_strided_slice %dot_general3A_1861 {offsets = [47, 0], sizes = [1, 5000], strides = [1, 1]} : vector<64x5000xf32> to vector<1x5000xf32>
    %squeeze3A_2192 = vector.shape_cast %slice3A_2191 : vector<1x5000xf32> to vector<5000xf32>
    %swap3A_2193 = arith.constant 4 : index
    %swap3A_2194 = arith.constant 235000 : index
    %swap3A_2195 = vector.load %arg4[%swap3A_2193, %swap3A_2194] : memref<5x320000xf32, #tpu.memory_space<vmem>>, vector<1x5000xf32>
    %swap3A_2196 = vector.shape_cast %swap3A_2195 : vector<1x5000xf32> to vector<5000xf32>
    %swap3A_2197 = vector.shape_cast %squeeze3A_2192 : vector<5000xf32> to vector<1x5000xf32>
    tpu.vector_store %arg4[%swap3A_2193, %swap3A_2194], %swap3A_2197 {strides = array<i32>} : memref<5x320000xf32, #tpu.memory_space<vmem>>, vector<1x5000xf32>,
    %slice3A_2198 = vector.extract_strided_slice %dot_general3A_1861 {offsets = [48, 0], sizes = [1, 5000], strides = [1, 1]} : vector<64x5000xf32> to vector<1x5000xf32>
    %squeeze3A_2199 = vector.shape_cast %slice3A_2198 : vector<1x5000xf32> to vector<5000xf32>
    %swap3A_2200 = arith.constant 4 : index
    %swap3A_2201 = arith.constant 240000 : index
    %swap3A_2202 = vector.load %arg4[%swap3A_2200, %swap3A_2201] : memref<5x320000xf32, #tpu.memory_space<vmem>>, vector<1x5000xf32>
    %swap3A_2203 = vector.shape_cast %swap3A_2202 : vector<1x5000xf32> to vector<5000xf32>
    %swap3A_2204 = vector.shape_cast %squeeze3A_2199 : vector<5000xf32> to vector<1x5000xf32>
    tpu.vector_store %arg4[%swap3A_2200, %swap3A_2201], %swap3A_2204 {strides = array<i32>} : memref<5x320000xf32, #tpu.memory_space<vmem>>, vector<1x5000xf32>,
    %slice3A_2205 = vector.extract_strided_slice %dot_general3A_1861 {offsets = [49, 0], sizes = [1, 5000], strides = [1, 1]} : vector<64x5000xf32> to vector<1x5000xf32>
    %squeeze3A_2206 = vector.shape_cast %slice3A_2205 : vector<1x5000xf32> to vector<5000xf32>
    %swap3A_2207 = arith.constant 4 : index
    %swap3A_2208 = arith.constant 245000 : index
    %swap3A_2209 = vector.load %arg4[%swap3A_2207, %swap3A_2208] : memref<5x320000xf32, #tpu.memory_space<vmem>>, vector<1x5000xf32>
    %swap3A_2210 = vector.shape_cast %swap3A_2209 : vector<1x5000xf32> to vector<5000xf32>
    %swap3A_2211 = vector.shape_cast %squeeze3A_2206 : vector<5000xf32> to vector<1x5000xf32>
    tpu.vector_store %arg4[%swap3A_2207, %swap3A_2208], %swap3A_2211 {strides = array<i32>} : memref<5x320000xf32, #tpu.memory_space<vmem>>, vector<1x5000xf32>,
    %slice3A_2212 = vector.extract_strided_slice %dot_general3A_1861 {offsets = [50, 0], sizes = [1, 5000], strides = [1, 1]} : vector<64x5000xf32> to vector<1x5000xf32>
    %squeeze3A_2213 = vector.shape_cast %slice3A_2212 : vector<1x5000xf32> to vector<5000xf32>
    %swap3A_2214 = arith.constant 4 : index
    %swap3A_2215 = arith.constant 250000 : index
    %swap3A_2216 = vector.load %arg4[%swap3A_2214, %swap3A_2215] : memref<5x320000xf32, #tpu.memory_space<vmem>>, vector<1x5000xf32>
    %swap3A_2217 = vector.shape_cast %swap3A_2216 : vector<1x5000xf32> to vector<5000xf32>
    %swap3A_2218 = vector.shape_cast %squeeze3A_2213 : vector<5000xf32> to vector<1x5000xf32>
    tpu.vector_store %arg4[%swap3A_2214, %swap3A_2215], %swap3A_2218 {strides = array<i32>} : memref<5x320000xf32, #tpu.memory_space<vmem>>, vector<1x5000xf32>,
    %slice3A_2219 = vector.extract_strided_slice %dot_general3A_1861 {offsets = [51, 0], sizes = [1, 5000], strides = [1, 1]} : vector<64x5000xf32> to vector<1x5000xf32>
    %squeeze3A_2220 = vector.shape_cast %slice3A_2219 : vector<1x5000xf32> to vector<5000xf32>
    %swap3A_2221 = arith.constant 4 : index
    %swap3A_2222 = arith.constant 255000 : index
    %swap3A_2223 = vector.load %arg4[%swap3A_2221, %swap3A_2222] : memref<5x320000xf32, #tpu.memory_space<vmem>>, vector<1x5000xf32>
    %swap3A_2224 = vector.shape_cast %swap3A_2223 : vector<1x5000xf32> to vector<5000xf32>
    %swap3A_2225 = vector.shape_cast %squeeze3A_2220 : vector<5000xf32> to vector<1x5000xf32>
    tpu.vector_store %arg4[%swap3A_2221, %swap3A_2222], %swap3A_2225 {strides = array<i32>} : memref<5x320000xf32, #tpu.memory_space<vmem>>, vector<1x5000xf32>,
    %slice3A_2226 = vector.extract_strided_slice %dot_general3A_1861 {offsets = [52, 0], sizes = [1, 5000], strides = [1, 1]} : vector<64x5000xf32> to vector<1x5000xf32>
    %squeeze3A_2227 = vector.shape_cast %slice3A_2226 : vector<1x5000xf32> to vector<5000xf32>
    %swap3A_2228 = arith.constant 4 : index
    %swap3A_2229 = arith.constant 260000 : index
    %swap3A_2230 = vector.load %arg4[%swap3A_2228, %swap3A_2229] : memref<5x320000xf32, #tpu.memory_space<vmem>>, vector<1x5000xf32>
    %swap3A_2231 = vector.shape_cast %swap3A_2230 : vector<1x5000xf32> to vector<5000xf32>
    %swap3A_2232 = vector.shape_cast %squeeze3A_2227 : vector<5000xf32> to vector<1x5000xf32>
    tpu.vector_store %arg4[%swap3A_2228, %swap3A_2229], %swap3A_2232 {strides = array<i32>} : memref<5x320000xf32, #tpu.memory_space<vmem>>, vector<1x5000xf32>,
    %slice3A_2233 = vector.extract_strided_slice %dot_general3A_1861 {offsets = [53, 0], sizes = [1, 5000], strides = [1, 1]} : vector<64x5000xf32> to vector<1x5000xf32>
    %squeeze3A_2234 = vector.shape_cast %slice3A_2233 : vector<1x5000xf32> to vector<5000xf32>
    %swap3A_2235 = arith.constant 4 : index
    %swap3A_2236 = arith.constant 265000 : index
    %swap3A_2237 = vector.load %arg4[%swap3A_2235, %swap3A_2236] : memref<5x320000xf32, #tpu.memory_space<vmem>>, vector<1x5000xf32>
    %swap3A_2238 = vector.shape_cast %swap3A_2237 : vector<1x5000xf32> to vector<5000xf32>
    %swap3A_2239 = vector.shape_cast %squeeze3A_2234 : vector<5000xf32> to vector<1x5000xf32>
    tpu.vector_store %arg4[%swap3A_2235, %swap3A_2236], %swap3A_2239 {strides = array<i32>} : memref<5x320000xf32, #tpu.memory_space<vmem>>, vector<1x5000xf32>,
    %slice3A_2240 = vector.extract_strided_slice %dot_general3A_1861 {offsets = [54, 0], sizes = [1, 5000], strides = [1, 1]} : vector<64x5000xf32> to vector<1x5000xf32>
    %squeeze3A_2241 = vector.shape_cast %slice3A_2240 : vector<1x5000xf32> to vector<5000xf32>
    %swap3A_2242 = arith.constant 4 : index
    %swap3A_2243 = arith.constant 270000 : index
    %swap3A_2244 = vector.load %arg4[%swap3A_2242, %swap3A_2243] : memref<5x320000xf32, #tpu.memory_space<vmem>>, vector<1x5000xf32>
    %swap3A_2245 = vector.shape_cast %swap3A_2244 : vector<1x5000xf32> to vector<5000xf32>
    %swap3A_2246 = vector.shape_cast %squeeze3A_2241 : vector<5000xf32> to vector<1x5000xf32>
    tpu.vector_store %arg4[%swap3A_2242, %swap3A_2243], %swap3A_2246 {strides = array<i32>} : memref<5x320000xf32, #tpu.memory_space<vmem>>, vector<1x5000xf32>,
    %slice3A_2247 = vector.extract_strided_slice %dot_general3A_1861 {offsets = [55, 0], sizes = [1, 5000], strides = [1, 1]} : vector<64x5000xf32> to vector<1x5000xf32>
    %squeeze3A_2248 = vector.shape_cast %slice3A_2247 : vector<1x5000xf32> to vector<5000xf32>
    %swap3A_2249 = arith.constant 4 : index
    %swap3A_2250 = arith.constant 275000 : index
    %swap3A_2251 = vector.load %arg4[%swap3A_2249, %swap3A_2250] : memref<5x320000xf32, #tpu.memory_space<vmem>>, vector<1x5000xf32>
    %swap3A_2252 = vector.shape_cast %swap3A_2251 : vector<1x5000xf32> to vector<5000xf32>
    %swap3A_2253 = vector.shape_cast %squeeze3A_2248 : vector<5000xf32> to vector<1x5000xf32>
    tpu.vector_store %arg4[%swap3A_2249, %swap3A_2250], %swap3A_2253 {strides = array<i32>} : memref<5x320000xf32, #tpu.memory_space<vmem>>, vector<1x5000xf32>,
    %slice3A_2254 = vector.extract_strided_slice %dot_general3A_1861 {offsets = [56, 0], sizes = [1, 5000], strides = [1, 1]} : vector<64x5000xf32> to vector<1x5000xf32>
    %squeeze3A_2255 = vector.shape_cast %slice3A_2254 : vector<1x5000xf32> to vector<5000xf32>
    %swap3A_2256 = arith.constant 4 : index
    %swap3A_2257 = arith.constant 280000 : index
    %swap3A_2258 = vector.load %arg4[%swap3A_2256, %swap3A_2257] : memref<5x320000xf32, #tpu.memory_space<vmem>>, vector<1x5000xf32>
    %swap3A_2259 = vector.shape_cast %swap3A_2258 : vector<1x5000xf32> to vector<5000xf32>
    %swap3A_2260 = vector.shape_cast %squeeze3A_2255 : vector<5000xf32> to vector<1x5000xf32>
    tpu.vector_store %arg4[%swap3A_2256, %swap3A_2257], %swap3A_2260 {strides = array<i32>} : memref<5x320000xf32, #tpu.memory_space<vmem>>, vector<1x5000xf32>,
    %slice3A_2261 = vector.extract_strided_slice %dot_general3A_1861 {offsets = [57, 0], sizes = [1, 5000], strides = [1, 1]} : vector<64x5000xf32> to vector<1x5000xf32>
    %squeeze3A_2262 = vector.shape_cast %slice3A_2261 : vector<1x5000xf32> to vector<5000xf32>
    %swap3A_2263 = arith.constant 4 : index
    %swap3A_2264 = arith.constant 285000 : index
    %swap3A_2265 = vector.load %arg4[%swap3A_2263, %swap3A_2264] : memref<5x320000xf32, #tpu.memory_space<vmem>>, vector<1x5000xf32>
    %swap3A_2266 = vector.shape_cast %swap3A_2265 : vector<1x5000xf32> to vector<5000xf32>
    %swap3A_2267 = vector.shape_cast %squeeze3A_2262 : vector<5000xf32> to vector<1x5000xf32>
    tpu.vector_store %arg4[%swap3A_2263, %swap3A_2264], %swap3A_2267 {strides = array<i32>} : memref<5x320000xf32, #tpu.memory_space<vmem>>, vector<1x5000xf32>,
    %slice3A_2268 = vector.extract_strided_slice %dot_general3A_1861 {offsets = [58, 0], sizes = [1, 5000], strides = [1, 1]} : vector<64x5000xf32> to vector<1x5000xf32>
    %squeeze3A_2269 = vector.shape_cast %slice3A_2268 : vector<1x5000xf32> to vector<5000xf32>
    %swap3A_2270 = arith.constant 4 : index
    %swap3A_2271 = arith.constant 290000 : index
    %swap3A_2272 = vector.load %arg4[%swap3A_2270, %swap3A_2271] : memref<5x320000xf32, #tpu.memory_space<vmem>>, vector<1x5000xf32>
    %swap3A_2273 = vector.shape_cast %swap3A_2272 : vector<1x5000xf32> to vector<5000xf32>
    %swap3A_2274 = vector.shape_cast %squeeze3A_2269 : vector<5000xf32> to vector<1x5000xf32>
    tpu.vector_store %arg4[%swap3A_2270, %swap3A_2271], %swap3A_2274 {strides = array<i32>} : memref<5x320000xf32, #tpu.memory_space<vmem>>, vector<1x5000xf32>,
    %slice3A_2275 = vector.extract_strided_slice %dot_general3A_1861 {offsets = [59, 0], sizes = [1, 5000], strides = [1, 1]} : vector<64x5000xf32> to vector<1x5000xf32>
    %squeeze3A_2276 = vector.shape_cast %slice3A_2275 : vector<1x5000xf32> to vector<5000xf32>
    %swap3A_2277 = arith.constant 4 : index
    %swap3A_2278 = arith.constant 295000 : index
    %swap3A_2279 = vector.load %arg4[%swap3A_2277, %swap3A_2278] : memref<5x320000xf32, #tpu.memory_space<vmem>>, vector<1x5000xf32>
    %swap3A_2280 = vector.shape_cast %swap3A_2279 : vector<1x5000xf32> to vector<5000xf32>
    %swap3A_2281 = vector.shape_cast %squeeze3A_2276 : vector<5000xf32> to vector<1x5000xf32>
    tpu.vector_store %arg4[%swap3A_2277, %swap3A_2278], %swap3A_2281 {strides = array<i32>} : memref<5x320000xf32, #tpu.memory_space<vmem>>, vector<1x5000xf32>,
    %slice3A_2282 = vector.extract_strided_slice %dot_general3A_1861 {offsets = [60, 0], sizes = [1, 5000], strides = [1, 1]} : vector<64x5000xf32> to vector<1x5000xf32>
    %squeeze3A_2283 = vector.shape_cast %slice3A_2282 : vector<1x5000xf32> to vector<5000xf32>
    %swap3A_2284 = arith.constant 4 : index
    %swap3A_2285 = arith.constant 300000 : index
    %swap3A_2286 = vector.load %arg4[%swap3A_2284, %swap3A_2285] : memref<5x320000xf32, #tpu.memory_space<vmem>>, vector<1x5000xf32>
    %swap3A_2287 = vector.shape_cast %swap3A_2286 : vector<1x5000xf32> to vector<5000xf32>
    %swap3A_2288 = vector.shape_cast %squeeze3A_2283 : vector<5000xf32> to vector<1x5000xf32>
    tpu.vector_store %arg4[%swap3A_2284, %swap3A_2285], %swap3A_2288 {strides = array<i32>} : memref<5x320000xf32, #tpu.memory_space<vmem>>, vector<1x5000xf32>,
    %slice3A_2289 = vector.extract_strided_slice %dot_general3A_1861 {offsets = [61, 0], sizes = [1, 5000], strides = [1, 1]} : vector<64x5000xf32> to vector<1x5000xf32>
    %squeeze3A_2290 = vector.shape_cast %slice3A_2289 : vector<1x5000xf32> to vector<5000xf32>
    %swap3A_2291 = arith.constant 4 : index
    %swap3A_2292 = arith.constant 305000 : index
    %swap3A_2293 = vector.load %arg4[%swap3A_2291, %swap3A_2292] : memref<5x320000xf32, #tpu.memory_space<vmem>>, vector<1x5000xf32>
    %swap3A_2294 = vector.shape_cast %swap3A_2293 : vector<1x5000xf32> to vector<5000xf32>
    %swap3A_2295 = vector.shape_cast %squeeze3A_2290 : vector<5000xf32> to vector<1x5000xf32>
    tpu.vector_store %arg4[%swap3A_2291, %swap3A_2292], %swap3A_2295 {strides = array<i32>} : memref<5x320000xf32, #tpu.memory_space<vmem>>, vector<1x5000xf32>,
    %slice3A_2296 = vector.extract_strided_slice %dot_general3A_1861 {offsets = [62, 0], sizes = [1, 5000], strides = [1, 1]} : vector<64x5000xf32> to vector<1x5000xf32>
    %squeeze3A_2297 = vector.shape_cast %slice3A_2296 : vector<1x5000xf32> to vector<5000xf32>
    %swap3A_2298 = arith.constant 4 : index
    %swap3A_2299 = arith.constant 310000 : index
    %swap3A_2300 = vector.load %arg4[%swap3A_2298, %swap3A_2299] : memref<5x320000xf32, #tpu.memory_space<vmem>>, vector<1x5000xf32>
    %swap3A_2301 = vector.shape_cast %swap3A_2300 : vector<1x5000xf32> to vector<5000xf32>
    %swap3A_2302 = vector.shape_cast %squeeze3A_2297 : vector<5000xf32> to vector<1x5000xf32>
    tpu.vector_store %arg4[%swap3A_2298, %swap3A_2299], %swap3A_2302 {strides = array<i32>} : memref<5x320000xf32, #tpu.memory_space<vmem>>, vector<1x5000xf32>,
    %slice3A_2303 = vector.extract_strided_slice %dot_general3A_1861 {offsets = [63, 0], sizes = [1, 5000], strides = [1, 1]} : vector<64x5000xf32> to vector<1x5000xf32>
    %squeeze3A_2304 = vector.shape_cast %slice3A_2303 : vector<1x5000xf32> to vector<5000xf32>
    %swap3A_2305 = arith.constant 4 : index
    %swap3A_2306 = arith.constant 315000 : index
    %swap3A_2307 = vector.load %arg4[%swap3A_2305, %swap3A_2306] : memref<5x320000xf32, #tpu.memory_space<vmem>>, vector<1x5000xf32>
    %swap3A_2308 = vector.shape_cast %swap3A_2307 : vector<1x5000xf32> to vector<5000xf32>
    %swap3A_2309 = vector.shape_cast %squeeze3A_2304 : vector<5000xf32> to vector<1x5000xf32>
    tpu.vector_store %arg4[%swap3A_2305, %swap3A_2306], %swap3A_2309 {strides = array<i32>} : memref<5x320000xf32, #tpu.memory_space<vmem>>, vector<1x5000xf32>,
    return
  }
  func.func @transform_0(%arg0: i32) -> (i32, i32) {
    %c0_i32 = arith.constant 0 : i32
    %c0_i32_0 = arith.constant 0 : i32
    return %arg0, %c0_i32 : i32, i32
  }
  func.func @transform_1(%arg0: i32) -> (i32, i32) {
    %c0_i32 = arith.constant 0 : i32
    %c0_i32_0 = arith.constant 0 : i32
    %c0_i32_1 = arith.constant 0 : i32
    return %c0_i32, %c0_i32_0 : i32, i32
  }
  func.func @transform_2(%arg0: i32) -> (i32, i32, i32) {
    %c0_i32 = arith.constant 0 : i32
    %c0_i32_0 = arith.constant 0 : i32
    %c0_i32_1 = arith.constant 0 : i32
    %c0_i32_2 = arith.constant 0 : i32
    return %c0_i32, %c0_i32_0, %c0_i32_1 : i32, i32, i32
  }
  func.func @transform_3(%arg0: i32) -> (i32, i32) {
    %c0_i32 = arith.constant 0 : i32
    %c0_i32_0 = arith.constant 0 : i32
    return %c0_i32, %arg0 : i32, i32
  }
}

</mosaic_0001>

<sc_bundles>
// kernel: kernel.6.cloned.1.call-start
scs
__scs_entry_jumppad:
0x0: {  	(pc) =	sbr.rel $0x88, $3  }
0x1: {  	(tag) =	ssettag $0x0;
	lr =	simm.s32 $0x1  }
0x2: {  	[smem:$0x3F98] =	sst lr;
	_ =	strace $0xD0000000  }
0x3: {  	_ = 	snop  }
0x4: {  	_ = 	snop  }
0x5: {  	_ = 	snop  }
0x6: {  	_ = 	snop  }
0x7: {  	_ = 	snop  }
__scs_overlays_trampoline_lowered:
0x8: {  	[smem:$0x3FA7] =	sst s0  }
0x9: {  	[smem:$0x3FA8] =	sst s1  }
0xa: {  	[smem:$0x3FA9] =	sst s2  }
0xb: {  	[smem:$0x3FAA] =	sst s3  }
0xc: {  	[smem:$0x3FAB] =	sst s4  }
0xd: {  	[smem:$0x3FAC] =	sst s5  }
0xe: {  	[smem:$0x3FAD] =	sst s6  }
0xf: {  	[smem:$0x3FAE] =	sst s7  }
0x10: {  	[smem:$0x3FAF] =	sst s8  }
0x11: {  	[smem:$0x3FB0] =	sst s9;
	s0 =	simm.s32 @!p0 $0x0  }
0x12: {  	s1 =	sld [smem:$0x3F96];
	s0 =	simm.s32 @p0 $0x1  }
0x13: {  	[smem:$0x3FB1] =	sst s0;
	s0 =	simm.s32 @!p1 $0x0  }
0x14: {  	s2 =	sld [smem:$0x3F95];
	s0 =	simm.s32 @p1 $0x1  }
0x15: {  	[smem:$0x3FB2] =	sst s0;
	s0 =	simm.s32 @!p2 $0x0  }
0x16: {  	s3 =	sld [smem:$0x3FDB];
	s0 =	simm.s32 @p2 $0x1  }
0x17: {  	s4 =	simm.s32 $0x1BF5;
	[smem:$0x3FB4] =	sst s0  }
0x18: {  	s0 =	sld [smem:$0x3F97];
	_ =	swait.ge [sflag:s4], $0x0  }
0x19: {  	s7 =	sld [smem:$0x3F98]  }
0x1a: {  	s8 =	sadd.s32 $0xFFFFE003, lr  }
0x1b: {  	s9 =	sadd.s32 $0xFFFFFEF7, lr;
	s5 =	simm.s32 $0xFFFFFFFF;
	p2 =	slt.u32 s8, $0xFFFFF086  }
0x1c: {  	p1 =	slt.u32 s9, $0xF7A;
	s5 =	simm.s32 @!p2 $0x0  }
0x1d: {  	s5 =	simm.s32 @p1 $0x1;
	p0 =	seq.s32 s7, s2  }
0x1e: {  	s7 =	smul.u32 @!p0 $0xF7A, s2;
	p2 =	seq.s32 @!p0 s5, $0x0  }
0x1f: {  	s9 =	smul.u32 $0xF7A, s1;
	s8 =	simm.s32 @!p0 $0x1BF5;
	p2 =	por !p2, p0  }
0x20: {  	[sflag:s8] =	ssyncset.s32 @!p0 $0xFFFFF086;
	s6 =	sadd.s32 @!p0 s3, s7;
	s7 =	simm.s32 @!p0 $0x108  }
0x21: {  	s3 =	sadd.s32 s3, s9;
	s6 =	sadd.s32 @!p0 $0x88, s6;
	s7 =	simm.s32 @p2 $0x1082  }
0x22: {  	[simem:s7], [sflag:s8] =	dma.local @!p0 [hbm:s6], $0xF7A  }
0x23: {  	s9 =	sor.u32 $0xD0000000, s2;
	s6 =	simm.s32 $0x108;
	_ =	swait.ge @!p0 [sflag:s8], $0x0  }
0x24: {  	s3 =	sadd.s32 $0x88, s3;
	s6 =	simm.s32 @!p1 $0x1082;
	[sflag:s4] =	ssyncset.s32 $0xFFFFF086  }
0x25: {  	[simem:s6], [sflag:s4] =	dma.local [hbm:s3], $0xF7A  }
0x26: {  	[smem:$0x3F98] =	sst s1;
	(tag) =	ssettag s2;
	_ =	strace s9  }
0x27: {  	s1 =	sld [smem:$0x3FA8]  }
0x28: {  	s2 =	sld [smem:$0x3FA9]  }
0x29: {  	s4 =	sld [smem:$0x3FAB]  }
0x2a: {  	p0 =	seq.s32 s5, $0x0;
	s5 =	sld [smem:$0x3FAC]  }
0x2b: {  	s6 =	sld [smem:$0x3FAD]  }
0x2c: {  	s7 =	sld [smem:$0x3FAE]  }
0x2d: {  	s3 =	simm.s32 $0x108;
	s8 =	sld [smem:$0x3FAF]  }
0x2e: {  	s3 =	simm.s32 @!p0 $0x1082;
	s9 =	sld [smem:$0x3FB0]  }
0x2f: {  	lr =	sadd.s32 s0, s3;
	s0 =	sld [smem:$0x3FA7]  }
0x30: {  	s3 =	sld [smem:$0x3FAA]  }
0x31: {  	[smem:$0x3FB3] =	sst s10  }
0x32: {  	s10 =	sld [smem:$0x3FB1];
	_ =	sdelay $0x3  }
0x33: {  	p0 =	seq.s32 s10, $0x1;
	s10 =	sld [smem:$0x3FB3];
	_ =	sdelay $0x3  }
0x34: {  	[smem:$0x3FB3] =	sst s10  }
0x35: {  	s10 =	sld [smem:$0x3FB2];
	_ =	sdelay $0x3  }
0x36: {  	p1 =	seq.s32 s10, $0x1;
	s10 =	sld [smem:$0x3FB3];
	_ =	sdelay $0x3  }
0x37: {  	[smem:$0x3FB3] =	sst s10  }
0x38: {  	s10 =	sld [smem:$0x3FB4]  }
0x39: {  	_ = 	snop;
	(pc) =	sbr.ind lr, $3  }
0x3a: {  	_ = 	snop  }
0x3b: {  	_ = 	snop  }
0x3c: {  	p2 =	seq.s32 s10, $0x1;
	s10 =	sld [smem:$0x3FB3]  }
0x3d: {  	_ =	shalt  }
0x3e: {  	_ =	shalt  }
0x3f: {  	_ =	shalt  }
0x40: {  	_ =	shalt  }
0x41: {  	_ =	shalt  }
0x42: {  	_ =	shalt  }
0x43: {  	_ =	shalt  }
0x44: {  	_ =	shalt  }
0x45: {  	_ =	shalt  }
0x46: {  	_ =	shalt  }
0x47: {  	_ =	shalt  }
0x48: {  	_ =	shalt  }
0x49: {  	_ =	shalt  }
0x4a: {  	_ =	shalt  }
0x4b: {  	_ =	shalt  }
0x4c: {  	_ =	shalt  }
0x4d: {  	_ =	shalt  }
0x4e: {  	_ =	shalt  }
0x4f: {  	_ =	shalt  }
0x50: {  	_ =	shalt  }
0x51: {  	_ =	shalt  }
0x52: {  	_ =	shalt  }
0x53: {  	_ =	shalt  }
0x54: {  	_ =	shalt  }
0x55: {  	_ =	shalt  }
0x56: {  	_ =	shalt  }
0x57: {  	_ =	shalt  }
0x58: {  	_ =	shalt  }
0x59: {  	_ =	shalt  }
0x5a: {  	_ =	shalt  }
0x5b: {  	_ =	shalt  }
0x5c: {  	_ =	shalt  }
0x5d: {  	_ =	shalt  }
0x5e: {  	_ =	shalt  }
0x5f: {  	_ =	shalt  }
0x60: {  	_ =	shalt  }
0x61: {  	_ =	shalt  }
0x62: {  	_ =	shalt  }
0x63: {  	_ =	shalt  }
0x64: {  	_ =	shalt  }
0x65: {  	_ =	shalt  }
0x66: {  	_ =	shalt  }
0x67: {  	_ =	shalt  }
0x68: {  	_ =	shalt  }
0x69: {  	_ =	shalt  }
0x6a: {  	_ =	shalt  }
0x6b: {  	_ =	shalt  }
0x6c: {  	_ =	shalt  }
0x6d: {  	_ =	shalt  }
0x6e: {  	_ =	shalt  }
0x6f: {  	_ =	shalt  }
0x70: {  	_ =	shalt  }
0x71: {  	_ =	shalt  }
0x72: {  	_ =	shalt  }
0x73: {  	_ =	shalt  }
0x74: {  	_ =	shalt  }
0x75: {  	_ =	shalt  }
0x76: {  	_ =	shalt  }
0x77: {  	_ =	shalt  }
0x78: {  	_ =	shalt  }
0x79: {  	_ =	shalt  }
0x7a: {  	_ =	shalt  }
0x7b: {  	_ =	shalt  }
0x7c: {  	_ =	shalt  }
0x7d: {  	_ =	shalt  }
0x7e: {  	_ =	shalt  }
0x7f: {  	_ =	shalt  }
0x80: {  	_ =	shalt  }
0x81: {  	_ =	shalt  }
0x82: {  	_ =	shalt  }
0x83: {  	_ =	shalt  }
0x84: {  	_ =	shalt  }
0x85: {  	_ =	shalt  }
0x86: {  	_ =	shalt  }
0x87: {  	_ =	shalt  }
.Lfunc_end0:
.L_simem_size_0:
called_computation_lowered:
.L_overlay_start_0:
0x88: {  	s2 =	sld [smem:$0x3FD9]  }
0x89: {  	s3 =	sld [smem:$0x3FFE];
	_ =	sdelay $0x1  }
0x8a: {  	s1 =	srdreg.scid  }
0x8b: {  	s0 =	sand.u32 $0x1, s1  }
0x8c: {  	s17 =	sshll.u32 s0, $0xA;
	s2 =	sadd.s32 s3, s2  }
0x8d: {  	s2 =	sadd.s32 s2, s17  }
0x8e: {  	[smem:$0x3FBF] =	sst s2  }
0x8f: {  	_ = 	snop  }
0x90: {  	s2 =	sld [smem:$0x3FC7]  }
0x91: {  	s18 =	sld [smem:$0x3FC6]  }
0x92: {  	s4 =	sld [smem:$0x3FD0];
	(tm) =	ssettm $0x1  }
0x93: {  	s5 =	sld [smem:$0x3FFB];
	_ =	sdelay $0x3  }
0x94: {  	_ =	strace s5  }
0x95: {  	s5 =	sld [smem:$0x3FFC];
	_ =	sdelay $0x3  }
0x96: {  	_ =	strace s5  }
0x97: {  	s5 =	sld [smem:$0x3FFD];
	_ =	sdelay $0x3  }
0x98: {  	_ =	strace s5  }
0x99: {  	_ =	strace $0x8FFFFFFF  }
0x9a: {  	s19 =	sld [smem:$0x3FDB];
	_ =	sdelay $0x1  }
0x9b: {  	s6 =	simm.s32 $_scs_section_size  }
0x9c: {  	s7 =	simm.s32 $_size__tile_overlayer_lowered;
	s8 =	simm.s32 $_tile_overlayer_lowered  }
0x9d: {  	s22 =	simm.s32 $0x1BFF;
	s21 =	sshll.u32 s8, $0x1;
	s5 =	sadd.s32 s6, s19  }
0x9e: {  	s9 =	simm.s32 $0x0;
	s20 =	sshll.u32 s7, $0x1;
	s7 =	sadd.s32 s21, s5  }
0x9f: {  	[timem:s9], [sflag:s22] =	dma.local [hbm:s7], s20  }
0xa0: {  	_ =	swait.ge [sflag:s22], s20  }
0xa1: {  	s6 =	ssub.s32 $0x0, s20;
	[sflag:s22] =	ssyncset.done $0x0  }
0xa2: {  	[sflag:s22] =	ssyncadd.s32 s6;
	_ =	sdelay $0x1  }
0xa3: {  	s23 =	simm.s32 $0x1B8B  }
0xa4: {  	_ =	swait.ge [sflag:s23], $0x1  }
0xa5: {  	[sflag:s23] =	ssyncset.done $0x0  }
0xa6: {  	s25 =	simm.s32 $0x1B8E;
	s24 =	sld [smem:$0x3FFE];
	[sflag:s23] =	ssyncadd.s32 $0xFFFFFFFF  }
0xa7: {  	s26 =	simm.s32 $execute0_lowered;
	[smem:$0x3FD2] =	sst s25  }
0xa8: {  	s7 =	sshll.u32 s26, $0x1;
	_ =	strace $0x80000046;
	[dreg:$0x1] =	wrdreg $0xFFFFFFFF  }
0xa9: {  	s28 =	simm.s32 $_size_execute0_lowered;
	s5 =	sadd.s32 s5, s7;
	[dreg:$0x0] =	wrdreg $0x0  }
0xaa: {  	s7 =	sshll.u32 s28, $0x1;
	[dreg:$0x2] =	wrdreg s5  }
0xab: {  	[dreg:$0x3] =	wrdreg s7  }
0xac: {  	[dreg:$0x4] =	wrdreg $0xC0  }
0xad: {  	_ =	task [dreg:s9], $0x5FFFF  }
0xae: {  	[dreg:$0x1] =	wrdreg $0xFFFFFFFF  }
0xaf: {  	[dreg:$0x0] =	wrdreg $0x60  }
0xb0: {  	[dreg:$0x2] =	wrdreg s4  }
0xb1: {  	[dreg:$0x3] =	wrdreg s24  }
0xb2: {  	[dreg:$0x4] =	wrdreg s2  }
0xb3: {  	[dreg:$0x5] =	wrdreg s18  }
0xb4: {  	[dreg:$0x6] =	wrdreg $0xC7000  }
0xb5: {  	[dreg:$0x7] =	wrdreg $0x9  }
0xb6: {  	_ =	task.clear_ibuf [dreg:s9], $0x8FFFF;
	_ =	strace $0x90000046  }
0xb7: {  	s29 =	simm.s32 $0x9;
	_ =	strace $0x80000048  }
0xb8: {  	_ =	swait.ge [sflag:s29], $0x1  }
0xb9: {  	[sflag:s29] =	ssyncadd.s32 $0xFFFFFFFF  }
0xba: {  	_ =	strace $0x90000048  }
0xbb: {  	_ =	sfence  }
0xbc: {  	s30 =	sld [smem:$0x0];
	_ =	sdelay $0x2  }
0xbd: {  	s31 =	sshll.u32 s1, $0xD;
	s1 =	sshrl.u32 s1, $0x2  }
0xbe: {  	s3 =	sand.u32 $0x4000, s31;
	s1 =	sadd.s32 s1, s30  }
0xbf: {  	s0 =	sor.u32 s3, s0;
	s1 =	sshll.u32 s1, $0x11  }
0xc0: {  	s0 =	sor.u32 s1, s0  }
0xc1: {  	s0 =	sadd.s32 $0x8F2B, s0  }
0xc2: {  	[sflag:s0] =	ssyncadd.remote.s32 $0x1  }
0xc3: {  	_ =	sfence.sel $0xFFFF  }
0xc4: {  	[dreg:$0x0] =	wrdreg $0xFFFFFFFF;
	(pc) =	sbr.abs _section_cstart, $3  }
0xc5: {  	[dreg:$0x1] =	wrdreg $0xFFFFFFFF  }
0xc6: {  	_ =	task.clear_ibuf [dreg:s9], $0x2FFFF;
	_ =	strace $0x9FFFFFFF  }
0xc7: {  	(tm) =	ssettm $0x7FFFFFFF  }
tec
execute0_lowered:
.L_overlay_start_1:
0x0: {  	(tag) =	ssettag $0x1  }
0x1: {  	s0 =	rddreg [dreg:$0x0]  }
0x2: {  	s6 =	rddreg [dreg:$0x1]  }
0x3: {  	s8 =	rddreg [dreg:$0x2]  }
0x4: {  	s9 =	rddreg [dreg:$0x3]  }
0x5: {  	s1 =	srdreg.scid;
	s3 =	rddreg [dreg:$0x4];
	s4 =	simm.s32 $0x0  }
0x6: {  	s18 =	simm.s32 $0x4F00;
	s19 =	simm.s32 $0x50;
	s20 =	simm.s32 $0x9E00  }
0x7: {  	s21 =	simm.s32 $0x9F00;
	s22 =	simm.s32 $0x1;
	s23 =	simm.s32 $0x9E80  }
0x8: {  	s24 =	simm.s32 $0x0;
	s7 =	sand.u32 $0x1, s1;
	s1 =	stileid.u32  }
0x9: {  	[smem:$0x7FF] =	sst s4;
	s14 =	sadd.s32 $0x16800, s6;
	s13 =	smul.u32 $0x50000, s1  }
0xa: {  	s17 =	sadd.s32 $0x12C000, s3;
	s2 =	sshll.u32 s7, $0x4;
	s15 =	smul.u32 $0x138800, s7  }
0xb: {  	s12 =	ssub.s32 $0x2, s7;
	s28 =	smul.u32 $0x14000, s1;
	p0 =	seq.s32 s1, $0xF  }
0xc: {  	s5 =	sor.u32 s1, s2;
	s2 =	rddreg [dreg:$0x5];
	_ =	strace $0x80000047  }
0xd: {  	s25 =	sshrl.u32 s12, $0x1;
	s10 =	smul.u32 $0x4E2, s5;
	s5 =	sadd.s32 $0x14000, s6  }
0xe: {  	s12 =	ssub.s32 s12, s25;
	s26 =	sshrl.u32 s13, $0x2;
	s29 =	sadd.s32 s28, s15  }
0xf: {  	s31 =	sshrl.u32 s15, $0x3;
	s13 =	sshrl.u32 @p0 s17, $0x3;
	s17 =	simm.s32 $0x2780  }
0x10: {  	s16 =	sadd.s32 s26, s3;
	s30 =	sshrl.u32 s29, $0x3;
	s12 =	smax.u32 s12, $0x1  }
0x11: {  	s11 =	sadd.s32 s10, s6;
	s8 =	sadd.s32 s8, s10;
	s9 =	sadd.s32 s9, s10  }
0x12: {  	s10 =	sadd.s32 s14, s30;
	s15 =	sshrl.u32 @!p0 s16, $0x3;
	s6 =	sadd.s32 $0xA200, s11  }
0x13: {  	s7 =	sadd.s32 $0x400, s11;
	s11 =	sadd.s32 s14, s31;
	s14 =	sshll.u32 @!p0 s1, $0x6  }
0x14: {  	s16 =	simm.s32 $0x2;
	s11 =	sadd.s32 $0x25800, s11;
	s14 =	sor.u32 @!p0 $0x1C02, s14  }
.LBB2_1:
0x15: {  	s25 =	simm.s32 @p0 $0x1FC2  }
0x16: {  	[spmem:s13], [sflag:s25] =	dma.local @p0 [hbm:s5], $0x1900  }
0x17: {  	s25 =	simm.s32 @p0 $0x2  }
0x18: {  	_ =	swait.ge @p0 [sflag:s25], $0x1900  }
0x19: {  	[sflag:s25] =	ssyncset.done @p0 $0x0  }
0x1a: {  	[sflag:s25] =	ssyncadd.s32 @p0 $0xFFFFE700;
	s25 =	simm.s32 @!p0 $0x2  }
0x1b: {  	[spmem:s15], [sflag:s14] =	dma.local @!p0 [hbm:s5], $0x2800  }
0x1c: {  	_ =	swait.ge @!p0 [sflag:s25], $0x2800  }
0x1d: {  	[sflag:s25] =	ssyncset.done @!p0 $0x0  }
0x1e: {  	[sflag:s25] =	ssyncadd.s32 @!p0 $0xFFFFD800  }
0x1f: {  	[tilespmem:s4], [sflag:$0x2] =	stream.linear.gather [hbm4b:s6+s4], $0x2710, $0x38;
	[tilespmem:$0x1FF80] =	vst v63  }
0x20: {  	_ =	swait.ge [sflag:s16], $0x2710  }
0x21: {  	[sflag:s16] =	ssyncset.done $0x0  }
0x22: {  	[sflag:s16] =	ssyncadd.s32 $0xFFFFD8F0  }
0x23: {  	[tilespmem:s17], [sflag:$0x2] =	stream.linear.gather [hbm4b:s7+s4], $0x2710, $0x38;
	[tilespmem:$0x1FF80] =	vst v63  }
0x24: {  	_ =	swait.ge [sflag:s16], $0x2710  }
0x25: {  	[sflag:s16] =	ssyncset.done $0x0  }
0x26: {  	[sflag:s16] =	ssyncadd.s32 $0xFFFFD8F0  }
0x27: {  	[tilespmem:s18], [sflag:$0x2] =	stream.linear.gather [hbm4b:s8+s4], $0x2710, $0x38;
	[tilespmem:$0x1FF80] =	vst v63  }
0x28: {  	_ =	swait.ge [sflag:s16], $0x2710  }
0x29: {  	[sflag:s16] =	ssyncset.done $0x0  }
0x2a: {  	s25 =	simm.s32 $0x7680;
	[sflag:s16] =	ssyncadd.s32 $0xFFFFD8F0  }
0x2b: {  	[tilespmem:s25], [sflag:$0x2] =	stream.linear.gather [hbm4b:s9+s4], $0x2710, $0x38;
	[tilespmem:$0x1FF80] =	vst v63  }
0x2c: {  	_ =	swait.ge [sflag:s16], $0x2710  }
0x2d: {  	[sflag:s16] =	ssyncset.done $0x0  }
0x2e: {  	[sflag:s16] =	ssyncadd.s32 $0xFFFFD8F0  }
0x2f: {  	s26 =	simm.s32 $0x0;
	[bflag:$0x0] =	sbarrier.arrive $0xFFFF  }
.LBB2_2:
0x30: {  	s28 =	smul.u32 $0x50, s26;
	_ =	sdelay $0x1  }
0x31: {  	v0 =	vld [tilespmem:s28+$0x4F00];
	_ =	sdelay $0x1  }
0x32: {  	v1 =	vld [tilespmem:s28+$0x0];
	_ =	sdelay $0x2  }
0x33: {  	v0 =	vmul.u32 $0x2710, v0;
	_ =	sdelay $0x1  }
0x34: {  	v0 =	vadd.s32 v1, v0  }
0x35: {  	[tilespmem:$0x9E00] =	vst v0  }
0x36: {  	v0 =	vld [tilespmem:s28+$0x2780];
	_ =	sdelay $0x4  }
0x37: {  	[tilespmem:$0x9E80] =	vst v0  }
0x38: {  	v0 =	vld [tilespmem:s28+$0x4F10];
	_ =	sdelay $0x1  }
0x39: {  	v1 =	vld [tilespmem:s28+$0x10];
	_ =	sdelay $0x2  }
0x3a: {  	v0 =	vmul.u32 $0x2710, v0;
	_ =	sdelay $0x1  }
0x3b: {  	v0 =	vadd.s32 v1, v0  }
0x3c: {  	[tilespmem:$0x9E10] =	vst v0  }
0x3d: {  	v0 =	vld [tilespmem:s28+$0x2790];
	_ =	sdelay $0x4  }
0x3e: {  	[tilespmem:$0x9E90] =	vst v0  }
0x3f: {  	v0 =	vld [tilespmem:s28+$0x4F20];
	_ =	sdelay $0x1  }
0x40: {  	v1 =	vld [tilespmem:s28+$0x20];
	_ =	sdelay $0x2  }
0x41: {  	v0 =	vmul.u32 $0x2710, v0;
	_ =	sdelay $0x1  }
0x42: {  	v0 =	vadd.s32 v1, v0  }
0x43: {  	[tilespmem:$0x9E20] =	vst v0  }
0x44: {  	v0 =	vld [tilespmem:s28+$0x27A0];
	_ =	sdelay $0x4  }
0x45: {  	[tilespmem:$0x9EA0] =	vst v0  }
0x46: {  	v0 =	vld [tilespmem:s28+$0x4F30];
	_ =	sdelay $0x1  }
0x47: {  	v1 =	vld [tilespmem:s28+$0x30];
	_ =	sdelay $0x2  }
0x48: {  	v0 =	vmul.u32 $0x2710, v0;
	_ =	sdelay $0x1  }
0x49: {  	v0 =	vadd.s32 v1, v0  }
0x4a: {  	[tilespmem:$0x9E30] =	vst v0  }
0x4b: {  	v0 =	vld [tilespmem:s28+$0x27B0];
	_ =	sdelay $0x4  }
0x4c: {  	[tilespmem:$0x9EB0] =	vst v0  }
0x4d: {  	v0 =	vld [tilespmem:s28+$0x4F40];
	_ =	sdelay $0x1  }
0x4e: {  	v1 =	vld [tilespmem:s28+$0x40];
	_ =	sdelay $0x2  }
0x4f: {  	v0 =	vmul.u32 $0x2710, v0;
	_ =	sdelay $0x1  }
0x50: {  	v0 =	vadd.s32 v1, v0  }
0x51: {  	[tilespmem:$0x9E40] =	vst v0  }
0x52: {  	v0 =	vld [tilespmem:s28+$0x27C0];
	_ =	sdelay $0x4  }
0x53: {  	[tilespmem:$0x9EC0] =	vst v0  }
0x54: {  	[tilespmem:s21], [sflag:$0x1] =	stream.indirect.gather [hbm4b:s0+s19], $0x80, s20, s19, $0xb8;
	[tilespmem:$0x1FF80] =	vst v63  }
0x55: {  	_ =	swait.ge [sflag:s22], $0x2800  }
0x56: {  	[sflag:s22] =	ssyncset.done $0x0  }
0x57: {  	s28 =	simm.s32 $0x9F20;
	[sflag:s22] =	ssyncadd.s32 $0xFFFFD800  }
0x58: {  	v0 =	vld [tilespmem:s28+$0xFFFFFFF0]  }
0x59: {  	s29 =	sadd.s32 $0x0, s25;
	v2 =	vld [tilespmem:s28+$0x10]  }
0x5a: {  	v4 =	vld.msk [tilespmem:s29+$0x0 ss:$0x0], $0xffff  }
0x5b: {  	v1 =	vld [tilespmem:s28+$0xFFFFFFE0]  }
0x5c: {  	v5 =	vld [tilespmem:s28+$0x0];
	_ =	sdelay $0x3  }
0x5d: {  	v1 =	vmul.f32 v4, v1;
	v3 =	vmul.f32 v2, v4  }
0x5e: {  	s30 =	simm.s32 $0x9F20;
	s29 =	simm.s32 $0x4;
	v2 =	vmul.f32 v0, v4;
	v0 =	vmul.f32 v5, v4  }
.LBB2_3:
0x5f: {  	p1 =	sne.s32 s29, $0x13C  }
0x60: {  	[tilespmem:s28+$0x10] =	vst v3;
	s30 =	sadd.s32 $0x80, s30;
	s31 =	smov.u32 s29;
	s29 =	sadd.s32 $0x4, s29  }
0x61: {  	[tilespmem:s28+$0xFFFFFFE0] =	vst v1  }
0x62: {  	s31 =	sshra.s32 s31, $0x2;
	v4 =	vld [tilespmem:s30+$0xFFFFFFF0];
	[tilespmem:s28+$0xFFFFFFF0] =	vst v2  }
0x63: {  	s31 =	sadd.s32 s31, s25;
	v2 =	vld [tilespmem:s30+$0x10];
	[tilespmem:s28+$0x0] =	vst v0;
	s28 =	smov.u32 s30  }
0x64: {  	v0 =	vld.msk [tilespmem:s31+$0x0 ss:$0x0], $0xffff  }
0x65: {  	v1 =	vld [tilespmem:s30+$0xFFFFFFE0]  }
0x66: {  	v5 =	vld [tilespmem:s30+$0x0]  }
.Ltmp0:
0x67: {  	(pc) =	sbr.rel @p1 .LBB2_3-.Ltmp0, $3  }
0x68: {  	_ =	sdelay $0x1  }
0x69: {  	v3 =	vmul.f32 v2, v0;
	v1 =	vmul.f32 v0, v1  }
0x6a: {  	v2 =	vmul.f32 v4, v0;
	v0 =	vmul.f32 v5, v0  }
0x6b: {  	[tilespmem:s28+$0x10] =	vst v3  }
0x6c: {  	[tilespmem:s28+$0xFFFFFFE0] =	vst v1;
	s26 =	sadd.s32 $0x1, s26  }
0x6d: {  	[tilespmem:s28+$0xFFFFFFF0] =	vst v2;
	p1 =	sne.s32 s26, $0x7D  }
.Ltmp1:
0x6e: {  	[tilespmem:s28+$0x0] =	vst v0;
	(pc) =	sbr.rel @p1 .LBB2_2-.Ltmp1, $4  }
0x6f: {  	[spmem:s3] =	stream.indirect.scatter.add.f32 [tilespmem:s21], [sflag:$0x2], $0x80, s23, s19, $0xb8;
	[tilespmem:$0x1FF80] =	vst v63  }
0x70: {  	_ =	swait.ge [sflag:s16], $0x2800  }
0x71: {  	[sflag:s16] =	ssyncset.done $0x0  }
0x72: {  	s25 =	sadd.s32 $0x50, s25;
	[sflag:s16] =	ssyncadd.s32 $0xFFFFD800  }
0x73: {  	[bflag:$0x0] =	sbarrier.arrive $0xFFFF;
	s25 =	simm.s32 @p0 $0x1FC2  }
0x74: {  	[hbm:s11], [sflag:s25] =	dma.local @p0 [spmem:s13], $0x1900  }
0x75: {  	s25 =	simm.s32 @p0 $0x2  }
0x76: {  	s24 =	sadd.s32 $0x1, s24;
	_ =	swait.ge @p0 [sflag:s25], $0x1900  }
0x77: {  	p1 =	sne.s32 s24, s12;
	[sflag:s25] =	ssyncset.done @p0 $0x0  }
.Ltmp2:
0x78: {  	[sflag:s25] =	ssyncadd.s32 @p0 $0xFFFFE700;
	s25 =	simm.s32 @!p0 $0x2;
	(pc) =	sbr.rel @p1 .LBB2_1-.Ltmp2, $4  }
0x79: {  	[hbm:s10], [sflag:s14] =	dma.local @!p0 [spmem:s15], $0x2800  }
0x7a: {  	_ =	swait.ge @!p0 [sflag:s25], $0x2800  }
0x7b: {  	[sflag:s25] =	ssyncset.done @!p0 $0x0  }
0x7c: {  	[sflag:s25] =	ssyncadd.s32 @!p0 $0xFFFFD800  }
0x7d: {  	_ =	sfence.sel $0x180000  }
0x7e: {  	[bflag:$0x0] =	sbarrier.arrive $0xFFFF  }
0x7f: {  	p0 =	sne.s32 s1, $0x0;
	_ =	strace $0x90000047  }
0x80: {  	s0 =	sadd.s32 @!p0 $0x100000, s2;
	[bflag:$0x2] =	sbarrier.arrive $0xFFFF  }
0x81: {  	[sflag:s0] =	ssyncadd.tile.s32 @!p0 $0x1;
	_ =	shalt  }
.Lfunc_end2:
_tile_overlayer_lowered:
.L_overlay_start_2:
0x82: {  	(tag) =	ssettag $0x2  }
0x83: {  	s0 =	rddreg [dreg:$0x0];
	s2 =	stileid.u32  }
0x84: {  	s1 =	rddreg [dreg:$0x1];
	p0 =	sne.s32 s2, $0x0  }
0x85: {  	s3 =	rddreg [dreg:$0x2];
	[bflag:$0x3] =	sbarrier.arrive $0xFFFF;
	s2 =	simm.s32 @!p0 $0x1C02  }
0x86: {  	[timem:s3], [sflag:s2] =	dma.local @!p0 [hbm:s0], s1  }
0x87: {  	s0 =	simm.s32 @!p0 $0x2  }
0x88: {  	_ =	swait.ge @!p0 [sflag:s0], s1  }
0x89: {  	s1 =	ssub.s32 @!p0 $0x0, s1;
	[sflag:s0] =	ssyncset.done @!p0 $0x0  }
0x8a: {  	[sflag:s0] =	ssyncadd.s32 @!p0 s1  }
0x8b: {  	[bflag:$0x3] =	sbarrier.arrive $0xFFFF  }
0x8c: {  	_ =	shalt  }

</sc_bundles>
